<compile_context>
chip_gen: v7x
topology: tpu7x:2x2x1
jax: 0.10.2.dev20260603
libtpu: 0.0.44.dev20260713+nightly
codegen_flags: <defaults>
</compile_context>

<pallas_src>
import functools

import jax
import jax.numpy as jnp
import numpy as np
from jax import lax
from jax.experimental import pallas as pl
from jax.experimental.pallas import tpu as pltpu
from jax.experimental.pallas import tpu_sc as plsc

HIDDEN = 768
QUARTER = HIDDEN // 4
BATCH = 16384

NHD = 24 * 7
NROWS = NHD + 52 + 12
NC, NS, L = 2, 16, 16
NW = NC * NS
BPW = BATCH // NW
G = 16
CHUNKS = BPW // G
HW = HIDDEN // 2

_EHD = np.zeros((NHD, 31), np.float32)
for _i in range(NHD):
    _EHD[_i, _i // 7] = 1.0
    _EHD[_i, 24 + _i % 7] = 1.0

_PERM = np.empty((HIDDEN,), np.int32)
for _j in range(HIDDEN // 32):
    for _i in range(L):
        _PERM[16 * _j + _i] = 32 * _j + _i
        _PERM[384 + 16 * _j + _i] = 32 * _j + 16 + _i
_P = np.zeros((HIDDEN, HIDDEN), np.float32)
for _p in range(HIDDEN):
    _P[_PERM[_p], _p] = 1.0


def _proj_body(th_ref, td_ref, tw_ref, tm_ref, w_ref, b_ref, ehd_ref,
               p_ref, o_ref):
    f32 = jnp.float32
    dn = (((1,), (1,)), ((), ()))
    ph = lax.dot_general(th_ref[...], w_ref[:, 0:QUARTER], dn,
                         preferred_element_type=f32)
    pd = lax.dot_general(td_ref[...], w_ref[:, QUARTER:2 * QUARTER], dn,
                         preferred_element_type=f32)
    pw = lax.dot_general(tw_ref[...], w_ref[:, 2 * QUARTER:3 * QUARTER], dn,
                         preferred_element_type=f32)
    pm = lax.dot_general(tm_ref[...], w_ref[:, 3 * QUARTER:], dn,
                         preferred_element_type=f32)
    hd = lax.dot_general(ehd_ref[...], jnp.concatenate([ph, pd], axis=0),
                         (((1,), (0,)), ((), ())),
                         preferred_element_type=f32) + b_ref[...]
    full = jnp.concatenate([hd, pw, pm], axis=0)
    full = lax.dot_general(full, p_ref[...], (((1,), (0,)), ((), ())),
                           preferred_element_type=f32)
    u16, u32 = jnp.uint16, jnp.uint32
    lo = lax.bitcast_convert_type(
        full[:, :HW].astype(jnp.bfloat16), u16).astype(u32)
    hi = lax.bitcast_convert_type(
        full[:, HW:].astype(jnp.bfloat16), u16).astype(u32)
    o_ref[...] = lax.bitcast_convert_type(lo | (hi << 16), f32)


def _sc_body(ptf_hbm, h_hbm, d_hbm, w_hbm, m_hbm, out_hbm,
             pt_v, hv, dv, wv, mv, o0, o1, sem_o, sem_p):
    wid = lax.axis_index("s") * NC + lax.axis_index("c")
    base = wid * BPW
    pltpu.async_copy(ptf_hbm, pt_v, sem_p)
    pltpu.async_copy(h_hbm.at[pl.ds(base, BPW)], hv, sem_o)
    pltpu.async_copy(d_hbm.at[pl.ds(base, BPW)], dv, sem_o)
    pltpu.async_copy(w_hbm.at[pl.ds(base, BPW)], wv, sem_o)
    pltpu.async_copy(m_hbm.at[pl.ds(base, BPW)], mv, sem_o)
    for buf, src in ((hv, h_hbm), (dv, d_hbm), (wv, w_hbm), (mv, m_hbm)):
        pltpu.make_async_copy(src.at[pl.ds(0, BPW)], buf, sem_o).wait()

    @plsc.parallel_loop(0, BPW // L)
    def idx_body(j):
        off = j * L
        hv[pl.ds(off, L)] = (hv[pl.ds(off, L)] * 7 + dv[pl.ds(off, L)]) * HW
        wv[pl.ds(off, L)] = (wv[pl.ds(off, L)] + NHD) * HW
        mv[pl.ds(off, L)] = (mv[pl.ds(off, L)] + NHD + 52) * HW

    pltpu.make_async_copy(ptf_hbm, pt_v, sem_p).wait()

    obufs = (o0, o1)

    def wait_out(phase):
        pltpu.make_async_copy(
            obufs[phase], out_hbm.at[pl.ds(0, G)], sem_o).wait()

    iota = lax.iota(jnp.int32, L)

    def pair_body(k, _):
        for phase in range(2):
            t = 2 * k + phase
            o = obufs[phase]
            hg = hv[pl.ds(t * G, L)]
            wg = wv[pl.ds(t * G, L)]
            mg = mv[pl.ds(t * G, L)]

            @pl.when(t >= 2)
            def _():
                wait_out(phase)

            @plsc.parallel_loop(0, G)
            def row_body(r):
                lv = jnp.broadcast_to(r, (L,))
                pib = "promise_in_bounds"
                ih = jnp.take_along_axis(hg, lv, axis=0, mode=pib) + iota
                iw = jnp.take_along_axis(wg, lv, axis=0, mode=pib) + iota
                im = jnp.take_along_axis(mg, lv, axis=0, mode=pib) + iota
                for c in range(HIDDEN // 32):
                    v1 = plsc.bitcast(plsc.load_gather(pt_v, [ih]),
                                      jnp.bfloat16)
                    v2 = plsc.bitcast(plsc.load_gather(pt_v, [iw]),
                                      jnp.bfloat16)
                    v3 = plsc.bitcast(plsc.load_gather(pt_v, [im]),
                                      jnp.bfloat16)
                    s2 = v2 + v3
                    l1, h1 = plsc.unpack(v1, format=plsc.PackFormat.INTERLEAVED)
                    l2, h2 = plsc.unpack(s2, format=plsc.PackFormat.INTERLEAVED)
                    o[r, pl.ds(c * 32, L)] = l1 + l2
                    o[r, pl.ds(c * 32 + L, L)] = h1 + h2
                    if c + 1 < HIDDEN // 32:
                        ih = ih + L
                        iw = iw + L
                        im = im + L

            pltpu.async_copy(o, out_hbm.at[pl.ds(base + t * G, G)], sem_o)
        return 0

    lax.fori_loop(0, CHUNKS // 2, pair_body, 0)
    wait_out(0)
    wait_out(1)


@jax.jit
def kernel(hours, days, weeks, months, hour_table, day_table, week_table,
           month_table, proj_w, proj_b):
    f32 = jnp.float32
    i32 = jnp.int32

    ptable = pl.pallas_call(
        _proj_body,
        out_shape=jax.ShapeDtypeStruct((NROWS, HW), f32),
    )(hour_table, day_table, week_table, month_table, proj_w,
      proj_b.reshape(1, HIDDEN), jnp.asarray(_EHD), jnp.asarray(_P))

    mesh = plsc.VectorSubcoreMesh(core_axis_name="c", subcore_axis_name="s")
    sc = functools.partial(
        pl.kernel,
        out_type=jax.ShapeDtypeStruct((BATCH, HIDDEN), f32),
        mesh=mesh,
        compiler_params=pltpu.CompilerParams(needs_layout_passes=False),
        scratch_types=[
            pltpu.VMEM((NROWS * HW,), f32),
            pltpu.VMEM((BPW,), i32),
            pltpu.VMEM((BPW,), i32),
            pltpu.VMEM((BPW,), i32),
            pltpu.VMEM((BPW,), i32),
            pltpu.VMEM((G, HIDDEN), f32),
            pltpu.VMEM((G, HIDDEN), f32),
            pltpu.SemaphoreType.DMA,
            pltpu.SemaphoreType.DMA,
        ],
    )(_sc_body)
    return sc(ptable.reshape(NROWS * HW), hours.astype(i32),
              days.astype(i32), weeks.astype(i32), months.astype(i32))

# --- scband reference (transcript-rebuilt; emitter-appended) ---
"""Pipeline reference for scband-temporal-embedding-74629351735360 (READ-ONLY COPY).

The authoritative reference and input builder live on the scoring server;
editing this copy changes nothing except your own understanding.
"""

import jax, jax.numpy as jnp
import numpy as np

HIDDEN = 768
QUARTER = HIDDEN // 4
BATCH = 16384

def setup_inputs(seed: int = 0) -> dict:
    key = jax.random.key(seed)
    ks = jax.random.split(key, 10)
    hours = jax.random.randint(ks[0], (BATCH,), 0, 24, dtype=jnp.int64 if jax.config.jax_enable_x64 else jnp.int32)
    days = jax.random.randint(ks[1], (BATCH,), 0, 7, dtype=hours.dtype)
    weeks = jax.random.randint(ks[2], (BATCH,), 0, 52, dtype=hours.dtype)
    months = jax.random.randint(ks[3], (BATCH,), 0, 12, dtype=hours.dtype)
    hour_table = jax.random.normal(ks[4], (24, QUARTER), dtype=jnp.float32)
    day_table = jax.random.normal(ks[5], (7, QUARTER), dtype=jnp.float32)
    week_table = jax.random.normal(ks[6], (52, QUARTER), dtype=jnp.float32)
    month_table = jax.random.normal(ks[7], (12, QUARTER), dtype=jnp.float32)
    proj_w = jax.random.normal(ks[8], (HIDDEN, HIDDEN), dtype=jnp.float32) * (1.0 / np.sqrt(HIDDEN))
    proj_b = jax.random.normal(ks[9], (HIDDEN,), dtype=jnp.float32) * 0.01
    return {
        "hours": hours, "days": days, "weeks": weeks, "months": months,
        "hour_table": hour_table, "day_table": day_table,
        "week_table": week_table, "month_table": month_table,
        "proj_w": proj_w, "proj_b": proj_b,
    }

def reference(hours, days, weeks, months, hour_table, day_table, week_table, month_table, proj_w, proj_b):
    hour_emb = jnp.take(hour_table, hours, axis=0)
    day_emb = jnp.take(day_table, days, axis=0)
    week_emb = jnp.take(week_table, weeks, axis=0)
    month_emb = jnp.take(month_table, months, axis=0)
    temporal_emb = jnp.concatenate([hour_emb, day_emb, week_emb, month_emb], axis=-1)
    # nn.Linear: y = x @ W^T + b
    temporal_emb = temporal_emb @ proj_w.T + proj_b
    return temporal_emb

if __name__ == "__main__":
    import jax
    _d = setup_inputs()
    print(jax.jit(kernel)(*tuple(_d.values())))

</pallas_src>

<mosaic_0001>
#map = affine_map<(d0, d1) -> (0)>
#map1 = affine_map<(d0, d1) -> (0, 0)>
module attributes {stable_mosaic.version = 14 : i64} {
  func.func @_sc_body(%arg0: i32, %arg1: i32, %arg2: memref<89088xf32, #tpu.memory_space<hbm>>, %arg3: memref<16384xi32, #tpu.memory_space<hbm>>, %arg4: memref<16384xi32, #tpu.memory_space<hbm>>, %arg5: memref<16384xi32, #tpu.memory_space<hbm>>, %arg6: memref<16384xi32, #tpu.memory_space<hbm>>, %arg7: memref<16384x768xf32, #tpu.memory_space<hbm>>, %arg8: memref<89088xf32, #tpu.memory_space<vmem>>, %arg9: memref<512xi32, #tpu.memory_space<vmem>>, %arg10: memref<512xi32, #tpu.memory_space<vmem>>, %arg11: memref<512xi32, #tpu.memory_space<vmem>>, %arg12: memref<512xi32, #tpu.memory_space<vmem>>, %arg13: memref<16x768xf32, #tpu.memory_space<vmem>>, %arg14: memref<16x768xf32, #tpu.memory_space<vmem>>, %arg15: memref<!tpu.dma_semaphore, #tpu.memory_space<semaphore_mem>>, %arg16: memref<!tpu.dma_semaphore, #tpu.memory_space<semaphore_mem>>) attributes {dimension_semantics = [#tpu.dimension_semantics<core_parallel>, #tpu.dimension_semantics<subcore_parallel>], iteration_bounds = array<i64: 2, 16>, scalar_prefetch = 0 : i64, scratch_operands = 9 : i64, tpu.core_type = #tpu.core_type<sc_vector_subcore>, window_params = [{transform_indices = #map}, {transform_indices = #map}, {transform_indices = #map}, {transform_indices = #map}, {transform_indices = #map}, {transform_indices = #map1}]} {
    %mul3A = arith.constant 2 : i32
    %mul3A_0 = arith.muli %arg1, %mul3A : i32
    %add3A = arith.addi %mul3A_0, %arg0 : i32
    %mul3A_1 = arith.constant 512 : i32
    %mul3A_2 = arith.muli %add3A, %mul3A_1 : i32
    tpu.enqueue_dma source(%arg2 : memref<89088xf32, #tpu.memory_space<hbm>>) target(%arg8 : memref<89088xf32, #tpu.memory_space<vmem>>) target_semaphore(%arg16 : memref<!tpu.dma_semaphore, #tpu.memory_space<semaphore_mem>>)
    %dma_start3A = tpu.memref_slice %arg3[%mul3A_2] : memref<16384xi32, #tpu.memory_space<hbm>> -> memref<512xi32, #tpu.memory_space<hbm>>
    %dma_start3A_3 = tpu.memref_slice %arg3[%mul3A_2] : memref<16384xi32, #tpu.memory_space<hbm>> -> memref<512xi32, #tpu.memory_space<hbm>>
    tpu.enqueue_dma source(%dma_start3A_3 : memref<512xi32, #tpu.memory_space<hbm>>) target(%arg9 : memref<512xi32, #tpu.memory_space<vmem>>) target_semaphore(%arg15 : memref<!tpu.dma_semaphore, #tpu.memory_space<semaphore_mem>>)
    %dma_start3A_4 = tpu.memref_slice %arg4[%mul3A_2] : memref<16384xi32, #tpu.memory_space<hbm>> -> memref<512xi32, #tpu.memory_space<hbm>>
    %dma_start3A_5 = tpu.memref_slice %arg4[%mul3A_2] : memref<16384xi32, #tpu.memory_space<hbm>> -> memref<512xi32, #tpu.memory_space<hbm>>
    tpu.enqueue_dma source(%dma_start3A_5 : memref<512xi32, #tpu.memory_space<hbm>>) target(%arg10 : memref<512xi32, #tpu.memory_space<vmem>>) target_semaphore(%arg15 : memref<!tpu.dma_semaphore, #tpu.memory_space<semaphore_mem>>)
    %dma_start3A_6 = tpu.memref_slice %arg5[%mul3A_2] : memref<16384xi32, #tpu.memory_space<hbm>> -> memref<512xi32, #tpu.memory_space<hbm>>
    %dma_start3A_7 = tpu.memref_slice %arg5[%mul3A_2] : memref<16384xi32, #tpu.memory_space<hbm>> -> memref<512xi32, #tpu.memory_space<hbm>>
    tpu.enqueue_dma source(%dma_start3A_7 : memref<512xi32, #tpu.memory_space<hbm>>) target(%arg11 : memref<512xi32, #tpu.memory_space<vmem>>) target_semaphore(%arg15 : memref<!tpu.dma_semaphore, #tpu.memory_space<semaphore_mem>>)
    %dma_start3A_8 = tpu.memref_slice %arg6[%mul3A_2] : memref<16384xi32, #tpu.memory_space<hbm>> -> memref<512xi32, #tpu.memory_space<hbm>>
    %dma_start3A_9 = tpu.memref_slice %arg6[%mul3A_2] : memref<16384xi32, #tpu.memory_space<hbm>> -> memref<512xi32, #tpu.memory_space<hbm>>
    tpu.enqueue_dma source(%dma_start3A_9 : memref<512xi32, #tpu.memory_space<hbm>>) target(%arg12 : memref<512xi32, #tpu.memory_space<vmem>>) target_semaphore(%arg15 : memref<!tpu.dma_semaphore, #tpu.memory_space<semaphore_mem>>)
    %dma_wait3A = arith.constant 0 : i32
    %dma_wait3A_10 = tpu.memref_slice %arg3[%dma_wait3A] : memref<16384xi32, #tpu.memory_space<hbm>> -> memref<512xi32, #tpu.memory_space<hbm>>
    %dma_wait3A_11 = arith.constant 0 : i32
    %dma_wait3A_12 = tpu.memref_slice %arg3[%dma_wait3A_11] : memref<16384xi32, #tpu.memory_space<hbm>> -> memref<512xi32, #tpu.memory_space<hbm>>
    tpu.wait_dma2 semaphore(%arg15 : memref<!tpu.dma_semaphore, #tpu.memory_space<semaphore_mem>>) src(%dma_wait3A_12 : memref<512xi32, #tpu.memory_space<hbm>>) dst(%arg9 : memref<512xi32, #tpu.memory_space<vmem>>)
    %dma_wait3A_13 = arith.constant 0 : i32
    %dma_wait3A_14 = tpu.memref_slice %arg4[%dma_wait3A_13] : memref<16384xi32, #tpu.memory_space<hbm>> -> memref<512xi32, #tpu.memory_space<hbm>>
    %dma_wait3A_15 = arith.constant 0 : i32
    %dma_wait3A_16 = tpu.memref_slice %arg4[%dma_wait3A_15] : memref<16384xi32, #tpu.memory_space<hbm>> -> memref<512xi32, #tpu.memory_space<hbm>>
    tpu.wait_dma2 semaphore(%arg15 : memref<!tpu.dma_semaphore, #tpu.memory_space<semaphore_mem>>) src(%dma_wait3A_16 : memref<512xi32, #tpu.memory_space<hbm>>) dst(%arg10 : memref<512xi32, #tpu.memory_space<vmem>>)
    %dma_wait3A_17 = arith.constant 0 : i32
    %dma_wait3A_18 = tpu.memref_slice %arg5[%dma_wait3A_17] : memref<16384xi32, #tpu.memory_space<hbm>> -> memref<512xi32, #tpu.memory_space<hbm>>
    %dma_wait3A_19 = arith.constant 0 : i32
    %dma_wait3A_20 = tpu.memref_slice %arg5[%dma_wait3A_19] : memref<16384xi32, #tpu.memory_space<hbm>> -> memref<512xi32, #tpu.memory_space<hbm>>
    tpu.wait_dma2 semaphore(%arg15 : memref<!tpu.dma_semaphore, #tpu.memory_space<semaphore_mem>>) src(%dma_wait3A_20 : memref<512xi32, #tpu.memory_space<hbm>>) dst(%arg11 : memref<512xi32, #tpu.memory_space<vmem>>)
    %dma_wait3A_21 = arith.constant 0 : i32
    %dma_wait3A_22 = tpu.memref_slice %arg6[%dma_wait3A_21] : memref<16384xi32, #tpu.memory_space<hbm>> -> memref<512xi32, #tpu.memory_space<hbm>>
    %dma_wait3A_23 = arith.constant 0 : i32
    %dma_wait3A_24 = tpu.memref_slice %arg6[%dma_wait3A_23] : memref<16384xi32, #tpu.memory_space<hbm>> -> memref<512xi32, #tpu.memory_space<hbm>>
    tpu.wait_dma2 semaphore(%arg15 : memref<!tpu.dma_semaphore, #tpu.memory_space<semaphore_mem>>) src(%dma_wait3A_24 : memref<512xi32, #tpu.memory_space<hbm>>) dst(%arg12 : memref<512xi32, #tpu.memory_space<vmem>>)
    %parallel_loop3A = arith.constant 0 : i32
    %parallel_loop3A_25 = arith.constant 32 : i32
    %parallel_loop3A_26 = arith.constant 1 : i32
    scf.for %parallel_loop3A_45 = %parallel_loop3A to %parallel_loop3A_25 step %parallel_loop3A_26  : i32 {
      %parallel_loop3A_46 = arith.constant 16 : i32
      %parallel_loop3A_47 = arith.muli %parallel_loop3A_45, %parallel_loop3A_46 : i32
      %parallel_loop3A_48 = arith.index_cast %parallel_loop3A_47 : i32 to index
      %parallel_loop3A_49 = tpu.vector_load %arg9[%parallel_loop3A_48] {strides = array<i32>} : memref<512xi32, #tpu.memory_space<vmem>>, vector<16xi32>,
      %parallel_loop3A_50 = arith.constant 7 : i32
      %parallel_loop3A_51 = vector.broadcast %parallel_loop3A_50 : i32 to vector<16xi32>
      %parallel_loop3A_52 = arith.muli %parallel_loop3A_49, %parallel_loop3A_51 : vector<16xi32>
      %parallel_loop3A_53 = arith.index_cast %parallel_loop3A_47 : i32 to index
      %parallel_loop3A_54 = tpu.vector_load %arg10[%parallel_loop3A_53] {strides = array<i32>} : memref<512xi32, #tpu.memory_space<vmem>>, vector<16xi32>,
      %parallel_loop3A_55 = arith.addi %parallel_loop3A_52, %parallel_loop3A_54 : vector<16xi32>
      %parallel_loop3A_56 = arith.constant 384 : i32
      %parallel_loop3A_57 = vector.broadcast %parallel_loop3A_56 : i32 to vector<16xi32>
      %parallel_loop3A_58 = arith.muli %parallel_loop3A_55, %parallel_loop3A_57 : vector<16xi32>
      %parallel_loop3A_59 = arith.index_cast %parallel_loop3A_47 : i32 to index
      %parallel_loop3A_60 = tpu.vector_load %arg9[%parallel_loop3A_59] {strides = array<i32>} : memref<512xi32, #tpu.memory_space<vmem>>, vector<16xi32>,
      tpu.vector_store %arg9[%parallel_loop3A_59], %parallel_loop3A_58 {strides = array<i32>} : memref<512xi32, #tpu.memory_space<vmem>>, vector<16xi32>,
      %parallel_loop3A_61 = arith.index_cast %parallel_loop3A_47 : i32 to index
      %parallel_loop3A_62 = tpu.vector_load %arg11[%parallel_loop3A_61] {strides = array<i32>} : memref<512xi32, #tpu.memory_space<vmem>>, vector<16xi32>,
      %parallel_loop3A_63 = arith.constant 168 : i32
      %parallel_loop3A_64 = vector.broadcast %parallel_loop3A_63 : i32 to vector<16xi32>
      %parallel_loop3A_65 = arith.addi %parallel_loop3A_62, %parallel_loop3A_64 : vector<16xi32>
      %parallel_loop3A_66 = arith.constant 384 : i32
      %parallel_loop3A_67 = vector.broadcast %parallel_loop3A_66 : i32 to vector<16xi32>
      %parallel_loop3A_68 = arith.muli %parallel_loop3A_65, %parallel_loop3A_67 : vector<16xi32>
      %parallel_loop3A_69 = arith.index_cast %parallel_loop3A_47 : i32 to index
      %parallel_loop3A_70 = tpu.vector_load %arg11[%parallel_loop3A_69] {strides = array<i32>} : memref<512xi32, #tpu.memory_space<vmem>>, vector<16xi32>,
      tpu.vector_store %arg11[%parallel_loop3A_69], %parallel_loop3A_68 {strides = array<i32>} : memref<512xi32, #tpu.memory_space<vmem>>, vector<16xi32>,
      %parallel_loop3A_71 = arith.index_cast %parallel_loop3A_47 : i32 to index
      %parallel_loop3A_72 = tpu.vector_load %arg12[%parallel_loop3A_71] {strides = array<i32>} : memref<512xi32, #tpu.memory_space<vmem>>, vector<16xi32>,
      %parallel_loop3A_73 = arith.constant 168 : i32
      %parallel_loop3A_74 = vector.broadcast %parallel_loop3A_73 : i32 to vector<16xi32>
      %parallel_loop3A_75 = arith.addi %parallel_loop3A_72, %parallel_loop3A_74 : vector<16xi32>
      %parallel_loop3A_76 = arith.constant 52 : i32
      %parallel_loop3A_77 = vector.broadcast %parallel_loop3A_76 : i32 to vector<16xi32>
      %parallel_loop3A_78 = arith.addi %parallel_loop3A_75, %parallel_loop3A_77 : vector<16xi32>
      %parallel_loop3A_79 = arith.constant 384 : i32
      %parallel_loop3A_80 = vector.broadcast %parallel_loop3A_79 : i32 to vector<16xi32>
      %parallel_loop3A_81 = arith.muli %parallel_loop3A_78, %parallel_loop3A_80 : vector<16xi32>
      %parallel_loop3A_82 = arith.index_cast %parallel_loop3A_47 : i32 to index
      %parallel_loop3A_83 = tpu.vector_load %arg12[%parallel_loop3A_82] {strides = array<i32>} : memref<512xi32, #tpu.memory_space<vmem>>, vector<16xi32>,
      tpu.vector_store %arg12[%parallel_loop3A_82], %parallel_loop3A_81 {strides = array<i32>} : memref<512xi32, #tpu.memory_space<vmem>>, vector<16xi32>,
    } {sc.loop_unroll_factor = 1 : i64, sc.parallel_access}
    tpu.wait_dma2 semaphore(%arg16 : memref<!tpu.dma_semaphore, #tpu.memory_space<semaphore_mem>>) src(%arg2 : memref<89088xf32, #tpu.memory_space<hbm>>) dst(%arg8 : memref<89088xf32, #tpu.memory_space<vmem>>)
    %iota3A = tpu.iota {dimensions = array<i32: 0>} : vector<16xi32>
    %scan3A = arith.constant 0 : i32
    %scan3A_27 = arith.constant 0 : i32
    %scan3A_28 = arith.constant 16 : i32
    %scan3A_29 = arith.addi %scan3A_27, %scan3A_28 : i32
    %scan3A_30 = arith.constant 1 : i32
    %scan3A_31 = scf.for %scan3A_45 = %scan3A_27 to %scan3A_29 step %scan3A_30 iter_args(%scan3A_46 = %scan3A) -> (i32)  : i32 {
      %mul3A_47 = arith.constant 2 : i32
      %mul3A_48 = arith.muli %mul3A_47, %scan3A_45 : i32
      %add3A_49 = arith.constant 0 : i32
      %add3A_50 = arith.addi %mul3A_48, %add3A_49 : i32
      %mul3A_51 = arith.constant 16 : i32
      %mul3A_52 = arith.muli %add3A_50, %mul3A_51 : i32
      %get3A = arith.index_cast %mul3A_52 : i32 to index
      %get3A_53 = tpu.vector_load %arg9[%get3A] {strides = array<i32>} : memref<512xi32, #tpu.memory_space<vmem>>, vector<16xi32>,
      %mul3A_54 = arith.constant 16 : i32
      %mul3A_55 = arith.muli %add3A_50, %mul3A_54 : i32
      %get3A_56 = arith.index_cast %mul3A_55 : i32 to index
      %get3A_57 = tpu.vector_load %arg11[%get3A_56] {strides = array<i32>} : memref<512xi32, #tpu.memory_space<vmem>>, vector<16xi32>,
      %mul3A_58 = arith.constant 16 : i32
      %mul3A_59 = arith.muli %add3A_50, %mul3A_58 : i32
      %get3A_60 = arith.index_cast %mul3A_59 : i32 to index
      %get3A_61 = tpu.vector_load %arg12[%get3A_60] {strides = array<i32>} : memref<512xi32, #tpu.memory_space<vmem>>, vector<16xi32>,
      %ge3A = arith.constant 2 : i32
      %ge3A_62 = arith.cmpi sge, %add3A_50, %ge3A : i32
      %convert_element_type3A = arith.extui %ge3A_62 : i1 to i32
      %cond3A = arith.constant 0 : i32
      %cond3A_63 = arith.cmpi ne, %convert_element_type3A, %cond3A : i32
      scf.if %cond3A_63 {
        %dma_wait3A_106 = arith.constant 0 : i32
        %dma_wait3A_107 = arith.constant 0 : i32
        %dma_wait3A_108 = tpu.memref_slice %arg7[%dma_wait3A_106, %dma_wait3A_107] : memref<16384x768xf32, #tpu.memory_space<hbm>> -> memref<16x768xf32, #tpu.memory_space<hbm>>
        %dma_wait3A_109 = arith.constant 0 : i32
        %dma_wait3A_110 = arith.constant 0 : i32
        %dma_wait3A_111 = tpu.memref_slice %arg7[%dma_wait3A_109, %dma_wait3A_110] : memref<16384x768xf32, #tpu.memory_space<hbm>> -> memref<16x768xf32, #tpu.memory_space<hbm>>
        tpu.wait_dma2 semaphore(%arg15 : memref<!tpu.dma_semaphore, #tpu.memory_space<semaphore_mem>>) src(%arg13 : memref<16x768xf32, #tpu.memory_space<vmem>>) dst(%dma_wait3A_111 : memref<16x768xf32, #tpu.memory_space<hbm>>)
      } else {
      }
      %parallel_loop3A_64 = arith.constant 0 : i32
      %parallel_loop3A_65 = arith.constant 16 : i32
      %parallel_loop3A_66 = arith.constant 1 : i32
      scf.for %parallel_loop3A_106 = %parallel_loop3A_64 to %parallel_loop3A_65 step %parallel_loop3A_66  : i32 {
        %parallel_loop3A_107 = vector.broadcast %parallel_loop3A_106 : i32 to vector<16xi32>
        %parallel_loop3A_108 = vector.shape_cast %parallel_loop3A_107 : vector<16xi32> to vector<16x1xi32>
        %parallel_loop3A_109 = vector.shape_cast %parallel_loop3A_108 : vector<16x1xi32> to vector<16xi32>
        %parallel_loop3A_110 = tpu.dynamic_gather %get3A_53[%parallel_loop3A_109] in [0] : vector<16xi32>, vector<16xi32> -> vector<16xi32>
        %parallel_loop3A_111 = arith.addi %parallel_loop3A_110, %iota3A : vector<16xi32>
        %parallel_loop3A_112 = vector.shape_cast %parallel_loop3A_107 : vector<16xi32> to vector<16x1xi32>
        %parallel_loop3A_113 = vector.shape_cast %parallel_loop3A_112 : vector<16x1xi32> to vector<16xi32>
        %parallel_loop3A_114 = tpu.dynamic_gather %get3A_57[%parallel_loop3A_113] in [0] : vector<16xi32>, vector<16xi32> -> vector<16xi32>
        %parallel_loop3A_115 = arith.addi %parallel_loop3A_114, %iota3A : vector<16xi32>
        %parallel_loop3A_116 = vector.shape_cast %parallel_loop3A_107 : vector<16xi32> to vector<16x1xi32>
        %parallel_loop3A_117 = vector.shape_cast %parallel_loop3A_116 : vector<16x1xi32> to vector<16xi32>
        %parallel_loop3A_118 = tpu.dynamic_gather %get3A_61[%parallel_loop3A_117] in [0] : vector<16xi32>, vector<16xi32> -> vector<16xi32>
        %parallel_loop3A_119 = arith.addi %parallel_loop3A_118, %iota3A : vector<16xi32>
        %parallel_loop3A_120 = tpu.vector_load_idx %arg8[%parallel_loop3A_111] : memref<89088xf32, #tpu.memory_space<vmem>>[vector<16xi32>], vector<16xf32>,
        %parallel_loop3A_121 = vector.bitcast %parallel_loop3A_120 : vector<16xf32> to vector<32xbf16>
        %parallel_loop3A_122 = tpu.vector_load_idx %arg8[%parallel_loop3A_115] : memref<89088xf32, #tpu.memory_space<vmem>>[vector<16xi32>], vector<16xf32>,
        %parallel_loop3A_123 = vector.bitcast %parallel_loop3A_122 : vector<16xf32> to vector<32xbf16>
        %parallel_loop3A_124 = tpu.vector_load_idx %arg8[%parallel_loop3A_119] : memref<89088xf32, #tpu.memory_space<vmem>>[vector<16xi32>], vector<16xf32>,
        %parallel_loop3A_125 = vector.bitcast %parallel_loop3A_124 : vector<16xf32> to vector<32xbf16>
        %parallel_loop3A_126 = arith.addf %parallel_loop3A_123, %parallel_loop3A_125 : vector<32xbf16>
        %parallel_loop3A_127 = tpu.unpack_subelements %parallel_loop3A_121, 0 {pack_format = #tpu.pack_format<interleaved>} : vector<32xbf16> -> vector<16xf32>
        %parallel_loop3A_128 = tpu.unpack_subelements %parallel_loop3A_121, 1 {pack_format = #tpu.pack_format<interleaved>} : vector<32xbf16> -> vector<16xf32>
        %parallel_loop3A_129 = tpu.unpack_subelements %parallel_loop3A_126, 0 {pack_format = #tpu.pack_format<interleaved>} : vector<32xbf16> -> vector<16xf32>
        %parallel_loop3A_130 = tpu.unpack_subelements %parallel_loop3A_126, 1 {pack_format = #tpu.pack_format<interleaved>} : vector<32xbf16> -> vector<16xf32>
        %parallel_loop3A_131 = arith.addf %parallel_loop3A_127, %parallel_loop3A_129 : vector<16xf32>
        %parallel_loop3A_132 = arith.index_cast %parallel_loop3A_106 : i32 to index
        %parallel_loop3A_133 = arith.constant 0 : index
        %parallel_loop3A_134 = tpu.vector_load %arg13[%parallel_loop3A_132, %parallel_loop3A_133] {strides = array<i32>} : memref<16x768xf32, #tpu.memory_space<vmem>>, vector<16xf32>,
        tpu.vector_store %arg13[%parallel_loop3A_132, %parallel_loop3A_133], %parallel_loop3A_131 {strides = array<i32>} : memref<16x768xf32, #tpu.memory_space<vmem>>, vector<16xf32>,
        %parallel_loop3A_135 = arith.addf %parallel_loop3A_128, %parallel_loop3A_130 : vector<16xf32>
        %parallel_loop3A_136 = arith.index_cast %parallel_loop3A_106 : i32 to index
        %parallel_loop3A_137 = arith.constant 16 : index
        %parallel_loop3A_138 = tpu.vector_load %arg13[%parallel_loop3A_136, %parallel_loop3A_137] {strides = array<i32>} : memref<16x768xf32, #tpu.memory_space<vmem>>, vector<16xf32>,
        tpu.vector_store %arg13[%parallel_loop3A_136, %parallel_loop3A_137], %parallel_loop3A_135 {strides = array<i32>} : memref<16x768xf32, #tpu.memory_space<vmem>>, vector<16xf32>,
        %parallel_loop3A_139 = arith.constant 16 : i32
        %parallel_loop3A_140 = vector.broadcast %parallel_loop3A_139 : i32 to vector<16xi32>
        %parallel_loop3A_141 = arith.addi %parallel_loop3A_111, %parallel_loop3A_140 : vector<16xi32>
        %parallel_loop3A_142 = arith.constant 16 : i32
        %parallel_loop3A_143 = vector.broadcast %parallel_loop3A_142 : i32 to vector<16xi32>
        %parallel_loop3A_144 = arith.addi %parallel_loop3A_115, %parallel_loop3A_143 : vector<16xi32>
        %parallel_loop3A_145 = arith.constant 16 : i32
        %parallel_loop3A_146 = vector.broadcast %parallel_loop3A_145 : i32 to vector<16xi32>
        %parallel_loop3A_147 = arith.addi %parallel_loop3A_119, %parallel_loop3A_146 : vector<16xi32>
        %parallel_loop3A_148 = tpu.vector_load_idx %arg8[%parallel_loop3A_141] : memref<89088xf32, #tpu.memory_space<vmem>>[vector<16xi32>], vector<16xf32>,
        %parallel_loop3A_149 = vector.bitcast %parallel_loop3A_148 : vector<16xf32> to vector<32xbf16>
        %parallel_loop3A_150 = tpu.vector_load_idx %arg8[%parallel_loop3A_144] : memref<89088xf32, #tpu.memory_space<vmem>>[vector<16xi32>], vector<16xf32>,
        %parallel_loop3A_151 = vector.bitcast %parallel_loop3A_150 : vector<16xf32> to vector<32xbf16>
        %parallel_loop3A_152 = tpu.vector_load_idx %arg8[%parallel_loop3A_147] : memref<89088xf32, #tpu.memory_space<vmem>>[vector<16xi32>], vector<16xf32>,
        %parallel_loop3A_153 = vector.bitcast %parallel_loop3A_152 : vector<16xf32> to vector<32xbf16>
        %parallel_loop3A_154 = arith.addf %parallel_loop3A_151, %parallel_loop3A_153 : vector<32xbf16>
        %parallel_loop3A_155 = tpu.unpack_subelements %parallel_loop3A_149, 0 {pack_format = #tpu.pack_format<interleaved>} : vector<32xbf16> -> vector<16xf32>
        %parallel_loop3A_156 = tpu.unpack_subelements %parallel_loop3A_149, 1 {pack_format = #tpu.pack_format<interleaved>} : vector<32xbf16> -> vector<16xf32>
        %parallel_loop3A_157 = tpu.unpack_subelements %parallel_loop3A_154, 0 {pack_format = #tpu.pack_format<interleaved>} : vector<32xbf16> -> vector<16xf32>
        %parallel_loop3A_158 = tpu.unpack_subelements %parallel_loop3A_154, 1 {pack_format = #tpu.pack_format<interleaved>} : vector<32xbf16> -> vector<16xf32>
        %parallel_loop3A_159 = arith.addf %parallel_loop3A_155, %parallel_loop3A_157 : vector<16xf32>
        %parallel_loop3A_160 = arith.index_cast %parallel_loop3A_106 : i32 to index
        %parallel_loop3A_161 = arith.constant 32 : index
        %parallel_loop3A_162 = tpu.vector_load %arg13[%parallel_loop3A_160, %parallel_loop3A_161] {strides = array<i32>} : memref<16x768xf32, #tpu.memory_space<vmem>>, vector<16xf32>,
        tpu.vector_store %arg13[%parallel_loop3A_160, %parallel_loop3A_161], %parallel_loop3A_159 {strides = array<i32>} : memref<16x768xf32, #tpu.memory_space<vmem>>, vector<16xf32>,
        %parallel_loop3A_163 = arith.addf %parallel_loop3A_156, %parallel_loop3A_158 : vector<16xf32>
        %parallel_loop3A_164 = arith.index_cast %parallel_loop3A_106 : i32 to index
        %parallel_loop3A_165 = arith.constant 48 : index
        %parallel_loop3A_166 = tpu.vector_load %arg13[%parallel_loop3A_164, %parallel_loop3A_165] {strides = array<i32>} : memref<16x768xf32, #tpu.memory_space<vmem>>, vector<16xf32>,
        tpu.vector_store %arg13[%parallel_loop3A_164, %parallel_loop3A_165], %parallel_loop3A_163 {strides = array<i32>} : memref<16x768xf32, #tpu.memory_space<vmem>>, vector<16xf32>,
        %parallel_loop3A_167 = arith.constant 16 : i32
        %parallel_loop3A_168 = vector.broadcast %parallel_loop3A_167 : i32 to vector<16xi32>
        %parallel_loop3A_169 = arith.addi %parallel_loop3A_141, %parallel_loop3A_168 : vector<16xi32>
        %parallel_loop3A_170 = arith.constant 16 : i32
        %parallel_loop3A_171 = vector.broadcast %parallel_loop3A_170 : i32 to vector<16xi32>
        %parallel_loop3A_172 = arith.addi %parallel_loop3A_144, %parallel_loop3A_171 : vector<16xi32>
        %parallel_loop3A_173 = arith.constant 16 : i32
        %parallel_loop3A_174 = vector.broadcast %parallel_loop3A_173 : i32 to vector<16xi32>
        %parallel_loop3A_175 = arith.addi %parallel_loop3A_147, %parallel_loop3A_174 : vector<16xi32>
        %parallel_loop3A_176 = tpu.vector_load_idx %arg8[%parallel_loop3A_169] : memref<89088xf32, #tpu.memory_space<vmem>>[vector<16xi32>], vector<16xf32>,
        %parallel_loop3A_177 = vector.bitcast %parallel_loop3A_176 : vector<16xf32> to vector<32xbf16>
        %parallel_loop3A_178 = tpu.vector_load_idx %arg8[%parallel_loop3A_172] : memref<89088xf32, #tpu.memory_space<vmem>>[vector<16xi32>], vector<16xf32>,
        %parallel_loop3A_179 = vector.bitcast %parallel_loop3A_178 : vector<16xf32> to vector<32xbf16>
        %parallel_loop3A_180 = tpu.vector_load_idx %arg8[%parallel_loop3A_175] : memref<89088xf32, #tpu.memory_space<vmem>>[vector<16xi32>], vector<16xf32>,
        %parallel_loop3A_181 = vector.bitcast %parallel_loop3A_180 : vector<16xf32> to vector<32xbf16>
        %parallel_loop3A_182 = arith.addf %parallel_loop3A_179, %parallel_loop3A_181 : vector<32xbf16>
        %parallel_loop3A_183 = tpu.unpack_subelements %parallel_loop3A_177, 0 {pack_format = #tpu.pack_format<interleaved>} : vector<32xbf16> -> vector<16xf32>
        %parallel_loop3A_184 = tpu.unpack_subelements %parallel_loop3A_177, 1 {pack_format = #tpu.pack_format<interleaved>} : vector<32xbf16> -> vector<16xf32>
        %parallel_loop3A_185 = tpu.unpack_subelements %parallel_loop3A_182, 0 {pack_format = #tpu.pack_format<interleaved>} : vector<32xbf16> -> vector<16xf32>
        %parallel_loop3A_186 = tpu.unpack_subelements %parallel_loop3A_182, 1 {pack_format = #tpu.pack_format<interleaved>} : vector<32xbf16> -> vector<16xf32>
        %parallel_loop3A_187 = arith.addf %parallel_loop3A_183, %parallel_loop3A_185 : vector<16xf32>
        %parallel_loop3A_188 = arith.index_cast %parallel_loop3A_106 : i32 to index
        %parallel_loop3A_189 = arith.constant 64 : index
        %parallel_loop3A_190 = tpu.vector_load %arg13[%parallel_loop3A_188, %parallel_loop3A_189] {strides = array<i32>} : memref<16x768xf32, #tpu.memory_space<vmem>>, vector<16xf32>,
        tpu.vector_store %arg13[%parallel_loop3A_188, %parallel_loop3A_189], %parallel_loop3A_187 {strides = array<i32>} : memref<16x768xf32, #tpu.memory_space<vmem>>, vector<16xf32>,
        %parallel_loop3A_191 = arith.addf %parallel_loop3A_184, %parallel_loop3A_186 : vector<16xf32>
        %parallel_loop3A_192 = arith.index_cast %parallel_loop3A_106 : i32 to index
        %parallel_loop3A_193 = arith.constant 80 : index
        %parallel_loop3A_194 = tpu.vector_load %arg13[%parallel_loop3A_192, %parallel_loop3A_193] {strides = array<i32>} : memref<16x768xf32, #tpu.memory_space<vmem>>, vector<16xf32>,
        tpu.vector_store %arg13[%parallel_loop3A_192, %parallel_loop3A_193], %parallel_loop3A_191 {strides = array<i32>} : memref<16x768xf32, #tpu.memory_space<vmem>>, vector<16xf32>,
        %parallel_loop3A_195 = arith.constant 16 : i32
        %parallel_loop3A_196 = vector.broadcast %parallel_loop3A_195 : i32 to vector<16xi32>
        %parallel_loop3A_197 = arith.addi %parallel_loop3A_169, %parallel_loop3A_196 : vector<16xi32>
        %parallel_loop3A_198 = arith.constant 16 : i32
        %parallel_loop3A_199 = vector.broadcast %parallel_loop3A_198 : i32 to vector<16xi32>
        %parallel_loop3A_200 = arith.addi %parallel_loop3A_172, %parallel_loop3A_199 : vector<16xi32>
        %parallel_loop3A_201 = arith.constant 16 : i32
        %parallel_loop3A_202 = vector.broadcast %parallel_loop3A_201 : i32 to vector<16xi32>
        %parallel_loop3A_203 = arith.addi %parallel_loop3A_175, %parallel_loop3A_202 : vector<16xi32>
        %parallel_loop3A_204 = tpu.vector_load_idx %arg8[%parallel_loop3A_197] : memref<89088xf32, #tpu.memory_space<vmem>>[vector<16xi32>], vector<16xf32>,
        %parallel_loop3A_205 = vector.bitcast %parallel_loop3A_204 : vector<16xf32> to vector<32xbf16>
        %parallel_loop3A_206 = tpu.vector_load_idx %arg8[%parallel_loop3A_200] : memref<89088xf32, #tpu.memory_space<vmem>>[vector<16xi32>], vector<16xf32>,
        %parallel_loop3A_207 = vector.bitcast %parallel_loop3A_206 : vector<16xf32> to vector<32xbf16>
        %parallel_loop3A_208 = tpu.vector_load_idx %arg8[%parallel_loop3A_203] : memref<89088xf32, #tpu.memory_space<vmem>>[vector<16xi32>], vector<16xf32>,
        %parallel_loop3A_209 = vector.bitcast %parallel_loop3A_208 : vector<16xf32> to vector<32xbf16>
        %parallel_loop3A_210 = arith.addf %parallel_loop3A_207, %parallel_loop3A_209 : vector<32xbf16>
        %parallel_loop3A_211 = tpu.unpack_subelements %parallel_loop3A_205, 0 {pack_format = #tpu.pack_format<interleaved>} : vector<32xbf16> -> vector<16xf32>
        %parallel_loop3A_212 = tpu.unpack_subelements %parallel_loop3A_205, 1 {pack_format = #tpu.pack_format<interleaved>} : vector<32xbf16> -> vector<16xf32>
        %parallel_loop3A_213 = tpu.unpack_subelements %parallel_loop3A_210, 0 {pack_format = #tpu.pack_format<interleaved>} : vector<32xbf16> -> vector<16xf32>
        %parallel_loop3A_214 = tpu.unpack_subelements %parallel_loop3A_210, 1 {pack_format = #tpu.pack_format<interleaved>} : vector<32xbf16> -> vector<16xf32>
        %parallel_loop3A_215 = arith.addf %parallel_loop3A_211, %parallel_loop3A_213 : vector<16xf32>
        %parallel_loop3A_216 = arith.index_cast %parallel_loop3A_106 : i32 to index
        %parallel_loop3A_217 = arith.constant 96 : index
        %parallel_loop3A_218 = tpu.vector_load %arg13[%parallel_loop3A_216, %parallel_loop3A_217] {strides = array<i32>} : memref<16x768xf32, #tpu.memory_space<vmem>>, vector<16xf32>,
        tpu.vector_store %arg13[%parallel_loop3A_216, %parallel_loop3A_217], %parallel_loop3A_215 {strides = array<i32>} : memref<16x768xf32, #tpu.memory_space<vmem>>, vector<16xf32>,
        %parallel_loop3A_219 = arith.addf %parallel_loop3A_212, %parallel_loop3A_214 : vector<16xf32>
        %parallel_loop3A_220 = arith.index_cast %parallel_loop3A_106 : i32 to index
        %parallel_loop3A_221 = arith.constant 112 : index
        %parallel_loop3A_222 = tpu.vector_load %arg13[%parallel_loop3A_220, %parallel_loop3A_221] {strides = array<i32>} : memref<16x768xf32, #tpu.memory_space<vmem>>, vector<16xf32>,
        tpu.vector_store %arg13[%parallel_loop3A_220, %parallel_loop3A_221], %parallel_loop3A_219 {strides = array<i32>} : memref<16x768xf32, #tpu.memory_space<vmem>>, vector<16xf32>,
        %parallel_loop3A_223 = arith.constant 16 : i32
        %parallel_loop3A_224 = vector.broadcast %parallel_loop3A_223 : i32 to vector<16xi32>
        %parallel_loop3A_225 = arith.addi %parallel_loop3A_197, %parallel_loop3A_224 : vector<16xi32>
        %parallel_loop3A_226 = arith.constant 16 : i32
        %parallel_loop3A_227 = vector.broadcast %parallel_loop3A_226 : i32 to vector<16xi32>
        %parallel_loop3A_228 = arith.addi %parallel_loop3A_200, %parallel_loop3A_227 : vector<16xi32>
        %parallel_loop3A_229 = arith.constant 16 : i32
        %parallel_loop3A_230 = vector.broadcast %parallel_loop3A_229 : i32 to vector<16xi32>
        %parallel_loop3A_231 = arith.addi %parallel_loop3A_203, %parallel_loop3A_230 : vector<16xi32>
        %parallel_loop3A_232 = tpu.vector_load_idx %arg8[%parallel_loop3A_225] : memref<89088xf32, #tpu.memory_space<vmem>>[vector<16xi32>], vector<16xf32>,
        %parallel_loop3A_233 = vector.bitcast %parallel_loop3A_232 : vector<16xf32> to vector<32xbf16>
        %parallel_loop3A_234 = tpu.vector_load_idx %arg8[%parallel_loop3A_228] : memref<89088xf32, #tpu.memory_space<vmem>>[vector<16xi32>], vector<16xf32>,
        %parallel_loop3A_235 = vector.bitcast %parallel_loop3A_234 : vector<16xf32> to vector<32xbf16>
        %parallel_loop3A_236 = tpu.vector_load_idx %arg8[%parallel_loop3A_231] : memref<89088xf32, #tpu.memory_space<vmem>>[vector<16xi32>], vector<16xf32>,
        %parallel_loop3A_237 = vector.bitcast %parallel_loop3A_236 : vector<16xf32> to vector<32xbf16>
        %parallel_loop3A_238 = arith.addf %parallel_loop3A_235, %parallel_loop3A_237 : vector<32xbf16>
        %parallel_loop3A_239 = tpu.unpack_subelements %parallel_loop3A_233, 0 {pack_format = #tpu.pack_format<interleaved>} : vector<32xbf16> -> vector<16xf32>
        %parallel_loop3A_240 = tpu.unpack_subelements %parallel_loop3A_233, 1 {pack_format = #tpu.pack_format<interleaved>} : vector<32xbf16> -> vector<16xf32>
        %parallel_loop3A_241 = tpu.unpack_subelements %parallel_loop3A_238, 0 {pack_format = #tpu.pack_format<interleaved>} : vector<32xbf16> -> vector<16xf32>
        %parallel_loop3A_242 = tpu.unpack_subelements %parallel_loop3A_238, 1 {pack_format = #tpu.pack_format<interleaved>} : vector<32xbf16> -> vector<16xf32>
        %parallel_loop3A_243 = arith.addf %parallel_loop3A_239, %parallel_loop3A_241 : vector<16xf32>
        %parallel_loop3A_244 = arith.index_cast %parallel_loop3A_106 : i32 to index
        %parallel_loop3A_245 = arith.constant 128 : index
        %parallel_loop3A_246 = tpu.vector_load %arg13[%parallel_loop3A_244, %parallel_loop3A_245] {strides = array<i32>} : memref<16x768xf32, #tpu.memory_space<vmem>>, vector<16xf32>,
        tpu.vector_store %arg13[%parallel_loop3A_244, %parallel_loop3A_245], %parallel_loop3A_243 {strides = array<i32>} : memref<16x768xf32, #tpu.memory_space<vmem>>, vector<16xf32>,
        %parallel_loop3A_247 = arith.addf %parallel_loop3A_240, %parallel_loop3A_242 : vector<16xf32>
        %parallel_loop3A_248 = arith.index_cast %parallel_loop3A_106 : i32 to index
        %parallel_loop3A_249 = arith.constant 144 : index
        %parallel_loop3A_250 = tpu.vector_load %arg13[%parallel_loop3A_248, %parallel_loop3A_249] {strides = array<i32>} : memref<16x768xf32, #tpu.memory_space<vmem>>, vector<16xf32>,
        tpu.vector_store %arg13[%parallel_loop3A_248, %parallel_loop3A_249], %parallel_loop3A_247 {strides = array<i32>} : memref<16x768xf32, #tpu.memory_space<vmem>>, vector<16xf32>,
        %parallel_loop3A_251 = arith.constant 16 : i32
        %parallel_loop3A_252 = vector.broadcast %parallel_loop3A_251 : i32 to vector<16xi32>
        %parallel_loop3A_253 = arith.addi %parallel_loop3A_225, %parallel_loop3A_252 : vector<16xi32>
        %parallel_loop3A_254 = arith.constant 16 : i32
        %parallel_loop3A_255 = vector.broadcast %parallel_loop3A_254 : i32 to vector<16xi32>
        %parallel_loop3A_256 = arith.addi %parallel_loop3A_228, %parallel_loop3A_255 : vector<16xi32>
        %parallel_loop3A_257 = arith.constant 16 : i32
        %parallel_loop3A_258 = vector.broadcast %parallel_loop3A_257 : i32 to vector<16xi32>
        %parallel_loop3A_259 = arith.addi %parallel_loop3A_231, %parallel_loop3A_258 : vector<16xi32>
        %parallel_loop3A_260 = tpu.vector_load_idx %arg8[%parallel_loop3A_253] : memref<89088xf32, #tpu.memory_space<vmem>>[vector<16xi32>], vector<16xf32>,
        %parallel_loop3A_261 = vector.bitcast %parallel_loop3A_260 : vector<16xf32> to vector<32xbf16>
        %parallel_loop3A_262 = tpu.vector_load_idx %arg8[%parallel_loop3A_256] : memref<89088xf32, #tpu.memory_space<vmem>>[vector<16xi32>], vector<16xf32>,
        %parallel_loop3A_263 = vector.bitcast %parallel_loop3A_262 : vector<16xf32> to vector<32xbf16>
        %parallel_loop3A_264 = tpu.vector_load_idx %arg8[%parallel_loop3A_259] : memref<89088xf32, #tpu.memory_space<vmem>>[vector<16xi32>], vector<16xf32>,
        %parallel_loop3A_265 = vector.bitcast %parallel_loop3A_264 : vector<16xf32> to vector<32xbf16>
        %parallel_loop3A_266 = arith.addf %parallel_loop3A_263, %parallel_loop3A_265 : vector<32xbf16>
        %parallel_loop3A_267 = tpu.unpack_subelements %parallel_loop3A_261, 0 {pack_format = #tpu.pack_format<interleaved>} : vector<32xbf16> -> vector<16xf32>
        %parallel_loop3A_268 = tpu.unpack_subelements %parallel_loop3A_261, 1 {pack_format = #tpu.pack_format<interleaved>} : vector<32xbf16> -> vector<16xf32>
        %parallel_loop3A_269 = tpu.unpack_subelements %parallel_loop3A_266, 0 {pack_format = #tpu.pack_format<interleaved>} : vector<32xbf16> -> vector<16xf32>
        %parallel_loop3A_270 = tpu.unpack_subelements %parallel_loop3A_266, 1 {pack_format = #tpu.pack_format<interleaved>} : vector<32xbf16> -> vector<16xf32>
        %parallel_loop3A_271 = arith.addf %parallel_loop3A_267, %parallel_loop3A_269 : vector<16xf32>
        %parallel_loop3A_272 = arith.index_cast %parallel_loop3A_106 : i32 to index
        %parallel_loop3A_273 = arith.constant 160 : index
        %parallel_loop3A_274 = tpu.vector_load %arg13[%parallel_loop3A_272, %parallel_loop3A_273] {strides = array<i32>} : memref<16x768xf32, #tpu.memory_space<vmem>>, vector<16xf32>,
        tpu.vector_store %arg13[%parallel_loop3A_272, %parallel_loop3A_273], %parallel_loop3A_271 {strides = array<i32>} : memref<16x768xf32, #tpu.memory_space<vmem>>, vector<16xf32>,
        %parallel_loop3A_275 = arith.addf %parallel_loop3A_268, %parallel_loop3A_270 : vector<16xf32>
        %parallel_loop3A_276 = arith.index_cast %parallel_loop3A_106 : i32 to index
        %parallel_loop3A_277 = arith.constant 176 : index
        %parallel_loop3A_278 = tpu.vector_load %arg13[%parallel_loop3A_276, %parallel_loop3A_277] {strides = array<i32>} : memref<16x768xf32, #tpu.memory_space<vmem>>, vector<16xf32>,
        tpu.vector_store %arg13[%parallel_loop3A_276, %parallel_loop3A_277], %parallel_loop3A_275 {strides = array<i32>} : memref<16x768xf32, #tpu.memory_space<vmem>>, vector<16xf32>,
        %parallel_loop3A_279 = arith.constant 16 : i32
        %parallel_loop3A_280 = vector.broadcast %parallel_loop3A_279 : i32 to vector<16xi32>
        %parallel_loop3A_281 = arith.addi %parallel_loop3A_253, %parallel_loop3A_280 : vector<16xi32>
        %parallel_loop3A_282 = arith.constant 16 : i32
        %parallel_loop3A_283 = vector.broadcast %parallel_loop3A_282 : i32 to vector<16xi32>
        %parallel_loop3A_284 = arith.addi %parallel_loop3A_256, %parallel_loop3A_283 : vector<16xi32>
        %parallel_loop3A_285 = arith.constant 16 : i32
        %parallel_loop3A_286 = vector.broadcast %parallel_loop3A_285 : i32 to vector<16xi32>
        %parallel_loop3A_287 = arith.addi %parallel_loop3A_259, %parallel_loop3A_286 : vector<16xi32>
        %parallel_loop3A_288 = tpu.vector_load_idx %arg8[%parallel_loop3A_281] : memref<89088xf32, #tpu.memory_space<vmem>>[vector<16xi32>], vector<16xf32>,
        %parallel_loop3A_289 = vector.bitcast %parallel_loop3A_288 : vector<16xf32> to vector<32xbf16>
        %parallel_loop3A_290 = tpu.vector_load_idx %arg8[%parallel_loop3A_284] : memref<89088xf32, #tpu.memory_space<vmem>>[vector<16xi32>], vector<16xf32>,
        %parallel_loop3A_291 = vector.bitcast %parallel_loop3A_290 : vector<16xf32> to vector<32xbf16>
        %parallel_loop3A_292 = tpu.vector_load_idx %arg8[%parallel_loop3A_287] : memref<89088xf32, #tpu.memory_space<vmem>>[vector<16xi32>], vector<16xf32>,
        %parallel_loop3A_293 = vector.bitcast %parallel_loop3A_292 : vector<16xf32> to vector<32xbf16>
        %parallel_loop3A_294 = arith.addf %parallel_loop3A_291, %parallel_loop3A_293 : vector<32xbf16>
        %parallel_loop3A_295 = tpu.unpack_subelements %parallel_loop3A_289, 0 {pack_format = #tpu.pack_format<interleaved>} : vector<32xbf16> -> vector<16xf32>
        %parallel_loop3A_296 = tpu.unpack_subelements %parallel_loop3A_289, 1 {pack_format = #tpu.pack_format<interleaved>} : vector<32xbf16> -> vector<16xf32>
        %parallel_loop3A_297 = tpu.unpack_subelements %parallel_loop3A_294, 0 {pack_format = #tpu.pack_format<interleaved>} : vector<32xbf16> -> vector<16xf32>
        %parallel_loop3A_298 = tpu.unpack_subelements %parallel_loop3A_294, 1 {pack_format = #tpu.pack_format<interleaved>} : vector<32xbf16> -> vector<16xf32>
        %parallel_loop3A_299 = arith.addf %parallel_loop3A_295, %parallel_loop3A_297 : vector<16xf32>
        %parallel_loop3A_300 = arith.index_cast %parallel_loop3A_106 : i32 to index
        %parallel_loop3A_301 = arith.constant 192 : index
        %parallel_loop3A_302 = tpu.vector_load %arg13[%parallel_loop3A_300, %parallel_loop3A_301] {strides = array<i32>} : memref<16x768xf32, #tpu.memory_space<vmem>>, vector<16xf32>,
        tpu.vector_store %arg13[%parallel_loop3A_300, %parallel_loop3A_301], %parallel_loop3A_299 {strides = array<i32>} : memref<16x768xf32, #tpu.memory_space<vmem>>, vector<16xf32>,
        %parallel_loop3A_303 = arith.addf %parallel_loop3A_296, %parallel_loop3A_298 : vector<16xf32>
        %parallel_loop3A_304 = arith.index_cast %parallel_loop3A_106 : i32 to index
        %parallel_loop3A_305 = arith.constant 208 : index
        %parallel_loop3A_306 = tpu.vector_load %arg13[%parallel_loop3A_304, %parallel_loop3A_305] {strides = array<i32>} : memref<16x768xf32, #tpu.memory_space<vmem>>, vector<16xf32>,
        tpu.vector_store %arg13[%parallel_loop3A_304, %parallel_loop3A_305], %parallel_loop3A_303 {strides = array<i32>} : memref<16x768xf32, #tpu.memory_space<vmem>>, vector<16xf32>,
        %parallel_loop3A_307 = arith.constant 16 : i32
        %parallel_loop3A_308 = vector.broadcast %parallel_loop3A_307 : i32 to vector<16xi32>
        %parallel_loop3A_309 = arith.addi %parallel_loop3A_281, %parallel_loop3A_308 : vector<16xi32>
        %parallel_loop3A_310 = arith.constant 16 : i32
        %parallel_loop3A_311 = vector.broadcast %parallel_loop3A_310 : i32 to vector<16xi32>
        %parallel_loop3A_312 = arith.addi %parallel_loop3A_284, %parallel_loop3A_311 : vector<16xi32>
        %parallel_loop3A_313 = arith.constant 16 : i32
        %parallel_loop3A_314 = vector.broadcast %parallel_loop3A_313 : i32 to vector<16xi32>
        %parallel_loop3A_315 = arith.addi %parallel_loop3A_287, %parallel_loop3A_314 : vector<16xi32>
        %parallel_loop3A_316 = tpu.vector_load_idx %arg8[%parallel_loop3A_309] : memref<89088xf32, #tpu.memory_space<vmem>>[vector<16xi32>], vector<16xf32>,
        %parallel_loop3A_317 = vector.bitcast %parallel_loop3A_316 : vector<16xf32> to vector<32xbf16>
        %parallel_loop3A_318 = tpu.vector_load_idx %arg8[%parallel_loop3A_312] : memref<89088xf32, #tpu.memory_space<vmem>>[vector<16xi32>], vector<16xf32>,
        %parallel_loop3A_319 = vector.bitcast %parallel_loop3A_318 : vector<16xf32> to vector<32xbf16>
        %parallel_loop3A_320 = tpu.vector_load_idx %arg8[%parallel_loop3A_315] : memref<89088xf32, #tpu.memory_space<vmem>>[vector<16xi32>], vector<16xf32>,
        %parallel_loop3A_321 = vector.bitcast %parallel_loop3A_320 : vector<16xf32> to vector<32xbf16>
        %parallel_loop3A_322 = arith.addf %parallel_loop3A_319, %parallel_loop3A_321 : vector<32xbf16>
        %parallel_loop3A_323 = tpu.unpack_subelements %parallel_loop3A_317, 0 {pack_format = #tpu.pack_format<interleaved>} : vector<32xbf16> -> vector<16xf32>
        %parallel_loop3A_324 = tpu.unpack_subelements %parallel_loop3A_317, 1 {pack_format = #tpu.pack_format<interleaved>} : vector<32xbf16> -> vector<16xf32>
        %parallel_loop3A_325 = tpu.unpack_subelements %parallel_loop3A_322, 0 {pack_format = #tpu.pack_format<interleaved>} : vector<32xbf16> -> vector<16xf32>
        %parallel_loop3A_326 = tpu.unpack_subelements %parallel_loop3A_322, 1 {pack_format = #tpu.pack_format<interleaved>} : vector<32xbf16> -> vector<16xf32>
        %parallel_loop3A_327 = arith.addf %parallel_loop3A_323, %parallel_loop3A_325 : vector<16xf32>
        %parallel_loop3A_328 = arith.index_cast %parallel_loop3A_106 : i32 to index
        %parallel_loop3A_329 = arith.constant 224 : index
        %parallel_loop3A_330 = tpu.vector_load %arg13[%parallel_loop3A_328, %parallel_loop3A_329] {strides = array<i32>} : memref<16x768xf32, #tpu.memory_space<vmem>>, vector<16xf32>,
        tpu.vector_store %arg13[%parallel_loop3A_328, %parallel_loop3A_329], %parallel_loop3A_327 {strides = array<i32>} : memref<16x768xf32, #tpu.memory_space<vmem>>, vector<16xf32>,
        %parallel_loop3A_331 = arith.addf %parallel_loop3A_324, %parallel_loop3A_326 : vector<16xf32>
        %parallel_loop3A_332 = arith.index_cast %parallel_loop3A_106 : i32 to index
        %parallel_loop3A_333 = arith.constant 240 : index
        %parallel_loop3A_334 = tpu.vector_load %arg13[%parallel_loop3A_332, %parallel_loop3A_333] {strides = array<i32>} : memref<16x768xf32, #tpu.memory_space<vmem>>, vector<16xf32>,
        tpu.vector_store %arg13[%parallel_loop3A_332, %parallel_loop3A_333], %parallel_loop3A_331 {strides = array<i32>} : memref<16x768xf32, #tpu.memory_space<vmem>>, vector<16xf32>,
        %parallel_loop3A_335 = arith.constant 16 : i32
        %parallel_loop3A_336 = vector.broadcast %parallel_loop3A_335 : i32 to vector<16xi32>
        %parallel_loop3A_337 = arith.addi %parallel_loop3A_309, %parallel_loop3A_336 : vector<16xi32>
        %parallel_loop3A_338 = arith.constant 16 : i32
        %parallel_loop3A_339 = vector.broadcast %parallel_loop3A_338 : i32 to vector<16xi32>
        %parallel_loop3A_340 = arith.addi %parallel_loop3A_312, %parallel_loop3A_339 : vector<16xi32>
        %parallel_loop3A_341 = arith.constant 16 : i32
        %parallel_loop3A_342 = vector.broadcast %parallel_loop3A_341 : i32 to vector<16xi32>
        %parallel_loop3A_343 = arith.addi %parallel_loop3A_315, %parallel_loop3A_342 : vector<16xi32>
        %parallel_loop3A_344 = tpu.vector_load_idx %arg8[%parallel_loop3A_337] : memref<89088xf32, #tpu.memory_space<vmem>>[vector<16xi32>], vector<16xf32>,
        %parallel_loop3A_345 = vector.bitcast %parallel_loop3A_344 : vector<16xf32> to vector<32xbf16>
        %parallel_loop3A_346 = tpu.vector_load_idx %arg8[%parallel_loop3A_340] : memref<89088xf32, #tpu.memory_space<vmem>>[vector<16xi32>], vector<16xf32>,
        %parallel_loop3A_347 = vector.bitcast %parallel_loop3A_346 : vector<16xf32> to vector<32xbf16>
        %parallel_loop3A_348 = tpu.vector_load_idx %arg8[%parallel_loop3A_343] : memref<89088xf32, #tpu.memory_space<vmem>>[vector<16xi32>], vector<16xf32>,
        %parallel_loop3A_349 = vector.bitcast %parallel_loop3A_348 : vector<16xf32> to vector<32xbf16>
        %parallel_loop3A_350 = arith.addf %parallel_loop3A_347, %parallel_loop3A_349 : vector<32xbf16>
        %parallel_loop3A_351 = tpu.unpack_subelements %parallel_loop3A_345, 0 {pack_format = #tpu.pack_format<interleaved>} : vector<32xbf16> -> vector<16xf32>
        %parallel_loop3A_352 = tpu.unpack_subelements %parallel_loop3A_345, 1 {pack_format = #tpu.pack_format<interleaved>} : vector<32xbf16> -> vector<16xf32>
        %parallel_loop3A_353 = tpu.unpack_subelements %parallel_loop3A_350, 0 {pack_format = #tpu.pack_format<interleaved>} : vector<32xbf16> -> vector<16xf32>
        %parallel_loop3A_354 = tpu.unpack_subelements %parallel_loop3A_350, 1 {pack_format = #tpu.pack_format<interleaved>} : vector<32xbf16> -> vector<16xf32>
        %parallel_loop3A_355 = arith.addf %parallel_loop3A_351, %parallel_loop3A_353 : vector<16xf32>
        %parallel_loop3A_356 = arith.index_cast %parallel_loop3A_106 : i32 to index
        %parallel_loop3A_357 = arith.constant 256 : index
        %parallel_loop3A_358 = tpu.vector_load %arg13[%parallel_loop3A_356, %parallel_loop3A_357] {strides = array<i32>} : memref<16x768xf32, #tpu.memory_space<vmem>>, vector<16xf32>,
        tpu.vector_store %arg13[%parallel_loop3A_356, %parallel_loop3A_357], %parallel_loop3A_355 {strides = array<i32>} : memref<16x768xf32, #tpu.memory_space<vmem>>, vector<16xf32>,
        %parallel_loop3A_359 = arith.addf %parallel_loop3A_352, %parallel_loop3A_354 : vector<16xf32>
        %parallel_loop3A_360 = arith.index_cast %parallel_loop3A_106 : i32 to index
        %parallel_loop3A_361 = arith.constant 272 : index
        %parallel_loop3A_362 = tpu.vector_load %arg13[%parallel_loop3A_360, %parallel_loop3A_361] {strides = array<i32>} : memref<16x768xf32, #tpu.memory_space<vmem>>, vector<16xf32>,
        tpu.vector_store %arg13[%parallel_loop3A_360, %parallel_loop3A_361], %parallel_loop3A_359 {strides = array<i32>} : memref<16x768xf32, #tpu.memory_space<vmem>>, vector<16xf32>,
        %parallel_loop3A_363 = arith.constant 16 : i32
        %parallel_loop3A_364 = vector.broadcast %parallel_loop3A_363 : i32 to vector<16xi32>
        %parallel_loop3A_365 = arith.addi %parallel_loop3A_337, %parallel_loop3A_364 : vector<16xi32>
        %parallel_loop3A_366 = arith.constant 16 : i32
        %parallel_loop3A_367 = vector.broadcast %parallel_loop3A_366 : i32 to vector<16xi32>
        %parallel_loop3A_368 = arith.addi %parallel_loop3A_340, %parallel_loop3A_367 : vector<16xi32>
        %parallel_loop3A_369 = arith.constant 16 : i32
        %parallel_loop3A_370 = vector.broadcast %parallel_loop3A_369 : i32 to vector<16xi32>
        %parallel_loop3A_371 = arith.addi %parallel_loop3A_343, %parallel_loop3A_370 : vector<16xi32>
        %parallel_loop3A_372 = tpu.vector_load_idx %arg8[%parallel_loop3A_365] : memref<89088xf32, #tpu.memory_space<vmem>>[vector<16xi32>], vector<16xf32>,
        %parallel_loop3A_373 = vector.bitcast %parallel_loop3A_372 : vector<16xf32> to vector<32xbf16>
        %parallel_loop3A_374 = tpu.vector_load_idx %arg8[%parallel_loop3A_368] : memref<89088xf32, #tpu.memory_space<vmem>>[vector<16xi32>], vector<16xf32>,
        %parallel_loop3A_375 = vector.bitcast %parallel_loop3A_374 : vector<16xf32> to vector<32xbf16>
        %parallel_loop3A_376 = tpu.vector_load_idx %arg8[%parallel_loop3A_371] : memref<89088xf32, #tpu.memory_space<vmem>>[vector<16xi32>], vector<16xf32>,
        %parallel_loop3A_377 = vector.bitcast %parallel_loop3A_376 : vector<16xf32> to vector<32xbf16>
        %parallel_loop3A_378 = arith.addf %parallel_loop3A_375, %parallel_loop3A_377 : vector<32xbf16>
        %parallel_loop3A_379 = tpu.unpack_subelements %parallel_loop3A_373, 0 {pack_format = #tpu.pack_format<interleaved>} : vector<32xbf16> -> vector<16xf32>
        %parallel_loop3A_380 = tpu.unpack_subelements %parallel_loop3A_373, 1 {pack_format = #tpu.pack_format<interleaved>} : vector<32xbf16> -> vector<16xf32>
        %parallel_loop3A_381 = tpu.unpack_subelements %parallel_loop3A_378, 0 {pack_format = #tpu.pack_format<interleaved>} : vector<32xbf16> -> vector<16xf32>
        %parallel_loop3A_382 = tpu.unpack_subelements %parallel_loop3A_378, 1 {pack_format = #tpu.pack_format<interleaved>} : vector<32xbf16> -> vector<16xf32>
        %parallel_loop3A_383 = arith.addf %parallel_loop3A_379, %parallel_loop3A_381 : vector<16xf32>
        %parallel_loop3A_384 = arith.index_cast %parallel_loop3A_106 : i32 to index
        %parallel_loop3A_385 = arith.constant 288 : index
        %parallel_loop3A_386 = tpu.vector_load %arg13[%parallel_loop3A_384, %parallel_loop3A_385] {strides = array<i32>} : memref<16x768xf32, #tpu.memory_space<vmem>>, vector<16xf32>,
        tpu.vector_store %arg13[%parallel_loop3A_384, %parallel_loop3A_385], %parallel_loop3A_383 {strides = array<i32>} : memref<16x768xf32, #tpu.memory_space<vmem>>, vector<16xf32>,
        %parallel_loop3A_387 = arith.addf %parallel_loop3A_380, %parallel_loop3A_382 : vector<16xf32>
        %parallel_loop3A_388 = arith.index_cast %parallel_loop3A_106 : i32 to index
        %parallel_loop3A_389 = arith.constant 304 : index
        %parallel_loop3A_390 = tpu.vector_load %arg13[%parallel_loop3A_388, %parallel_loop3A_389] {strides = array<i32>} : memref<16x768xf32, #tpu.memory_space<vmem>>, vector<16xf32>,
        tpu.vector_store %arg13[%parallel_loop3A_388, %parallel_loop3A_389], %parallel_loop3A_387 {strides = array<i32>} : memref<16x768xf32, #tpu.memory_space<vmem>>, vector<16xf32>,
        %parallel_loop3A_391 = arith.constant 16 : i32
        %parallel_loop3A_392 = vector.broadcast %parallel_loop3A_391 : i32 to vector<16xi32>
        %parallel_loop3A_393 = arith.addi %parallel_loop3A_365, %parallel_loop3A_392 : vector<16xi32>
        %parallel_loop3A_394 = arith.constant 16 : i32
        %parallel_loop3A_395 = vector.broadcast %parallel_loop3A_394 : i32 to vector<16xi32>
        %parallel_loop3A_396 = arith.addi %parallel_loop3A_368, %parallel_loop3A_395 : vector<16xi32>
        %parallel_loop3A_397 = arith.constant 16 : i32
        %parallel_loop3A_398 = vector.broadcast %parallel_loop3A_397 : i32 to vector<16xi32>
        %parallel_loop3A_399 = arith.addi %parallel_loop3A_371, %parallel_loop3A_398 : vector<16xi32>
        %parallel_loop3A_400 = tpu.vector_load_idx %arg8[%parallel_loop3A_393] : memref<89088xf32, #tpu.memory_space<vmem>>[vector<16xi32>], vector<16xf32>,
        %parallel_loop3A_401 = vector.bitcast %parallel_loop3A_400 : vector<16xf32> to vector<32xbf16>
        %parallel_loop3A_402 = tpu.vector_load_idx %arg8[%parallel_loop3A_396] : memref<89088xf32, #tpu.memory_space<vmem>>[vector<16xi32>], vector<16xf32>,
        %parallel_loop3A_403 = vector.bitcast %parallel_loop3A_402 : vector<16xf32> to vector<32xbf16>
        %parallel_loop3A_404 = tpu.vector_load_idx %arg8[%parallel_loop3A_399] : memref<89088xf32, #tpu.memory_space<vmem>>[vector<16xi32>], vector<16xf32>,
        %parallel_loop3A_405 = vector.bitcast %parallel_loop3A_404 : vector<16xf32> to vector<32xbf16>
        %parallel_loop3A_406 = arith.addf %parallel_loop3A_403, %parallel_loop3A_405 : vector<32xbf16>
        %parallel_loop3A_407 = tpu.unpack_subelements %parallel_loop3A_401, 0 {pack_format = #tpu.pack_format<interleaved>} : vector<32xbf16> -> vector<16xf32>
        %parallel_loop3A_408 = tpu.unpack_subelements %parallel_loop3A_401, 1 {pack_format = #tpu.pack_format<interleaved>} : vector<32xbf16> -> vector<16xf32>
        %parallel_loop3A_409 = tpu.unpack_subelements %parallel_loop3A_406, 0 {pack_format = #tpu.pack_format<interleaved>} : vector<32xbf16> -> vector<16xf32>
        %parallel_loop3A_410 = tpu.unpack_subelements %parallel_loop3A_406, 1 {pack_format = #tpu.pack_format<interleaved>} : vector<32xbf16> -> vector<16xf32>
        %parallel_loop3A_411 = arith.addf %parallel_loop3A_407, %parallel_loop3A_409 : vector<16xf32>
        %parallel_loop3A_412 = arith.index_cast %parallel_loop3A_106 : i32 to index
        %parallel_loop3A_413 = arith.constant 320 : index
        %parallel_loop3A_414 = tpu.vector_load %arg13[%parallel_loop3A_412, %parallel_loop3A_413] {strides = array<i32>} : memref<16x768xf32, #tpu.memory_space<vmem>>, vector<16xf32>,
        tpu.vector_store %arg13[%parallel_loop3A_412, %parallel_loop3A_413], %parallel_loop3A_411 {strides = array<i32>} : memref<16x768xf32, #tpu.memory_space<vmem>>, vector<16xf32>,
        %parallel_loop3A_415 = arith.addf %parallel_loop3A_408, %parallel_loop3A_410 : vector<16xf32>
        %parallel_loop3A_416 = arith.index_cast %parallel_loop3A_106 : i32 to index
        %parallel_loop3A_417 = arith.constant 336 : index
        %parallel_loop3A_418 = tpu.vector_load %arg13[%parallel_loop3A_416, %parallel_loop3A_417] {strides = array<i32>} : memref<16x768xf32, #tpu.memory_space<vmem>>, vector<16xf32>,
        tpu.vector_store %arg13[%parallel_loop3A_416, %parallel_loop3A_417], %parallel_loop3A_415 {strides = array<i32>} : memref<16x768xf32, #tpu.memory_space<vmem>>, vector<16xf32>,
        %parallel_loop3A_419 = arith.constant 16 : i32
        %parallel_loop3A_420 = vector.broadcast %parallel_loop3A_419 : i32 to vector<16xi32>
        %parallel_loop3A_421 = arith.addi %parallel_loop3A_393, %parallel_loop3A_420 : vector<16xi32>
        %parallel_loop3A_422 = arith.constant 16 : i32
        %parallel_loop3A_423 = vector.broadcast %parallel_loop3A_422 : i32 to vector<16xi32>
        %parallel_loop3A_424 = arith.addi %parallel_loop3A_396, %parallel_loop3A_423 : vector<16xi32>
        %parallel_loop3A_425 = arith.constant 16 : i32
        %parallel_loop3A_426 = vector.broadcast %parallel_loop3A_425 : i32 to vector<16xi32>
        %parallel_loop3A_427 = arith.addi %parallel_loop3A_399, %parallel_loop3A_426 : vector<16xi32>
        %parallel_loop3A_428 = tpu.vector_load_idx %arg8[%parallel_loop3A_421] : memref<89088xf32, #tpu.memory_space<vmem>>[vector<16xi32>], vector<16xf32>,
        %parallel_loop3A_429 = vector.bitcast %parallel_loop3A_428 : vector<16xf32> to vector<32xbf16>
        %parallel_loop3A_430 = tpu.vector_load_idx %arg8[%parallel_loop3A_424] : memref<89088xf32, #tpu.memory_space<vmem>>[vector<16xi32>], vector<16xf32>,
        %parallel_loop3A_431 = vector.bitcast %parallel_loop3A_430 : vector<16xf32> to vector<32xbf16>
        %parallel_loop3A_432 = tpu.vector_load_idx %arg8[%parallel_loop3A_427] : memref<89088xf32, #tpu.memory_space<vmem>>[vector<16xi32>], vector<16xf32>,
        %parallel_loop3A_433 = vector.bitcast %parallel_loop3A_432 : vector<16xf32> to vector<32xbf16>
        %parallel_loop3A_434 = arith.addf %parallel_loop3A_431, %parallel_loop3A_433 : vector<32xbf16>
        %parallel_loop3A_435 = tpu.unpack_subelements %parallel_loop3A_429, 0 {pack_format = #tpu.pack_format<interleaved>} : vector<32xbf16> -> vector<16xf32>
        %parallel_loop3A_436 = tpu.unpack_subelements %parallel_loop3A_429, 1 {pack_format = #tpu.pack_format<interleaved>} : vector<32xbf16> -> vector<16xf32>
        %parallel_loop3A_437 = tpu.unpack_subelements %parallel_loop3A_434, 0 {pack_format = #tpu.pack_format<interleaved>} : vector<32xbf16> -> vector<16xf32>
        %parallel_loop3A_438 = tpu.unpack_subelements %parallel_loop3A_434, 1 {pack_format = #tpu.pack_format<interleaved>} : vector<32xbf16> -> vector<16xf32>
        %parallel_loop3A_439 = arith.addf %parallel_loop3A_435, %parallel_loop3A_437 : vector<16xf32>
        %parallel_loop3A_440 = arith.index_cast %parallel_loop3A_106 : i32 to index
        %parallel_loop3A_441 = arith.constant 352 : index
        %parallel_loop3A_442 = tpu.vector_load %arg13[%parallel_loop3A_440, %parallel_loop3A_441] {strides = array<i32>} : memref<16x768xf32, #tpu.memory_space<vmem>>, vector<16xf32>,
        tpu.vector_store %arg13[%parallel_loop3A_440, %parallel_loop3A_441], %parallel_loop3A_439 {strides = array<i32>} : memref<16x768xf32, #tpu.memory_space<vmem>>, vector<16xf32>,
        %parallel_loop3A_443 = arith.addf %parallel_loop3A_436, %parallel_loop3A_438 : vector<16xf32>
        %parallel_loop3A_444 = arith.index_cast %parallel_loop3A_106 : i32 to index
        %parallel_loop3A_445 = arith.constant 368 : index
        %parallel_loop3A_446 = tpu.vector_load %arg13[%parallel_loop3A_444, %parallel_loop3A_445] {strides = array<i32>} : memref<16x768xf32, #tpu.memory_space<vmem>>, vector<16xf32>,
        tpu.vector_store %arg13[%parallel_loop3A_444, %parallel_loop3A_445], %parallel_loop3A_443 {strides = array<i32>} : memref<16x768xf32, #tpu.memory_space<vmem>>, vector<16xf32>,
        %parallel_loop3A_447 = arith.constant 16 : i32
        %parallel_loop3A_448 = vector.broadcast %parallel_loop3A_447 : i32 to vector<16xi32>
        %parallel_loop3A_449 = arith.addi %parallel_loop3A_421, %parallel_loop3A_448 : vector<16xi32>
        %parallel_loop3A_450 = arith.constant 16 : i32
        %parallel_loop3A_451 = vector.broadcast %parallel_loop3A_450 : i32 to vector<16xi32>
        %parallel_loop3A_452 = arith.addi %parallel_loop3A_424, %parallel_loop3A_451 : vector<16xi32>
        %parallel_loop3A_453 = arith.constant 16 : i32
        %parallel_loop3A_454 = vector.broadcast %parallel_loop3A_453 : i32 to vector<16xi32>
        %parallel_loop3A_455 = arith.addi %parallel_loop3A_427, %parallel_loop3A_454 : vector<16xi32>
        %parallel_loop3A_456 = tpu.vector_load_idx %arg8[%parallel_loop3A_449] : memref<89088xf32, #tpu.memory_space<vmem>>[vector<16xi32>], vector<16xf32>,
        %parallel_loop3A_457 = vector.bitcast %parallel_loop3A_456 : vector<16xf32> to vector<32xbf16>
        %parallel_loop3A_458 = tpu.vector_load_idx %arg8[%parallel_loop3A_452] : memref<89088xf32, #tpu.memory_space<vmem>>[vector<16xi32>], vector<16xf32>,
        %parallel_loop3A_459 = vector.bitcast %parallel_loop3A_458 : vector<16xf32> to vector<32xbf16>
        %parallel_loop3A_460 = tpu.vector_load_idx %arg8[%parallel_loop3A_455] : memref<89088xf32, #tpu.memory_space<vmem>>[vector<16xi32>], vector<16xf32>,
        %parallel_loop3A_461 = vector.bitcast %parallel_loop3A_460 : vector<16xf32> to vector<32xbf16>
        %parallel_loop3A_462 = arith.addf %parallel_loop3A_459, %parallel_loop3A_461 : vector<32xbf16>
        %parallel_loop3A_463 = tpu.unpack_subelements %parallel_loop3A_457, 0 {pack_format = #tpu.pack_format<interleaved>} : vector<32xbf16> -> vector<16xf32>
        %parallel_loop3A_464 = tpu.unpack_subelements %parallel_loop3A_457, 1 {pack_format = #tpu.pack_format<interleaved>} : vector<32xbf16> -> vector<16xf32>
        %parallel_loop3A_465 = tpu.unpack_subelements %parallel_loop3A_462, 0 {pack_format = #tpu.pack_format<interleaved>} : vector<32xbf16> -> vector<16xf32>
        %parallel_loop3A_466 = tpu.unpack_subelements %parallel_loop3A_462, 1 {pack_format = #tpu.pack_format<interleaved>} : vector<32xbf16> -> vector<16xf32>
        %parallel_loop3A_467 = arith.addf %parallel_loop3A_463, %parallel_loop3A_465 : vector<16xf32>
        %parallel_loop3A_468 = arith.index_cast %parallel_loop3A_106 : i32 to index
        %parallel_loop3A_469 = arith.constant 384 : index
        %parallel_loop3A_470 = tpu.vector_load %arg13[%parallel_loop3A_468, %parallel_loop3A_469] {strides = array<i32>} : memref<16x768xf32, #tpu.memory_space<vmem>>, vector<16xf32>,
        tpu.vector_store %arg13[%parallel_loop3A_468, %parallel_loop3A_469], %parallel_loop3A_467 {strides = array<i32>} : memref<16x768xf32, #tpu.memory_space<vmem>>, vector<16xf32>,
        %parallel_loop3A_471 = arith.addf %parallel_loop3A_464, %parallel_loop3A_466 : vector<16xf32>
        %parallel_loop3A_472 = arith.index_cast %parallel_loop3A_106 : i32 to index
        %parallel_loop3A_473 = arith.constant 400 : index
        %parallel_loop3A_474 = tpu.vector_load %arg13[%parallel_loop3A_472, %parallel_loop3A_473] {strides = array<i32>} : memref<16x768xf32, #tpu.memory_space<vmem>>, vector<16xf32>,
        tpu.vector_store %arg13[%parallel_loop3A_472, %parallel_loop3A_473], %parallel_loop3A_471 {strides = array<i32>} : memref<16x768xf32, #tpu.memory_space<vmem>>, vector<16xf32>,
        %parallel_loop3A_475 = arith.constant 16 : i32
        %parallel_loop3A_476 = vector.broadcast %parallel_loop3A_475 : i32 to vector<16xi32>
        %parallel_loop3A_477 = arith.addi %parallel_loop3A_449, %parallel_loop3A_476 : vector<16xi32>
        %parallel_loop3A_478 = arith.constant 16 : i32
        %parallel_loop3A_479 = vector.broadcast %parallel_loop3A_478 : i32 to vector<16xi32>
        %parallel_loop3A_480 = arith.addi %parallel_loop3A_452, %parallel_loop3A_479 : vector<16xi32>
        %parallel_loop3A_481 = arith.constant 16 : i32
        %parallel_loop3A_482 = vector.broadcast %parallel_loop3A_481 : i32 to vector<16xi32>
        %parallel_loop3A_483 = arith.addi %parallel_loop3A_455, %parallel_loop3A_482 : vector<16xi32>
        %parallel_loop3A_484 = tpu.vector_load_idx %arg8[%parallel_loop3A_477] : memref<89088xf32, #tpu.memory_space<vmem>>[vector<16xi32>], vector<16xf32>,
        %parallel_loop3A_485 = vector.bitcast %parallel_loop3A_484 : vector<16xf32> to vector<32xbf16>
        %parallel_loop3A_486 = tpu.vector_load_idx %arg8[%parallel_loop3A_480] : memref<89088xf32, #tpu.memory_space<vmem>>[vector<16xi32>], vector<16xf32>,
        %parallel_loop3A_487 = vector.bitcast %parallel_loop3A_486 : vector<16xf32> to vector<32xbf16>
        %parallel_loop3A_488 = tpu.vector_load_idx %arg8[%parallel_loop3A_483] : memref<89088xf32, #tpu.memory_space<vmem>>[vector<16xi32>], vector<16xf32>,
        %parallel_loop3A_489 = vector.bitcast %parallel_loop3A_488 : vector<16xf32> to vector<32xbf16>
        %parallel_loop3A_490 = arith.addf %parallel_loop3A_487, %parallel_loop3A_489 : vector<32xbf16>
        %parallel_loop3A_491 = tpu.unpack_subelements %parallel_loop3A_485, 0 {pack_format = #tpu.pack_format<interleaved>} : vector<32xbf16> -> vector<16xf32>
        %parallel_loop3A_492 = tpu.unpack_subelements %parallel_loop3A_485, 1 {pack_format = #tpu.pack_format<interleaved>} : vector<32xbf16> -> vector<16xf32>
        %parallel_loop3A_493 = tpu.unpack_subelements %parallel_loop3A_490, 0 {pack_format = #tpu.pack_format<interleaved>} : vector<32xbf16> -> vector<16xf32>
        %parallel_loop3A_494 = tpu.unpack_subelements %parallel_loop3A_490, 1 {pack_format = #tpu.pack_format<interleaved>} : vector<32xbf16> -> vector<16xf32>
        %parallel_loop3A_495 = arith.addf %parallel_loop3A_491, %parallel_loop3A_493 : vector<16xf32>
        %parallel_loop3A_496 = arith.index_cast %parallel_loop3A_106 : i32 to index
        %parallel_loop3A_497 = arith.constant 416 : index
        %parallel_loop3A_498 = tpu.vector_load %arg13[%parallel_loop3A_496, %parallel_loop3A_497] {strides = array<i32>} : memref<16x768xf32, #tpu.memory_space<vmem>>, vector<16xf32>,
        tpu.vector_store %arg13[%parallel_loop3A_496, %parallel_loop3A_497], %parallel_loop3A_495 {strides = array<i32>} : memref<16x768xf32, #tpu.memory_space<vmem>>, vector<16xf32>,
        %parallel_loop3A_499 = arith.addf %parallel_loop3A_492, %parallel_loop3A_494 : vector<16xf32>
        %parallel_loop3A_500 = arith.index_cast %parallel_loop3A_106 : i32 to index
        %parallel_loop3A_501 = arith.constant 432 : index
        %parallel_loop3A_502 = tpu.vector_load %arg13[%parallel_loop3A_500, %parallel_loop3A_501] {strides = array<i32>} : memref<16x768xf32, #tpu.memory_space<vmem>>, vector<16xf32>,
        tpu.vector_store %arg13[%parallel_loop3A_500, %parallel_loop3A_501], %parallel_loop3A_499 {strides = array<i32>} : memref<16x768xf32, #tpu.memory_space<vmem>>, vector<16xf32>,
        %parallel_loop3A_503 = arith.constant 16 : i32
        %parallel_loop3A_504 = vector.broadcast %parallel_loop3A_503 : i32 to vector<16xi32>
        %parallel_loop3A_505 = arith.addi %parallel_loop3A_477, %parallel_loop3A_504 : vector<16xi32>
        %parallel_loop3A_506 = arith.constant 16 : i32
        %parallel_loop3A_507 = vector.broadcast %parallel_loop3A_506 : i32 to vector<16xi32>
        %parallel_loop3A_508 = arith.addi %parallel_loop3A_480, %parallel_loop3A_507 : vector<16xi32>
        %parallel_loop3A_509 = arith.constant 16 : i32
        %parallel_loop3A_510 = vector.broadcast %parallel_loop3A_509 : i32 to vector<16xi32>
        %parallel_loop3A_511 = arith.addi %parallel_loop3A_483, %parallel_loop3A_510 : vector<16xi32>
        %parallel_loop3A_512 = tpu.vector_load_idx %arg8[%parallel_loop3A_505] : memref<89088xf32, #tpu.memory_space<vmem>>[vector<16xi32>], vector<16xf32>,
        %parallel_loop3A_513 = vector.bitcast %parallel_loop3A_512 : vector<16xf32> to vector<32xbf16>
        %parallel_loop3A_514 = tpu.vector_load_idx %arg8[%parallel_loop3A_508] : memref<89088xf32, #tpu.memory_space<vmem>>[vector<16xi32>], vector<16xf32>,
        %parallel_loop3A_515 = vector.bitcast %parallel_loop3A_514 : vector<16xf32> to vector<32xbf16>
        %parallel_loop3A_516 = tpu.vector_load_idx %arg8[%parallel_loop3A_511] : memref<89088xf32, #tpu.memory_space<vmem>>[vector<16xi32>], vector<16xf32>,
        %parallel_loop3A_517 = vector.bitcast %parallel_loop3A_516 : vector<16xf32> to vector<32xbf16>
        %parallel_loop3A_518 = arith.addf %parallel_loop3A_515, %parallel_loop3A_517 : vector<32xbf16>
        %parallel_loop3A_519 = tpu.unpack_subelements %parallel_loop3A_513, 0 {pack_format = #tpu.pack_format<interleaved>} : vector<32xbf16> -> vector<16xf32>
        %parallel_loop3A_520 = tpu.unpack_subelements %parallel_loop3A_513, 1 {pack_format = #tpu.pack_format<interleaved>} : vector<32xbf16> -> vector<16xf32>
        %parallel_loop3A_521 = tpu.unpack_subelements %parallel_loop3A_518, 0 {pack_format = #tpu.pack_format<interleaved>} : vector<32xbf16> -> vector<16xf32>
        %parallel_loop3A_522 = tpu.unpack_subelements %parallel_loop3A_518, 1 {pack_format = #tpu.pack_format<interleaved>} : vector<32xbf16> -> vector<16xf32>
        %parallel_loop3A_523 = arith.addf %parallel_loop3A_519, %parallel_loop3A_521 : vector<16xf32>
        %parallel_loop3A_524 = arith.index_cast %parallel_loop3A_106 : i32 to index
        %parallel_loop3A_525 = arith.constant 448 : index
        %parallel_loop3A_526 = tpu.vector_load %arg13[%parallel_loop3A_524, %parallel_loop3A_525] {strides = array<i32>} : memref<16x768xf32, #tpu.memory_space<vmem>>, vector<16xf32>,
        tpu.vector_store %arg13[%parallel_loop3A_524, %parallel_loop3A_525], %parallel_loop3A_523 {strides = array<i32>} : memref<16x768xf32, #tpu.memory_space<vmem>>, vector<16xf32>,
        %parallel_loop3A_527 = arith.addf %parallel_loop3A_520, %parallel_loop3A_522 : vector<16xf32>
        %parallel_loop3A_528 = arith.index_cast %parallel_loop3A_106 : i32 to index
        %parallel_loop3A_529 = arith.constant 464 : index
        %parallel_loop3A_530 = tpu.vector_load %arg13[%parallel_loop3A_528, %parallel_loop3A_529] {strides = array<i32>} : memref<16x768xf32, #tpu.memory_space<vmem>>, vector<16xf32>,
        tpu.vector_store %arg13[%parallel_loop3A_528, %parallel_loop3A_529], %parallel_loop3A_527 {strides = array<i32>} : memref<16x768xf32, #tpu.memory_space<vmem>>, vector<16xf32>,
        %parallel_loop3A_531 = arith.constant 16 : i32
        %parallel_loop3A_532 = vector.broadcast %parallel_loop3A_531 : i32 to vector<16xi32>
        %parallel_loop3A_533 = arith.addi %parallel_loop3A_505, %parallel_loop3A_532 : vector<16xi32>
        %parallel_loop3A_534 = arith.constant 16 : i32
        %parallel_loop3A_535 = vector.broadcast %parallel_loop3A_534 : i32 to vector<16xi32>
        %parallel_loop3A_536 = arith.addi %parallel_loop3A_508, %parallel_loop3A_535 : vector<16xi32>
        %parallel_loop3A_537 = arith.constant 16 : i32
        %parallel_loop3A_538 = vector.broadcast %parallel_loop3A_537 : i32 to vector<16xi32>
        %parallel_loop3A_539 = arith.addi %parallel_loop3A_511, %parallel_loop3A_538 : vector<16xi32>
        %parallel_loop3A_540 = tpu.vector_load_idx %arg8[%parallel_loop3A_533] : memref<89088xf32, #tpu.memory_space<vmem>>[vector<16xi32>], vector<16xf32>,
        %parallel_loop3A_541 = vector.bitcast %parallel_loop3A_540 : vector<16xf32> to vector<32xbf16>
        %parallel_loop3A_542 = tpu.vector_load_idx %arg8[%parallel_loop3A_536] : memref<89088xf32, #tpu.memory_space<vmem>>[vector<16xi32>], vector<16xf32>,
        %parallel_loop3A_543 = vector.bitcast %parallel_loop3A_542 : vector<16xf32> to vector<32xbf16>
        %parallel_loop3A_544 = tpu.vector_load_idx %arg8[%parallel_loop3A_539] : memref<89088xf32, #tpu.memory_space<vmem>>[vector<16xi32>], vector<16xf32>,
        %parallel_loop3A_545 = vector.bitcast %parallel_loop3A_544 : vector<16xf32> to vector<32xbf16>
        %parallel_loop3A_546 = arith.addf %parallel_loop3A_543, %parallel_loop3A_545 : vector<32xbf16>
        %parallel_loop3A_547 = tpu.unpack_subelements %parallel_loop3A_541, 0 {pack_format = #tpu.pack_format<interleaved>} : vector<32xbf16> -> vector<16xf32>
        %parallel_loop3A_548 = tpu.unpack_subelements %parallel_loop3A_541, 1 {pack_format = #tpu.pack_format<interleaved>} : vector<32xbf16> -> vector<16xf32>
        %parallel_loop3A_549 = tpu.unpack_subelements %parallel_loop3A_546, 0 {pack_format = #tpu.pack_format<interleaved>} : vector<32xbf16> -> vector<16xf32>
        %parallel_loop3A_550 = tpu.unpack_subelements %parallel_loop3A_546, 1 {pack_format = #tpu.pack_format<interleaved>} : vector<32xbf16> -> vector<16xf32>
        %parallel_loop3A_551 = arith.addf %parallel_loop3A_547, %parallel_loop3A_549 : vector<16xf32>
        %parallel_loop3A_552 = arith.index_cast %parallel_loop3A_106 : i32 to index
        %parallel_loop3A_553 = arith.constant 480 : index
        %parallel_loop3A_554 = tpu.vector_load %arg13[%parallel_loop3A_552, %parallel_loop3A_553] {strides = array<i32>} : memref<16x768xf32, #tpu.memory_space<vmem>>, vector<16xf32>,
        tpu.vector_store %arg13[%parallel_loop3A_552, %parallel_loop3A_553], %parallel_loop3A_551 {strides = array<i32>} : memref<16x768xf32, #tpu.memory_space<vmem>>, vector<16xf32>,
        %parallel_loop3A_555 = arith.addf %parallel_loop3A_548, %parallel_loop3A_550 : vector<16xf32>
        %parallel_loop3A_556 = arith.index_cast %parallel_loop3A_106 : i32 to index
        %parallel_loop3A_557 = arith.constant 496 : index
        %parallel_loop3A_558 = tpu.vector_load %arg13[%parallel_loop3A_556, %parallel_loop3A_557] {strides = array<i32>} : memref<16x768xf32, #tpu.memory_space<vmem>>, vector<16xf32>,
        tpu.vector_store %arg13[%parallel_loop3A_556, %parallel_loop3A_557], %parallel_loop3A_555 {strides = array<i32>} : memref<16x768xf32, #tpu.memory_space<vmem>>, vector<16xf32>,
        %parallel_loop3A_559 = arith.constant 16 : i32
        %parallel_loop3A_560 = vector.broadcast %parallel_loop3A_559 : i32 to vector<16xi32>
        %parallel_loop3A_561 = arith.addi %parallel_loop3A_533, %parallel_loop3A_560 : vector<16xi32>
        %parallel_loop3A_562 = arith.constant 16 : i32
        %parallel_loop3A_563 = vector.broadcast %parallel_loop3A_562 : i32 to vector<16xi32>
        %parallel_loop3A_564 = arith.addi %parallel_loop3A_536, %parallel_loop3A_563 : vector<16xi32>
        %parallel_loop3A_565 = arith.constant 16 : i32
        %parallel_loop3A_566 = vector.broadcast %parallel_loop3A_565 : i32 to vector<16xi32>
        %parallel_loop3A_567 = arith.addi %parallel_loop3A_539, %parallel_loop3A_566 : vector<16xi32>
        %parallel_loop3A_568 = tpu.vector_load_idx %arg8[%parallel_loop3A_561] : memref<89088xf32, #tpu.memory_space<vmem>>[vector<16xi32>], vector<16xf32>,
        %parallel_loop3A_569 = vector.bitcast %parallel_loop3A_568 : vector<16xf32> to vector<32xbf16>
        %parallel_loop3A_570 = tpu.vector_load_idx %arg8[%parallel_loop3A_564] : memref<89088xf32, #tpu.memory_space<vmem>>[vector<16xi32>], vector<16xf32>,
        %parallel_loop3A_571 = vector.bitcast %parallel_loop3A_570 : vector<16xf32> to vector<32xbf16>
        %parallel_loop3A_572 = tpu.vector_load_idx %arg8[%parallel_loop3A_567] : memref<89088xf32, #tpu.memory_space<vmem>>[vector<16xi32>], vector<16xf32>,
        %parallel_loop3A_573 = vector.bitcast %parallel_loop3A_572 : vector<16xf32> to vector<32xbf16>
        %parallel_loop3A_574 = arith.addf %parallel_loop3A_571, %parallel_loop3A_573 : vector<32xbf16>
        %parallel_loop3A_575 = tpu.unpack_subelements %parallel_loop3A_569, 0 {pack_format = #tpu.pack_format<interleaved>} : vector<32xbf16> -> vector<16xf32>
        %parallel_loop3A_576 = tpu.unpack_subelements %parallel_loop3A_569, 1 {pack_format = #tpu.pack_format<interleaved>} : vector<32xbf16> -> vector<16xf32>
        %parallel_loop3A_577 = tpu.unpack_subelements %parallel_loop3A_574, 0 {pack_format = #tpu.pack_format<interleaved>} : vector<32xbf16> -> vector<16xf32>
        %parallel_loop3A_578 = tpu.unpack_subelements %parallel_loop3A_574, 1 {pack_format = #tpu.pack_format<interleaved>} : vector<32xbf16> -> vector<16xf32>
        %parallel_loop3A_579 = arith.addf %parallel_loop3A_575, %parallel_loop3A_577 : vector<16xf32>
        %parallel_loop3A_580 = arith.index_cast %parallel_loop3A_106 : i32 to index
        %parallel_loop3A_581 = arith.constant 512 : index
        %parallel_loop3A_582 = tpu.vector_load %arg13[%parallel_loop3A_580, %parallel_loop3A_581] {strides = array<i32>} : memref<16x768xf32, #tpu.memory_space<vmem>>, vector<16xf32>,
        tpu.vector_store %arg13[%parallel_loop3A_580, %parallel_loop3A_581], %parallel_loop3A_579 {strides = array<i32>} : memref<16x768xf32, #tpu.memory_space<vmem>>, vector<16xf32>,
        %parallel_loop3A_583 = arith.addf %parallel_loop3A_576, %parallel_loop3A_578 : vector<16xf32>
        %parallel_loop3A_584 = arith.index_cast %parallel_loop3A_106 : i32 to index
        %parallel_loop3A_585 = arith.constant 528 : index
        %parallel_loop3A_586 = tpu.vector_load %arg13[%parallel_loop3A_584, %parallel_loop3A_585] {strides = array<i32>} : memref<16x768xf32, #tpu.memory_space<vmem>>, vector<16xf32>,
        tpu.vector_store %arg13[%parallel_loop3A_584, %parallel_loop3A_585], %parallel_loop3A_583 {strides = array<i32>} : memref<16x768xf32, #tpu.memory_space<vmem>>, vector<16xf32>,
        %parallel_loop3A_587 = arith.constant 16 : i32
        %parallel_loop3A_588 = vector.broadcast %parallel_loop3A_587 : i32 to vector<16xi32>
        %parallel_loop3A_589 = arith.addi %parallel_loop3A_561, %parallel_loop3A_588 : vector<16xi32>
        %parallel_loop3A_590 = arith.constant 16 : i32
        %parallel_loop3A_591 = vector.broadcast %parallel_loop3A_590 : i32 to vector<16xi32>
        %parallel_loop3A_592 = arith.addi %parallel_loop3A_564, %parallel_loop3A_591 : vector<16xi32>
        %parallel_loop3A_593 = arith.constant 16 : i32
        %parallel_loop3A_594 = vector.broadcast %parallel_loop3A_593 : i32 to vector<16xi32>
        %parallel_loop3A_595 = arith.addi %parallel_loop3A_567, %parallel_loop3A_594 : vector<16xi32>
        %parallel_loop3A_596 = tpu.vector_load_idx %arg8[%parallel_loop3A_589] : memref<89088xf32, #tpu.memory_space<vmem>>[vector<16xi32>], vector<16xf32>,
        %parallel_loop3A_597 = vector.bitcast %parallel_loop3A_596 : vector<16xf32> to vector<32xbf16>
        %parallel_loop3A_598 = tpu.vector_load_idx %arg8[%parallel_loop3A_592] : memref<89088xf32, #tpu.memory_space<vmem>>[vector<16xi32>], vector<16xf32>,
        %parallel_loop3A_599 = vector.bitcast %parallel_loop3A_598 : vector<16xf32> to vector<32xbf16>
        %parallel_loop3A_600 = tpu.vector_load_idx %arg8[%parallel_loop3A_595] : memref<89088xf32, #tpu.memory_space<vmem>>[vector<16xi32>], vector<16xf32>,
        %parallel_loop3A_601 = vector.bitcast %parallel_loop3A_600 : vector<16xf32> to vector<32xbf16>
        %parallel_loop3A_602 = arith.addf %parallel_loop3A_599, %parallel_loop3A_601 : vector<32xbf16>
        %parallel_loop3A_603 = tpu.unpack_subelements %parallel_loop3A_597, 0 {pack_format = #tpu.pack_format<interleaved>} : vector<32xbf16> -> vector<16xf32>
        %parallel_loop3A_604 = tpu.unpack_subelements %parallel_loop3A_597, 1 {pack_format = #tpu.pack_format<interleaved>} : vector<32xbf16> -> vector<16xf32>
        %parallel_loop3A_605 = tpu.unpack_subelements %parallel_loop3A_602, 0 {pack_format = #tpu.pack_format<interleaved>} : vector<32xbf16> -> vector<16xf32>
        %parallel_loop3A_606 = tpu.unpack_subelements %parallel_loop3A_602, 1 {pack_format = #tpu.pack_format<interleaved>} : vector<32xbf16> -> vector<16xf32>
        %parallel_loop3A_607 = arith.addf %parallel_loop3A_603, %parallel_loop3A_605 : vector<16xf32>
        %parallel_loop3A_608 = arith.index_cast %parallel_loop3A_106 : i32 to index
        %parallel_loop3A_609 = arith.constant 544 : index
        %parallel_loop3A_610 = tpu.vector_load %arg13[%parallel_loop3A_608, %parallel_loop3A_609] {strides = array<i32>} : memref<16x768xf32, #tpu.memory_space<vmem>>, vector<16xf32>,
        tpu.vector_store %arg13[%parallel_loop3A_608, %parallel_loop3A_609], %parallel_loop3A_607 {strides = array<i32>} : memref<16x768xf32, #tpu.memory_space<vmem>>, vector<16xf32>,
        %parallel_loop3A_611 = arith.addf %parallel_loop3A_604, %parallel_loop3A_606 : vector<16xf32>
        %parallel_loop3A_612 = arith.index_cast %parallel_loop3A_106 : i32 to index
        %parallel_loop3A_613 = arith.constant 560 : index
        %parallel_loop3A_614 = tpu.vector_load %arg13[%parallel_loop3A_612, %parallel_loop3A_613] {strides = array<i32>} : memref<16x768xf32, #tpu.memory_space<vmem>>, vector<16xf32>,
        tpu.vector_store %arg13[%parallel_loop3A_612, %parallel_loop3A_613], %parallel_loop3A_611 {strides = array<i32>} : memref<16x768xf32, #tpu.memory_space<vmem>>, vector<16xf32>,
        %parallel_loop3A_615 = arith.constant 16 : i32
        %parallel_loop3A_616 = vector.broadcast %parallel_loop3A_615 : i32 to vector<16xi32>
        %parallel_loop3A_617 = arith.addi %parallel_loop3A_589, %parallel_loop3A_616 : vector<16xi32>
        %parallel_loop3A_618 = arith.constant 16 : i32
        %parallel_loop3A_619 = vector.broadcast %parallel_loop3A_618 : i32 to vector<16xi32>
        %parallel_loop3A_620 = arith.addi %parallel_loop3A_592, %parallel_loop3A_619 : vector<16xi32>
        %parallel_loop3A_621 = arith.constant 16 : i32
        %parallel_loop3A_622 = vector.broadcast %parallel_loop3A_621 : i32 to vector<16xi32>
        %parallel_loop3A_623 = arith.addi %parallel_loop3A_595, %parallel_loop3A_622 : vector<16xi32>
        %parallel_loop3A_624 = tpu.vector_load_idx %arg8[%parallel_loop3A_617] : memref<89088xf32, #tpu.memory_space<vmem>>[vector<16xi32>], vector<16xf32>,
        %parallel_loop3A_625 = vector.bitcast %parallel_loop3A_624 : vector<16xf32> to vector<32xbf16>
        %parallel_loop3A_626 = tpu.vector_load_idx %arg8[%parallel_loop3A_620] : memref<89088xf32, #tpu.memory_space<vmem>>[vector<16xi32>], vector<16xf32>,
        %parallel_loop3A_627 = vector.bitcast %parallel_loop3A_626 : vector<16xf32> to vector<32xbf16>
        %parallel_loop3A_628 = tpu.vector_load_idx %arg8[%parallel_loop3A_623] : memref<89088xf32, #tpu.memory_space<vmem>>[vector<16xi32>], vector<16xf32>,
        %parallel_loop3A_629 = vector.bitcast %parallel_loop3A_628 : vector<16xf32> to vector<32xbf16>
        %parallel_loop3A_630 = arith.addf %parallel_loop3A_627, %parallel_loop3A_629 : vector<32xbf16>
        %parallel_loop3A_631 = tpu.unpack_subelements %parallel_loop3A_625, 0 {pack_format = #tpu.pack_format<interleaved>} : vector<32xbf16> -> vector<16xf32>
        %parallel_loop3A_632 = tpu.unpack_subelements %parallel_loop3A_625, 1 {pack_format = #tpu.pack_format<interleaved>} : vector<32xbf16> -> vector<16xf32>
        %parallel_loop3A_633 = tpu.unpack_subelements %parallel_loop3A_630, 0 {pack_format = #tpu.pack_format<interleaved>} : vector<32xbf16> -> vector<16xf32>
        %parallel_loop3A_634 = tpu.unpack_subelements %parallel_loop3A_630, 1 {pack_format = #tpu.pack_format<interleaved>} : vector<32xbf16> -> vector<16xf32>
        %parallel_loop3A_635 = arith.addf %parallel_loop3A_631, %parallel_loop3A_633 : vector<16xf32>
        %parallel_loop3A_636 = arith.index_cast %parallel_loop3A_106 : i32 to index
        %parallel_loop3A_637 = arith.constant 576 : index
        %parallel_loop3A_638 = tpu.vector_load %arg13[%parallel_loop3A_636, %parallel_loop3A_637] {strides = array<i32>} : memref<16x768xf32, #tpu.memory_space<vmem>>, vector<16xf32>,
        tpu.vector_store %arg13[%parallel_loop3A_636, %parallel_loop3A_637], %parallel_loop3A_635 {strides = array<i32>} : memref<16x768xf32, #tpu.memory_space<vmem>>, vector<16xf32>,
        %parallel_loop3A_639 = arith.addf %parallel_loop3A_632, %parallel_loop3A_634 : vector<16xf32>
        %parallel_loop3A_640 = arith.index_cast %parallel_loop3A_106 : i32 to index
        %parallel_loop3A_641 = arith.constant 592 : index
        %parallel_loop3A_642 = tpu.vector_load %arg13[%parallel_loop3A_640, %parallel_loop3A_641] {strides = array<i32>} : memref<16x768xf32, #tpu.memory_space<vmem>>, vector<16xf32>,
        tpu.vector_store %arg13[%parallel_loop3A_640, %parallel_loop3A_641], %parallel_loop3A_639 {strides = array<i32>} : memref<16x768xf32, #tpu.memory_space<vmem>>, vector<16xf32>,
        %parallel_loop3A_643 = arith.constant 16 : i32
        %parallel_loop3A_644 = vector.broadcast %parallel_loop3A_643 : i32 to vector<16xi32>
        %parallel_loop3A_645 = arith.addi %parallel_loop3A_617, %parallel_loop3A_644 : vector<16xi32>
        %parallel_loop3A_646 = arith.constant 16 : i32
        %parallel_loop3A_647 = vector.broadcast %parallel_loop3A_646 : i32 to vector<16xi32>
        %parallel_loop3A_648 = arith.addi %parallel_loop3A_620, %parallel_loop3A_647 : vector<16xi32>
        %parallel_loop3A_649 = arith.constant 16 : i32
        %parallel_loop3A_650 = vector.broadcast %parallel_loop3A_649 : i32 to vector<16xi32>
        %parallel_loop3A_651 = arith.addi %parallel_loop3A_623, %parallel_loop3A_650 : vector<16xi32>
        %parallel_loop3A_652 = tpu.vector_load_idx %arg8[%parallel_loop3A_645] : memref<89088xf32, #tpu.memory_space<vmem>>[vector<16xi32>], vector<16xf32>,
        %parallel_loop3A_653 = vector.bitcast %parallel_loop3A_652 : vector<16xf32> to vector<32xbf16>
        %parallel_loop3A_654 = tpu.vector_load_idx %arg8[%parallel_loop3A_648] : memref<89088xf32, #tpu.memory_space<vmem>>[vector<16xi32>], vector<16xf32>,
        %parallel_loop3A_655 = vector.bitcast %parallel_loop3A_654 : vector<16xf32> to vector<32xbf16>
        %parallel_loop3A_656 = tpu.vector_load_idx %arg8[%parallel_loop3A_651] : memref<89088xf32, #tpu.memory_space<vmem>>[vector<16xi32>], vector<16xf32>,
        %parallel_loop3A_657 = vector.bitcast %parallel_loop3A_656 : vector<16xf32> to vector<32xbf16>
        %parallel_loop3A_658 = arith.addf %parallel_loop3A_655, %parallel_loop3A_657 : vector<32xbf16>
        %parallel_loop3A_659 = tpu.unpack_subelements %parallel_loop3A_653, 0 {pack_format = #tpu.pack_format<interleaved>} : vector<32xbf16> -> vector<16xf32>
        %parallel_loop3A_660 = tpu.unpack_subelements %parallel_loop3A_653, 1 {pack_format = #tpu.pack_format<interleaved>} : vector<32xbf16> -> vector<16xf32>
        %parallel_loop3A_661 = tpu.unpack_subelements %parallel_loop3A_658, 0 {pack_format = #tpu.pack_format<interleaved>} : vector<32xbf16> -> vector<16xf32>
        %parallel_loop3A_662 = tpu.unpack_subelements %parallel_loop3A_658, 1 {pack_format = #tpu.pack_format<interleaved>} : vector<32xbf16> -> vector<16xf32>
        %parallel_loop3A_663 = arith.addf %parallel_loop3A_659, %parallel_loop3A_661 : vector<16xf32>
        %parallel_loop3A_664 = arith.index_cast %parallel_loop3A_106 : i32 to index
        %parallel_loop3A_665 = arith.constant 608 : index
        %parallel_loop3A_666 = tpu.vector_load %arg13[%parallel_loop3A_664, %parallel_loop3A_665] {strides = array<i32>} : memref<16x768xf32, #tpu.memory_space<vmem>>, vector<16xf32>,
        tpu.vector_store %arg13[%parallel_loop3A_664, %parallel_loop3A_665], %parallel_loop3A_663 {strides = array<i32>} : memref<16x768xf32, #tpu.memory_space<vmem>>, vector<16xf32>,
        %parallel_loop3A_667 = arith.addf %parallel_loop3A_660, %parallel_loop3A_662 : vector<16xf32>
        %parallel_loop3A_668 = arith.index_cast %parallel_loop3A_106 : i32 to index
        %parallel_loop3A_669 = arith.constant 624 : index
        %parallel_loop3A_670 = tpu.vector_load %arg13[%parallel_loop3A_668, %parallel_loop3A_669] {strides = array<i32>} : memref<16x768xf32, #tpu.memory_space<vmem>>, vector<16xf32>,
        tpu.vector_store %arg13[%parallel_loop3A_668, %parallel_loop3A_669], %parallel_loop3A_667 {strides = array<i32>} : memref<16x768xf32, #tpu.memory_space<vmem>>, vector<16xf32>,
        %parallel_loop3A_671 = arith.constant 16 : i32
        %parallel_loop3A_672 = vector.broadcast %parallel_loop3A_671 : i32 to vector<16xi32>
        %parallel_loop3A_673 = arith.addi %parallel_loop3A_645, %parallel_loop3A_672 : vector<16xi32>
        %parallel_loop3A_674 = arith.constant 16 : i32
        %parallel_loop3A_675 = vector.broadcast %parallel_loop3A_674 : i32 to vector<16xi32>
        %parallel_loop3A_676 = arith.addi %parallel_loop3A_648, %parallel_loop3A_675 : vector<16xi32>
        %parallel_loop3A_677 = arith.constant 16 : i32
        %parallel_loop3A_678 = vector.broadcast %parallel_loop3A_677 : i32 to vector<16xi32>
        %parallel_loop3A_679 = arith.addi %parallel_loop3A_651, %parallel_loop3A_678 : vector<16xi32>
        %parallel_loop3A_680 = tpu.vector_load_idx %arg8[%parallel_loop3A_673] : memref<89088xf32, #tpu.memory_space<vmem>>[vector<16xi32>], vector<16xf32>,
        %parallel_loop3A_681 = vector.bitcast %parallel_loop3A_680 : vector<16xf32> to vector<32xbf16>
        %parallel_loop3A_682 = tpu.vector_load_idx %arg8[%parallel_loop3A_676] : memref<89088xf32, #tpu.memory_space<vmem>>[vector<16xi32>], vector<16xf32>,
        %parallel_loop3A_683 = vector.bitcast %parallel_loop3A_682 : vector<16xf32> to vector<32xbf16>
        %parallel_loop3A_684 = tpu.vector_load_idx %arg8[%parallel_loop3A_679] : memref<89088xf32, #tpu.memory_space<vmem>>[vector<16xi32>], vector<16xf32>,
        %parallel_loop3A_685 = vector.bitcast %parallel_loop3A_684 : vector<16xf32> to vector<32xbf16>
        %parallel_loop3A_686 = arith.addf %parallel_loop3A_683, %parallel_loop3A_685 : vector<32xbf16>
        %parallel_loop3A_687 = tpu.unpack_subelements %parallel_loop3A_681, 0 {pack_format = #tpu.pack_format<interleaved>} : vector<32xbf16> -> vector<16xf32>
        %parallel_loop3A_688 = tpu.unpack_subelements %parallel_loop3A_681, 1 {pack_format = #tpu.pack_format<interleaved>} : vector<32xbf16> -> vector<16xf32>
        %parallel_loop3A_689 = tpu.unpack_subelements %parallel_loop3A_686, 0 {pack_format = #tpu.pack_format<interleaved>} : vector<32xbf16> -> vector<16xf32>
        %parallel_loop3A_690 = tpu.unpack_subelements %parallel_loop3A_686, 1 {pack_format = #tpu.pack_format<interleaved>} : vector<32xbf16> -> vector<16xf32>
        %parallel_loop3A_691 = arith.addf %parallel_loop3A_687, %parallel_loop3A_689 : vector<16xf32>
        %parallel_loop3A_692 = arith.index_cast %parallel_loop3A_106 : i32 to index
        %parallel_loop3A_693 = arith.constant 640 : index
        %parallel_loop3A_694 = tpu.vector_load %arg13[%parallel_loop3A_692, %parallel_loop3A_693] {strides = array<i32>} : memref<16x768xf32, #tpu.memory_space<vmem>>, vector<16xf32>,
        tpu.vector_store %arg13[%parallel_loop3A_692, %parallel_loop3A_693], %parallel_loop3A_691 {strides = array<i32>} : memref<16x768xf32, #tpu.memory_space<vmem>>, vector<16xf32>,
        %parallel_loop3A_695 = arith.addf %parallel_loop3A_688, %parallel_loop3A_690 : vector<16xf32>
        %parallel_loop3A_696 = arith.index_cast %parallel_loop3A_106 : i32 to index
        %parallel_loop3A_697 = arith.constant 656 : index
        %parallel_loop3A_698 = tpu.vector_load %arg13[%parallel_loop3A_696, %parallel_loop3A_697] {strides = array<i32>} : memref<16x768xf32, #tpu.memory_space<vmem>>, vector<16xf32>,
        tpu.vector_store %arg13[%parallel_loop3A_696, %parallel_loop3A_697], %parallel_loop3A_695 {strides = array<i32>} : memref<16x768xf32, #tpu.memory_space<vmem>>, vector<16xf32>,
        %parallel_loop3A_699 = arith.constant 16 : i32
        %parallel_loop3A_700 = vector.broadcast %parallel_loop3A_699 : i32 to vector<16xi32>
        %parallel_loop3A_701 = arith.addi %parallel_loop3A_673, %parallel_loop3A_700 : vector<16xi32>
        %parallel_loop3A_702 = arith.constant 16 : i32
        %parallel_loop3A_703 = vector.broadcast %parallel_loop3A_702 : i32 to vector<16xi32>
        %parallel_loop3A_704 = arith.addi %parallel_loop3A_676, %parallel_loop3A_703 : vector<16xi32>
        %parallel_loop3A_705 = arith.constant 16 : i32
        %parallel_loop3A_706 = vector.broadcast %parallel_loop3A_705 : i32 to vector<16xi32>
        %parallel_loop3A_707 = arith.addi %parallel_loop3A_679, %parallel_loop3A_706 : vector<16xi32>
        %parallel_loop3A_708 = tpu.vector_load_idx %arg8[%parallel_loop3A_701] : memref<89088xf32, #tpu.memory_space<vmem>>[vector<16xi32>], vector<16xf32>,
        %parallel_loop3A_709 = vector.bitcast %parallel_loop3A_708 : vector<16xf32> to vector<32xbf16>
        %parallel_loop3A_710 = tpu.vector_load_idx %arg8[%parallel_loop3A_704] : memref<89088xf32, #tpu.memory_space<vmem>>[vector<16xi32>], vector<16xf32>,
        %parallel_loop3A_711 = vector.bitcast %parallel_loop3A_710 : vector<16xf32> to vector<32xbf16>
        %parallel_loop3A_712 = tpu.vector_load_idx %arg8[%parallel_loop3A_707] : memref<89088xf32, #tpu.memory_space<vmem>>[vector<16xi32>], vector<16xf32>,
        %parallel_loop3A_713 = vector.bitcast %parallel_loop3A_712 : vector<16xf32> to vector<32xbf16>
        %parallel_loop3A_714 = arith.addf %parallel_loop3A_711, %parallel_loop3A_713 : vector<32xbf16>
        %parallel_loop3A_715 = tpu.unpack_subelements %parallel_loop3A_709, 0 {pack_format = #tpu.pack_format<interleaved>} : vector<32xbf16> -> vector<16xf32>
        %parallel_loop3A_716 = tpu.unpack_subelements %parallel_loop3A_709, 1 {pack_format = #tpu.pack_format<interleaved>} : vector<32xbf16> -> vector<16xf32>
        %parallel_loop3A_717 = tpu.unpack_subelements %parallel_loop3A_714, 0 {pack_format = #tpu.pack_format<interleaved>} : vector<32xbf16> -> vector<16xf32>
        %parallel_loop3A_718 = tpu.unpack_subelements %parallel_loop3A_714, 1 {pack_format = #tpu.pack_format<interleaved>} : vector<32xbf16> -> vector<16xf32>
        %parallel_loop3A_719 = arith.addf %parallel_loop3A_715, %parallel_loop3A_717 : vector<16xf32>
        %parallel_loop3A_720 = arith.index_cast %parallel_loop3A_106 : i32 to index
        %parallel_loop3A_721 = arith.constant 672 : index
        %parallel_loop3A_722 = tpu.vector_load %arg13[%parallel_loop3A_720, %parallel_loop3A_721] {strides = array<i32>} : memref<16x768xf32, #tpu.memory_space<vmem>>, vector<16xf32>,
        tpu.vector_store %arg13[%parallel_loop3A_720, %parallel_loop3A_721], %parallel_loop3A_719 {strides = array<i32>} : memref<16x768xf32, #tpu.memory_space<vmem>>, vector<16xf32>,
        %parallel_loop3A_723 = arith.addf %parallel_loop3A_716, %parallel_loop3A_718 : vector<16xf32>
        %parallel_loop3A_724 = arith.index_cast %parallel_loop3A_106 : i32 to index
        %parallel_loop3A_725 = arith.constant 688 : index
        %parallel_loop3A_726 = tpu.vector_load %arg13[%parallel_loop3A_724, %parallel_loop3A_725] {strides = array<i32>} : memref<16x768xf32, #tpu.memory_space<vmem>>, vector<16xf32>,
        tpu.vector_store %arg13[%parallel_loop3A_724, %parallel_loop3A_725], %parallel_loop3A_723 {strides = array<i32>} : memref<16x768xf32, #tpu.memory_space<vmem>>, vector<16xf32>,
        %parallel_loop3A_727 = arith.constant 16 : i32
        %parallel_loop3A_728 = vector.broadcast %parallel_loop3A_727 : i32 to vector<16xi32>
        %parallel_loop3A_729 = arith.addi %parallel_loop3A_701, %parallel_loop3A_728 : vector<16xi32>
        %parallel_loop3A_730 = arith.constant 16 : i32
        %parallel_loop3A_731 = vector.broadcast %parallel_loop3A_730 : i32 to vector<16xi32>
        %parallel_loop3A_732 = arith.addi %parallel_loop3A_704, %parallel_loop3A_731 : vector<16xi32>
        %parallel_loop3A_733 = arith.constant 16 : i32
        %parallel_loop3A_734 = vector.broadcast %parallel_loop3A_733 : i32 to vector<16xi32>
        %parallel_loop3A_735 = arith.addi %parallel_loop3A_707, %parallel_loop3A_734 : vector<16xi32>
        %parallel_loop3A_736 = tpu.vector_load_idx %arg8[%parallel_loop3A_729] : memref<89088xf32, #tpu.memory_space<vmem>>[vector<16xi32>], vector<16xf32>,
        %parallel_loop3A_737 = vector.bitcast %parallel_loop3A_736 : vector<16xf32> to vector<32xbf16>
        %parallel_loop3A_738 = tpu.vector_load_idx %arg8[%parallel_loop3A_732] : memref<89088xf32, #tpu.memory_space<vmem>>[vector<16xi32>], vector<16xf32>,
        %parallel_loop3A_739 = vector.bitcast %parallel_loop3A_738 : vector<16xf32> to vector<32xbf16>
        %parallel_loop3A_740 = tpu.vector_load_idx %arg8[%parallel_loop3A_735] : memref<89088xf32, #tpu.memory_space<vmem>>[vector<16xi32>], vector<16xf32>,
        %parallel_loop3A_741 = vector.bitcast %parallel_loop3A_740 : vector<16xf32> to vector<32xbf16>
        %parallel_loop3A_742 = arith.addf %parallel_loop3A_739, %parallel_loop3A_741 : vector<32xbf16>
        %parallel_loop3A_743 = tpu.unpack_subelements %parallel_loop3A_737, 0 {pack_format = #tpu.pack_format<interleaved>} : vector<32xbf16> -> vector<16xf32>
        %parallel_loop3A_744 = tpu.unpack_subelements %parallel_loop3A_737, 1 {pack_format = #tpu.pack_format<interleaved>} : vector<32xbf16> -> vector<16xf32>
        %parallel_loop3A_745 = tpu.unpack_subelements %parallel_loop3A_742, 0 {pack_format = #tpu.pack_format<interleaved>} : vector<32xbf16> -> vector<16xf32>
        %parallel_loop3A_746 = tpu.unpack_subelements %parallel_loop3A_742, 1 {pack_format = #tpu.pack_format<interleaved>} : vector<32xbf16> -> vector<16xf32>
        %parallel_loop3A_747 = arith.addf %parallel_loop3A_743, %parallel_loop3A_745 : vector<16xf32>
        %parallel_loop3A_748 = arith.index_cast %parallel_loop3A_106 : i32 to index
        %parallel_loop3A_749 = arith.constant 704 : index
        %parallel_loop3A_750 = tpu.vector_load %arg13[%parallel_loop3A_748, %parallel_loop3A_749] {strides = array<i32>} : memref<16x768xf32, #tpu.memory_space<vmem>>, vector<16xf32>,
        tpu.vector_store %arg13[%parallel_loop3A_748, %parallel_loop3A_749], %parallel_loop3A_747 {strides = array<i32>} : memref<16x768xf32, #tpu.memory_space<vmem>>, vector<16xf32>,
        %parallel_loop3A_751 = arith.addf %parallel_loop3A_744, %parallel_loop3A_746 : vector<16xf32>
        %parallel_loop3A_752 = arith.index_cast %parallel_loop3A_106 : i32 to index
        %parallel_loop3A_753 = arith.constant 720 : index
        %parallel_loop3A_754 = tpu.vector_load %arg13[%parallel_loop3A_752, %parallel_loop3A_753] {strides = array<i32>} : memref<16x768xf32, #tpu.memory_space<vmem>>, vector<16xf32>,
        tpu.vector_store %arg13[%parallel_loop3A_752, %parallel_loop3A_753], %parallel_loop3A_751 {strides = array<i32>} : memref<16x768xf32, #tpu.memory_space<vmem>>, vector<16xf32>,
        %parallel_loop3A_755 = arith.constant 16 : i32
        %parallel_loop3A_756 = vector.broadcast %parallel_loop3A_755 : i32 to vector<16xi32>
        %parallel_loop3A_757 = arith.addi %parallel_loop3A_729, %parallel_loop3A_756 : vector<16xi32>
        %parallel_loop3A_758 = arith.constant 16 : i32
        %parallel_loop3A_759 = vector.broadcast %parallel_loop3A_758 : i32 to vector<16xi32>
        %parallel_loop3A_760 = arith.addi %parallel_loop3A_732, %parallel_loop3A_759 : vector<16xi32>
        %parallel_loop3A_761 = arith.constant 16 : i32
        %parallel_loop3A_762 = vector.broadcast %parallel_loop3A_761 : i32 to vector<16xi32>
        %parallel_loop3A_763 = arith.addi %parallel_loop3A_735, %parallel_loop3A_762 : vector<16xi32>
        %parallel_loop3A_764 = tpu.vector_load_idx %arg8[%parallel_loop3A_757] : memref<89088xf32, #tpu.memory_space<vmem>>[vector<16xi32>], vector<16xf32>,
        %parallel_loop3A_765 = vector.bitcast %parallel_loop3A_764 : vector<16xf32> to vector<32xbf16>
        %parallel_loop3A_766 = tpu.vector_load_idx %arg8[%parallel_loop3A_760] : memref<89088xf32, #tpu.memory_space<vmem>>[vector<16xi32>], vector<16xf32>,
        %parallel_loop3A_767 = vector.bitcast %parallel_loop3A_766 : vector<16xf32> to vector<32xbf16>
        %parallel_loop3A_768 = tpu.vector_load_idx %arg8[%parallel_loop3A_763] : memref<89088xf32, #tpu.memory_space<vmem>>[vector<16xi32>], vector<16xf32>,
        %parallel_loop3A_769 = vector.bitcast %parallel_loop3A_768 : vector<16xf32> to vector<32xbf16>
        %parallel_loop3A_770 = arith.addf %parallel_loop3A_767, %parallel_loop3A_769 : vector<32xbf16>
        %parallel_loop3A_771 = tpu.unpack_subelements %parallel_loop3A_765, 0 {pack_format = #tpu.pack_format<interleaved>} : vector<32xbf16> -> vector<16xf32>
        %parallel_loop3A_772 = tpu.unpack_subelements %parallel_loop3A_765, 1 {pack_format = #tpu.pack_format<interleaved>} : vector<32xbf16> -> vector<16xf32>
        %parallel_loop3A_773 = tpu.unpack_subelements %parallel_loop3A_770, 0 {pack_format = #tpu.pack_format<interleaved>} : vector<32xbf16> -> vector<16xf32>
        %parallel_loop3A_774 = tpu.unpack_subelements %parallel_loop3A_770, 1 {pack_format = #tpu.pack_format<interleaved>} : vector<32xbf16> -> vector<16xf32>
        %parallel_loop3A_775 = arith.addf %parallel_loop3A_771, %parallel_loop3A_773 : vector<16xf32>
        %parallel_loop3A_776 = arith.index_cast %parallel_loop3A_106 : i32 to index
        %parallel_loop3A_777 = arith.constant 736 : index
        %parallel_loop3A_778 = tpu.vector_load %arg13[%parallel_loop3A_776, %parallel_loop3A_777] {strides = array<i32>} : memref<16x768xf32, #tpu.memory_space<vmem>>, vector<16xf32>,
        tpu.vector_store %arg13[%parallel_loop3A_776, %parallel_loop3A_777], %parallel_loop3A_775 {strides = array<i32>} : memref<16x768xf32, #tpu.memory_space<vmem>>, vector<16xf32>,
        %parallel_loop3A_779 = arith.addf %parallel_loop3A_772, %parallel_loop3A_774 : vector<16xf32>
        %parallel_loop3A_780 = arith.index_cast %parallel_loop3A_106 : i32 to index
        %parallel_loop3A_781 = arith.constant 752 : index
        %parallel_loop3A_782 = tpu.vector_load %arg13[%parallel_loop3A_780, %parallel_loop3A_781] {strides = array<i32>} : memref<16x768xf32, #tpu.memory_space<vmem>>, vector<16xf32>,
        tpu.vector_store %arg13[%parallel_loop3A_780, %parallel_loop3A_781], %parallel_loop3A_779 {strides = array<i32>} : memref<16x768xf32, #tpu.memory_space<vmem>>, vector<16xf32>,
      } {sc.loop_unroll_factor = 1 : i64, sc.parallel_access}
      %mul3A_67 = arith.constant 16 : i32
      %mul3A_68 = arith.muli %add3A_50, %mul3A_67 : i32
      %add3A_69 = arith.addi %mul3A_2, %mul3A_68 : i32
      %dma_start3A_70 = arith.constant 0 : i32
      %dma_start3A_71 = tpu.memref_slice %arg7[%add3A_69, %dma_start3A_70] : memref<16384x768xf32, #tpu.memory_space<hbm>> -> memref<16x768xf32, #tpu.memory_space<hbm>>
      %dma_start3A_72 = arith.constant 0 : i32
      %dma_start3A_73 = tpu.memref_slice %arg7[%add3A_69, %dma_start3A_72] : memref<16384x768xf32, #tpu.memory_space<hbm>> -> memref<16x768xf32, #tpu.memory_space<hbm>>
      tpu.enqueue_dma source(%arg13 : memref<16x768xf32, #tpu.memory_space<vmem>>) target(%dma_start3A_73 : memref<16x768xf32, #tpu.memory_space<hbm>>) target_semaphore(%arg15 : memref<!tpu.dma_semaphore, #tpu.memory_space<semaphore_mem>>)
      %mul3A_74 = arith.constant 2 : i32
      %mul3A_75 = arith.muli %mul3A_74, %scan3A_45 : i32
      %add3A_76 = arith.constant 1 : i32
      %add3A_77 = arith.addi %mul3A_75, %add3A_76 : i32
      %mul3A_78 = arith.constant 16 : i32
      %mul3A_79 = arith.muli %add3A_77, %mul3A_78 : i32
      %get3A_80 = arith.index_cast %mul3A_79 : i32 to index
      %get3A_81 = tpu.vector_load %arg9[%get3A_80] {strides = array<i32>} : memref<512xi32, #tpu.memory_space<vmem>>, vector<16xi32>,
      %mul3A_82 = arith.constant 16 : i32
      %mul3A_83 = arith.muli %add3A_77, %mul3A_82 : i32
      %get3A_84 = arith.index_cast %mul3A_83 : i32 to index
      %get3A_85 = tpu.vector_load %arg11[%get3A_84] {strides = array<i32>} : memref<512xi32, #tpu.memory_space<vmem>>, vector<16xi32>,
      %mul3A_86 = arith.constant 16 : i32
      %mul3A_87 = arith.muli %add3A_77, %mul3A_86 : i32
      %get3A_88 = arith.index_cast %mul3A_87 : i32 to index
      %get3A_89 = tpu.vector_load %arg12[%get3A_88] {strides = array<i32>} : memref<512xi32, #tpu.memory_space<vmem>>, vector<16xi32>,
      %ge3A_90 = arith.constant 2 : i32
      %ge3A_91 = arith.cmpi sge, %add3A_77, %ge3A_90 : i32
      %convert_element_type3A_92 = arith.extui %ge3A_91 : i1 to i32
      %cond3A_93 = arith.constant 0 : i32
      %cond3A_94 = arith.cmpi ne, %convert_element_type3A_92, %cond3A_93 : i32
      scf.if %cond3A_94 {
        %dma_wait3A_106 = arith.constant 0 : i32
        %dma_wait3A_107 = arith.constant 0 : i32
        %dma_wait3A_108 = tpu.memref_slice %arg7[%dma_wait3A_106, %dma_wait3A_107] : memref<16384x768xf32, #tpu.memory_space<hbm>> -> memref<16x768xf32, #tpu.memory_space<hbm>>
        %dma_wait3A_109 = arith.constant 0 : i32
        %dma_wait3A_110 = arith.constant 0 : i32
        %dma_wait3A_111 = tpu.memref_slice %arg7[%dma_wait3A_109, %dma_wait3A_110] : memref<16384x768xf32, #tpu.memory_space<hbm>> -> memref<16x768xf32, #tpu.memory_space<hbm>>
        tpu.wait_dma2 semaphore(%arg15 : memref<!tpu.dma_semaphore, #tpu.memory_space<semaphore_mem>>) src(%arg14 : memref<16x768xf32, #tpu.memory_space<vmem>>) dst(%dma_wait3A_111 : memref<16x768xf32, #tpu.memory_space<hbm>>)
      } else {
      }
      %parallel_loop3A_95 = arith.constant 0 : i32
      %parallel_loop3A_96 = arith.constant 16 : i32
      %parallel_loop3A_97 = arith.constant 1 : i32
      scf.for %parallel_loop3A_106 = %parallel_loop3A_95 to %parallel_loop3A_96 step %parallel_loop3A_97  : i32 {
        %parallel_loop3A_107 = vector.broadcast %parallel_loop3A_106 : i32 to vector<16xi32>
        %parallel_loop3A_108 = vector.shape_cast %parallel_loop3A_107 : vector<16xi32> to vector<16x1xi32>
        %parallel_loop3A_109 = vector.shape_cast %parallel_loop3A_108 : vector<16x1xi32> to vector<16xi32>
        %parallel_loop3A_110 = tpu.dynamic_gather %get3A_81[%parallel_loop3A_109] in [0] : vector<16xi32>, vector<16xi32> -> vector<16xi32>
        %parallel_loop3A_111 = arith.addi %parallel_loop3A_110, %iota3A : vector<16xi32>
        %parallel_loop3A_112 = vector.shape_cast %parallel_loop3A_107 : vector<16xi32> to vector<16x1xi32>
        %parallel_loop3A_113 = vector.shape_cast %parallel_loop3A_112 : vector<16x1xi32> to vector<16xi32>
        %parallel_loop3A_114 = tpu.dynamic_gather %get3A_85[%parallel_loop3A_113] in [0] : vector<16xi32>, vector<16xi32> -> vector<16xi32>
        %parallel_loop3A_115 = arith.addi %parallel_loop3A_114, %iota3A : vector<16xi32>
        %parallel_loop3A_116 = vector.shape_cast %parallel_loop3A_107 : vector<16xi32> to vector<16x1xi32>
        %parallel_loop3A_117 = vector.shape_cast %parallel_loop3A_116 : vector<16x1xi32> to vector<16xi32>
        %parallel_loop3A_118 = tpu.dynamic_gather %get3A_89[%parallel_loop3A_117] in [0] : vector<16xi32>, vector<16xi32> -> vector<16xi32>
        %parallel_loop3A_119 = arith.addi %parallel_loop3A_118, %iota3A : vector<16xi32>
        %parallel_loop3A_120 = tpu.vector_load_idx %arg8[%parallel_loop3A_111] : memref<89088xf32, #tpu.memory_space<vmem>>[vector<16xi32>], vector<16xf32>,
        %parallel_loop3A_121 = vector.bitcast %parallel_loop3A_120 : vector<16xf32> to vector<32xbf16>
        %parallel_loop3A_122 = tpu.vector_load_idx %arg8[%parallel_loop3A_115] : memref<89088xf32, #tpu.memory_space<vmem>>[vector<16xi32>], vector<16xf32>,
        %parallel_loop3A_123 = vector.bitcast %parallel_loop3A_122 : vector<16xf32> to vector<32xbf16>
        %parallel_loop3A_124 = tpu.vector_load_idx %arg8[%parallel_loop3A_119] : memref<89088xf32, #tpu.memory_space<vmem>>[vector<16xi32>], vector<16xf32>,
        %parallel_loop3A_125 = vector.bitcast %parallel_loop3A_124 : vector<16xf32> to vector<32xbf16>
        %parallel_loop3A_126 = arith.addf %parallel_loop3A_123, %parallel_loop3A_125 : vector<32xbf16>
        %parallel_loop3A_127 = tpu.unpack_subelements %parallel_loop3A_121, 0 {pack_format = #tpu.pack_format<interleaved>} : vector<32xbf16> -> vector<16xf32>
        %parallel_loop3A_128 = tpu.unpack_subelements %parallel_loop3A_121, 1 {pack_format = #tpu.pack_format<interleaved>} : vector<32xbf16> -> vector<16xf32>
        %parallel_loop3A_129 = tpu.unpack_subelements %parallel_loop3A_126, 0 {pack_format = #tpu.pack_format<interleaved>} : vector<32xbf16> -> vector<16xf32>
        %parallel_loop3A_130 = tpu.unpack_subelements %parallel_loop3A_126, 1 {pack_format = #tpu.pack_format<interleaved>} : vector<32xbf16> -> vector<16xf32>
        %parallel_loop3A_131 = arith.addf %parallel_loop3A_127, %parallel_loop3A_129 : vector<16xf32>
        %parallel_loop3A_132 = arith.index_cast %parallel_loop3A_106 : i32 to index
        %parallel_loop3A_133 = arith.constant 0 : index
        %parallel_loop3A_134 = tpu.vector_load %arg14[%parallel_loop3A_132, %parallel_loop3A_133] {strides = array<i32>} : memref<16x768xf32, #tpu.memory_space<vmem>>, vector<16xf32>,
        tpu.vector_store %arg14[%parallel_loop3A_132, %parallel_loop3A_133], %parallel_loop3A_131 {strides = array<i32>} : memref<16x768xf32, #tpu.memory_space<vmem>>, vector<16xf32>,
        %parallel_loop3A_135 = arith.addf %parallel_loop3A_128, %parallel_loop3A_130 : vector<16xf32>
        %parallel_loop3A_136 = arith.index_cast %parallel_loop3A_106 : i32 to index
        %parallel_loop3A_137 = arith.constant 16 : index
        %parallel_loop3A_138 = tpu.vector_load %arg14[%parallel_loop3A_136, %parallel_loop3A_137] {strides = array<i32>} : memref<16x768xf32, #tpu.memory_space<vmem>>, vector<16xf32>,
        tpu.vector_store %arg14[%parallel_loop3A_136, %parallel_loop3A_137], %parallel_loop3A_135 {strides = array<i32>} : memref<16x768xf32, #tpu.memory_space<vmem>>, vector<16xf32>,
        %parallel_loop3A_139 = arith.constant 16 : i32
        %parallel_loop3A_140 = vector.broadcast %parallel_loop3A_139 : i32 to vector<16xi32>
        %parallel_loop3A_141 = arith.addi %parallel_loop3A_111, %parallel_loop3A_140 : vector<16xi32>
        %parallel_loop3A_142 = arith.constant 16 : i32
        %parallel_loop3A_143 = vector.broadcast %parallel_loop3A_142 : i32 to vector<16xi32>
        %parallel_loop3A_144 = arith.addi %parallel_loop3A_115, %parallel_loop3A_143 : vector<16xi32>
        %parallel_loop3A_145 = arith.constant 16 : i32
        %parallel_loop3A_146 = vector.broadcast %parallel_loop3A_145 : i32 to vector<16xi32>
        %parallel_loop3A_147 = arith.addi %parallel_loop3A_119, %parallel_loop3A_146 : vector<16xi32>
        %parallel_loop3A_148 = tpu.vector_load_idx %arg8[%parallel_loop3A_141] : memref<89088xf32, #tpu.memory_space<vmem>>[vector<16xi32>], vector<16xf32>,
        %parallel_loop3A_149 = vector.bitcast %parallel_loop3A_148 : vector<16xf32> to vector<32xbf16>
        %parallel_loop3A_150 = tpu.vector_load_idx %arg8[%parallel_loop3A_144] : memref<89088xf32, #tpu.memory_space<vmem>>[vector<16xi32>], vector<16xf32>,
        %parallel_loop3A_151 = vector.bitcast %parallel_loop3A_150 : vector<16xf32> to vector<32xbf16>
        %parallel_loop3A_152 = tpu.vector_load_idx %arg8[%parallel_loop3A_147] : memref<89088xf32, #tpu.memory_space<vmem>>[vector<16xi32>], vector<16xf32>,
        %parallel_loop3A_153 = vector.bitcast %parallel_loop3A_152 : vector<16xf32> to vector<32xbf16>
        %parallel_loop3A_154 = arith.addf %parallel_loop3A_151, %parallel_loop3A_153 : vector<32xbf16>
        %parallel_loop3A_155 = tpu.unpack_subelements %parallel_loop3A_149, 0 {pack_format = #tpu.pack_format<interleaved>} : vector<32xbf16> -> vector<16xf32>
        %parallel_loop3A_156 = tpu.unpack_subelements %parallel_loop3A_149, 1 {pack_format = #tpu.pack_format<interleaved>} : vector<32xbf16> -> vector<16xf32>
        %parallel_loop3A_157 = tpu.unpack_subelements %parallel_loop3A_154, 0 {pack_format = #tpu.pack_format<interleaved>} : vector<32xbf16> -> vector<16xf32>
        %parallel_loop3A_158 = tpu.unpack_subelements %parallel_loop3A_154, 1 {pack_format = #tpu.pack_format<interleaved>} : vector<32xbf16> -> vector<16xf32>
        %parallel_loop3A_159 = arith.addf %parallel_loop3A_155, %parallel_loop3A_157 : vector<16xf32>
        %parallel_loop3A_160 = arith.index_cast %parallel_loop3A_106 : i32 to index
        %parallel_loop3A_161 = arith.constant 32 : index
        %parallel_loop3A_162 = tpu.vector_load %arg14[%parallel_loop3A_160, %parallel_loop3A_161] {strides = array<i32>} : memref<16x768xf32, #tpu.memory_space<vmem>>, vector<16xf32>,
        tpu.vector_store %arg14[%parallel_loop3A_160, %parallel_loop3A_161], %parallel_loop3A_159 {strides = array<i32>} : memref<16x768xf32, #tpu.memory_space<vmem>>, vector<16xf32>,
        %parallel_loop3A_163 = arith.addf %parallel_loop3A_156, %parallel_loop3A_158 : vector<16xf32>
        %parallel_loop3A_164 = arith.index_cast %parallel_loop3A_106 : i32 to index
        %parallel_loop3A_165 = arith.constant 48 : index
        %parallel_loop3A_166 = tpu.vector_load %arg14[%parallel_loop3A_164, %parallel_loop3A_165] {strides = array<i32>} : memref<16x768xf32, #tpu.memory_space<vmem>>, vector<16xf32>,
        tpu.vector_store %arg14[%parallel_loop3A_164, %parallel_loop3A_165], %parallel_loop3A_163 {strides = array<i32>} : memref<16x768xf32, #tpu.memory_space<vmem>>, vector<16xf32>,
        %parallel_loop3A_167 = arith.constant 16 : i32
        %parallel_loop3A_168 = vector.broadcast %parallel_loop3A_167 : i32 to vector<16xi32>
        %parallel_loop3A_169 = arith.addi %parallel_loop3A_141, %parallel_loop3A_168 : vector<16xi32>
        %parallel_loop3A_170 = arith.constant 16 : i32
        %parallel_loop3A_171 = vector.broadcast %parallel_loop3A_170 : i32 to vector<16xi32>
        %parallel_loop3A_172 = arith.addi %parallel_loop3A_144, %parallel_loop3A_171 : vector<16xi32>
        %parallel_loop3A_173 = arith.constant 16 : i32
        %parallel_loop3A_174 = vector.broadcast %parallel_loop3A_173 : i32 to vector<16xi32>
        %parallel_loop3A_175 = arith.addi %parallel_loop3A_147, %parallel_loop3A_174 : vector<16xi32>
        %parallel_loop3A_176 = tpu.vector_load_idx %arg8[%parallel_loop3A_169] : memref<89088xf32, #tpu.memory_space<vmem>>[vector<16xi32>], vector<16xf32>,
        %parallel_loop3A_177 = vector.bitcast %parallel_loop3A_176 : vector<16xf32> to vector<32xbf16>
        %parallel_loop3A_178 = tpu.vector_load_idx %arg8[%parallel_loop3A_172] : memref<89088xf32, #tpu.memory_space<vmem>>[vector<16xi32>], vector<16xf32>,
        %parallel_loop3A_179 = vector.bitcast %parallel_loop3A_178 : vector<16xf32> to vector<32xbf16>
        %parallel_loop3A_180 = tpu.vector_load_idx %arg8[%parallel_loop3A_175] : memref<89088xf32, #tpu.memory_space<vmem>>[vector<16xi32>], vector<16xf32>,
        %parallel_loop3A_181 = vector.bitcast %parallel_loop3A_180 : vector<16xf32> to vector<32xbf16>
        %parallel_loop3A_182 = arith.addf %parallel_loop3A_179, %parallel_loop3A_181 : vector<32xbf16>
        %parallel_loop3A_183 = tpu.unpack_subelements %parallel_loop3A_177, 0 {pack_format = #tpu.pack_format<interleaved>} : vector<32xbf16> -> vector<16xf32>
        %parallel_loop3A_184 = tpu.unpack_subelements %parallel_loop3A_177, 1 {pack_format = #tpu.pack_format<interleaved>} : vector<32xbf16> -> vector<16xf32>
        %parallel_loop3A_185 = tpu.unpack_subelements %parallel_loop3A_182, 0 {pack_format = #tpu.pack_format<interleaved>} : vector<32xbf16> -> vector<16xf32>
        %parallel_loop3A_186 = tpu.unpack_subelements %parallel_loop3A_182, 1 {pack_format = #tpu.pack_format<interleaved>} : vector<32xbf16> -> vector<16xf32>
        %parallel_loop3A_187 = arith.addf %parallel_loop3A_183, %parallel_loop3A_185 : vector<16xf32>
        %parallel_loop3A_188 = arith.index_cast %parallel_loop3A_106 : i32 to index
        %parallel_loop3A_189 = arith.constant 64 : index
        %parallel_loop3A_190 = tpu.vector_load %arg14[%parallel_loop3A_188, %parallel_loop3A_189] {strides = array<i32>} : memref<16x768xf32, #tpu.memory_space<vmem>>, vector<16xf32>,
        tpu.vector_store %arg14[%parallel_loop3A_188, %parallel_loop3A_189], %parallel_loop3A_187 {strides = array<i32>} : memref<16x768xf32, #tpu.memory_space<vmem>>, vector<16xf32>,
        %parallel_loop3A_191 = arith.addf %parallel_loop3A_184, %parallel_loop3A_186 : vector<16xf32>
        %parallel_loop3A_192 = arith.index_cast %parallel_loop3A_106 : i32 to index
        %parallel_loop3A_193 = arith.constant 80 : index
        %parallel_loop3A_194 = tpu.vector_load %arg14[%parallel_loop3A_192, %parallel_loop3A_193] {strides = array<i32>} : memref<16x768xf32, #tpu.memory_space<vmem>>, vector<16xf32>,
        tpu.vector_store %arg14[%parallel_loop3A_192, %parallel_loop3A_193], %parallel_loop3A_191 {strides = array<i32>} : memref<16x768xf32, #tpu.memory_space<vmem>>, vector<16xf32>,
        %parallel_loop3A_195 = arith.constant 16 : i32
        %parallel_loop3A_196 = vector.broadcast %parallel_loop3A_195 : i32 to vector<16xi32>
        %parallel_loop3A_197 = arith.addi %parallel_loop3A_169, %parallel_loop3A_196 : vector<16xi32>
        %parallel_loop3A_198 = arith.constant 16 : i32
        %parallel_loop3A_199 = vector.broadcast %parallel_loop3A_198 : i32 to vector<16xi32>
        %parallel_loop3A_200 = arith.addi %parallel_loop3A_172, %parallel_loop3A_199 : vector<16xi32>
        %parallel_loop3A_201 = arith.constant 16 : i32
        %parallel_loop3A_202 = vector.broadcast %parallel_loop3A_201 : i32 to vector<16xi32>
        %parallel_loop3A_203 = arith.addi %parallel_loop3A_175, %parallel_loop3A_202 : vector<16xi32>
        %parallel_loop3A_204 = tpu.vector_load_idx %arg8[%parallel_loop3A_197] : memref<89088xf32, #tpu.memory_space<vmem>>[vector<16xi32>], vector<16xf32>,
        %parallel_loop3A_205 = vector.bitcast %parallel_loop3A_204 : vector<16xf32> to vector<32xbf16>
        %parallel_loop3A_206 = tpu.vector_load_idx %arg8[%parallel_loop3A_200] : memref<89088xf32, #tpu.memory_space<vmem>>[vector<16xi32>], vector<16xf32>,
        %parallel_loop3A_207 = vector.bitcast %parallel_loop3A_206 : vector<16xf32> to vector<32xbf16>
        %parallel_loop3A_208 = tpu.vector_load_idx %arg8[%parallel_loop3A_203] : memref<89088xf32, #tpu.memory_space<vmem>>[vector<16xi32>], vector<16xf32>,
        %parallel_loop3A_209 = vector.bitcast %parallel_loop3A_208 : vector<16xf32> to vector<32xbf16>
        %parallel_loop3A_210 = arith.addf %parallel_loop3A_207, %parallel_loop3A_209 : vector<32xbf16>
        %parallel_loop3A_211 = tpu.unpack_subelements %parallel_loop3A_205, 0 {pack_format = #tpu.pack_format<interleaved>} : vector<32xbf16> -> vector<16xf32>
        %parallel_loop3A_212 = tpu.unpack_subelements %parallel_loop3A_205, 1 {pack_format = #tpu.pack_format<interleaved>} : vector<32xbf16> -> vector<16xf32>
        %parallel_loop3A_213 = tpu.unpack_subelements %parallel_loop3A_210, 0 {pack_format = #tpu.pack_format<interleaved>} : vector<32xbf16> -> vector<16xf32>
        %parallel_loop3A_214 = tpu.unpack_subelements %parallel_loop3A_210, 1 {pack_format = #tpu.pack_format<interleaved>} : vector<32xbf16> -> vector<16xf32>
        %parallel_loop3A_215 = arith.addf %parallel_loop3A_211, %parallel_loop3A_213 : vector<16xf32>
        %parallel_loop3A_216 = arith.index_cast %parallel_loop3A_106 : i32 to index
        %parallel_loop3A_217 = arith.constant 96 : index
        %parallel_loop3A_218 = tpu.vector_load %arg14[%parallel_loop3A_216, %parallel_loop3A_217] {strides = array<i32>} : memref<16x768xf32, #tpu.memory_space<vmem>>, vector<16xf32>,
        tpu.vector_store %arg14[%parallel_loop3A_216, %parallel_loop3A_217], %parallel_loop3A_215 {strides = array<i32>} : memref<16x768xf32, #tpu.memory_space<vmem>>, vector<16xf32>,
        %parallel_loop3A_219 = arith.addf %parallel_loop3A_212, %parallel_loop3A_214 : vector<16xf32>
        %parallel_loop3A_220 = arith.index_cast %parallel_loop3A_106 : i32 to index
        %parallel_loop3A_221 = arith.constant 112 : index
        %parallel_loop3A_222 = tpu.vector_load %arg14[%parallel_loop3A_220, %parallel_loop3A_221] {strides = array<i32>} : memref<16x768xf32, #tpu.memory_space<vmem>>, vector<16xf32>,
        tpu.vector_store %arg14[%parallel_loop3A_220, %parallel_loop3A_221], %parallel_loop3A_219 {strides = array<i32>} : memref<16x768xf32, #tpu.memory_space<vmem>>, vector<16xf32>,
        %parallel_loop3A_223 = arith.constant 16 : i32
        %parallel_loop3A_224 = vector.broadcast %parallel_loop3A_223 : i32 to vector<16xi32>
        %parallel_loop3A_225 = arith.addi %parallel_loop3A_197, %parallel_loop3A_224 : vector<16xi32>
        %parallel_loop3A_226 = arith.constant 16 : i32
        %parallel_loop3A_227 = vector.broadcast %parallel_loop3A_226 : i32 to vector<16xi32>
        %parallel_loop3A_228 = arith.addi %parallel_loop3A_200, %parallel_loop3A_227 : vector<16xi32>
        %parallel_loop3A_229 = arith.constant 16 : i32
        %parallel_loop3A_230 = vector.broadcast %parallel_loop3A_229 : i32 to vector<16xi32>
        %parallel_loop3A_231 = arith.addi %parallel_loop3A_203, %parallel_loop3A_230 : vector<16xi32>
        %parallel_loop3A_232 = tpu.vector_load_idx %arg8[%parallel_loop3A_225] : memref<89088xf32, #tpu.memory_space<vmem>>[vector<16xi32>], vector<16xf32>,
        %parallel_loop3A_233 = vector.bitcast %parallel_loop3A_232 : vector<16xf32> to vector<32xbf16>
        %parallel_loop3A_234 = tpu.vector_load_idx %arg8[%parallel_loop3A_228] : memref<89088xf32, #tpu.memory_space<vmem>>[vector<16xi32>], vector<16xf32>,
        %parallel_loop3A_235 = vector.bitcast %parallel_loop3A_234 : vector<16xf32> to vector<32xbf16>
        %parallel_loop3A_236 = tpu.vector_load_idx %arg8[%parallel_loop3A_231] : memref<89088xf32, #tpu.memory_space<vmem>>[vector<16xi32>], vector<16xf32>,
        %parallel_loop3A_237 = vector.bitcast %parallel_loop3A_236 : vector<16xf32> to vector<32xbf16>
        %parallel_loop3A_238 = arith.addf %parallel_loop3A_235, %parallel_loop3A_237 : vector<32xbf16>
        %parallel_loop3A_239 = tpu.unpack_subelements %parallel_loop3A_233, 0 {pack_format = #tpu.pack_format<interleaved>} : vector<32xbf16> -> vector<16xf32>
        %parallel_loop3A_240 = tpu.unpack_subelements %parallel_loop3A_233, 1 {pack_format = #tpu.pack_format<interleaved>} : vector<32xbf16> -> vector<16xf32>
        %parallel_loop3A_241 = tpu.unpack_subelements %parallel_loop3A_238, 0 {pack_format = #tpu.pack_format<interleaved>} : vector<32xbf16> -> vector<16xf32>
        %parallel_loop3A_242 = tpu.unpack_subelements %parallel_loop3A_238, 1 {pack_format = #tpu.pack_format<interleaved>} : vector<32xbf16> -> vector<16xf32>
        %parallel_loop3A_243 = arith.addf %parallel_loop3A_239, %parallel_loop3A_241 : vector<16xf32>
        %parallel_loop3A_244 = arith.index_cast %parallel_loop3A_106 : i32 to index
        %parallel_loop3A_245 = arith.constant 128 : index
        %parallel_loop3A_246 = tpu.vector_load %arg14[%parallel_loop3A_244, %parallel_loop3A_245] {strides = array<i32>} : memref<16x768xf32, #tpu.memory_space<vmem>>, vector<16xf32>,
        tpu.vector_store %arg14[%parallel_loop3A_244, %parallel_loop3A_245], %parallel_loop3A_243 {strides = array<i32>} : memref<16x768xf32, #tpu.memory_space<vmem>>, vector<16xf32>,
        %parallel_loop3A_247 = arith.addf %parallel_loop3A_240, %parallel_loop3A_242 : vector<16xf32>
        %parallel_loop3A_248 = arith.index_cast %parallel_loop3A_106 : i32 to index
        %parallel_loop3A_249 = arith.constant 144 : index
        %parallel_loop3A_250 = tpu.vector_load %arg14[%parallel_loop3A_248, %parallel_loop3A_249] {strides = array<i32>} : memref<16x768xf32, #tpu.memory_space<vmem>>, vector<16xf32>,
        tpu.vector_store %arg14[%parallel_loop3A_248, %parallel_loop3A_249], %parallel_loop3A_247 {strides = array<i32>} : memref<16x768xf32, #tpu.memory_space<vmem>>, vector<16xf32>,
        %parallel_loop3A_251 = arith.constant 16 : i32
        %parallel_loop3A_252 = vector.broadcast %parallel_loop3A_251 : i32 to vector<16xi32>
        %parallel_loop3A_253 = arith.addi %parallel_loop3A_225, %parallel_loop3A_252 : vector<16xi32>
        %parallel_loop3A_254 = arith.constant 16 : i32
        %parallel_loop3A_255 = vector.broadcast %parallel_loop3A_254 : i32 to vector<16xi32>
        %parallel_loop3A_256 = arith.addi %parallel_loop3A_228, %parallel_loop3A_255 : vector<16xi32>
        %parallel_loop3A_257 = arith.constant 16 : i32
        %parallel_loop3A_258 = vector.broadcast %parallel_loop3A_257 : i32 to vector<16xi32>
        %parallel_loop3A_259 = arith.addi %parallel_loop3A_231, %parallel_loop3A_258 : vector<16xi32>
        %parallel_loop3A_260 = tpu.vector_load_idx %arg8[%parallel_loop3A_253] : memref<89088xf32, #tpu.memory_space<vmem>>[vector<16xi32>], vector<16xf32>,
        %parallel_loop3A_261 = vector.bitcast %parallel_loop3A_260 : vector<16xf32> to vector<32xbf16>
        %parallel_loop3A_262 = tpu.vector_load_idx %arg8[%parallel_loop3A_256] : memref<89088xf32, #tpu.memory_space<vmem>>[vector<16xi32>], vector<16xf32>,
        %parallel_loop3A_263 = vector.bitcast %parallel_loop3A_262 : vector<16xf32> to vector<32xbf16>
        %parallel_loop3A_264 = tpu.vector_load_idx %arg8[%parallel_loop3A_259] : memref<89088xf32, #tpu.memory_space<vmem>>[vector<16xi32>], vector<16xf32>,
        %parallel_loop3A_265 = vector.bitcast %parallel_loop3A_264 : vector<16xf32> to vector<32xbf16>
        %parallel_loop3A_266 = arith.addf %parallel_loop3A_263, %parallel_loop3A_265 : vector<32xbf16>
        %parallel_loop3A_267 = tpu.unpack_subelements %parallel_loop3A_261, 0 {pack_format = #tpu.pack_format<interleaved>} : vector<32xbf16> -> vector<16xf32>
        %parallel_loop3A_268 = tpu.unpack_subelements %parallel_loop3A_261, 1 {pack_format = #tpu.pack_format<interleaved>} : vector<32xbf16> -> vector<16xf32>
        %parallel_loop3A_269 = tpu.unpack_subelements %parallel_loop3A_266, 0 {pack_format = #tpu.pack_format<interleaved>} : vector<32xbf16> -> vector<16xf32>
        %parallel_loop3A_270 = tpu.unpack_subelements %parallel_loop3A_266, 1 {pack_format = #tpu.pack_format<interleaved>} : vector<32xbf16> -> vector<16xf32>
        %parallel_loop3A_271 = arith.addf %parallel_loop3A_267, %parallel_loop3A_269 : vector<16xf32>
        %parallel_loop3A_272 = arith.index_cast %parallel_loop3A_106 : i32 to index
        %parallel_loop3A_273 = arith.constant 160 : index
        %parallel_loop3A_274 = tpu.vector_load %arg14[%parallel_loop3A_272, %parallel_loop3A_273] {strides = array<i32>} : memref<16x768xf32, #tpu.memory_space<vmem>>, vector<16xf32>,
        tpu.vector_store %arg14[%parallel_loop3A_272, %parallel_loop3A_273], %parallel_loop3A_271 {strides = array<i32>} : memref<16x768xf32, #tpu.memory_space<vmem>>, vector<16xf32>,
        %parallel_loop3A_275 = arith.addf %parallel_loop3A_268, %parallel_loop3A_270 : vector<16xf32>
        %parallel_loop3A_276 = arith.index_cast %parallel_loop3A_106 : i32 to index
        %parallel_loop3A_277 = arith.constant 176 : index
        %parallel_loop3A_278 = tpu.vector_load %arg14[%parallel_loop3A_276, %parallel_loop3A_277] {strides = array<i32>} : memref<16x768xf32, #tpu.memory_space<vmem>>, vector<16xf32>,
        tpu.vector_store %arg14[%parallel_loop3A_276, %parallel_loop3A_277], %parallel_loop3A_275 {strides = array<i32>} : memref<16x768xf32, #tpu.memory_space<vmem>>, vector<16xf32>,
        %parallel_loop3A_279 = arith.constant 16 : i32
        %parallel_loop3A_280 = vector.broadcast %parallel_loop3A_279 : i32 to vector<16xi32>
        %parallel_loop3A_281 = arith.addi %parallel_loop3A_253, %parallel_loop3A_280 : vector<16xi32>
        %parallel_loop3A_282 = arith.constant 16 : i32
        %parallel_loop3A_283 = vector.broadcast %parallel_loop3A_282 : i32 to vector<16xi32>
        %parallel_loop3A_284 = arith.addi %parallel_loop3A_256, %parallel_loop3A_283 : vector<16xi32>
        %parallel_loop3A_285 = arith.constant 16 : i32
        %parallel_loop3A_286 = vector.broadcast %parallel_loop3A_285 : i32 to vector<16xi32>
        %parallel_loop3A_287 = arith.addi %parallel_loop3A_259, %parallel_loop3A_286 : vector<16xi32>
        %parallel_loop3A_288 = tpu.vector_load_idx %arg8[%parallel_loop3A_281] : memref<89088xf32, #tpu.memory_space<vmem>>[vector<16xi32>], vector<16xf32>,
        %parallel_loop3A_289 = vector.bitcast %parallel_loop3A_288 : vector<16xf32> to vector<32xbf16>
        %parallel_loop3A_290 = tpu.vector_load_idx %arg8[%parallel_loop3A_284] : memref<89088xf32, #tpu.memory_space<vmem>>[vector<16xi32>], vector<16xf32>,
        %parallel_loop3A_291 = vector.bitcast %parallel_loop3A_290 : vector<16xf32> to vector<32xbf16>
        %parallel_loop3A_292 = tpu.vector_load_idx %arg8[%parallel_loop3A_287] : memref<89088xf32, #tpu.memory_space<vmem>>[vector<16xi32>], vector<16xf32>,
        %parallel_loop3A_293 = vector.bitcast %parallel_loop3A_292 : vector<16xf32> to vector<32xbf16>
        %parallel_loop3A_294 = arith.addf %parallel_loop3A_291, %parallel_loop3A_293 : vector<32xbf16>
        %parallel_loop3A_295 = tpu.unpack_subelements %parallel_loop3A_289, 0 {pack_format = #tpu.pack_format<interleaved>} : vector<32xbf16> -> vector<16xf32>
        %parallel_loop3A_296 = tpu.unpack_subelements %parallel_loop3A_289, 1 {pack_format = #tpu.pack_format<interleaved>} : vector<32xbf16> -> vector<16xf32>
        %parallel_loop3A_297 = tpu.unpack_subelements %parallel_loop3A_294, 0 {pack_format = #tpu.pack_format<interleaved>} : vector<32xbf16> -> vector<16xf32>
        %parallel_loop3A_298 = tpu.unpack_subelements %parallel_loop3A_294, 1 {pack_format = #tpu.pack_format<interleaved>} : vector<32xbf16> -> vector<16xf32>
        %parallel_loop3A_299 = arith.addf %parallel_loop3A_295, %parallel_loop3A_297 : vector<16xf32>
        %parallel_loop3A_300 = arith.index_cast %parallel_loop3A_106 : i32 to index
        %parallel_loop3A_301 = arith.constant 192 : index
        %parallel_loop3A_302 = tpu.vector_load %arg14[%parallel_loop3A_300, %parallel_loop3A_301] {strides = array<i32>} : memref<16x768xf32, #tpu.memory_space<vmem>>, vector<16xf32>,
        tpu.vector_store %arg14[%parallel_loop3A_300, %parallel_loop3A_301], %parallel_loop3A_299 {strides = array<i32>} : memref<16x768xf32, #tpu.memory_space<vmem>>, vector<16xf32>,
        %parallel_loop3A_303 = arith.addf %parallel_loop3A_296, %parallel_loop3A_298 : vector<16xf32>
        %parallel_loop3A_304 = arith.index_cast %parallel_loop3A_106 : i32 to index
        %parallel_loop3A_305 = arith.constant 208 : index
        %parallel_loop3A_306 = tpu.vector_load %arg14[%parallel_loop3A_304, %parallel_loop3A_305] {strides = array<i32>} : memref<16x768xf32, #tpu.memory_space<vmem>>, vector<16xf32>,
        tpu.vector_store %arg14[%parallel_loop3A_304, %parallel_loop3A_305], %parallel_loop3A_303 {strides = array<i32>} : memref<16x768xf32, #tpu.memory_space<vmem>>, vector<16xf32>,
        %parallel_loop3A_307 = arith.constant 16 : i32
        %parallel_loop3A_308 = vector.broadcast %parallel_loop3A_307 : i32 to vector<16xi32>
        %parallel_loop3A_309 = arith.addi %parallel_loop3A_281, %parallel_loop3A_308 : vector<16xi32>
        %parallel_loop3A_310 = arith.constant 16 : i32
        %parallel_loop3A_311 = vector.broadcast %parallel_loop3A_310 : i32 to vector<16xi32>
        %parallel_loop3A_312 = arith.addi %parallel_loop3A_284, %parallel_loop3A_311 : vector<16xi32>
        %parallel_loop3A_313 = arith.constant 16 : i32
        %parallel_loop3A_314 = vector.broadcast %parallel_loop3A_313 : i32 to vector<16xi32>
        %parallel_loop3A_315 = arith.addi %parallel_loop3A_287, %parallel_loop3A_314 : vector<16xi32>
        %parallel_loop3A_316 = tpu.vector_load_idx %arg8[%parallel_loop3A_309] : memref<89088xf32, #tpu.memory_space<vmem>>[vector<16xi32>], vector<16xf32>,
        %parallel_loop3A_317 = vector.bitcast %parallel_loop3A_316 : vector<16xf32> to vector<32xbf16>
        %parallel_loop3A_318 = tpu.vector_load_idx %arg8[%parallel_loop3A_312] : memref<89088xf32, #tpu.memory_space<vmem>>[vector<16xi32>], vector<16xf32>,
        %parallel_loop3A_319 = vector.bitcast %parallel_loop3A_318 : vector<16xf32> to vector<32xbf16>
        %parallel_loop3A_320 = tpu.vector_load_idx %arg8[%parallel_loop3A_315] : memref<89088xf32, #tpu.memory_space<vmem>>[vector<16xi32>], vector<16xf32>,
        %parallel_loop3A_321 = vector.bitcast %parallel_loop3A_320 : vector<16xf32> to vector<32xbf16>
        %parallel_loop3A_322 = arith.addf %parallel_loop3A_319, %parallel_loop3A_321 : vector<32xbf16>
        %parallel_loop3A_323 = tpu.unpack_subelements %parallel_loop3A_317, 0 {pack_format = #tpu.pack_format<interleaved>} : vector<32xbf16> -> vector<16xf32>
        %parallel_loop3A_324 = tpu.unpack_subelements %parallel_loop3A_317, 1 {pack_format = #tpu.pack_format<interleaved>} : vector<32xbf16> -> vector<16xf32>
        %parallel_loop3A_325 = tpu.unpack_subelements %parallel_loop3A_322, 0 {pack_format = #tpu.pack_format<interleaved>} : vector<32xbf16> -> vector<16xf32>
        %parallel_loop3A_326 = tpu.unpack_subelements %parallel_loop3A_322, 1 {pack_format = #tpu.pack_format<interleaved>} : vector<32xbf16> -> vector<16xf32>
        %parallel_loop3A_327 = arith.addf %parallel_loop3A_323, %parallel_loop3A_325 : vector<16xf32>
        %parallel_loop3A_328 = arith.index_cast %parallel_loop3A_106 : i32 to index
        %parallel_loop3A_329 = arith.constant 224 : index
        %parallel_loop3A_330 = tpu.vector_load %arg14[%parallel_loop3A_328, %parallel_loop3A_329] {strides = array<i32>} : memref<16x768xf32, #tpu.memory_space<vmem>>, vector<16xf32>,
        tpu.vector_store %arg14[%parallel_loop3A_328, %parallel_loop3A_329], %parallel_loop3A_327 {strides = array<i32>} : memref<16x768xf32, #tpu.memory_space<vmem>>, vector<16xf32>,
        %parallel_loop3A_331 = arith.addf %parallel_loop3A_324, %parallel_loop3A_326 : vector<16xf32>
        %parallel_loop3A_332 = arith.index_cast %parallel_loop3A_106 : i32 to index
        %parallel_loop3A_333 = arith.constant 240 : index
        %parallel_loop3A_334 = tpu.vector_load %arg14[%parallel_loop3A_332, %parallel_loop3A_333] {strides = array<i32>} : memref<16x768xf32, #tpu.memory_space<vmem>>, vector<16xf32>,
        tpu.vector_store %arg14[%parallel_loop3A_332, %parallel_loop3A_333], %parallel_loop3A_331 {strides = array<i32>} : memref<16x768xf32, #tpu.memory_space<vmem>>, vector<16xf32>,
        %parallel_loop3A_335 = arith.constant 16 : i32
        %parallel_loop3A_336 = vector.broadcast %parallel_loop3A_335 : i32 to vector<16xi32>
        %parallel_loop3A_337 = arith.addi %parallel_loop3A_309, %parallel_loop3A_336 : vector<16xi32>
        %parallel_loop3A_338 = arith.constant 16 : i32
        %parallel_loop3A_339 = vector.broadcast %parallel_loop3A_338 : i32 to vector<16xi32>
        %parallel_loop3A_340 = arith.addi %parallel_loop3A_312, %parallel_loop3A_339 : vector<16xi32>
        %parallel_loop3A_341 = arith.constant 16 : i32
        %parallel_loop3A_342 = vector.broadcast %parallel_loop3A_341 : i32 to vector<16xi32>
        %parallel_loop3A_343 = arith.addi %parallel_loop3A_315, %parallel_loop3A_342 : vector<16xi32>
        %parallel_loop3A_344 = tpu.vector_load_idx %arg8[%parallel_loop3A_337] : memref<89088xf32, #tpu.memory_space<vmem>>[vector<16xi32>], vector<16xf32>,
        %parallel_loop3A_345 = vector.bitcast %parallel_loop3A_344 : vector<16xf32> to vector<32xbf16>
        %parallel_loop3A_346 = tpu.vector_load_idx %arg8[%parallel_loop3A_340] : memref<89088xf32, #tpu.memory_space<vmem>>[vector<16xi32>], vector<16xf32>,
        %parallel_loop3A_347 = vector.bitcast %parallel_loop3A_346 : vector<16xf32> to vector<32xbf16>
        %parallel_loop3A_348 = tpu.vector_load_idx %arg8[%parallel_loop3A_343] : memref<89088xf32, #tpu.memory_space<vmem>>[vector<16xi32>], vector<16xf32>,
        %parallel_loop3A_349 = vector.bitcast %parallel_loop3A_348 : vector<16xf32> to vector<32xbf16>
        %parallel_loop3A_350 = arith.addf %parallel_loop3A_347, %parallel_loop3A_349 : vector<32xbf16>
        %parallel_loop3A_351 = tpu.unpack_subelements %parallel_loop3A_345, 0 {pack_format = #tpu.pack_format<interleaved>} : vector<32xbf16> -> vector<16xf32>
        %parallel_loop3A_352 = tpu.unpack_subelements %parallel_loop3A_345, 1 {pack_format = #tpu.pack_format<interleaved>} : vector<32xbf16> -> vector<16xf32>
        %parallel_loop3A_353 = tpu.unpack_subelements %parallel_loop3A_350, 0 {pack_format = #tpu.pack_format<interleaved>} : vector<32xbf16> -> vector<16xf32>
        %parallel_loop3A_354 = tpu.unpack_subelements %parallel_loop3A_350, 1 {pack_format = #tpu.pack_format<interleaved>} : vector<32xbf16> -> vector<16xf32>
        %parallel_loop3A_355 = arith.addf %parallel_loop3A_351, %parallel_loop3A_353 : vector<16xf32>
        %parallel_loop3A_356 = arith.index_cast %parallel_loop3A_106 : i32 to index
        %parallel_loop3A_357 = arith.constant 256 : index
        %parallel_loop3A_358 = tpu.vector_load %arg14[%parallel_loop3A_356, %parallel_loop3A_357] {strides = array<i32>} : memref<16x768xf32, #tpu.memory_space<vmem>>, vector<16xf32>,
        tpu.vector_store %arg14[%parallel_loop3A_356, %parallel_loop3A_357], %parallel_loop3A_355 {strides = array<i32>} : memref<16x768xf32, #tpu.memory_space<vmem>>, vector<16xf32>,
        %parallel_loop3A_359 = arith.addf %parallel_loop3A_352, %parallel_loop3A_354 : vector<16xf32>
        %parallel_loop3A_360 = arith.index_cast %parallel_loop3A_106 : i32 to index
        %parallel_loop3A_361 = arith.constant 272 : index
        %parallel_loop3A_362 = tpu.vector_load %arg14[%parallel_loop3A_360, %parallel_loop3A_361] {strides = array<i32>} : memref<16x768xf32, #tpu.memory_space<vmem>>, vector<16xf32>,
        tpu.vector_store %arg14[%parallel_loop3A_360, %parallel_loop3A_361], %parallel_loop3A_359 {strides = array<i32>} : memref<16x768xf32, #tpu.memory_space<vmem>>, vector<16xf32>,
        %parallel_loop3A_363 = arith.constant 16 : i32
        %parallel_loop3A_364 = vector.broadcast %parallel_loop3A_363 : i32 to vector<16xi32>
        %parallel_loop3A_365 = arith.addi %parallel_loop3A_337, %parallel_loop3A_364 : vector<16xi32>
        %parallel_loop3A_366 = arith.constant 16 : i32
        %parallel_loop3A_367 = vector.broadcast %parallel_loop3A_366 : i32 to vector<16xi32>
        %parallel_loop3A_368 = arith.addi %parallel_loop3A_340, %parallel_loop3A_367 : vector<16xi32>
        %parallel_loop3A_369 = arith.constant 16 : i32
        %parallel_loop3A_370 = vector.broadcast %parallel_loop3A_369 : i32 to vector<16xi32>
        %parallel_loop3A_371 = arith.addi %parallel_loop3A_343, %parallel_loop3A_370 : vector<16xi32>
        %parallel_loop3A_372 = tpu.vector_load_idx %arg8[%parallel_loop3A_365] : memref<89088xf32, #tpu.memory_space<vmem>>[vector<16xi32>], vector<16xf32>,
        %parallel_loop3A_373 = vector.bitcast %parallel_loop3A_372 : vector<16xf32> to vector<32xbf16>
        %parallel_loop3A_374 = tpu.vector_load_idx %arg8[%parallel_loop3A_368] : memref<89088xf32, #tpu.memory_space<vmem>>[vector<16xi32>], vector<16xf32>,
        %parallel_loop3A_375 = vector.bitcast %parallel_loop3A_374 : vector<16xf32> to vector<32xbf16>
        %parallel_loop3A_376 = tpu.vector_load_idx %arg8[%parallel_loop3A_371] : memref<89088xf32, #tpu.memory_space<vmem>>[vector<16xi32>], vector<16xf32>,
        %parallel_loop3A_377 = vector.bitcast %parallel_loop3A_376 : vector<16xf32> to vector<32xbf16>
        %parallel_loop3A_378 = arith.addf %parallel_loop3A_375, %parallel_loop3A_377 : vector<32xbf16>
        %parallel_loop3A_379 = tpu.unpack_subelements %parallel_loop3A_373, 0 {pack_format = #tpu.pack_format<interleaved>} : vector<32xbf16> -> vector<16xf32>
        %parallel_loop3A_380 = tpu.unpack_subelements %parallel_loop3A_373, 1 {pack_format = #tpu.pack_format<interleaved>} : vector<32xbf16> -> vector<16xf32>
        %parallel_loop3A_381 = tpu.unpack_subelements %parallel_loop3A_378, 0 {pack_format = #tpu.pack_format<interleaved>} : vector<32xbf16> -> vector<16xf32>
        %parallel_loop3A_382 = tpu.unpack_subelements %parallel_loop3A_378, 1 {pack_format = #tpu.pack_format<interleaved>} : vector<32xbf16> -> vector<16xf32>
        %parallel_loop3A_383 = arith.addf %parallel_loop3A_379, %parallel_loop3A_381 : vector<16xf32>
        %parallel_loop3A_384 = arith.index_cast %parallel_loop3A_106 : i32 to index
        %parallel_loop3A_385 = arith.constant 288 : index
        %parallel_loop3A_386 = tpu.vector_load %arg14[%parallel_loop3A_384, %parallel_loop3A_385] {strides = array<i32>} : memref<16x768xf32, #tpu.memory_space<vmem>>, vector<16xf32>,
        tpu.vector_store %arg14[%parallel_loop3A_384, %parallel_loop3A_385], %parallel_loop3A_383 {strides = array<i32>} : memref<16x768xf32, #tpu.memory_space<vmem>>, vector<16xf32>,
        %parallel_loop3A_387 = arith.addf %parallel_loop3A_380, %parallel_loop3A_382 : vector<16xf32>
        %parallel_loop3A_388 = arith.index_cast %parallel_loop3A_106 : i32 to index
        %parallel_loop3A_389 = arith.constant 304 : index
        %parallel_loop3A_390 = tpu.vector_load %arg14[%parallel_loop3A_388, %parallel_loop3A_389] {strides = array<i32>} : memref<16x768xf32, #tpu.memory_space<vmem>>, vector<16xf32>,
        tpu.vector_store %arg14[%parallel_loop3A_388, %parallel_loop3A_389], %parallel_loop3A_387 {strides = array<i32>} : memref<16x768xf32, #tpu.memory_space<vmem>>, vector<16xf32>,
        %parallel_loop3A_391 = arith.constant 16 : i32
        %parallel_loop3A_392 = vector.broadcast %parallel_loop3A_391 : i32 to vector<16xi32>
        %parallel_loop3A_393 = arith.addi %parallel_loop3A_365, %parallel_loop3A_392 : vector<16xi32>
        %parallel_loop3A_394 = arith.constant 16 : i32
        %parallel_loop3A_395 = vector.broadcast %parallel_loop3A_394 : i32 to vector<16xi32>
        %parallel_loop3A_396 = arith.addi %parallel_loop3A_368, %parallel_loop3A_395 : vector<16xi32>
        %parallel_loop3A_397 = arith.constant 16 : i32
        %parallel_loop3A_398 = vector.broadcast %parallel_loop3A_397 : i32 to vector<16xi32>
        %parallel_loop3A_399 = arith.addi %parallel_loop3A_371, %parallel_loop3A_398 : vector<16xi32>
        %parallel_loop3A_400 = tpu.vector_load_idx %arg8[%parallel_loop3A_393] : memref<89088xf32, #tpu.memory_space<vmem>>[vector<16xi32>], vector<16xf32>,
        %parallel_loop3A_401 = vector.bitcast %parallel_loop3A_400 : vector<16xf32> to vector<32xbf16>
        %parallel_loop3A_402 = tpu.vector_load_idx %arg8[%parallel_loop3A_396] : memref<89088xf32, #tpu.memory_space<vmem>>[vector<16xi32>], vector<16xf32>,
        %parallel_loop3A_403 = vector.bitcast %parallel_loop3A_402 : vector<16xf32> to vector<32xbf16>
        %parallel_loop3A_404 = tpu.vector_load_idx %arg8[%parallel_loop3A_399] : memref<89088xf32, #tpu.memory_space<vmem>>[vector<16xi32>], vector<16xf32>,
        %parallel_loop3A_405 = vector.bitcast %parallel_loop3A_404 : vector<16xf32> to vector<32xbf16>
        %parallel_loop3A_406 = arith.addf %parallel_loop3A_403, %parallel_loop3A_405 : vector<32xbf16>
        %parallel_loop3A_407 = tpu.unpack_subelements %parallel_loop3A_401, 0 {pack_format = #tpu.pack_format<interleaved>} : vector<32xbf16> -> vector<16xf32>
        %parallel_loop3A_408 = tpu.unpack_subelements %parallel_loop3A_401, 1 {pack_format = #tpu.pack_format<interleaved>} : vector<32xbf16> -> vector<16xf32>
        %parallel_loop3A_409 = tpu.unpack_subelements %parallel_loop3A_406, 0 {pack_format = #tpu.pack_format<interleaved>} : vector<32xbf16> -> vector<16xf32>
        %parallel_loop3A_410 = tpu.unpack_subelements %parallel_loop3A_406, 1 {pack_format = #tpu.pack_format<interleaved>} : vector<32xbf16> -> vector<16xf32>
        %parallel_loop3A_411 = arith.addf %parallel_loop3A_407, %parallel_loop3A_409 : vector<16xf32>
        %parallel_loop3A_412 = arith.index_cast %parallel_loop3A_106 : i32 to index
        %parallel_loop3A_413 = arith.constant 320 : index
        %parallel_loop3A_414 = tpu.vector_load %arg14[%parallel_loop3A_412, %parallel_loop3A_413] {strides = array<i32>} : memref<16x768xf32, #tpu.memory_space<vmem>>, vector<16xf32>,
        tpu.vector_store %arg14[%parallel_loop3A_412, %parallel_loop3A_413], %parallel_loop3A_411 {strides = array<i32>} : memref<16x768xf32, #tpu.memory_space<vmem>>, vector<16xf32>,
        %parallel_loop3A_415 = arith.addf %parallel_loop3A_408, %parallel_loop3A_410 : vector<16xf32>
        %parallel_loop3A_416 = arith.index_cast %parallel_loop3A_106 : i32 to index
        %parallel_loop3A_417 = arith.constant 336 : index
        %parallel_loop3A_418 = tpu.vector_load %arg14[%parallel_loop3A_416, %parallel_loop3A_417] {strides = array<i32>} : memref<16x768xf32, #tpu.memory_space<vmem>>, vector<16xf32>,
        tpu.vector_store %arg14[%parallel_loop3A_416, %parallel_loop3A_417], %parallel_loop3A_415 {strides = array<i32>} : memref<16x768xf32, #tpu.memory_space<vmem>>, vector<16xf32>,
        %parallel_loop3A_419 = arith.constant 16 : i32
        %parallel_loop3A_420 = vector.broadcast %parallel_loop3A_419 : i32 to vector<16xi32>
        %parallel_loop3A_421 = arith.addi %parallel_loop3A_393, %parallel_loop3A_420 : vector<16xi32>
        %parallel_loop3A_422 = arith.constant 16 : i32
        %parallel_loop3A_423 = vector.broadcast %parallel_loop3A_422 : i32 to vector<16xi32>
        %parallel_loop3A_424 = arith.addi %parallel_loop3A_396, %parallel_loop3A_423 : vector<16xi32>
        %parallel_loop3A_425 = arith.constant 16 : i32
        %parallel_loop3A_426 = vector.broadcast %parallel_loop3A_425 : i32 to vector<16xi32>
        %parallel_loop3A_427 = arith.addi %parallel_loop3A_399, %parallel_loop3A_426 : vector<16xi32>
        %parallel_loop3A_428 = tpu.vector_load_idx %arg8[%parallel_loop3A_421] : memref<89088xf32, #tpu.memory_space<vmem>>[vector<16xi32>], vector<16xf32>,
        %parallel_loop3A_429 = vector.bitcast %parallel_loop3A_428 : vector<16xf32> to vector<32xbf16>
        %parallel_loop3A_430 = tpu.vector_load_idx %arg8[%parallel_loop3A_424] : memref<89088xf32, #tpu.memory_space<vmem>>[vector<16xi32>], vector<16xf32>,
        %parallel_loop3A_431 = vector.bitcast %parallel_loop3A_430 : vector<16xf32> to vector<32xbf16>
        %parallel_loop3A_432 = tpu.vector_load_idx %arg8[%parallel_loop3A_427] : memref<89088xf32, #tpu.memory_space<vmem>>[vector<16xi32>], vector<16xf32>,
        %parallel_loop3A_433 = vector.bitcast %parallel_loop3A_432 : vector<16xf32> to vector<32xbf16>
        %parallel_loop3A_434 = arith.addf %parallel_loop3A_431, %parallel_loop3A_433 : vector<32xbf16>
        %parallel_loop3A_435 = tpu.unpack_subelements %parallel_loop3A_429, 0 {pack_format = #tpu.pack_format<interleaved>} : vector<32xbf16> -> vector<16xf32>
        %parallel_loop3A_436 = tpu.unpack_subelements %parallel_loop3A_429, 1 {pack_format = #tpu.pack_format<interleaved>} : vector<32xbf16> -> vector<16xf32>
        %parallel_loop3A_437 = tpu.unpack_subelements %parallel_loop3A_434, 0 {pack_format = #tpu.pack_format<interleaved>} : vector<32xbf16> -> vector<16xf32>
        %parallel_loop3A_438 = tpu.unpack_subelements %parallel_loop3A_434, 1 {pack_format = #tpu.pack_format<interleaved>} : vector<32xbf16> -> vector<16xf32>
        %parallel_loop3A_439 = arith.addf %parallel_loop3A_435, %parallel_loop3A_437 : vector<16xf32>
        %parallel_loop3A_440 = arith.index_cast %parallel_loop3A_106 : i32 to index
        %parallel_loop3A_441 = arith.constant 352 : index
        %parallel_loop3A_442 = tpu.vector_load %arg14[%parallel_loop3A_440, %parallel_loop3A_441] {strides = array<i32>} : memref<16x768xf32, #tpu.memory_space<vmem>>, vector<16xf32>,
        tpu.vector_store %arg14[%parallel_loop3A_440, %parallel_loop3A_441], %parallel_loop3A_439 {strides = array<i32>} : memref<16x768xf32, #tpu.memory_space<vmem>>, vector<16xf32>,
        %parallel_loop3A_443 = arith.addf %parallel_loop3A_436, %parallel_loop3A_438 : vector<16xf32>
        %parallel_loop3A_444 = arith.index_cast %parallel_loop3A_106 : i32 to index
        %parallel_loop3A_445 = arith.constant 368 : index
        %parallel_loop3A_446 = tpu.vector_load %arg14[%parallel_loop3A_444, %parallel_loop3A_445] {strides = array<i32>} : memref<16x768xf32, #tpu.memory_space<vmem>>, vector<16xf32>,
        tpu.vector_store %arg14[%parallel_loop3A_444, %parallel_loop3A_445], %parallel_loop3A_443 {strides = array<i32>} : memref<16x768xf32, #tpu.memory_space<vmem>>, vector<16xf32>,
        %parallel_loop3A_447 = arith.constant 16 : i32
        %parallel_loop3A_448 = vector.broadcast %parallel_loop3A_447 : i32 to vector<16xi32>
        %parallel_loop3A_449 = arith.addi %parallel_loop3A_421, %parallel_loop3A_448 : vector<16xi32>
        %parallel_loop3A_450 = arith.constant 16 : i32
        %parallel_loop3A_451 = vector.broadcast %parallel_loop3A_450 : i32 to vector<16xi32>
        %parallel_loop3A_452 = arith.addi %parallel_loop3A_424, %parallel_loop3A_451 : vector<16xi32>
        %parallel_loop3A_453 = arith.constant 16 : i32
        %parallel_loop3A_454 = vector.broadcast %parallel_loop3A_453 : i32 to vector<16xi32>
        %parallel_loop3A_455 = arith.addi %parallel_loop3A_427, %parallel_loop3A_454 : vector<16xi32>
        %parallel_loop3A_456 = tpu.vector_load_idx %arg8[%parallel_loop3A_449] : memref<89088xf32, #tpu.memory_space<vmem>>[vector<16xi32>], vector<16xf32>,
        %parallel_loop3A_457 = vector.bitcast %parallel_loop3A_456 : vector<16xf32> to vector<32xbf16>
        %parallel_loop3A_458 = tpu.vector_load_idx %arg8[%parallel_loop3A_452] : memref<89088xf32, #tpu.memory_space<vmem>>[vector<16xi32>], vector<16xf32>,
        %parallel_loop3A_459 = vector.bitcast %parallel_loop3A_458 : vector<16xf32> to vector<32xbf16>
        %parallel_loop3A_460 = tpu.vector_load_idx %arg8[%parallel_loop3A_455] : memref<89088xf32, #tpu.memory_space<vmem>>[vector<16xi32>], vector<16xf32>,
        %parallel_loop3A_461 = vector.bitcast %parallel_loop3A_460 : vector<16xf32> to vector<32xbf16>
        %parallel_loop3A_462 = arith.addf %parallel_loop3A_459, %parallel_loop3A_461 : vector<32xbf16>
        %parallel_loop3A_463 = tpu.unpack_subelements %parallel_loop3A_457, 0 {pack_format = #tpu.pack_format<interleaved>} : vector<32xbf16> -> vector<16xf32>
        %parallel_loop3A_464 = tpu.unpack_subelements %parallel_loop3A_457, 1 {pack_format = #tpu.pack_format<interleaved>} : vector<32xbf16> -> vector<16xf32>
        %parallel_loop3A_465 = tpu.unpack_subelements %parallel_loop3A_462, 0 {pack_format = #tpu.pack_format<interleaved>} : vector<32xbf16> -> vector<16xf32>
        %parallel_loop3A_466 = tpu.unpack_subelements %parallel_loop3A_462, 1 {pack_format = #tpu.pack_format<interleaved>} : vector<32xbf16> -> vector<16xf32>
        %parallel_loop3A_467 = arith.addf %parallel_loop3A_463, %parallel_loop3A_465 : vector<16xf32>
        %parallel_loop3A_468 = arith.index_cast %parallel_loop3A_106 : i32 to index
        %parallel_loop3A_469 = arith.constant 384 : index
        %parallel_loop3A_470 = tpu.vector_load %arg14[%parallel_loop3A_468, %parallel_loop3A_469] {strides = array<i32>} : memref<16x768xf32, #tpu.memory_space<vmem>>, vector<16xf32>,
        tpu.vector_store %arg14[%parallel_loop3A_468, %parallel_loop3A_469], %parallel_loop3A_467 {strides = array<i32>} : memref<16x768xf32, #tpu.memory_space<vmem>>, vector<16xf32>,
        %parallel_loop3A_471 = arith.addf %parallel_loop3A_464, %parallel_loop3A_466 : vector<16xf32>
        %parallel_loop3A_472 = arith.index_cast %parallel_loop3A_106 : i32 to index
        %parallel_loop3A_473 = arith.constant 400 : index
        %parallel_loop3A_474 = tpu.vector_load %arg14[%parallel_loop3A_472, %parallel_loop3A_473] {strides = array<i32>} : memref<16x768xf32, #tpu.memory_space<vmem>>, vector<16xf32>,
        tpu.vector_store %arg14[%parallel_loop3A_472, %parallel_loop3A_473], %parallel_loop3A_471 {strides = array<i32>} : memref<16x768xf32, #tpu.memory_space<vmem>>, vector<16xf32>,
        %parallel_loop3A_475 = arith.constant 16 : i32
        %parallel_loop3A_476 = vector.broadcast %parallel_loop3A_475 : i32 to vector<16xi32>
        %parallel_loop3A_477 = arith.addi %parallel_loop3A_449, %parallel_loop3A_476 : vector<16xi32>
        %parallel_loop3A_478 = arith.constant 16 : i32
        %parallel_loop3A_479 = vector.broadcast %parallel_loop3A_478 : i32 to vector<16xi32>
        %parallel_loop3A_480 = arith.addi %parallel_loop3A_452, %parallel_loop3A_479 : vector<16xi32>
        %parallel_loop3A_481 = arith.constant 16 : i32
        %parallel_loop3A_482 = vector.broadcast %parallel_loop3A_481 : i32 to vector<16xi32>
        %parallel_loop3A_483 = arith.addi %parallel_loop3A_455, %parallel_loop3A_482 : vector<16xi32>
        %parallel_loop3A_484 = tpu.vector_load_idx %arg8[%parallel_loop3A_477] : memref<89088xf32, #tpu.memory_space<vmem>>[vector<16xi32>], vector<16xf32>,
        %parallel_loop3A_485 = vector.bitcast %parallel_loop3A_484 : vector<16xf32> to vector<32xbf16>
        %parallel_loop3A_486 = tpu.vector_load_idx %arg8[%parallel_loop3A_480] : memref<89088xf32, #tpu.memory_space<vmem>>[vector<16xi32>], vector<16xf32>,
        %parallel_loop3A_487 = vector.bitcast %parallel_loop3A_486 : vector<16xf32> to vector<32xbf16>
        %parallel_loop3A_488 = tpu.vector_load_idx %arg8[%parallel_loop3A_483] : memref<89088xf32, #tpu.memory_space<vmem>>[vector<16xi32>], vector<16xf32>,
        %parallel_loop3A_489 = vector.bitcast %parallel_loop3A_488 : vector<16xf32> to vector<32xbf16>
        %parallel_loop3A_490 = arith.addf %parallel_loop3A_487, %parallel_loop3A_489 : vector<32xbf16>
        %parallel_loop3A_491 = tpu.unpack_subelements %parallel_loop3A_485, 0 {pack_format = #tpu.pack_format<interleaved>} : vector<32xbf16> -> vector<16xf32>
        %parallel_loop3A_492 = tpu.unpack_subelements %parallel_loop3A_485, 1 {pack_format = #tpu.pack_format<interleaved>} : vector<32xbf16> -> vector<16xf32>
        %parallel_loop3A_493 = tpu.unpack_subelements %parallel_loop3A_490, 0 {pack_format = #tpu.pack_format<interleaved>} : vector<32xbf16> -> vector<16xf32>
        %parallel_loop3A_494 = tpu.unpack_subelements %parallel_loop3A_490, 1 {pack_format = #tpu.pack_format<interleaved>} : vector<32xbf16> -> vector<16xf32>
        %parallel_loop3A_495 = arith.addf %parallel_loop3A_491, %parallel_loop3A_493 : vector<16xf32>
        %parallel_loop3A_496 = arith.index_cast %parallel_loop3A_106 : i32 to index
        %parallel_loop3A_497 = arith.constant 416 : index
        %parallel_loop3A_498 = tpu.vector_load %arg14[%parallel_loop3A_496, %parallel_loop3A_497] {strides = array<i32>} : memref<16x768xf32, #tpu.memory_space<vmem>>, vector<16xf32>,
        tpu.vector_store %arg14[%parallel_loop3A_496, %parallel_loop3A_497], %parallel_loop3A_495 {strides = array<i32>} : memref<16x768xf32, #tpu.memory_space<vmem>>, vector<16xf32>,
        %parallel_loop3A_499 = arith.addf %parallel_loop3A_492, %parallel_loop3A_494 : vector<16xf32>
        %parallel_loop3A_500 = arith.index_cast %parallel_loop3A_106 : i32 to index
        %parallel_loop3A_501 = arith.constant 432 : index
        %parallel_loop3A_502 = tpu.vector_load %arg14[%parallel_loop3A_500, %parallel_loop3A_501] {strides = array<i32>} : memref<16x768xf32, #tpu.memory_space<vmem>>, vector<16xf32>,
        tpu.vector_store %arg14[%parallel_loop3A_500, %parallel_loop3A_501], %parallel_loop3A_499 {strides = array<i32>} : memref<16x768xf32, #tpu.memory_space<vmem>>, vector<16xf32>,
        %parallel_loop3A_503 = arith.constant 16 : i32
        %parallel_loop3A_504 = vector.broadcast %parallel_loop3A_503 : i32 to vector<16xi32>
        %parallel_loop3A_505 = arith.addi %parallel_loop3A_477, %parallel_loop3A_504 : vector<16xi32>
        %parallel_loop3A_506 = arith.constant 16 : i32
        %parallel_loop3A_507 = vector.broadcast %parallel_loop3A_506 : i32 to vector<16xi32>
        %parallel_loop3A_508 = arith.addi %parallel_loop3A_480, %parallel_loop3A_507 : vector<16xi32>
        %parallel_loop3A_509 = arith.constant 16 : i32
        %parallel_loop3A_510 = vector.broadcast %parallel_loop3A_509 : i32 to vector<16xi32>
        %parallel_loop3A_511 = arith.addi %parallel_loop3A_483, %parallel_loop3A_510 : vector<16xi32>
        %parallel_loop3A_512 = tpu.vector_load_idx %arg8[%parallel_loop3A_505] : memref<89088xf32, #tpu.memory_space<vmem>>[vector<16xi32>], vector<16xf32>,
        %parallel_loop3A_513 = vector.bitcast %parallel_loop3A_512 : vector<16xf32> to vector<32xbf16>
        %parallel_loop3A_514 = tpu.vector_load_idx %arg8[%parallel_loop3A_508] : memref<89088xf32, #tpu.memory_space<vmem>>[vector<16xi32>], vector<16xf32>,
        %parallel_loop3A_515 = vector.bitcast %parallel_loop3A_514 : vector<16xf32> to vector<32xbf16>
        %parallel_loop3A_516 = tpu.vector_load_idx %arg8[%parallel_loop3A_511] : memref<89088xf32, #tpu.memory_space<vmem>>[vector<16xi32>], vector<16xf32>,
        %parallel_loop3A_517 = vector.bitcast %parallel_loop3A_516 : vector<16xf32> to vector<32xbf16>
        %parallel_loop3A_518 = arith.addf %parallel_loop3A_515, %parallel_loop3A_517 : vector<32xbf16>
        %parallel_loop3A_519 = tpu.unpack_subelements %parallel_loop3A_513, 0 {pack_format = #tpu.pack_format<interleaved>} : vector<32xbf16> -> vector<16xf32>
        %parallel_loop3A_520 = tpu.unpack_subelements %parallel_loop3A_513, 1 {pack_format = #tpu.pack_format<interleaved>} : vector<32xbf16> -> vector<16xf32>
        %parallel_loop3A_521 = tpu.unpack_subelements %parallel_loop3A_518, 0 {pack_format = #tpu.pack_format<interleaved>} : vector<32xbf16> -> vector<16xf32>
        %parallel_loop3A_522 = tpu.unpack_subelements %parallel_loop3A_518, 1 {pack_format = #tpu.pack_format<interleaved>} : vector<32xbf16> -> vector<16xf32>
        %parallel_loop3A_523 = arith.addf %parallel_loop3A_519, %parallel_loop3A_521 : vector<16xf32>
        %parallel_loop3A_524 = arith.index_cast %parallel_loop3A_106 : i32 to index
        %parallel_loop3A_525 = arith.constant 448 : index
        %parallel_loop3A_526 = tpu.vector_load %arg14[%parallel_loop3A_524, %parallel_loop3A_525] {strides = array<i32>} : memref<16x768xf32, #tpu.memory_space<vmem>>, vector<16xf32>,
        tpu.vector_store %arg14[%parallel_loop3A_524, %parallel_loop3A_525], %parallel_loop3A_523 {strides = array<i32>} : memref<16x768xf32, #tpu.memory_space<vmem>>, vector<16xf32>,
        %parallel_loop3A_527 = arith.addf %parallel_loop3A_520, %parallel_loop3A_522 : vector<16xf32>
        %parallel_loop3A_528 = arith.index_cast %parallel_loop3A_106 : i32 to index
        %parallel_loop3A_529 = arith.constant 464 : index
        %parallel_loop3A_530 = tpu.vector_load %arg14[%parallel_loop3A_528, %parallel_loop3A_529] {strides = array<i32>} : memref<16x768xf32, #tpu.memory_space<vmem>>, vector<16xf32>,
        tpu.vector_store %arg14[%parallel_loop3A_528, %parallel_loop3A_529], %parallel_loop3A_527 {strides = array<i32>} : memref<16x768xf32, #tpu.memory_space<vmem>>, vector<16xf32>,
        %parallel_loop3A_531 = arith.constant 16 : i32
        %parallel_loop3A_532 = vector.broadcast %parallel_loop3A_531 : i32 to vector<16xi32>
        %parallel_loop3A_533 = arith.addi %parallel_loop3A_505, %parallel_loop3A_532 : vector<16xi32>
        %parallel_loop3A_534 = arith.constant 16 : i32
        %parallel_loop3A_535 = vector.broadcast %parallel_loop3A_534 : i32 to vector<16xi32>
        %parallel_loop3A_536 = arith.addi %parallel_loop3A_508, %parallel_loop3A_535 : vector<16xi32>
        %parallel_loop3A_537 = arith.constant 16 : i32
        %parallel_loop3A_538 = vector.broadcast %parallel_loop3A_537 : i32 to vector<16xi32>
        %parallel_loop3A_539 = arith.addi %parallel_loop3A_511, %parallel_loop3A_538 : vector<16xi32>
        %parallel_loop3A_540 = tpu.vector_load_idx %arg8[%parallel_loop3A_533] : memref<89088xf32, #tpu.memory_space<vmem>>[vector<16xi32>], vector<16xf32>,
        %parallel_loop3A_541 = vector.bitcast %parallel_loop3A_540 : vector<16xf32> to vector<32xbf16>
        %parallel_loop3A_542 = tpu.vector_load_idx %arg8[%parallel_loop3A_536] : memref<89088xf32, #tpu.memory_space<vmem>>[vector<16xi32>], vector<16xf32>,
        %parallel_loop3A_543 = vector.bitcast %parallel_loop3A_542 : vector<16xf32> to vector<32xbf16>
        %parallel_loop3A_544 = tpu.vector_load_idx %arg8[%parallel_loop3A_539] : memref<89088xf32, #tpu.memory_space<vmem>>[vector<16xi32>], vector<16xf32>,
        %parallel_loop3A_545 = vector.bitcast %parallel_loop3A_544 : vector<16xf32> to vector<32xbf16>
        %parallel_loop3A_546 = arith.addf %parallel_loop3A_543, %parallel_loop3A_545 : vector<32xbf16>
        %parallel_loop3A_547 = tpu.unpack_subelements %parallel_loop3A_541, 0 {pack_format = #tpu.pack_format<interleaved>} : vector<32xbf16> -> vector<16xf32>
        %parallel_loop3A_548 = tpu.unpack_subelements %parallel_loop3A_541, 1 {pack_format = #tpu.pack_format<interleaved>} : vector<32xbf16> -> vector<16xf32>
        %parallel_loop3A_549 = tpu.unpack_subelements %parallel_loop3A_546, 0 {pack_format = #tpu.pack_format<interleaved>} : vector<32xbf16> -> vector<16xf32>
        %parallel_loop3A_550 = tpu.unpack_subelements %parallel_loop3A_546, 1 {pack_format = #tpu.pack_format<interleaved>} : vector<32xbf16> -> vector<16xf32>
        %parallel_loop3A_551 = arith.addf %parallel_loop3A_547, %parallel_loop3A_549 : vector<16xf32>
        %parallel_loop3A_552 = arith.index_cast %parallel_loop3A_106 : i32 to index
        %parallel_loop3A_553 = arith.constant 480 : index
        %parallel_loop3A_554 = tpu.vector_load %arg14[%parallel_loop3A_552, %parallel_loop3A_553] {strides = array<i32>} : memref<16x768xf32, #tpu.memory_space<vmem>>, vector<16xf32>,
        tpu.vector_store %arg14[%parallel_loop3A_552, %parallel_loop3A_553], %parallel_loop3A_551 {strides = array<i32>} : memref<16x768xf32, #tpu.memory_space<vmem>>, vector<16xf32>,
        %parallel_loop3A_555 = arith.addf %parallel_loop3A_548, %parallel_loop3A_550 : vector<16xf32>
        %parallel_loop3A_556 = arith.index_cast %parallel_loop3A_106 : i32 to index
        %parallel_loop3A_557 = arith.constant 496 : index
        %parallel_loop3A_558 = tpu.vector_load %arg14[%parallel_loop3A_556, %parallel_loop3A_557] {strides = array<i32>} : memref<16x768xf32, #tpu.memory_space<vmem>>, vector<16xf32>,
        tpu.vector_store %arg14[%parallel_loop3A_556, %parallel_loop3A_557], %parallel_loop3A_555 {strides = array<i32>} : memref<16x768xf32, #tpu.memory_space<vmem>>, vector<16xf32>,
        %parallel_loop3A_559 = arith.constant 16 : i32
        %parallel_loop3A_560 = vector.broadcast %parallel_loop3A_559 : i32 to vector<16xi32>
        %parallel_loop3A_561 = arith.addi %parallel_loop3A_533, %parallel_loop3A_560 : vector<16xi32>
        %parallel_loop3A_562 = arith.constant 16 : i32
        %parallel_loop3A_563 = vector.broadcast %parallel_loop3A_562 : i32 to vector<16xi32>
        %parallel_loop3A_564 = arith.addi %parallel_loop3A_536, %parallel_loop3A_563 : vector<16xi32>
        %parallel_loop3A_565 = arith.constant 16 : i32
        %parallel_loop3A_566 = vector.broadcast %parallel_loop3A_565 : i32 to vector<16xi32>
        %parallel_loop3A_567 = arith.addi %parallel_loop3A_539, %parallel_loop3A_566 : vector<16xi32>
        %parallel_loop3A_568 = tpu.vector_load_idx %arg8[%parallel_loop3A_561] : memref<89088xf32, #tpu.memory_space<vmem>>[vector<16xi32>], vector<16xf32>,
        %parallel_loop3A_569 = vector.bitcast %parallel_loop3A_568 : vector<16xf32> to vector<32xbf16>
        %parallel_loop3A_570 = tpu.vector_load_idx %arg8[%parallel_loop3A_564] : memref<89088xf32, #tpu.memory_space<vmem>>[vector<16xi32>], vector<16xf32>,
        %parallel_loop3A_571 = vector.bitcast %parallel_loop3A_570 : vector<16xf32> to vector<32xbf16>
        %parallel_loop3A_572 = tpu.vector_load_idx %arg8[%parallel_loop3A_567] : memref<89088xf32, #tpu.memory_space<vmem>>[vector<16xi32>], vector<16xf32>,
        %parallel_loop3A_573 = vector.bitcast %parallel_loop3A_572 : vector<16xf32> to vector<32xbf16>
        %parallel_loop3A_574 = arith.addf %parallel_loop3A_571, %parallel_loop3A_573 : vector<32xbf16>
        %parallel_loop3A_575 = tpu.unpack_subelements %parallel_loop3A_569, 0 {pack_format = #tpu.pack_format<interleaved>} : vector<32xbf16> -> vector<16xf32>
        %parallel_loop3A_576 = tpu.unpack_subelements %parallel_loop3A_569, 1 {pack_format = #tpu.pack_format<interleaved>} : vector<32xbf16> -> vector<16xf32>
        %parallel_loop3A_577 = tpu.unpack_subelements %parallel_loop3A_574, 0 {pack_format = #tpu.pack_format<interleaved>} : vector<32xbf16> -> vector<16xf32>
        %parallel_loop3A_578 = tpu.unpack_subelements %parallel_loop3A_574, 1 {pack_format = #tpu.pack_format<interleaved>} : vector<32xbf16> -> vector<16xf32>
        %parallel_loop3A_579 = arith.addf %parallel_loop3A_575, %parallel_loop3A_577 : vector<16xf32>
        %parallel_loop3A_580 = arith.index_cast %parallel_loop3A_106 : i32 to index
        %parallel_loop3A_581 = arith.constant 512 : index
        %parallel_loop3A_582 = tpu.vector_load %arg14[%parallel_loop3A_580, %parallel_loop3A_581] {strides = array<i32>} : memref<16x768xf32, #tpu.memory_space<vmem>>, vector<16xf32>,
        tpu.vector_store %arg14[%parallel_loop3A_580, %parallel_loop3A_581], %parallel_loop3A_579 {strides = array<i32>} : memref<16x768xf32, #tpu.memory_space<vmem>>, vector<16xf32>,
        %parallel_loop3A_583 = arith.addf %parallel_loop3A_576, %parallel_loop3A_578 : vector<16xf32>
        %parallel_loop3A_584 = arith.index_cast %parallel_loop3A_106 : i32 to index
        %parallel_loop3A_585 = arith.constant 528 : index
        %parallel_loop3A_586 = tpu.vector_load %arg14[%parallel_loop3A_584, %parallel_loop3A_585] {strides = array<i32>} : memref<16x768xf32, #tpu.memory_space<vmem>>, vector<16xf32>,
        tpu.vector_store %arg14[%parallel_loop3A_584, %parallel_loop3A_585], %parallel_loop3A_583 {strides = array<i32>} : memref<16x768xf32, #tpu.memory_space<vmem>>, vector<16xf32>,
        %parallel_loop3A_587 = arith.constant 16 : i32
        %parallel_loop3A_588 = vector.broadcast %parallel_loop3A_587 : i32 to vector<16xi32>
        %parallel_loop3A_589 = arith.addi %parallel_loop3A_561, %parallel_loop3A_588 : vector<16xi32>
        %parallel_loop3A_590 = arith.constant 16 : i32
        %parallel_loop3A_591 = vector.broadcast %parallel_loop3A_590 : i32 to vector<16xi32>
        %parallel_loop3A_592 = arith.addi %parallel_loop3A_564, %parallel_loop3A_591 : vector<16xi32>
        %parallel_loop3A_593 = arith.constant 16 : i32
        %parallel_loop3A_594 = vector.broadcast %parallel_loop3A_593 : i32 to vector<16xi32>
        %parallel_loop3A_595 = arith.addi %parallel_loop3A_567, %parallel_loop3A_594 : vector<16xi32>
        %parallel_loop3A_596 = tpu.vector_load_idx %arg8[%parallel_loop3A_589] : memref<89088xf32, #tpu.memory_space<vmem>>[vector<16xi32>], vector<16xf32>,
        %parallel_loop3A_597 = vector.bitcast %parallel_loop3A_596 : vector<16xf32> to vector<32xbf16>
        %parallel_loop3A_598 = tpu.vector_load_idx %arg8[%parallel_loop3A_592] : memref<89088xf32, #tpu.memory_space<vmem>>[vector<16xi32>], vector<16xf32>,
        %parallel_loop3A_599 = vector.bitcast %parallel_loop3A_598 : vector<16xf32> to vector<32xbf16>
        %parallel_loop3A_600 = tpu.vector_load_idx %arg8[%parallel_loop3A_595] : memref<89088xf32, #tpu.memory_space<vmem>>[vector<16xi32>], vector<16xf32>,
        %parallel_loop3A_601 = vector.bitcast %parallel_loop3A_600 : vector<16xf32> to vector<32xbf16>
        %parallel_loop3A_602 = arith.addf %parallel_loop3A_599, %parallel_loop3A_601 : vector<32xbf16>
        %parallel_loop3A_603 = tpu.unpack_subelements %parallel_loop3A_597, 0 {pack_format = #tpu.pack_format<interleaved>} : vector<32xbf16> -> vector<16xf32>
        %parallel_loop3A_604 = tpu.unpack_subelements %parallel_loop3A_597, 1 {pack_format = #tpu.pack_format<interleaved>} : vector<32xbf16> -> vector<16xf32>
        %parallel_loop3A_605 = tpu.unpack_subelements %parallel_loop3A_602, 0 {pack_format = #tpu.pack_format<interleaved>} : vector<32xbf16> -> vector<16xf32>
        %parallel_loop3A_606 = tpu.unpack_subelements %parallel_loop3A_602, 1 {pack_format = #tpu.pack_format<interleaved>} : vector<32xbf16> -> vector<16xf32>
        %parallel_loop3A_607 = arith.addf %parallel_loop3A_603, %parallel_loop3A_605 : vector<16xf32>
        %parallel_loop3A_608 = arith.index_cast %parallel_loop3A_106 : i32 to index
        %parallel_loop3A_609 = arith.constant 544 : index
        %parallel_loop3A_610 = tpu.vector_load %arg14[%parallel_loop3A_608, %parallel_loop3A_609] {strides = array<i32>} : memref<16x768xf32, #tpu.memory_space<vmem>>, vector<16xf32>,
        tpu.vector_store %arg14[%parallel_loop3A_608, %parallel_loop3A_609], %parallel_loop3A_607 {strides = array<i32>} : memref<16x768xf32, #tpu.memory_space<vmem>>, vector<16xf32>,
        %parallel_loop3A_611 = arith.addf %parallel_loop3A_604, %parallel_loop3A_606 : vector<16xf32>
        %parallel_loop3A_612 = arith.index_cast %parallel_loop3A_106 : i32 to index
        %parallel_loop3A_613 = arith.constant 560 : index
        %parallel_loop3A_614 = tpu.vector_load %arg14[%parallel_loop3A_612, %parallel_loop3A_613] {strides = array<i32>} : memref<16x768xf32, #tpu.memory_space<vmem>>, vector<16xf32>,
        tpu.vector_store %arg14[%parallel_loop3A_612, %parallel_loop3A_613], %parallel_loop3A_611 {strides = array<i32>} : memref<16x768xf32, #tpu.memory_space<vmem>>, vector<16xf32>,
        %parallel_loop3A_615 = arith.constant 16 : i32
        %parallel_loop3A_616 = vector.broadcast %parallel_loop3A_615 : i32 to vector<16xi32>
        %parallel_loop3A_617 = arith.addi %parallel_loop3A_589, %parallel_loop3A_616 : vector<16xi32>
        %parallel_loop3A_618 = arith.constant 16 : i32
        %parallel_loop3A_619 = vector.broadcast %parallel_loop3A_618 : i32 to vector<16xi32>
        %parallel_loop3A_620 = arith.addi %parallel_loop3A_592, %parallel_loop3A_619 : vector<16xi32>
        %parallel_loop3A_621 = arith.constant 16 : i32
        %parallel_loop3A_622 = vector.broadcast %parallel_loop3A_621 : i32 to vector<16xi32>
        %parallel_loop3A_623 = arith.addi %parallel_loop3A_595, %parallel_loop3A_622 : vector<16xi32>
        %parallel_loop3A_624 = tpu.vector_load_idx %arg8[%parallel_loop3A_617] : memref<89088xf32, #tpu.memory_space<vmem>>[vector<16xi32>], vector<16xf32>,
        %parallel_loop3A_625 = vector.bitcast %parallel_loop3A_624 : vector<16xf32> to vector<32xbf16>
        %parallel_loop3A_626 = tpu.vector_load_idx %arg8[%parallel_loop3A_620] : memref<89088xf32, #tpu.memory_space<vmem>>[vector<16xi32>], vector<16xf32>,
        %parallel_loop3A_627 = vector.bitcast %parallel_loop3A_626 : vector<16xf32> to vector<32xbf16>
        %parallel_loop3A_628 = tpu.vector_load_idx %arg8[%parallel_loop3A_623] : memref<89088xf32, #tpu.memory_space<vmem>>[vector<16xi32>], vector<16xf32>,
        %parallel_loop3A_629 = vector.bitcast %parallel_loop3A_628 : vector<16xf32> to vector<32xbf16>
        %parallel_loop3A_630 = arith.addf %parallel_loop3A_627, %parallel_loop3A_629 : vector<32xbf16>
        %parallel_loop3A_631 = tpu.unpack_subelements %parallel_loop3A_625, 0 {pack_format = #tpu.pack_format<interleaved>} : vector<32xbf16> -> vector<16xf32>
        %parallel_loop3A_632 = tpu.unpack_subelements %parallel_loop3A_625, 1 {pack_format = #tpu.pack_format<interleaved>} : vector<32xbf16> -> vector<16xf32>
        %parallel_loop3A_633 = tpu.unpack_subelements %parallel_loop3A_630, 0 {pack_format = #tpu.pack_format<interleaved>} : vector<32xbf16> -> vector<16xf32>
        %parallel_loop3A_634 = tpu.unpack_subelements %parallel_loop3A_630, 1 {pack_format = #tpu.pack_format<interleaved>} : vector<32xbf16> -> vector<16xf32>
        %parallel_loop3A_635 = arith.addf %parallel_loop3A_631, %parallel_loop3A_633 : vector<16xf32>
        %parallel_loop3A_636 = arith.index_cast %parallel_loop3A_106 : i32 to index
        %parallel_loop3A_637 = arith.constant 576 : index
        %parallel_loop3A_638 = tpu.vector_load %arg14[%parallel_loop3A_636, %parallel_loop3A_637] {strides = array<i32>} : memref<16x768xf32, #tpu.memory_space<vmem>>, vector<16xf32>,
        tpu.vector_store %arg14[%parallel_loop3A_636, %parallel_loop3A_637], %parallel_loop3A_635 {strides = array<i32>} : memref<16x768xf32, #tpu.memory_space<vmem>>, vector<16xf32>,
        %parallel_loop3A_639 = arith.addf %parallel_loop3A_632, %parallel_loop3A_634 : vector<16xf32>
        %parallel_loop3A_640 = arith.index_cast %parallel_loop3A_106 : i32 to index
        %parallel_loop3A_641 = arith.constant 592 : index
        %parallel_loop3A_642 = tpu.vector_load %arg14[%parallel_loop3A_640, %parallel_loop3A_641] {strides = array<i32>} : memref<16x768xf32, #tpu.memory_space<vmem>>, vector<16xf32>,
        tpu.vector_store %arg14[%parallel_loop3A_640, %parallel_loop3A_641], %parallel_loop3A_639 {strides = array<i32>} : memref<16x768xf32, #tpu.memory_space<vmem>>, vector<16xf32>,
        %parallel_loop3A_643 = arith.constant 16 : i32
        %parallel_loop3A_644 = vector.broadcast %parallel_loop3A_643 : i32 to vector<16xi32>
        %parallel_loop3A_645 = arith.addi %parallel_loop3A_617, %parallel_loop3A_644 : vector<16xi32>
        %parallel_loop3A_646 = arith.constant 16 : i32
        %parallel_loop3A_647 = vector.broadcast %parallel_loop3A_646 : i32 to vector<16xi32>
        %parallel_loop3A_648 = arith.addi %parallel_loop3A_620, %parallel_loop3A_647 : vector<16xi32>
        %parallel_loop3A_649 = arith.constant 16 : i32
        %parallel_loop3A_650 = vector.broadcast %parallel_loop3A_649 : i32 to vector<16xi32>
        %parallel_loop3A_651 = arith.addi %parallel_loop3A_623, %parallel_loop3A_650 : vector<16xi32>
        %parallel_loop3A_652 = tpu.vector_load_idx %arg8[%parallel_loop3A_645] : memref<89088xf32, #tpu.memory_space<vmem>>[vector<16xi32>], vector<16xf32>,
        %parallel_loop3A_653 = vector.bitcast %parallel_loop3A_652 : vector<16xf32> to vector<32xbf16>
        %parallel_loop3A_654 = tpu.vector_load_idx %arg8[%parallel_loop3A_648] : memref<89088xf32, #tpu.memory_space<vmem>>[vector<16xi32>], vector<16xf32>,
        %parallel_loop3A_655 = vector.bitcast %parallel_loop3A_654 : vector<16xf32> to vector<32xbf16>
        %parallel_loop3A_656 = tpu.vector_load_idx %arg8[%parallel_loop3A_651] : memref<89088xf32, #tpu.memory_space<vmem>>[vector<16xi32>], vector<16xf32>,
        %parallel_loop3A_657 = vector.bitcast %parallel_loop3A_656 : vector<16xf32> to vector<32xbf16>
        %parallel_loop3A_658 = arith.addf %parallel_loop3A_655, %parallel_loop3A_657 : vector<32xbf16>
        %parallel_loop3A_659 = tpu.unpack_subelements %parallel_loop3A_653, 0 {pack_format = #tpu.pack_format<interleaved>} : vector<32xbf16> -> vector<16xf32>
        %parallel_loop3A_660 = tpu.unpack_subelements %parallel_loop3A_653, 1 {pack_format = #tpu.pack_format<interleaved>} : vector<32xbf16> -> vector<16xf32>
        %parallel_loop3A_661 = tpu.unpack_subelements %parallel_loop3A_658, 0 {pack_format = #tpu.pack_format<interleaved>} : vector<32xbf16> -> vector<16xf32>
        %parallel_loop3A_662 = tpu.unpack_subelements %parallel_loop3A_658, 1 {pack_format = #tpu.pack_format<interleaved>} : vector<32xbf16> -> vector<16xf32>
        %parallel_loop3A_663 = arith.addf %parallel_loop3A_659, %parallel_loop3A_661 : vector<16xf32>
        %parallel_loop3A_664 = arith.index_cast %parallel_loop3A_106 : i32 to index
        %parallel_loop3A_665 = arith.constant 608 : index
        %parallel_loop3A_666 = tpu.vector_load %arg14[%parallel_loop3A_664, %parallel_loop3A_665] {strides = array<i32>} : memref<16x768xf32, #tpu.memory_space<vmem>>, vector<16xf32>,
        tpu.vector_store %arg14[%parallel_loop3A_664, %parallel_loop3A_665], %parallel_loop3A_663 {strides = array<i32>} : memref<16x768xf32, #tpu.memory_space<vmem>>, vector<16xf32>,
        %parallel_loop3A_667 = arith.addf %parallel_loop3A_660, %parallel_loop3A_662 : vector<16xf32>
        %parallel_loop3A_668 = arith.index_cast %parallel_loop3A_106 : i32 to index
        %parallel_loop3A_669 = arith.constant 624 : index
        %parallel_loop3A_670 = tpu.vector_load %arg14[%parallel_loop3A_668, %parallel_loop3A_669] {strides = array<i32>} : memref<16x768xf32, #tpu.memory_space<vmem>>, vector<16xf32>,
        tpu.vector_store %arg14[%parallel_loop3A_668, %parallel_loop3A_669], %parallel_loop3A_667 {strides = array<i32>} : memref<16x768xf32, #tpu.memory_space<vmem>>, vector<16xf32>,
        %parallel_loop3A_671 = arith.constant 16 : i32
        %parallel_loop3A_672 = vector.broadcast %parallel_loop3A_671 : i32 to vector<16xi32>
        %parallel_loop3A_673 = arith.addi %parallel_loop3A_645, %parallel_loop3A_672 : vector<16xi32>
        %parallel_loop3A_674 = arith.constant 16 : i32
        %parallel_loop3A_675 = vector.broadcast %parallel_loop3A_674 : i32 to vector<16xi32>
        %parallel_loop3A_676 = arith.addi %parallel_loop3A_648, %parallel_loop3A_675 : vector<16xi32>
        %parallel_loop3A_677 = arith.constant 16 : i32
        %parallel_loop3A_678 = vector.broadcast %parallel_loop3A_677 : i32 to vector<16xi32>
        %parallel_loop3A_679 = arith.addi %parallel_loop3A_651, %parallel_loop3A_678 : vector<16xi32>
        %parallel_loop3A_680 = tpu.vector_load_idx %arg8[%parallel_loop3A_673] : memref<89088xf32, #tpu.memory_space<vmem>>[vector<16xi32>], vector<16xf32>,
        %parallel_loop3A_681 = vector.bitcast %parallel_loop3A_680 : vector<16xf32> to vector<32xbf16>
        %parallel_loop3A_682 = tpu.vector_load_idx %arg8[%parallel_loop3A_676] : memref<89088xf32, #tpu.memory_space<vmem>>[vector<16xi32>], vector<16xf32>,
        %parallel_loop3A_683 = vector.bitcast %parallel_loop3A_682 : vector<16xf32> to vector<32xbf16>
        %parallel_loop3A_684 = tpu.vector_load_idx %arg8[%parallel_loop3A_679] : memref<89088xf32, #tpu.memory_space<vmem>>[vector<16xi32>], vector<16xf32>,
        %parallel_loop3A_685 = vector.bitcast %parallel_loop3A_684 : vector<16xf32> to vector<32xbf16>
        %parallel_loop3A_686 = arith.addf %parallel_loop3A_683, %parallel_loop3A_685 : vector<32xbf16>
        %parallel_loop3A_687 = tpu.unpack_subelements %parallel_loop3A_681, 0 {pack_format = #tpu.pack_format<interleaved>} : vector<32xbf16> -> vector<16xf32>
        %parallel_loop3A_688 = tpu.unpack_subelements %parallel_loop3A_681, 1 {pack_format = #tpu.pack_format<interleaved>} : vector<32xbf16> -> vector<16xf32>
        %parallel_loop3A_689 = tpu.unpack_subelements %parallel_loop3A_686, 0 {pack_format = #tpu.pack_format<interleaved>} : vector<32xbf16> -> vector<16xf32>
        %parallel_loop3A_690 = tpu.unpack_subelements %parallel_loop3A_686, 1 {pack_format = #tpu.pack_format<interleaved>} : vector<32xbf16> -> vector<16xf32>
        %parallel_loop3A_691 = arith.addf %parallel_loop3A_687, %parallel_loop3A_689 : vector<16xf32>
        %parallel_loop3A_692 = arith.index_cast %parallel_loop3A_106 : i32 to index
        %parallel_loop3A_693 = arith.constant 640 : index
        %parallel_loop3A_694 = tpu.vector_load %arg14[%parallel_loop3A_692, %parallel_loop3A_693] {strides = array<i32>} : memref<16x768xf32, #tpu.memory_space<vmem>>, vector<16xf32>,
        tpu.vector_store %arg14[%parallel_loop3A_692, %parallel_loop3A_693], %parallel_loop3A_691 {strides = array<i32>} : memref<16x768xf32, #tpu.memory_space<vmem>>, vector<16xf32>,
        %parallel_loop3A_695 = arith.addf %parallel_loop3A_688, %parallel_loop3A_690 : vector<16xf32>
        %parallel_loop3A_696 = arith.index_cast %parallel_loop3A_106 : i32 to index
        %parallel_loop3A_697 = arith.constant 656 : index
        %parallel_loop3A_698 = tpu.vector_load %arg14[%parallel_loop3A_696, %parallel_loop3A_697] {strides = array<i32>} : memref<16x768xf32, #tpu.memory_space<vmem>>, vector<16xf32>,
        tpu.vector_store %arg14[%parallel_loop3A_696, %parallel_loop3A_697], %parallel_loop3A_695 {strides = array<i32>} : memref<16x768xf32, #tpu.memory_space<vmem>>, vector<16xf32>,
        %parallel_loop3A_699 = arith.constant 16 : i32
        %parallel_loop3A_700 = vector.broadcast %parallel_loop3A_699 : i32 to vector<16xi32>
        %parallel_loop3A_701 = arith.addi %parallel_loop3A_673, %parallel_loop3A_700 : vector<16xi32>
        %parallel_loop3A_702 = arith.constant 16 : i32
        %parallel_loop3A_703 = vector.broadcast %parallel_loop3A_702 : i32 to vector<16xi32>
        %parallel_loop3A_704 = arith.addi %parallel_loop3A_676, %parallel_loop3A_703 : vector<16xi32>
        %parallel_loop3A_705 = arith.constant 16 : i32
        %parallel_loop3A_706 = vector.broadcast %parallel_loop3A_705 : i32 to vector<16xi32>
        %parallel_loop3A_707 = arith.addi %parallel_loop3A_679, %parallel_loop3A_706 : vector<16xi32>
        %parallel_loop3A_708 = tpu.vector_load_idx %arg8[%parallel_loop3A_701] : memref<89088xf32, #tpu.memory_space<vmem>>[vector<16xi32>], vector<16xf32>,
        %parallel_loop3A_709 = vector.bitcast %parallel_loop3A_708 : vector<16xf32> to vector<32xbf16>
        %parallel_loop3A_710 = tpu.vector_load_idx %arg8[%parallel_loop3A_704] : memref<89088xf32, #tpu.memory_space<vmem>>[vector<16xi32>], vector<16xf32>,
        %parallel_loop3A_711 = vector.bitcast %parallel_loop3A_710 : vector<16xf32> to vector<32xbf16>
        %parallel_loop3A_712 = tpu.vector_load_idx %arg8[%parallel_loop3A_707] : memref<89088xf32, #tpu.memory_space<vmem>>[vector<16xi32>], vector<16xf32>,
        %parallel_loop3A_713 = vector.bitcast %parallel_loop3A_712 : vector<16xf32> to vector<32xbf16>
        %parallel_loop3A_714 = arith.addf %parallel_loop3A_711, %parallel_loop3A_713 : vector<32xbf16>
        %parallel_loop3A_715 = tpu.unpack_subelements %parallel_loop3A_709, 0 {pack_format = #tpu.pack_format<interleaved>} : vector<32xbf16> -> vector<16xf32>
        %parallel_loop3A_716 = tpu.unpack_subelements %parallel_loop3A_709, 1 {pack_format = #tpu.pack_format<interleaved>} : vector<32xbf16> -> vector<16xf32>
        %parallel_loop3A_717 = tpu.unpack_subelements %parallel_loop3A_714, 0 {pack_format = #tpu.pack_format<interleaved>} : vector<32xbf16> -> vector<16xf32>
        %parallel_loop3A_718 = tpu.unpack_subelements %parallel_loop3A_714, 1 {pack_format = #tpu.pack_format<interleaved>} : vector<32xbf16> -> vector<16xf32>
        %parallel_loop3A_719 = arith.addf %parallel_loop3A_715, %parallel_loop3A_717 : vector<16xf32>
        %parallel_loop3A_720 = arith.index_cast %parallel_loop3A_106 : i32 to index
        %parallel_loop3A_721 = arith.constant 672 : index
        %parallel_loop3A_722 = tpu.vector_load %arg14[%parallel_loop3A_720, %parallel_loop3A_721] {strides = array<i32>} : memref<16x768xf32, #tpu.memory_space<vmem>>, vector<16xf32>,
        tpu.vector_store %arg14[%parallel_loop3A_720, %parallel_loop3A_721], %parallel_loop3A_719 {strides = array<i32>} : memref<16x768xf32, #tpu.memory_space<vmem>>, vector<16xf32>,
        %parallel_loop3A_723 = arith.addf %parallel_loop3A_716, %parallel_loop3A_718 : vector<16xf32>
        %parallel_loop3A_724 = arith.index_cast %parallel_loop3A_106 : i32 to index
        %parallel_loop3A_725 = arith.constant 688 : index
        %parallel_loop3A_726 = tpu.vector_load %arg14[%parallel_loop3A_724, %parallel_loop3A_725] {strides = array<i32>} : memref<16x768xf32, #tpu.memory_space<vmem>>, vector<16xf32>,
        tpu.vector_store %arg14[%parallel_loop3A_724, %parallel_loop3A_725], %parallel_loop3A_723 {strides = array<i32>} : memref<16x768xf32, #tpu.memory_space<vmem>>, vector<16xf32>,
        %parallel_loop3A_727 = arith.constant 16 : i32
        %parallel_loop3A_728 = vector.broadcast %parallel_loop3A_727 : i32 to vector<16xi32>
        %parallel_loop3A_729 = arith.addi %parallel_loop3A_701, %parallel_loop3A_728 : vector<16xi32>
        %parallel_loop3A_730 = arith.constant 16 : i32
        %parallel_loop3A_731 = vector.broadcast %parallel_loop3A_730 : i32 to vector<16xi32>
        %parallel_loop3A_732 = arith.addi %parallel_loop3A_704, %parallel_loop3A_731 : vector<16xi32>
        %parallel_loop3A_733 = arith.constant 16 : i32
        %parallel_loop3A_734 = vector.broadcast %parallel_loop3A_733 : i32 to vector<16xi32>
        %parallel_loop3A_735 = arith.addi %parallel_loop3A_707, %parallel_loop3A_734 : vector<16xi32>
        %parallel_loop3A_736 = tpu.vector_load_idx %arg8[%parallel_loop3A_729] : memref<89088xf32, #tpu.memory_space<vmem>>[vector<16xi32>], vector<16xf32>,
        %parallel_loop3A_737 = vector.bitcast %parallel_loop3A_736 : vector<16xf32> to vector<32xbf16>
        %parallel_loop3A_738 = tpu.vector_load_idx %arg8[%parallel_loop3A_732] : memref<89088xf32, #tpu.memory_space<vmem>>[vector<16xi32>], vector<16xf32>,
        %parallel_loop3A_739 = vector.bitcast %parallel_loop3A_738 : vector<16xf32> to vector<32xbf16>
        %parallel_loop3A_740 = tpu.vector_load_idx %arg8[%parallel_loop3A_735] : memref<89088xf32, #tpu.memory_space<vmem>>[vector<16xi32>], vector<16xf32>,
        %parallel_loop3A_741 = vector.bitcast %parallel_loop3A_740 : vector<16xf32> to vector<32xbf16>
        %parallel_loop3A_742 = arith.addf %parallel_loop3A_739, %parallel_loop3A_741 : vector<32xbf16>
        %parallel_loop3A_743 = tpu.unpack_subelements %parallel_loop3A_737, 0 {pack_format = #tpu.pack_format<interleaved>} : vector<32xbf16> -> vector<16xf32>
        %parallel_loop3A_744 = tpu.unpack_subelements %parallel_loop3A_737, 1 {pack_format = #tpu.pack_format<interleaved>} : vector<32xbf16> -> vector<16xf32>
        %parallel_loop3A_745 = tpu.unpack_subelements %parallel_loop3A_742, 0 {pack_format = #tpu.pack_format<interleaved>} : vector<32xbf16> -> vector<16xf32>
        %parallel_loop3A_746 = tpu.unpack_subelements %parallel_loop3A_742, 1 {pack_format = #tpu.pack_format<interleaved>} : vector<32xbf16> -> vector<16xf32>
        %parallel_loop3A_747 = arith.addf %parallel_loop3A_743, %parallel_loop3A_745 : vector<16xf32>
        %parallel_loop3A_748 = arith.index_cast %parallel_loop3A_106 : i32 to index
        %parallel_loop3A_749 = arith.constant 704 : index
        %parallel_loop3A_750 = tpu.vector_load %arg14[%parallel_loop3A_748, %parallel_loop3A_749] {strides = array<i32>} : memref<16x768xf32, #tpu.memory_space<vmem>>, vector<16xf32>,
        tpu.vector_store %arg14[%parallel_loop3A_748, %parallel_loop3A_749], %parallel_loop3A_747 {strides = array<i32>} : memref<16x768xf32, #tpu.memory_space<vmem>>, vector<16xf32>,
        %parallel_loop3A_751 = arith.addf %parallel_loop3A_744, %parallel_loop3A_746 : vector<16xf32>
        %parallel_loop3A_752 = arith.index_cast %parallel_loop3A_106 : i32 to index
        %parallel_loop3A_753 = arith.constant 720 : index
        %parallel_loop3A_754 = tpu.vector_load %arg14[%parallel_loop3A_752, %parallel_loop3A_753] {strides = array<i32>} : memref<16x768xf32, #tpu.memory_space<vmem>>, vector<16xf32>,
        tpu.vector_store %arg14[%parallel_loop3A_752, %parallel_loop3A_753], %parallel_loop3A_751 {strides = array<i32>} : memref<16x768xf32, #tpu.memory_space<vmem>>, vector<16xf32>,
        %parallel_loop3A_755 = arith.constant 16 : i32
        %parallel_loop3A_756 = vector.broadcast %parallel_loop3A_755 : i32 to vector<16xi32>
        %parallel_loop3A_757 = arith.addi %parallel_loop3A_729, %parallel_loop3A_756 : vector<16xi32>
        %parallel_loop3A_758 = arith.constant 16 : i32
        %parallel_loop3A_759 = vector.broadcast %parallel_loop3A_758 : i32 to vector<16xi32>
        %parallel_loop3A_760 = arith.addi %parallel_loop3A_732, %parallel_loop3A_759 : vector<16xi32>
        %parallel_loop3A_761 = arith.constant 16 : i32
        %parallel_loop3A_762 = vector.broadcast %parallel_loop3A_761 : i32 to vector<16xi32>
        %parallel_loop3A_763 = arith.addi %parallel_loop3A_735, %parallel_loop3A_762 : vector<16xi32>
        %parallel_loop3A_764 = tpu.vector_load_idx %arg8[%parallel_loop3A_757] : memref<89088xf32, #tpu.memory_space<vmem>>[vector<16xi32>], vector<16xf32>,
        %parallel_loop3A_765 = vector.bitcast %parallel_loop3A_764 : vector<16xf32> to vector<32xbf16>
        %parallel_loop3A_766 = tpu.vector_load_idx %arg8[%parallel_loop3A_760] : memref<89088xf32, #tpu.memory_space<vmem>>[vector<16xi32>], vector<16xf32>,
        %parallel_loop3A_767 = vector.bitcast %parallel_loop3A_766 : vector<16xf32> to vector<32xbf16>
        %parallel_loop3A_768 = tpu.vector_load_idx %arg8[%parallel_loop3A_763] : memref<89088xf32, #tpu.memory_space<vmem>>[vector<16xi32>], vector<16xf32>,
        %parallel_loop3A_769 = vector.bitcast %parallel_loop3A_768 : vector<16xf32> to vector<32xbf16>
        %parallel_loop3A_770 = arith.addf %parallel_loop3A_767, %parallel_loop3A_769 : vector<32xbf16>
        %parallel_loop3A_771 = tpu.unpack_subelements %parallel_loop3A_765, 0 {pack_format = #tpu.pack_format<interleaved>} : vector<32xbf16> -> vector<16xf32>
        %parallel_loop3A_772 = tpu.unpack_subelements %parallel_loop3A_765, 1 {pack_format = #tpu.pack_format<interleaved>} : vector<32xbf16> -> vector<16xf32>
        %parallel_loop3A_773 = tpu.unpack_subelements %parallel_loop3A_770, 0 {pack_format = #tpu.pack_format<interleaved>} : vector<32xbf16> -> vector<16xf32>
        %parallel_loop3A_774 = tpu.unpack_subelements %parallel_loop3A_770, 1 {pack_format = #tpu.pack_format<interleaved>} : vector<32xbf16> -> vector<16xf32>
        %parallel_loop3A_775 = arith.addf %parallel_loop3A_771, %parallel_loop3A_773 : vector<16xf32>
        %parallel_loop3A_776 = arith.index_cast %parallel_loop3A_106 : i32 to index
        %parallel_loop3A_777 = arith.constant 736 : index
        %parallel_loop3A_778 = tpu.vector_load %arg14[%parallel_loop3A_776, %parallel_loop3A_777] {strides = array<i32>} : memref<16x768xf32, #tpu.memory_space<vmem>>, vector<16xf32>,
        tpu.vector_store %arg14[%parallel_loop3A_776, %parallel_loop3A_777], %parallel_loop3A_775 {strides = array<i32>} : memref<16x768xf32, #tpu.memory_space<vmem>>, vector<16xf32>,
        %parallel_loop3A_779 = arith.addf %parallel_loop3A_772, %parallel_loop3A_774 : vector<16xf32>
        %parallel_loop3A_780 = arith.index_cast %parallel_loop3A_106 : i32 to index
        %parallel_loop3A_781 = arith.constant 752 : index
        %parallel_loop3A_782 = tpu.vector_load %arg14[%parallel_loop3A_780, %parallel_loop3A_781] {strides = array<i32>} : memref<16x768xf32, #tpu.memory_space<vmem>>, vector<16xf32>,
        tpu.vector_store %arg14[%parallel_loop3A_780, %parallel_loop3A_781], %parallel_loop3A_779 {strides = array<i32>} : memref<16x768xf32, #tpu.memory_space<vmem>>, vector<16xf32>,
      } {sc.loop_unroll_factor = 1 : i64, sc.parallel_access}
      %mul3A_98 = arith.constant 16 : i32
      %mul3A_99 = arith.muli %add3A_77, %mul3A_98 : i32
      %add3A_100 = arith.addi %mul3A_2, %mul3A_99 : i32
      %dma_start3A_101 = arith.constant 0 : i32
      %dma_start3A_102 = tpu.memref_slice %arg7[%add3A_100, %dma_start3A_101] : memref<16384x768xf32, #tpu.memory_space<hbm>> -> memref<16x768xf32, #tpu.memory_space<hbm>>
      %dma_start3A_103 = arith.constant 0 : i32
      %dma_start3A_104 = tpu.memref_slice %arg7[%add3A_100, %dma_start3A_103] : memref<16384x768xf32, #tpu.memory_space<hbm>> -> memref<16x768xf32, #tpu.memory_space<hbm>>
      tpu.enqueue_dma source(%arg14 : memref<16x768xf32, #tpu.memory_space<vmem>>) target(%dma_start3A_104 : memref<16x768xf32, #tpu.memory_space<hbm>>) target_semaphore(%arg15 : memref<!tpu.dma_semaphore, #tpu.memory_space<semaphore_mem>>)
      %scan3A_105 = arith.constant 0 : i32
      scf.yield %scan3A_105 : i32
    }
    %scan3A_32 = arith.constant 16 : i32
    %dma_wait3A_33 = arith.constant 0 : i32
    %dma_wait3A_34 = arith.constant 0 : i32
    %dma_wait3A_35 = tpu.memref_slice %arg7[%dma_wait3A_33, %dma_wait3A_34] : memref<16384x768xf32, #tpu.memory_space<hbm>> -> memref<16x768xf32, #tpu.memory_space<hbm>>
    %dma_wait3A_36 = arith.constant 0 : i32
    %dma_wait3A_37 = arith.constant 0 : i32
    %dma_wait3A_38 = tpu.memref_slice %arg7[%dma_wait3A_36, %dma_wait3A_37] : memref<16384x768xf32, #tpu.memory_space<hbm>> -> memref<16x768xf32, #tpu.memory_space<hbm>>
    tpu.wait_dma2 semaphore(%arg15 : memref<!tpu.dma_semaphore, #tpu.memory_space<semaphore_mem>>) src(%arg13 : memref<16x768xf32, #tpu.memory_space<vmem>>) dst(%dma_wait3A_38 : memref<16x768xf32, #tpu.memory_space<hbm>>)
    %dma_wait3A_39 = arith.constant 0 : i32
    %dma_wait3A_40 = arith.constant 0 : i32
    %dma_wait3A_41 = tpu.memref_slice %arg7[%dma_wait3A_39, %dma_wait3A_40] : memref<16384x768xf32, #tpu.memory_space<hbm>> -> memref<16x768xf32, #tpu.memory_space<hbm>>
    %dma_wait3A_42 = arith.constant 0 : i32
    %dma_wait3A_43 = arith.constant 0 : i32
    %dma_wait3A_44 = tpu.memref_slice %arg7[%dma_wait3A_42, %dma_wait3A_43] : memref<16384x768xf32, #tpu.memory_space<hbm>> -> memref<16x768xf32, #tpu.memory_space<hbm>>
    tpu.wait_dma2 semaphore(%arg15 : memref<!tpu.dma_semaphore, #tpu.memory_space<semaphore_mem>>) src(%arg14 : memref<16x768xf32, #tpu.memory_space<vmem>>) dst(%dma_wait3A_44 : memref<16x768xf32, #tpu.memory_space<hbm>>)
    return
  }
}

module attributes {stable_mosaic.version = 14 : i64} {
  func.func @_proj_body(%arg0: memref<24x192xf32, #tpu.memory_space<vmem>>, %arg1: memref<7x192xf32, #tpu.memory_space<vmem>>, %arg2: memref<52x192xf32, #tpu.memory_space<vmem>>, %arg3: memref<12x192xf32, #tpu.memory_space<vmem>>, %arg4: memref<768x768xf32, #tpu.memory_space<vmem>>, %arg5: memref<1x768xf32, #tpu.memory_space<vmem>>, %arg6: memref<168x31xf32, #tpu.memory_space<vmem>>, %arg7: memref<768x768xf32, #tpu.memory_space<vmem>>, %arg8: memref<232x384xf32, #tpu.memory_space<vmem>>) attributes {dimension_semantics = [], scalar_prefetch = 0 : i64, scratch_operands = 0 : i64, tpu.core_type = #tpu.core_type<tc>} {
    %get3A = arith.constant 0 : index
    %get3A_0 = arith.constant 0 : index
    %get3A_1 = vector.load %arg0[%get3A, %get3A_0] : memref<24x192xf32, #tpu.memory_space<vmem>>, vector<24x192xf32>
    %get3A_2 = arith.constant 0 : index
    %get3A_3 = arith.constant 0 : index
    %get3A_4 = vector.load %arg4[%get3A_2, %get3A_3] : memref<768x768xf32, #tpu.memory_space<vmem>>, vector<768x192xf32>
    %dot_general3A = arith.constant dense<0.000000e+00> : vector<24x768xf32>
    %dot_general3A_5 = tpu.matmul %get3A_1, %get3A_4, %dot_general3A {dimension_numbers = #tpu.dot_dimension_numbers<[1], [1], [0], [0], [0, 0, 1, 0], [], []>, transpose_lhs_hint = false} : vector<24x192xf32>, vector<768x192xf32>, vector<24x768xf32> -> vector<24x768xf32>
    %get3A_6 = arith.constant 0 : index
    %get3A_7 = arith.constant 0 : index
    %get3A_8 = vector.load %arg1[%get3A_6, %get3A_7] : memref<7x192xf32, #tpu.memory_space<vmem>>, vector<7x192xf32>
    %get3A_9 = arith.constant 0 : index
    %get3A_10 = arith.constant 192 : index
    %get3A_11 = vector.load %arg4[%get3A_9, %get3A_10] : memref<768x768xf32, #tpu.memory_space<vmem>>, vector<768x192xf32>
    %dot_general3A_12 = arith.constant dense<0.000000e+00> : vector<7x768xf32>
    %dot_general3A_13 = tpu.matmul %get3A_8, %get3A_11, %dot_general3A_12 {dimension_numbers = #tpu.dot_dimension_numbers<[1], [1], [0], [0], [0, 0, 1, 0], [], []>, transpose_lhs_hint = false} : vector<7x192xf32>, vector<768x192xf32>, vector<7x768xf32> -> vector<7x768xf32>
    %get3A_14 = arith.constant 0 : index
    %get3A_15 = arith.constant 0 : index
    %get3A_16 = vector.load %arg2[%get3A_14, %get3A_15] : memref<52x192xf32, #tpu.memory_space<vmem>>, vector<52x192xf32>
    %get3A_17 = arith.constant 0 : index
    %get3A_18 = arith.constant 384 : index
    %get3A_19 = vector.load %arg4[%get3A_17, %get3A_18] : memref<768x768xf32, #tpu.memory_space<vmem>>, vector<768x192xf32>
    %dot_general3A_20 = arith.constant dense<0.000000e+00> : vector<52x768xf32>
    %dot_general3A_21 = tpu.matmul %get3A_16, %get3A_19, %dot_general3A_20 {dimension_numbers = #tpu.dot_dimension_numbers<[1], [1], [0], [0], [0, 0, 1, 0], [], []>, transpose_lhs_hint = false} : vector<52x192xf32>, vector<768x192xf32>, vector<52x768xf32> -> vector<52x768xf32>
    %get3A_22 = arith.constant 0 : index
    %get3A_23 = arith.constant 0 : index
    %get3A_24 = vector.load %arg3[%get3A_22, %get3A_23] : memref<12x192xf32, #tpu.memory_space<vmem>>, vector<12x192xf32>
    %get3A_25 = arith.constant 0 : index
    %get3A_26 = arith.constant 576 : index
    %get3A_27 = vector.load %arg4[%get3A_25, %get3A_26] : memref<768x768xf32, #tpu.memory_space<vmem>>, vector<768x192xf32>
    %dot_general3A_28 = arith.constant dense<0.000000e+00> : vector<12x768xf32>
    %dot_general3A_29 = tpu.matmul %get3A_24, %get3A_27, %dot_general3A_28 {dimension_numbers = #tpu.dot_dimension_numbers<[1], [1], [0], [0], [0, 0, 1, 0], [], []>, transpose_lhs_hint = false} : vector<12x192xf32>, vector<768x192xf32>, vector<12x768xf32> -> vector<12x768xf32>
    %get3A_30 = arith.constant 0 : index
    %get3A_31 = arith.constant 0 : index
    %get3A_32 = vector.load %arg6[%get3A_30, %get3A_31] : memref<168x31xf32, #tpu.memory_space<vmem>>, vector<168x31xf32>
    %concatenate3A = tpu.concatenate %dot_general3A_5, %dot_general3A_13 in 0 : vector<24x768xf32>, vector<7x768xf32> -> vector<31x768xf32>
    %dot_general3A_33 = arith.constant dense<0.000000e+00> : vector<168x768xf32>
    %dot_general3A_34 = tpu.matmul %get3A_32, %concatenate3A, %dot_general3A_33 {dimension_numbers = #tpu.dot_dimension_numbers<[1], [0], [0], [1], [0, 0, 1, 1], [], []>, transpose_lhs_hint = false} : vector<168x31xf32>, vector<31x768xf32>, vector<168x768xf32> -> vector<168x768xf32>
    %get3A_35 = arith.constant 0 : index
    %get3A_36 = arith.constant 0 : index
    %get3A_37 = vector.load %arg5[%get3A_35, %get3A_36] : memref<1x768xf32, #tpu.memory_space<vmem>>, vector<1x768xf32>
    %add3A = vector.broadcast %get3A_37 : vector<1x768xf32> to vector<168x768xf32>
    %add3A_38 = arith.addf %dot_general3A_34, %add3A : vector<168x768xf32>
    %concatenate3A_39 = tpu.concatenate %add3A_38, %dot_general3A_21, %dot_general3A_29 in 0 : vector<168x768xf32>, vector<52x768xf32>, vector<12x768xf32> -> vector<232x768xf32>
    %get3A_40 = arith.constant 0 : index
    %get3A_41 = arith.constant 0 : index
    %get3A_42 = vector.load %arg7[%get3A_40, %get3A_41] : memref<768x768xf32, #tpu.memory_space<vmem>>, vector<768x768xf32>
    %dot_general3A_43 = arith.constant dense<0.000000e+00> : vector<232x768xf32>
    %dot_general3A_44 = tpu.matmul %concatenate3A_39, %get3A_42, %dot_general3A_43 {dimension_numbers = #tpu.dot_dimension_numbers<[1], [0], [0], [1], [0, 0, 1, 1], [], []>, transpose_lhs_hint = false} : vector<232x768xf32>, vector<768x768xf32>, vector<232x768xf32> -> vector<232x768xf32>
    %slice3A = vector.extract_strided_slice %dot_general3A_44 {offsets = [0, 0], sizes = [232, 384], strides = [1, 1]} : vector<232x768xf32> to vector<232x384xf32>
    %convert_element_type3A = arith.truncf %slice3A : vector<232x384xf32> to vector<232x384xbf16>
    %bitcast_convert_type3A = tpu.bitcast %convert_element_type3A : vector<232x384xbf16> -> vector<232x384xi16>
    %convert_element_type3A_45 = arith.extui %bitcast_convert_type3A : vector<232x384xi16> to vector<232x384xi32>
    %slice3A_46 = vector.extract_strided_slice %dot_general3A_44 {offsets = [0, 384], sizes = [232, 384], strides = [1, 1]} : vector<232x768xf32> to vector<232x384xf32>
    %convert_element_type3A_47 = arith.truncf %slice3A_46 : vector<232x384xf32> to vector<232x384xbf16>
    %bitcast_convert_type3A_48 = tpu.bitcast %convert_element_type3A_47 : vector<232x384xbf16> -> vector<232x384xi16>
    %convert_element_type3A_49 = arith.extui %bitcast_convert_type3A_48 : vector<232x384xi16> to vector<232x384xi32>
    %shift_left3A = arith.constant 16 : i32
    %shift_left3A_50 = vector.broadcast %shift_left3A : i32 to vector<232x384xi32>
    %shift_left3A_51 = arith.shli %convert_element_type3A_49, %shift_left3A_50 : vector<232x384xi32>
    %or3A = arith.ori %convert_element_type3A_45, %shift_left3A_51 : vector<232x384xi32>
    %bitcast_convert_type3A_52 = tpu.bitcast %or3A : vector<232x384xi32> -> vector<232x384xf32>
    %swap3A = arith.constant 0 : index
    %swap3A_53 = arith.constant 0 : index
    %swap3A_54 = vector.load %arg8[%swap3A, %swap3A_53] : memref<232x384xf32, #tpu.memory_space<vmem>>, vector<232x384xf32>
    tpu.vector_store %arg8[%swap3A, %swap3A_53], %bitcast_convert_type3A_52 {strides = array<i32>} : memref<232x384xf32, #tpu.memory_space<vmem>>, vector<232x384xf32>,
    return
  }
}

</mosaic_0001>

<sc_bundles>
// kernel: kernel.4.cloned.1.call-start
scs
__scs_entry_jumppad:
0x0: {  	(pc) =	sbr.rel $0x88, $3  }
0x1: {  	(tag) =	ssettag $0x0;
	lr =	simm.s32 $0x1  }
0x2: {  	[smem:$0x3F97] =	sst lr;
	_ =	strace $0xD0000000  }
0x3: {  	_ = 	snop  }
0x4: {  	_ = 	snop  }
0x5: {  	_ = 	snop  }
0x6: {  	_ = 	snop  }
0x7: {  	_ = 	snop  }
__scs_overlays_trampoline_lowered:
0x8: {  	[smem:$0x3FA6] =	sst s0  }
0x9: {  	[smem:$0x3FA7] =	sst s1  }
0xa: {  	[smem:$0x3FA8] =	sst s2  }
0xb: {  	[smem:$0x3FA9] =	sst s3  }
0xc: {  	[smem:$0x3FAA] =	sst s4  }
0xd: {  	[smem:$0x3FAB] =	sst s5  }
0xe: {  	[smem:$0x3FAC] =	sst s6  }
0xf: {  	[smem:$0x3FAD] =	sst s7  }
0x10: {  	[smem:$0x3FAE] =	sst s8  }
0x11: {  	[smem:$0x3FAF] =	sst s9;
	s0 =	simm.s32 @!p0 $0x0  }
0x12: {  	s1 =	sld [smem:$0x3F95];
	s0 =	simm.s32 @p0 $0x1  }
0x13: {  	[smem:$0x3FB0] =	sst s0;
	s0 =	simm.s32 @!p1 $0x0  }
0x14: {  	s2 =	sld [smem:$0x3F94];
	s0 =	simm.s32 @p1 $0x1  }
0x15: {  	[smem:$0x3FB1] =	sst s0;
	s0 =	simm.s32 @!p2 $0x0  }
0x16: {  	s3 =	sld [smem:$0x3FDB];
	s0 =	simm.s32 @p2 $0x1  }
0x17: {  	s4 =	simm.s32 $0x1BF5;
	[smem:$0x3FB3] =	sst s0  }
0x18: {  	s0 =	sld [smem:$0x3F96];
	_ =	swait.ge [sflag:s4], $0x0  }
0x19: {  	s7 =	sld [smem:$0x3F97]  }
0x1a: {  	s8 =	sadd.s32 $0xFFFFE003, lr  }
0x1b: {  	s9 =	sadd.s32 $0xFFFFFEF7, lr;
	s5 =	simm.s32 $0xFFFFFFFF;
	p2 =	slt.u32 s8, $0xFFFFF086  }
0x1c: {  	p1 =	slt.u32 s9, $0xF7A;
	s5 =	simm.s32 @!p2 $0x0  }
0x1d: {  	s5 =	simm.s32 @p1 $0x1;
	p0 =	seq.s32 s7, s2  }
0x1e: {  	s7 =	smul.u32 @!p0 $0xF7A, s2;
	p2 =	seq.s32 @!p0 s5, $0x0  }
0x1f: {  	s9 =	smul.u32 $0xF7A, s1;
	s8 =	simm.s32 @!p0 $0x1BF5;
	p2 =	por !p2, p0  }
0x20: {  	[sflag:s8] =	ssyncset.s32 @!p0 $0xFFFFF086;
	s6 =	sadd.s32 @!p0 s3, s7;
	s7 =	simm.s32 @!p0 $0x108  }
0x21: {  	s3 =	sadd.s32 s3, s9;
	s6 =	sadd.s32 @!p0 $0x88, s6;
	s7 =	simm.s32 @p2 $0x1082  }
0x22: {  	[simem:s7], [sflag:s8] =	dma.local @!p0 [hbm:s6], $0xF7A  }
0x23: {  	s9 =	sor.u32 $0xD0000000, s2;
	s6 =	simm.s32 $0x108;
	_ =	swait.ge @!p0 [sflag:s8], $0x0  }
0x24: {  	s3 =	sadd.s32 $0x88, s3;
	s6 =	simm.s32 @!p1 $0x1082;
	[sflag:s4] =	ssyncset.s32 $0xFFFFF086  }
0x25: {  	[simem:s6], [sflag:s4] =	dma.local [hbm:s3], $0xF7A  }
0x26: {  	[smem:$0x3F97] =	sst s1;
	(tag) =	ssettag s2;
	_ =	strace s9  }
0x27: {  	s1 =	sld [smem:$0x3FA7]  }
0x28: {  	s2 =	sld [smem:$0x3FA8]  }
0x29: {  	s4 =	sld [smem:$0x3FAA]  }
0x2a: {  	p0 =	seq.s32 s5, $0x0;
	s5 =	sld [smem:$0x3FAB]  }
0x2b: {  	s6 =	sld [smem:$0x3FAC]  }
0x2c: {  	s7 =	sld [smem:$0x3FAD]  }
0x2d: {  	s3 =	simm.s32 $0x108;
	s8 =	sld [smem:$0x3FAE]  }
0x2e: {  	s3 =	simm.s32 @!p0 $0x1082;
	s9 =	sld [smem:$0x3FAF]  }
0x2f: {  	lr =	sadd.s32 s0, s3;
	s0 =	sld [smem:$0x3FA6]  }
0x30: {  	s3 =	sld [smem:$0x3FA9]  }
0x31: {  	[smem:$0x3FB2] =	sst s10  }
0x32: {  	s10 =	sld [smem:$0x3FB0];
	_ =	sdelay $0x3  }
0x33: {  	p0 =	seq.s32 s10, $0x1;
	s10 =	sld [smem:$0x3FB2];
	_ =	sdelay $0x3  }
0x34: {  	[smem:$0x3FB2] =	sst s10  }
0x35: {  	s10 =	sld [smem:$0x3FB1];
	_ =	sdelay $0x3  }
0x36: {  	p1 =	seq.s32 s10, $0x1;
	s10 =	sld [smem:$0x3FB2];
	_ =	sdelay $0x3  }
0x37: {  	[smem:$0x3FB2] =	sst s10  }
0x38: {  	s10 =	sld [smem:$0x3FB3]  }
0x39: {  	_ = 	snop;
	(pc) =	sbr.ind lr, $3  }
0x3a: {  	_ = 	snop  }
0x3b: {  	_ = 	snop  }
0x3c: {  	p2 =	seq.s32 s10, $0x1;
	s10 =	sld [smem:$0x3FB2]  }
0x3d: {  	_ =	shalt  }
0x3e: {  	_ =	shalt  }
0x3f: {  	_ =	shalt  }
0x40: {  	_ =	shalt  }
0x41: {  	_ =	shalt  }
0x42: {  	_ =	shalt  }
0x43: {  	_ =	shalt  }
0x44: {  	_ =	shalt  }
0x45: {  	_ =	shalt  }
0x46: {  	_ =	shalt  }
0x47: {  	_ =	shalt  }
0x48: {  	_ =	shalt  }
0x49: {  	_ =	shalt  }
0x4a: {  	_ =	shalt  }
0x4b: {  	_ =	shalt  }
0x4c: {  	_ =	shalt  }
0x4d: {  	_ =	shalt  }
0x4e: {  	_ =	shalt  }
0x4f: {  	_ =	shalt  }
0x50: {  	_ =	shalt  }
0x51: {  	_ =	shalt  }
0x52: {  	_ =	shalt  }
0x53: {  	_ =	shalt  }
0x54: {  	_ =	shalt  }
0x55: {  	_ =	shalt  }
0x56: {  	_ =	shalt  }
0x57: {  	_ =	shalt  }
0x58: {  	_ =	shalt  }
0x59: {  	_ =	shalt  }
0x5a: {  	_ =	shalt  }
0x5b: {  	_ =	shalt  }
0x5c: {  	_ =	shalt  }
0x5d: {  	_ =	shalt  }
0x5e: {  	_ =	shalt  }
0x5f: {  	_ =	shalt  }
0x60: {  	_ =	shalt  }
0x61: {  	_ =	shalt  }
0x62: {  	_ =	shalt  }
0x63: {  	_ =	shalt  }
0x64: {  	_ =	shalt  }
0x65: {  	_ =	shalt  }
0x66: {  	_ =	shalt  }
0x67: {  	_ =	shalt  }
0x68: {  	_ =	shalt  }
0x69: {  	_ =	shalt  }
0x6a: {  	_ =	shalt  }
0x6b: {  	_ =	shalt  }
0x6c: {  	_ =	shalt  }
0x6d: {  	_ =	shalt  }
0x6e: {  	_ =	shalt  }
0x6f: {  	_ =	shalt  }
0x70: {  	_ =	shalt  }
0x71: {  	_ =	shalt  }
0x72: {  	_ =	shalt  }
0x73: {  	_ =	shalt  }
0x74: {  	_ =	shalt  }
0x75: {  	_ =	shalt  }
0x76: {  	_ =	shalt  }
0x77: {  	_ =	shalt  }
0x78: {  	_ =	shalt  }
0x79: {  	_ =	shalt  }
0x7a: {  	_ =	shalt  }
0x7b: {  	_ =	shalt  }
0x7c: {  	_ =	shalt  }
0x7d: {  	_ =	shalt  }
0x7e: {  	_ =	shalt  }
0x7f: {  	_ =	shalt  }
0x80: {  	_ =	shalt  }
0x81: {  	_ =	shalt  }
0x82: {  	_ =	shalt  }
0x83: {  	_ =	shalt  }
0x84: {  	_ =	shalt  }
0x85: {  	_ =	shalt  }
0x86: {  	_ =	shalt  }
0x87: {  	_ =	shalt  }
.Lfunc_end0:
.L_simem_size_0:
called_computation_lowered:
.L_overlay_start_0:
0x88: {  	s2 =	sld [smem:$0x3FD9]  }
0x89: {  	s3 =	sld [smem:$0x3FFE];
	_ =	sdelay $0x1  }
0x8a: {  	s1 =	srdreg.scid  }
0x8b: {  	s0 =	sand.u32 $0x1, s1  }
0x8c: {  	s17 =	sshll.u32 s0, $0xA;
	s2 =	sadd.s32 s3, s2  }
0x8d: {  	s2 =	sadd.s32 s2, s17  }
0x8e: {  	[smem:$0x3FBE] =	sst s2  }
0x8f: {  	_ = 	snop  }
0x90: {  	s2 =	sld [smem:$0x3FC9]  }
0x91: {  	s18 =	sld [smem:$0x3FC8]  }
0x92: {  	s4 =	sld [smem:$0x3FC7]  }
0x93: {  	s5 =	sld [smem:$0x3FC6]  }
0x94: {  	s6 =	sld [smem:$0x3FD0];
	(tm) =	ssettm $0x1  }
0x95: {  	s7 =	sld [smem:$0x3FFB];
	_ =	sdelay $0x3  }
0x96: {  	_ =	strace s7  }
0x97: {  	s7 =	sld [smem:$0x3FFC];
	_ =	sdelay $0x3  }
0x98: {  	_ =	strace s7  }
0x99: {  	s7 =	sld [smem:$0x3FFD];
	_ =	sdelay $0x3  }
0x9a: {  	_ =	strace s7  }
0x9b: {  	_ =	strace $0x8FFFFFFF  }
0x9c: {  	s19 =	sld [smem:$0x3FDB];
	_ =	sdelay $0x1  }
0x9d: {  	s8 =	simm.s32 $_scs_section_size  }
0x9e: {  	s9 =	simm.s32 $_size__tile_overlayer_lowered;
	s10 =	simm.s32 $_tile_overlayer_lowered  }
0x9f: {  	s22 =	simm.s32 $0x1BFF;
	s21 =	sshll.u32 s10, $0x1;
	s7 =	sadd.s32 s8, s19  }
0xa0: {  	s11 =	simm.s32 $0x0;
	s20 =	sshll.u32 s9, $0x1;
	s9 =	sadd.s32 s21, s7  }
0xa1: {  	[timem:s11], [sflag:s22] =	dma.local [hbm:s9], s20  }
0xa2: {  	_ =	swait.ge [sflag:s22], s20  }
0xa3: {  	s8 =	ssub.s32 $0x0, s20;
	[sflag:s22] =	ssyncset.done $0x0  }
0xa4: {  	[sflag:s22] =	ssyncadd.s32 s8;
	_ =	sdelay $0x1  }
0xa5: {  	s23 =	simm.s32 $0x1B8B  }
0xa6: {  	_ =	swait.ge [sflag:s23], $0x1  }
0xa7: {  	[sflag:s23] =	ssyncset.done $0x0  }
0xa8: {  	s25 =	simm.s32 $0x1B8E;
	s24 =	sld [smem:$0x3FFE];
	[sflag:s23] =	ssyncadd.s32 $0xFFFFFFFF  }
0xa9: {  	s26 =	simm.s32 $execute0_lowered;
	[smem:$0x3FD2] =	sst s25  }
0xaa: {  	s9 =	sshll.u32 s26, $0x1;
	_ =	strace $0x80000046;
	[dreg:$0x1] =	wrdreg $0xFFFFFFFF  }
0xab: {  	s28 =	simm.s32 $_size_execute0_lowered;
	s7 =	sadd.s32 s7, s9;
	[dreg:$0x0] =	wrdreg $0x0  }
0xac: {  	s9 =	sshll.u32 s28, $0x1;
	[dreg:$0x2] =	wrdreg s7  }
0xad: {  	[dreg:$0x3] =	wrdreg s9  }
0xae: {  	[dreg:$0x4] =	wrdreg $0xC0  }
0xaf: {  	_ =	task [dreg:s11], $0x5FFFF  }
0xb0: {  	[dreg:$0x1] =	wrdreg $0xFFFFFFFF  }
0xb1: {  	[dreg:$0x0] =	wrdreg $0x60  }
0xb2: {  	[dreg:$0x2] =	wrdreg s24  }
0xb3: {  	[dreg:$0x3] =	wrdreg s2  }
0xb4: {  	[dreg:$0x4] =	wrdreg s18  }
0xb5: {  	[dreg:$0x5] =	wrdreg s4  }
0xb6: {  	[dreg:$0x6] =	wrdreg s5  }
0xb7: {  	[dreg:$0x7] =	wrdreg s6  }
0xb8: {  	[dreg:$0x8] =	wrdreg $0x9  }
0xb9: {  	_ =	task.clear_ibuf [dreg:s11], $0x9FFFF;
	_ =	strace $0x90000046  }
0xba: {  	s29 =	simm.s32 $0x9;
	_ =	strace $0x80000048  }
0xbb: {  	_ =	swait.ge [sflag:s29], $0x1  }
0xbc: {  	[sflag:s29] =	ssyncadd.s32 $0xFFFFFFFF  }
0xbd: {  	_ =	strace $0x90000048  }
0xbe: {  	_ =	sfence  }
0xbf: {  	s30 =	sld [smem:$0x0];
	_ =	sdelay $0x2  }
0xc0: {  	s31 =	sshll.u32 s1, $0xD;
	s1 =	sshrl.u32 s1, $0x2  }
0xc1: {  	s3 =	sand.u32 $0x4000, s31;
	s1 =	sadd.s32 s1, s30  }
0xc2: {  	s0 =	sor.u32 s3, s0;
	s1 =	sshll.u32 s1, $0x11  }
0xc3: {  	s0 =	sor.u32 s1, s0  }
0xc4: {  	s0 =	sadd.s32 $0x8F2B, s0  }
0xc5: {  	[sflag:s0] =	ssyncadd.remote.s32 $0x1  }
0xc6: {  	_ =	sfence.sel $0xFFFF  }
0xc7: {  	[dreg:$0x0] =	wrdreg $0xFFFFFFFF;
	(pc) =	sbr.abs _section_cstart, $3  }
0xc8: {  	[dreg:$0x1] =	wrdreg $0xFFFFFFFF  }
0xc9: {  	_ =	task.clear_ibuf [dreg:s11], $0x2FFFF;
	_ =	strace $0x9FFFFFFF  }
0xca: {  	(tm) =	ssettm $0x7FFFFFFF  }
0xcb: {  	_ =	shalt  }
tec
execute0_lowered:
.L_overlay_start_1:
0x0: {  	(tag) =	ssettag $0x1  }
0x1: {  	s0 =	rddreg [dreg:$0x0]  }
0x2: {  	s1 =	rddreg [dreg:$0x1]  }
0x3: {  	s7 =	rddreg [dreg:$0x2]  }
0x4: {  	s8 =	rddreg [dreg:$0x3]  }
0x5: {  	s9 =	rddreg [dreg:$0x4]  }
0x6: {  	s2 =	rddreg [dreg:$0x5]  }
0x7: {  	s4 =	srdreg.scid;
	s3 =	simm.s32 $0x0;
	s5 =	stileid.u32;
	v0 =	vlaneseq.u32  }
0x8: {  	s13 =	simm.s32 $0x16000;
	s14 =	simm.s32 $0x16200;
	s15 =	simm.s32 $0x1;
	v1 =	vor.u32 $0x10, v0;
	v2 =	vor.u32 $0x20, v0  }
0x9: {  	s16 =	simm.s32 $0x2;
	s17 =	simm.s32 $0x16400;
	s18 =	simm.s32 $0x19400;
	v3 =	vor.u32 $0x30, v0;
	v4 =	vor.u32 $0x40, v0;
	v5 =	vor.u32 $0x50, v0  }
0xa: {  	s19 =	simm.s32 $0x0;
	s20 =	simm.s32 $0x0;
	s4 =	sand.u32 $0x1, s4;
	v6 =	vor.u32 $0x60, v0;
	v7 =	vor.u32 $0x70, v0;
	v8 =	vor.u32 $0x80, v0  }
0xb: {  	[smem:$0x7FF] =	sst s3;
	s5 =	sshll.u32 s5, $0xA;
	v9 =	vor.u32 $0x90, v0;
	v10 =	vor.u32 $0xA0, v0;
	v11 =	vor.u32 $0xB0, v0;
	s6 =	sshll.u32 s4, $0x9  }
0xc: {  	v12 =	vor.u32 $0xC0, v0;
	v13 =	vor.u32 $0xD0, v0;
	v14 =	vor.u32 $0xE0, v0;
	_ =	strace $0x80000047;
	s10 =	ssub.s32 $0x2, s4;
	s4 =	sor.u32 s6, s5  }
0xd: {  	v15 =	vor.u32 $0xF0, v0;
	v16 =	vor.u32 $0x100, v0;
	v17 =	vor.u32 $0x110, v0;
	s5 =	sadd.s32 $0x1200, s0;
	s31 =	sshrl.u32 s10, $0x1;
	s11 =	sshrl.u32 s4, $0x3  }
0xe: {  	v18 =	vor.u32 $0x120, v0;
	v19 =	vor.u32 $0x130, v0;
	v20 =	vor.u32 $0x140, v0;
	s0 =	ssub.s32 s10, s31;
	s6 =	sadd.s32 s1, s11;
	s7 =	sadd.s32 s7, s11  }
0xf: {  	v21 =	vor.u32 $0x150, v0;
	v22 =	vor.u32 $0x160, v0;
	v23 =	vor.u32 $0x170, v0;
	s8 =	sadd.s32 s8, s11;
	s9 =	sadd.s32 s9, s11;
	s10 =	smax.u32 s0, $0x1  }
.LBB2_1:
0x10: {  	[tilespmem:s3], [sflag:$0x2] =	stream.linear.gather [hbm4b:s5+s3], $0x15C00, $0x38;
	[tilespmem:$0x1C400] =	vst v63  }
0x11: {  	s0 =	simm.s32 $0x15C00  }
0x12: {  	[tilespmem:s0], [sflag:$0x1] =	stream.linear.gather [hbm4b:s6+s3], $0x200, $0x38;
	[tilespmem:$0x1C400] =	vst v63  }
0x13: {  	s31 =	simm.s32 $0x15E00  }
0x14: {  	[tilespmem:s31], [sflag:$0x1] =	stream.linear.gather [hbm4b:s7+s3], $0x200, $0x38;
	[tilespmem:$0x1C400] =	vst v63  }
0x15: {  	_ = 	snop  }
0x16: {  	[tilespmem:s13], [sflag:$0x1] =	stream.linear.gather [hbm4b:s8+s3], $0x200, $0x38;
	[tilespmem:$0x1C400] =	vst v63  }
0x17: {  	_ = 	snop  }
0x18: {  	[tilespmem:s14], [sflag:$0x1] =	stream.linear.gather [hbm4b:s9+s3], $0x200, $0x38;
	[tilespmem:$0x1C400] =	vst v63  }
0x19: {  	_ =	swait.ge [sflag:s15], $0x200  }
0x1a: {  	[sflag:s15] =	ssyncset.done $0x0  }
0x1b: {  	[sflag:s15] =	ssyncadd.s32 $0xFFFFFE00  }
0x1c: {  	_ =	swait.ge [sflag:s15], $0x200  }
0x1d: {  	[sflag:s15] =	ssyncset.done $0x0  }
0x1e: {  	[sflag:s15] =	ssyncadd.s32 $0xFFFFFE00  }
0x1f: {  	_ =	swait.ge [sflag:s15], $0x200  }
0x20: {  	[sflag:s15] =	ssyncset.done $0x0  }
0x21: {  	[sflag:s15] =	ssyncadd.s32 $0xFFFFFE00  }
0x22: {  	_ =	swait.ge [sflag:s15], $0x200  }
0x23: {  	[sflag:s15] =	ssyncset.done $0x0  }
0x24: {  	s1 =	simm.s32 $0x0;
	[sflag:s15] =	ssyncadd.s32 $0xFFFFFE00  }
0x25: {  	v24 =	vld [tilespmem:s1+$0x15C00]  }
0x26: {  	v25 =	vld [tilespmem:s1+$0x16000]  }
0x27: {  	v26 =	vld [tilespmem:s1+$0x15E00]  }
0x28: {  	v27 =	vld [tilespmem:s1+$0x16200];
	_ =	sdelay $0x1  }
0x29: {  	s0 =	simm.s32 $0x10;
	v28 =	vmul.u32 $0x7, v24  }
0x2a: {  	v29 =	vmul.u32 $0x180, v25;
	v24 =	vld [tilespmem:s0+$0x15C00]  }
0x2b: {  	v25 =	vld [tilespmem:s0+$0x16000];
	v26 =	vadd.s32 v26, v28  }
0x2c: {  	v28 =	vmul.u32 $0x180, v26;
	v26 =	vadd.s32 $0xFC00, v29;
	v29 =	vmul.u32 $0x180, v27;
	v27 =	vld [tilespmem:s0+$0x15E00]  }
0x2d: {  	[tilespmem:s1+$0x16000] =	vst v26;
	v26 =	vld [tilespmem:s0+$0x16200]  }
0x2e: {  	s11 =	simm.s32 $0x80;
	[tilespmem:s1+$0x15C00] =	vst v28;
	v28 =	vadd.s32 $0x14A00, v29  }
.LBB2_2:
0x2f: {  	s12 =	sshra.s32 s11, $0x2;
	p0 =	sne.s32 s11, $0x7C0;
	s11 =	sadd.s32 $0x40, s11;
	v29 =	vmul.u32 $0x7, v24;
	[tilespmem:s1+$0x16200] =	vst v28  }
.Ltmp0:
0x30: {  	s1 =	smov.u32 s0;
	v24 =	vld [tilespmem:s12+$0x15C00];
	v28 =	vmul.u32 $0x180, v25;
	s0 =	smov.u32 s12;
	(pc) =	sbr.rel @p0 .LBB2_2-.Ltmp0, $4  }
0x31: {  	v25 =	vld [tilespmem:s0+$0x16000];
	v29 =	vadd.s32 v27, v29  }
0x32: {  	v27 =	vld [tilespmem:s0+$0x15E00];
	v29 =	vmul.u32 $0x180, v29;
	v28 =	vadd.s32 $0xFC00, v28;
	v30 =	vmul.u32 $0x180, v26  }
0x33: {  	v26 =	vld [tilespmem:s0+$0x16200];
	[tilespmem:s1+$0x16000] =	vst v28  }
0x34: {  	[tilespmem:s1+$0x15C00] =	vst v29;
	v28 =	vadd.s32 $0x14A00, v30  }
0x35: {  	v24 =	vmul.u32 $0x7, v24  }
0x36: {  	v25 =	vmul.u32 $0x180, v25  }
0x37: {  	v24 =	vadd.s32 v27, v24  }
0x38: {  	[tilespmem:s1+$0x16200] =	vst v28;
	v24 =	vmul.u32 $0x180, v24;
	v25 =	vadd.s32 $0xFC00, v25;
	v26 =	vmul.u32 $0x180, v26  }
0x39: {  	[tilespmem:s0+$0x16000] =	vst v25  }
0x3a: {  	[tilespmem:s0+$0x15C00] =	vst v24;
	v63 =	vadd.s32 $0x14A00, v26  }
0x3b: {  	[tilespmem:s0+$0x16200] =	vst v63  }
0x3c: {  	_ =	swait.ge [sflag:s16], $0x15C00  }
0x3d: {  	[sflag:s16] =	ssyncset.done $0x0  }
0x3e: {  	s21 =	simm.s32 $0x0;
	[sflag:s16] =	ssyncadd.s32 $0xFFFEA400  }
.LBB2_4:
0x3f: {  	s22 =	sshll.u32 s21, $0x5  }
0x40: {  	v33 =	vld [tilespmem:s22+$0x16000]  }
0x41: {  	v34 =	vld [tilespmem:s22+$0x16200];
	_ =	sdelay $0x1  }
0x42: {  	v35 =	vld [tilespmem:s22+$0x15C00]  }
0x43: {  	v24 =	vmov s20  }
0x44: {  	v38 =	vperm.xlane v33, v24  }
0x45: {  	v36 =	vperm.xlane v34, v24  }
0x46: {  	p0 =	seq.s32 s21, $0x0;
	v25 =	vadd.s32 v0, v38  }
0x47: {  	s0 =	simm.s32 @!p0 $0x1;
	v37 =	vperm.xlane v35, v24;
	v24 =	vadd.s32 v0, v36  }
0x48: {  	_ =	swait.ge @!p0 [sflag:s0], $0x3000  }
0x49: {  	[sflag:s0] =	ssyncset.done @!p0 $0x0;
	v26 =	vadd.s32 v0, v37  }
0x4a: {  	[sflag:s0] =	ssyncadd.s32 @!p0 $0xFFFFD000  }
0x4b: {  	v25 =	vld.idx.msk [tilespmem:v25+s3+$0x0], $0xffff  }
0x4c: {  	v24 =	vld.idx.msk [tilespmem:v24+s3+$0x0], $0xffff;
	_ =	sdelay $0x1  }
0x4d: {  	v26 =	vld.idx.msk [tilespmem:v26+s3+$0x0], $0xffff;
	_ =	sdelay $0x2  }
0x4e: {  	s12 =	simm.s32 $0x0;
	v24 =	vadd.bf16 v24, v25  }
0x4f: {  	s0 =	smul.u32 $0x6000, s12;
	v27 =	vadd.s32 v1, v36  }
0x50: {  	v25 =	vadd.s32 v1, v38;
	v28 =	vunpack.i.l.bf16.f32 v26;
	v29 =	vunpack.i.l.bf16.f32 v24  }
0x51: {  	s1 =	sand.u32 $0x380, s20;
	s0 =	sshra.s32 s0, $0x2;
	v26 =	vunpack.i.u.bf16.f32 v26;
	v24 =	vunpack.i.u.bf16.f32 v24;
	v28 =	vadd.f32 v29, v28  }
0x52: {  	s25 =	sor.u32 s1, s0;
	v24 =	vadd.f32 v24, v26  }
0x53: {  	s1 =	sadd.s32 $0x16400, s25;
	v26 =	vadd.s32 v1, v37;
	[tilespmem:s25+$0x16400] =	vst v28  }
0x54: {  	[tilespmem:s1+$0x10] =	vst v24  }
0x55: {  	v24 =	vld.idx.msk [tilespmem:v25+s3+$0x0], $0xffff  }
0x56: {  	v25 =	vld.idx.msk [tilespmem:v27+s3+$0x0], $0xffff;
	_ =	sdelay $0x1  }
0x57: {  	v26 =	vld.idx.msk [tilespmem:v26+s3+$0x0], $0xffff;
	_ =	sdelay $0x2  }
0x58: {  	v24 =	vadd.bf16 v25, v24  }
0x59: {  	v27 =	vadd.s32 v2, v36  }
0x5a: {  	v25 =	vadd.s32 v2, v38;
	v28 =	vunpack.i.l.bf16.f32 v26;
	v29 =	vunpack.i.l.bf16.f32 v24  }
0x5b: {  	v26 =	vunpack.i.u.bf16.f32 v26;
	v24 =	vunpack.i.u.bf16.f32 v24;
	v28 =	vadd.f32 v29, v28  }
0x5c: {  	v24 =	vadd.f32 v24, v26  }
0x5d: {  	v26 =	vadd.s32 v2, v37;
	[tilespmem:s1+$0x20] =	vst v28  }
0x5e: {  	[tilespmem:s1+$0x30] =	vst v24  }
0x5f: {  	v24 =	vld.idx.msk [tilespmem:v25+s3+$0x0], $0xffff  }
0x60: {  	v25 =	vld.idx.msk [tilespmem:v27+s3+$0x0], $0xffff;
	_ =	sdelay $0x1  }
0x61: {  	v26 =	vld.idx.msk [tilespmem:v26+s3+$0x0], $0xffff;
	_ =	sdelay $0x2  }
0x62: {  	v24 =	vadd.bf16 v25, v24  }
0x63: {  	v27 =	vadd.s32 v3, v36  }
0x64: {  	v25 =	vadd.s32 v3, v38;
	v28 =	vunpack.i.l.bf16.f32 v26;
	v29 =	vunpack.i.l.bf16.f32 v24  }
0x65: {  	v26 =	vunpack.i.u.bf16.f32 v26;
	v24 =	vunpack.i.u.bf16.f32 v24;
	v28 =	vadd.f32 v29, v28  }
0x66: {  	v24 =	vadd.f32 v24, v26  }
0x67: {  	v26 =	vadd.s32 v3, v37;
	[tilespmem:s1+$0x40] =	vst v28  }
0x68: {  	[tilespmem:s1+$0x50] =	vst v24  }
0x69: {  	v24 =	vld.idx.msk [tilespmem:v25+s3+$0x0], $0xffff  }
0x6a: {  	v25 =	vld.idx.msk [tilespmem:v27+s3+$0x0], $0xffff;
	_ =	sdelay $0x1  }
0x6b: {  	v26 =	vld.idx.msk [tilespmem:v26+s3+$0x0], $0xffff;
	_ =	sdelay $0x2  }
0x6c: {  	v24 =	vadd.bf16 v25, v24  }
0x6d: {  	v25 =	vadd.s32 v4, v38  }
0x6e: {  	v27 =	vunpack.i.u.bf16.f32 v26;
	v26 =	vunpack.i.l.bf16.f32 v26;
	v28 =	vunpack.i.l.bf16.f32 v24  }
0x6f: {  	v24 =	vunpack.i.u.bf16.f32 v24;
	v26 =	vadd.f32 v28, v26;
	v28 =	vadd.s32 v4, v36  }
0x70: {  	v24 =	vadd.f32 v24, v27  }
0x71: {  	v27 =	vadd.s32 v4, v37;
	[tilespmem:s1+$0x60] =	vst v26  }
0x72: {  	[tilespmem:s1+$0x70] =	vst v24  }
0x73: {  	v24 =	vld.idx.msk [tilespmem:v25+s3+$0x0], $0xffff  }
0x74: {  	v25 =	vld.idx.msk [tilespmem:v28+s3+$0x0], $0xffff;
	_ =	sdelay $0x1  }
0x75: {  	v26 =	vld.idx.msk [tilespmem:v27+s3+$0x0], $0xffff;
	_ =	sdelay $0x2  }
0x76: {  	v24 =	vadd.bf16 v25, v24  }
0x77: {  	v27 =	vadd.s32 v5, v36  }
0x78: {  	v25 =	vadd.s32 v5, v38;
	v28 =	vunpack.i.l.bf16.f32 v26;
	v29 =	vunpack.i.l.bf16.f32 v24  }
0x79: {  	v26 =	vunpack.i.u.bf16.f32 v26;
	v24 =	vunpack.i.u.bf16.f32 v24;
	v28 =	vadd.f32 v29, v28  }
0x7a: {  	v24 =	vadd.f32 v24, v26  }
0x7b: {  	v26 =	vadd.s32 v5, v37;
	[tilespmem:s1+$0x400] =	vst v28  }
0x7c: {  	[tilespmem:s1+$0x410] =	vst v24  }
0x7d: {  	v24 =	vld.idx.msk [tilespmem:v25+s3+$0x0], $0xffff  }
0x7e: {  	s23 =	simm.s32 $0x1;
	v25 =	vld.idx.msk [tilespmem:v27+s3+$0x0], $0xffff  }
0x7f: {  	v27 =	vmov s23  }
0x80: {  	v30 =	vperm.xlane v33, v27;
	v26 =	vld.idx.msk [tilespmem:v26+s3+$0x0], $0xffff  }
0x81: {  	v28 =	vperm.xlane v34, v27  }
0x82: {  	v27 =	vperm.xlane v35, v27;
	v29 =	vadd.s32 v0, v30  }
0x83: {  	v31 =	vadd.s32 v0, v28;
	v24 =	vadd.bf16 v25, v24  }
0x84: {  	v39 =	vadd.s32 v6, v36;
	v32 =	vadd.s32 v0, v27  }
0x85: {  	v25 =	vadd.s32 v6, v38;
	v40 =	vunpack.i.l.bf16.f32 v26;
	v41 =	vunpack.i.l.bf16.f32 v24  }
0x86: {  	v26 =	vunpack.i.u.bf16.f32 v26;
	v24 =	vunpack.i.u.bf16.f32 v24;
	v40 =	vadd.f32 v41, v40  }
0x87: {  	v29 =	vld.idx.msk [tilespmem:v29+s3+$0x0], $0xffff;
	v24 =	vadd.f32 v24, v26  }
0x88: {  	v26 =	vld.idx.msk [tilespmem:v31+s3+$0x0], $0xffff;
	v31 =	vadd.s32 v6, v37;
	[tilespmem:s1+$0x420] =	vst v40  }
0x89: {  	v32 =	vld.idx.msk [tilespmem:v32+s3+$0x0], $0xffff;
	[tilespmem:s1+$0x430] =	vst v24  }
0x8a: {  	v24 =	vld.idx.msk [tilespmem:v25+s3+$0x0], $0xffff  }
0x8b: {  	v25 =	vld.idx.msk [tilespmem:v39+s3+$0x0], $0xffff;
	_ =	sdelay $0x1  }
0x8c: {  	s24 =	simm.s32 $0x0;
	v26 =	vadd.bf16 v26, v29;
	v29 =	vld.idx.msk [tilespmem:v31+s3+$0x0], $0xffff  }
0x8d: {  	s0 =	smul.u32 $0x6000, s24;
	v51 =	vadd.s32 v1, v28;
	v31 =	vadd.s32 v1, v30  }
0x8e: {  	s11 =	simm.s32 $0x80;
	v52 =	vunpack.i.l.bf16.f32 v32;
	v32 =	vunpack.i.u.bf16.f32 v32;
	v53 =	vunpack.i.l.bf16.f32 v26  }
0x8f: {  	s11 =	sand.u32 $0x380, s11;
	s0 =	sshra.s32 s0, $0x2;
	v26 =	vunpack.i.u.bf16.f32 v26;
	v40 =	vadd.f32 v53, v52;
	v24 =	vadd.bf16 v25, v24  }
0x90: {  	v55 =	vadd.s32 v7, v36;
	s28 =	sor.u32 s11, s0;
	v54 =	vadd.s32 v1, v27;
	v25 =	vadd.f32 v26, v32  }
0x91: {  	s0 =	sadd.s32 $0x16400, s28;
	v26 =	vadd.s32 v7, v38;
	[tilespmem:s28+$0x16400] =	vst v40;
	v56 =	vunpack.i.l.bf16.f32 v29;
	v42 =	vunpack.i.l.bf16.f32 v24  }
0x92: {  	v24 =	vunpack.i.u.bf16.f32 v24;
	[tilespmem:s0+$0x10] =	vst v25;
	v25 =	vunpack.i.u.bf16.f32 v29;
	v29 =	vadd.f32 v42, v56  }
0x93: {  	v31 =	vld.idx.msk [tilespmem:v31+s3+$0x0], $0xffff;
	v24 =	vadd.f32 v24, v25  }
0x94: {  	v57 =	vadd.s32 v7, v37;
	v25 =	vld.idx.msk [tilespmem:v51+s3+$0x0], $0xffff;
	[tilespmem:s1+$0x440] =	vst v29  }
0x95: {  	v29 =	vld.idx.msk [tilespmem:v54+s3+$0x0], $0xffff;
	[tilespmem:s1+$0x450] =	vst v24  }
0x96: {  	v24 =	vld.idx.msk [tilespmem:v26+s3+$0x0], $0xffff  }
0x97: {  	v26 =	vld.idx.msk [tilespmem:v55+s3+$0x0], $0xffff;
	_ =	sdelay $0x1  }
0x98: {  	v25 =	vadd.bf16 v25, v31;
	v31 =	vld.idx.msk [tilespmem:v57+s3+$0x0], $0xffff  }
0x99: {  	v58 =	vadd.s32 v2, v30;
	v59 =	vadd.s32 v2, v28  }
0x9a: {  	v60 =	vunpack.i.l.bf16.f32 v29;
	v29 =	vunpack.i.u.bf16.f32 v29;
	v61 =	vunpack.i.l.bf16.f32 v25  }
0x9b: {  	v25 =	vunpack.i.u.bf16.f32 v25;
	v40 =	vadd.f32 v61, v60;
	v24 =	vadd.bf16 v26, v24  }
0x9c: {  	v62 =	vadd.s32 v8, v36;
	v25 =	vadd.f32 v25, v29;
	v29 =	vadd.s32 v2, v27  }
0x9d: {  	v26 =	vadd.s32 v8, v38;
	[tilespmem:s0+$0x20] =	vst v40;
	v63 =	vunpack.i.l.bf16.f32 v31;
	v45 =	vunpack.i.l.bf16.f32 v24  }
0x9e: {  	[tilespmem:s0+$0x30] =	vst v25;
	v25 =	vunpack.i.u.bf16.f32 v31;
	v24 =	vunpack.i.u.bf16.f32 v24;
	v31 =	vadd.f32 v45, v63  }
0x9f: {  	v32 =	vld.idx.msk [tilespmem:v58+s3+$0x0], $0xffff;
	v24 =	vadd.f32 v24, v25  }
0xa0: {  	v46 =	vadd.s32 v8, v37;
	v25 =	vld.idx.msk [tilespmem:v59+s3+$0x0], $0xffff;
	[tilespmem:s1+$0x460] =	vst v31  }
0xa1: {  	v29 =	vld.idx.msk [tilespmem:v29+s3+$0x0], $0xffff;
	[tilespmem:s1+$0x470] =	vst v24  }
0xa2: {  	v24 =	vld.idx.msk [tilespmem:v26+s3+$0x0], $0xffff  }
0xa3: {  	v26 =	vld.idx.msk [tilespmem:v62+s3+$0x0], $0xffff;
	_ =	sdelay $0x1  }
0xa4: {  	v31 =	vld.idx.msk [tilespmem:v46+s3+$0x0], $0xffff;
	v25 =	vadd.bf16 v25, v32  }
0xa5: {  	v47 =	vadd.s32 v3, v30;
	v48 =	vadd.s32 v3, v28  }
0xa6: {  	v49 =	vunpack.i.l.bf16.f32 v29;
	v50 =	vunpack.i.l.bf16.f32 v25;
	v29 =	vunpack.i.u.bf16.f32 v29  }
0xa7: {  	v25 =	vunpack.i.u.bf16.f32 v25;
	v40 =	vadd.f32 v50, v49;
	v24 =	vadd.bf16 v26, v24  }
0xa8: {  	v51 =	vadd.s32 v9, v36;
	v25 =	vadd.f32 v25, v29;
	v29 =	vadd.s32 v3, v27  }
0xa9: {  	v26 =	vadd.s32 v9, v38;
	v52 =	vunpack.i.l.bf16.f32 v31;
	[tilespmem:s0+$0x40] =	vst v40;
	v53 =	vunpack.i.l.bf16.f32 v24  }
0xaa: {  	[tilespmem:s0+$0x50] =	vst v25;
	v25 =	vunpack.i.u.bf16.f32 v31;
	v24 =	vunpack.i.u.bf16.f32 v24;
	v31 =	vadd.f32 v53, v52  }
0xab: {  	v32 =	vld.idx.msk [tilespmem:v47+s3+$0x0], $0xffff;
	v24 =	vadd.f32 v24, v25  }
0xac: {  	s26 =	sadd.s32 $0x16C00, s25;
	v54 =	vadd.s32 v9, v37;
	v25 =	vld.idx.msk [tilespmem:v48+s3+$0x0], $0xffff;
	[tilespmem:s25+$0x16C00] =	vst v31  }
0xad: {  	v29 =	vld.idx.msk [tilespmem:v29+s3+$0x0], $0xffff;
	[tilespmem:s26+$0x10] =	vst v24  }
0xae: {  	v24 =	vld.idx.msk [tilespmem:v26+s3+$0x0], $0xffff  }
0xaf: {  	v26 =	vld.idx.msk [tilespmem:v51+s3+$0x0], $0xffff;
	_ =	sdelay $0x1  }
0xb0: {  	v31 =	vld.idx.msk [tilespmem:v54+s3+$0x0], $0xffff;
	v25 =	vadd.bf16 v25, v32  }
0xb1: {  	v55 =	vadd.s32 v4, v30;
	v58 =	vadd.s32 v4, v28  }
0xb2: {  	v56 =	vunpack.i.u.bf16.f32 v29;
	v29 =	vunpack.i.l.bf16.f32 v29;
	v57 =	vunpack.i.l.bf16.f32 v25  }
0xb3: {  	v25 =	vunpack.i.u.bf16.f32 v25;
	v29 =	vadd.f32 v57, v29;
	v24 =	vadd.bf16 v26, v24  }
0xb4: {  	v59 =	vadd.s32 v10, v38;
	v25 =	vadd.f32 v25, v56;
	v26 =	vadd.s32 v4, v27  }
0xb5: {  	[tilespmem:s0+$0x60] =	vst v29;
	v29 =	vunpack.i.u.bf16.f32 v31;
	v31 =	vunpack.i.l.bf16.f32 v31;
	v60 =	vunpack.i.l.bf16.f32 v24  }
0xb6: {  	[tilespmem:s0+$0x70] =	vst v25;
	v24 =	vunpack.i.u.bf16.f32 v24;
	v25 =	vadd.f32 v60, v31;
	v31 =	vadd.s32 v10, v36  }
0xb7: {  	v32 =	vld.idx.msk [tilespmem:v55+s3+$0x0], $0xffff;
	v24 =	vadd.f32 v24, v29  }
0xb8: {  	v61 =	vadd.s32 v10, v37;
	v29 =	vld.idx.msk [tilespmem:v58+s3+$0x0], $0xffff;
	[tilespmem:s26+$0x20] =	vst v25  }
0xb9: {  	v25 =	vld.idx.msk [tilespmem:v26+s3+$0x0], $0xffff;
	[tilespmem:s26+$0x30] =	vst v24  }
0xba: {  	v24 =	vld.idx.msk [tilespmem:v59+s3+$0x0], $0xffff  }
0xbb: {  	v26 =	vld.idx.msk [tilespmem:v31+s3+$0x0], $0xffff;
	_ =	sdelay $0x1  }
0xbc: {  	v29 =	vadd.bf16 v29, v32;
	v31 =	vld.idx.msk [tilespmem:v61+s3+$0x0], $0xffff  }
0xbd: {  	v63 =	vadd.s32 v5, v28;
	v62 =	vadd.s32 v5, v30  }
0xbe: {  	v44 =	vunpack.i.l.bf16.f32 v25;
	v45 =	vunpack.i.l.bf16.f32 v29;
	v25 =	vunpack.i.u.bf16.f32 v25  }
0xbf: {  	v29 =	vunpack.i.u.bf16.f32 v29;
	v40 =	vadd.f32 v45, v44;
	v24 =	vadd.bf16 v26, v24  }
0xc0: {  	v25 =	vadd.f32 v29, v25;
	v29 =	vadd.s32 v11, v38;
	v26 =	vadd.s32 v5, v27  }
0xc1: {  	[tilespmem:s0+$0x400] =	vst v40;
	v46 =	vunpack.i.u.bf16.f32 v31;
	v31 =	vunpack.i.l.bf16.f32 v31;
	v47 =	vunpack.i.l.bf16.f32 v24  }
0xc2: {  	[tilespmem:s0+$0x410] =	vst v25;
	v24 =	vunpack.i.u.bf16.f32 v24;
	v25 =	vadd.f32 v47, v31;
	v31 =	vadd.s32 v11, v36  }
0xc3: {  	s12 =	simm.s32 $0x2;
	v32 =	vld.idx.msk [tilespmem:v62+s3+$0x0], $0xffff;
	v24 =	vadd.f32 v24, v46  }
0xc4: {  	v49 =	vmov s12;
	v48 =	vadd.s32 v11, v37;
	v39 =	vld.idx.msk [tilespmem:v63+s3+$0x0], $0xffff;
	[tilespmem:s26+$0x40] =	vst v25  }
0xc5: {  	v50 =	vld.idx.msk [tilespmem:v26+s3+$0x0], $0xffff;
	[tilespmem:s26+$0x50] =	vst v24;
	v26 =	vperm.xlane v33, v49  }
0xc6: {  	v25 =	vperm.xlane v34, v49;
	v29 =	vld.idx.msk [tilespmem:v29+s3+$0x0], $0xffff  }
0xc7: {  	v51 =	vadd.s32 v0, v26;
	v31 =	vld.idx.msk [tilespmem:v31+s3+$0x0], $0xffff  }
0xc8: {  	v24 =	vperm.xlane v35, v49;
	v52 =	vadd.s32 v0, v25  }
0xc9: {  	v32 =	vadd.bf16 v39, v32;
	v40 =	vld.idx.msk [tilespmem:v48+s3+$0x0], $0xffff  }
0xca: {  	v43 =	vadd.s32 v6, v30;
	v45 =	vadd.s32 v6, v28;
	v44 =	vadd.s32 v0, v24  }
0xcb: {  	v47 =	vunpack.i.l.bf16.f32 v32;
	v32 =	vunpack.i.u.bf16.f32 v32;
	v46 =	vunpack.i.l.bf16.f32 v50  }
0xcc: {  	v42 =	vunpack.i.u.bf16.f32 v50;
	v46 =	vadd.f32 v47, v46;
	v53 =	vld.idx.msk [tilespmem:v51+s3+$0x0], $0xffff;
	v29 =	vadd.bf16 v31, v29  }
0xcd: {  	v54 =	vadd.s32 v6, v27;
	v56 =	vadd.s32 v12, v36;
	v39 =	vld.idx.msk [tilespmem:v52+s3+$0x0], $0xffff;
	v31 =	vadd.f32 v32, v42  }
0xce: {  	v55 =	vadd.s32 v12, v38;
	v57 =	vunpack.i.l.bf16.f32 v40;
	[tilespmem:s0+$0x420] =	vst v46;
	v48 =	vunpack.i.l.bf16.f32 v29  }
0xcf: {  	v44 =	vld.idx.msk [tilespmem:v44+s3+$0x0], $0xffff;
	[tilespmem:s0+$0x430] =	vst v31;
	v31 =	vunpack.i.u.bf16.f32 v40;
	v29 =	vunpack.i.u.bf16.f32 v29;
	v58 =	vadd.f32 v48, v57  }
0xd0: {  	v43 =	vld.idx.msk [tilespmem:v43+s3+$0x0], $0xffff;
	v29 =	vadd.f32 v29, v31  }
0xd1: {  	v59 =	vadd.s32 v12, v37;
	v31 =	vld.idx.msk [tilespmem:v45+s3+$0x0], $0xffff;
	[tilespmem:s26+$0x60] =	vst v58  }
0xd2: {  	s23 =	simm.s32 $0x0;
	v32 =	vadd.bf16 v39, v53;
	[tilespmem:s26+$0x70] =	vst v29;
	v29 =	vld.idx.msk [tilespmem:v54+s3+$0x0], $0xffff  }
0xd3: {  	s1 =	smul.u32 $0x6000, s23;
	v61 =	vadd.s32 v1, v26;
	v60 =	vld.idx.msk [tilespmem:v55+s3+$0x0], $0xffff  }
0xd4: {  	s24 =	simm.s32 $0x100;
	v52 =	vunpack.i.u.bf16.f32 v44;
	v44 =	vunpack.i.l.bf16.f32 v44;
	v63 =	vld.idx.msk [tilespmem:v56+s3+$0x0], $0xffff;
	v53 =	vunpack.i.l.bf16.f32 v32  }
0xd5: {  	s11 =	sand.u32 $0x380, s24;
	s1 =	sshra.s32 s1, $0x2;
	v62 =	vadd.s32 v1, v25;
	v32 =	vunpack.i.u.bf16.f32 v32;
	v44 =	vadd.f32 v53, v44  }
0xd6: {  	s23 =	sor.u32 s11, s1;
	v40 =	vld.idx.msk [tilespmem:v59+s3+$0x0], $0xffff;
	v32 =	vadd.f32 v32, v52;
	v31 =	vadd.bf16 v31, v43  }
0xd7: {  	s1 =	sadd.s32 $0x16400, s23;
	v54 =	vadd.s32 v7, v30;
	v55 =	vadd.s32 v1, v24;
	v56 =	vadd.s32 v7, v28;
	[tilespmem:s23+$0x16400] =	vst v44  }
0xd8: {  	v57 =	vunpack.i.l.bf16.f32 v29;
	v58 =	vunpack.i.l.bf16.f32 v31;
	v29 =	vunpack.i.u.bf16.f32 v29;
	[tilespmem:s1+$0x10] =	vst v32  }
0xd9: {  	v31 =	vunpack.i.u.bf16.f32 v31;
	v59 =	vadd.f32 v58, v57;
	v39 =	vadd.bf16 v63, v60;
	v41 =	vld.idx.msk [tilespmem:v61+s3+$0x0], $0xffff  }
0xda: {  	v29 =	vadd.f32 v31, v29;
	v31 =	vadd.s32 v13, v38;
	v42 =	vld.idx.msk [tilespmem:v62+s3+$0x0], $0xffff  }
0xdb: {  	v60 =	vadd.s32 v7, v27;
	v62 =	vunpack.i.l.bf16.f32 v40;
	[tilespmem:s0+$0x440] =	vst v59;
	v63 =	vunpack.i.l.bf16.f32 v39  }
0xdc: {  	v46 =	vld.idx.msk [tilespmem:v55+s3+$0x0], $0xffff;
	[tilespmem:s0+$0x450] =	vst v29;
	v29 =	vunpack.i.u.bf16.f32 v40;
	v39 =	vunpack.i.u.bf16.f32 v39;
	v52 =	vadd.f32 v63, v62  }
0xdd: {  	v61 =	vadd.s32 v13, v36;
	v43 =	vld.idx.msk [tilespmem:v54+s3+$0x0], $0xffff;
	v29 =	vadd.f32 v39, v29  }
0xde: {  	s26 =	sadd.s32 $0x17000, s25;
	v53 =	vld.idx.msk [tilespmem:v56+s3+$0x0], $0xffff;
	[tilespmem:s25+$0x17000] =	vst v52  }
0xdf: {  	v54 =	vadd.s32 v13, v37;
	[tilespmem:s26+$0x10] =	vst v29;
	v29 =	vadd.bf16 v42, v41  }
0xe0: {  	v56 =	vadd.s32 v2, v26;
	v55 =	vld.idx.msk [tilespmem:v60+s3+$0x0], $0xffff  }
0xe1: {  	v58 =	vunpack.i.u.bf16.f32 v46;
	v46 =	vunpack.i.l.bf16.f32 v46;
	v31 =	vld.idx.msk [tilespmem:v31+s3+$0x0], $0xffff;
	v59 =	vunpack.i.l.bf16.f32 v29  }
0xe2: {  	v57 =	vadd.s32 v2, v25;
	v32 =	vld.idx.msk [tilespmem:v61+s3+$0x0], $0xffff;
	v29 =	vunpack.i.u.bf16.f32 v29;
	v46 =	vadd.f32 v59, v46  }
0xe3: {  	v39 =	vadd.bf16 v53, v43;
	v29 =	vadd.f32 v29, v58  }
0xe4: {  	v60 =	vadd.s32 v2, v24;
	v61 =	vadd.s32 v8, v28;
	v45 =	vld.idx.msk [tilespmem:v54+s3+$0x0], $0xffff;
	[tilespmem:s1+$0x20] =	vst v46  }
0xe5: {  	v43 =	vadd.s32 v8, v30;
	v62 =	vunpack.i.l.bf16.f32 v55;
	v63 =	vunpack.i.l.bf16.f32 v39;
	[tilespmem:s1+$0x30] =	vst v29  }
0xe6: {  	v40 =	vunpack.i.u.bf16.f32 v55;
	v29 =	vunpack.i.u.bf16.f32 v39;
	v52 =	vadd.f32 v63, v62;
	v53 =	vld.idx.msk [tilespmem:v56+s3+$0x0], $0xffff  }
0xe7: {  	v31 =	vadd.bf16 v32, v31;
	v29 =	vadd.f32 v29, v40;
	v42 =	vld.idx.msk [tilespmem:v57+s3+$0x0], $0xffff  }
0xe8: {  	v54 =	vadd.s32 v14, v38;
	v55 =	vadd.s32 v8, v27;
	[tilespmem:s0+$0x460] =	vst v52  }
0xe9: {  	v44 =	vld.idx.msk [tilespmem:v60+s3+$0x0], $0xffff;
	v58 =	vunpack.i.l.bf16.f32 v31;
	[tilespmem:s0+$0x470] =	vst v29;
	v29 =	vunpack.i.u.bf16.f32 v45;
	v31 =	vunpack.i.u.bf16.f32 v31  }
0xea: {  	v56 =	vadd.s32 v14, v36;
	v57 =	vunpack.i.l.bf16.f32 v45;
	v43 =	vld.idx.msk [tilespmem:v43+s3+$0x0], $0xffff;
	v29 =	vadd.f32 v31, v29  }
0xeb: {  	v59 =	vadd.f32 v58, v57;
	v31 =	vld.idx.msk [tilespmem:v61+s3+$0x0], $0xffff  }
0xec: {  	v60 =	vadd.s32 v14, v37;
	[tilespmem:s26+$0x30] =	vst v29;
	v29 =	vadd.bf16 v42, v53  }
0xed: {  	v62 =	vadd.s32 v3, v26;
	v41 =	vld.idx.msk [tilespmem:v55+s3+$0x0], $0xffff;
	[tilespmem:s26+$0x20] =	vst v59  }
0xee: {  	v52 =	vunpack.i.u.bf16.f32 v44;
	v44 =	vunpack.i.l.bf16.f32 v44;
	v61 =	vld.idx.msk [tilespmem:v54+s3+$0x0], $0xffff;
	v53 =	vunpack.i.l.bf16.f32 v29  }
0xef: {  	v63 =	vadd.s32 v3, v25;
	v39 =	vld.idx.msk [tilespmem:v56+s3+$0x0], $0xffff;
	v29 =	vunpack.i.u.bf16.f32 v29;
	v44 =	vadd.f32 v53, v44  }
0xf0: {  	v31 =	vadd.bf16 v31, v43;
	v29 =	vadd.f32 v29, v52  }
0xf1: {  	v55 =	vadd.s32 v3, v24;
	v54 =	vadd.s32 v9, v30;
	v46 =	vld.idx.msk [tilespmem:v60+s3+$0x0], $0xffff;
	[tilespmem:s1+$0x40] =	vst v44  }
0xf2: {  	v56 =	vadd.s32 v9, v28;
	v57 =	vunpack.i.l.bf16.f32 v41;
	v58 =	vunpack.i.l.bf16.f32 v31;
	[tilespmem:s1+$0x50] =	vst v29  }
0xf3: {  	v41 =	vunpack.i.u.bf16.f32 v41;
	v29 =	vunpack.i.u.bf16.f32 v31;
	v31 =	vadd.f32 v58, v57;
	v59 =	vld.idx.msk [tilespmem:v62+s3+$0x0], $0xffff  }
0xf4: {  	v32 =	vadd.bf16 v39, v61;
	v29 =	vadd.f32 v29, v41;
	v42 =	vld.idx.msk [tilespmem:v63+s3+$0x0], $0xffff  }
0xf5: {  	s12 =	sadd.s32 $0x16C00, s28;
	v60 =	vadd.s32 v15, v38;
	v61 =	vadd.s32 v9, v27;
	[tilespmem:s28+$0x16C00] =	vst v31  }
0xf6: {  	v45 =	vld.idx.msk [tilespmem:v55+s3+$0x0], $0xffff;
	v63 =	vunpack.i.l.bf16.f32 v32;
	v32 =	vunpack.i.u.bf16.f32 v32;
	[tilespmem:s12+$0x10] =	vst v29;
	v29 =	vunpack.i.u.bf16.f32 v46  }
0xf7: {  	v62 =	vunpack.i.l.bf16.f32 v46;
	v31 =	vadd.s32 v15, v36;
	v43 =	vld.idx.msk [tilespmem:v54+s3+$0x0], $0xffff;
	v29 =	vadd.f32 v32, v29  }
0xf8: {  	v44 =	vadd.f32 v63, v62;
	v49 =	vld.idx.msk [tilespmem:v56+s3+$0x0], $0xffff  }
0xf9: {  	v50 =	vadd.s32 v15, v37;
	[tilespmem:s26+$0x50] =	vst v29;
	v29 =	vadd.bf16 v42, v59  }
0xfa: {  	v52 =	vadd.s32 v4, v26;
	[tilespmem:s26+$0x40] =	vst v44;
	v41 =	vld.idx.msk [tilespmem:v61+s3+$0x0], $0xffff  }
0xfb: {  	v56 =	vadd.s32 v4, v25;
	v54 =	vunpack.i.l.bf16.f32 v45;
	v51 =	vld.idx.msk [tilespmem:v60+s3+$0x0], $0xffff;
	v55 =	vunpack.i.l.bf16.f32 v29  }
0xfc: {  	v53 =	vunpack.i.u.bf16.f32 v45;
	v31 =	vld.idx.msk [tilespmem:v31+s3+$0x0], $0xffff;
	v29 =	vunpack.i.u.bf16.f32 v29;
	v44 =	vadd.f32 v55, v54  }
0xfd: {  	v32 =	vadd.bf16 v49, v43;
	v29 =	vadd.f32 v29, v53  }
0xfe: {  	v57 =	vadd.s32 v4, v24;
	v58 =	vadd.s32 v10, v30;
	v46 =	vld.idx.msk [tilespmem:v50+s3+$0x0], $0xffff;
	[tilespmem:s1+$0x60] =	vst v44  }
0xff: {  	v59 =	vunpack.i.u.bf16.f32 v41;
	v41 =	vunpack.i.l.bf16.f32 v41;
	v60 =	vunpack.i.l.bf16.f32 v32;
	[tilespmem:s1+$0x70] =	vst v29  }
0x100: {  	v62 =	vadd.s32 v10, v28;
	v29 =	vunpack.i.u.bf16.f32 v32;
	v61 =	vadd.f32 v60, v41;
	v63 =	vld.idx.msk [tilespmem:v52+s3+$0x0], $0xffff  }
0x101: {  	v31 =	vadd.bf16 v31, v51;
	v29 =	vadd.f32 v29, v59;
	v50 =	vld.idx.msk [tilespmem:v56+s3+$0x0], $0xffff  }
0x102: {  	v48 =	vadd.s32 v10, v27;
	v49 =	vadd.s32 v16, v38;
	[tilespmem:s12+$0x20] =	vst v61  }
0x103: {  	v54 =	vadd.s32 v16, v36;
	v51 =	vld.idx.msk [tilespmem:v57+s3+$0x0], $0xffff;
	v52 =	vunpack.i.u.bf16.f32 v46;
	[tilespmem:s12+$0x30] =	vst v29;
	v29 =	vunpack.i.u.bf16.f32 v31  }
0x104: {  	v46 =	vunpack.i.l.bf16.f32 v46;
	v53 =	vunpack.i.l.bf16.f32 v31;
	v42 =	vld.idx.msk [tilespmem:v58+s3+$0x0], $0xffff;
	v29 =	vadd.f32 v29, v52  }
0x105: {  	v31 =	vadd.f32 v53, v46;
	v41 =	vld.idx.msk [tilespmem:v62+s3+$0x0], $0xffff  }
0x106: {  	v55 =	vadd.s32 v16, v37;
	[tilespmem:s26+$0x70] =	vst v29;
	v29 =	vadd.bf16 v50, v63  }
0x107: {  	v58 =	vadd.s32 v5, v26;
	[tilespmem:s26+$0x60] =	vst v31;
	v31 =	vld.idx.msk [tilespmem:v48+s3+$0x0], $0xffff  }
0x108: {  	v52 =	vadd.s32 v5, v25;
	v43 =	vunpack.i.l.bf16.f32 v51;
	v56 =	vld.idx.msk [tilespmem:v49+s3+$0x0], $0xffff;
	v61 =	vunpack.i.l.bf16.f32 v29  }
0x109: {  	v60 =	vunpack.i.u.bf16.f32 v51;
	v59 =	vld.idx.msk [tilespmem:v54+s3+$0x0], $0xffff;
	v29 =	vunpack.i.u.bf16.f32 v29;
	v43 =	vadd.f32 v61, v43  }
0x10a: {  	v57 =	vadd.s32 v5, v24;
	v41 =	vadd.bf16 v41, v42;
	v29 =	vadd.f32 v29, v60  }
0x10b: {  	v53 =	vadd.s32 v11, v30;
	v62 =	vld.idx.msk [tilespmem:v55+s3+$0x0], $0xffff;
	[tilespmem:s1+$0x400] =	vst v43  }
0x10c: {  	v63 =	vadd.s32 v11, v27;
	v54 =	vunpack.i.l.bf16.f32 v31;
	v55 =	vunpack.i.l.bf16.f32 v41;
	[tilespmem:s1+$0x410] =	vst v29  }
0x10d: {  	v31 =	vunpack.i.u.bf16.f32 v31;
	v41 =	vunpack.i.u.bf16.f32 v41;
	v29 =	vadd.f32 v55, v54;
	v40 =	vld.idx.msk [tilespmem:v58+s3+$0x0], $0xffff  }
0x10e: {  	s24 =	simm.s32 $0x3;
	v32 =	vadd.bf16 v59, v56;
	v31 =	vadd.f32 v41, v31;
	v47 =	vld.idx.msk [tilespmem:v52+s3+$0x0], $0xffff  }
0x10f: {  	v61 =	vmov s24;
	v56 =	vadd.s32 v11, v28;
	v39 =	vld.idx.msk [tilespmem:v57+s3+$0x0], $0xffff;
	v57 =	vadd.s32 v17, v38;
	[tilespmem:s12+$0x40] =	vst v29  }
0x110: {  	v42 =	vunpack.i.u.bf16.f32 v62;
	v29 =	vunpack.i.l.bf16.f32 v62;
	v44 =	vunpack.i.l.bf16.f32 v32;
	[tilespmem:s12+$0x50] =	vst v31  }
0x111: {  	v31 =	vunpack.i.u.bf16.f32 v32;
	v32 =	vperm.xlane v33, v61;
	v29 =	vadd.f32 v44, v29;
	v58 =	vld.idx.msk [tilespmem:v63+s3+$0x0], $0xffff  }
0x112: {  	v59 =	vadd.s32 v17, v36;
	v62 =	vadd.s32 v17, v37;
	v31 =	vadd.f32 v31, v42;
	v60 =	vld.idx.msk [tilespmem:v53+s3+$0x0], $0xffff  }
0x113: {  	s26 =	sadd.s32 $0x17400, s25;
	v63 =	vadd.s32 v6, v26;
	v51 =	vadd.s32 v0, v32;
	[tilespmem:s25+$0x17400] =	vst v29;
	v40 =	vadd.bf16 v47, v40  }
0x114: {  	v41 =	vld.idx.msk [tilespmem:v56+s3+$0x0], $0xffff;
	v29 =	vperm.xlane v35, v61;
	[tilespmem:s26+$0x10] =	vst v31;
	v31 =	vperm.xlane v34, v61  }
0x115: {  	v54 =	vunpack.i.u.bf16.f32 v39;
	v39 =	vunpack.i.l.bf16.f32 v39;
	v55 =	vunpack.i.l.bf16.f32 v40  }
0x116: {  	v43 =	vld.idx.msk [tilespmem:v57+s3+$0x0], $0xffff;
	v40 =	vunpack.i.u.bf16.f32 v40;
	v52 =	vadd.s32 v0, v31;
	v39 =	vadd.f32 v55, v39  }
0x117: {  	v48 =	vadd.s32 v6, v25;
	v45 =	vld.idx.msk [tilespmem:v59+s3+$0x0], $0xffff;
	v40 =	vadd.f32 v40, v54  }
0x118: {  	v53 =	vadd.s32 v0, v29;
	v42 =	vld.idx.msk [tilespmem:v62+s3+$0x0], $0xffff;
	[tilespmem:s1+$0x420] =	vst v39  }
0x119: {  	v46 =	vadd.s32 v18, v38;
	v51 =	vld.idx.msk [tilespmem:v51+s3+$0x0], $0xffff;
	v41 =	vadd.bf16 v41, v60;
	[tilespmem:s1+$0x430] =	vst v40  }
0x11a: {  	v50 =	vadd.s32 v12, v30;
	v49 =	vadd.s32 v6, v24;
	v57 =	vunpack.i.u.bf16.f32 v58;
	v40 =	vld.idx.msk [tilespmem:v63+s3+$0x0], $0xffff  }
0x11b: {  	v44 =	vunpack.i.l.bf16.f32 v58;
	v60 =	vadd.s32 v12, v28;
	v58 =	vunpack.i.l.bf16.f32 v41;
	v52 =	vld.idx.msk [tilespmem:v52+s3+$0x0], $0xffff  }
0x11c: {  	v48 =	vld.idx.msk [tilespmem:v48+s3+$0x0], $0xffff;
	v41 =	vunpack.i.u.bf16.f32 v41;
	v43 =	vadd.bf16 v45, v43;
	v59 =	vadd.f32 v58, v44  }
0x11d: {  	v62 =	vadd.s32 v12, v27;
	v54 =	vadd.s32 v1, v31;
	v61 =	vld.idx.msk [tilespmem:v53+s3+$0x0], $0xffff;
	v41 =	vadd.f32 v41, v57  }
0x11e: {  	v63 =	vunpack.i.l.bf16.f32 v42;
	v42 =	vunpack.i.u.bf16.f32 v42;
	v56 =	vunpack.i.l.bf16.f32 v43;
	[tilespmem:s12+$0x60] =	vst v59  }
0x11f: {  	v49 =	vld.idx.msk [tilespmem:v49+s3+$0x0], $0xffff;
	v57 =	vadd.s32 v18, v36;
	v43 =	vunpack.i.u.bf16.f32 v43;
	[tilespmem:s12+$0x70] =	vst v41;
	v47 =	vadd.f32 v56, v63  }
0x120: {  	s24 =	simm.s32 $0x0;
	v58 =	vadd.s32 v18, v37;
	v42 =	vadd.f32 v43, v42;
	v43 =	vld.idx.msk [tilespmem:v50+s3+$0x0], $0xffff;
	v51 =	vadd.bf16 v52, v51  }
0x121: {  	s0 =	smul.u32 $0x6000, s24;
	v59 =	vadd.s32 v1, v32;
	v44 =	vld.idx.msk [tilespmem:v60+s3+$0x0], $0xffff;
	v40 =	vadd.bf16 v48, v40;
	[tilespmem:s26+$0x20] =	vst v47  }
0x122: {  	s12 =	simm.s32 $0x180;
	v39 =	vld.idx.msk [tilespmem:v62+s3+$0x0], $0xffff;
	[tilespmem:s26+$0x30] =	vst v42;
	v60 =	vunpack.i.u.bf16.f32 v61;
	v45 =	vunpack.i.l.bf16.f32 v61;
	v61 =	vunpack.i.l.bf16.f32 v51  }
0x123: {  	s0 =	sshra.s32 s0, $0x2;
	s12 =	sand.u32 $0x380, s12;
	v62 =	vadd.s32 v1, v29;
	v46 =	vld.idx.msk [tilespmem:v46+s3+$0x0], $0xffff;
	v51 =	vunpack.i.u.bf16.f32 v51;
	v45 =	vadd.f32 v61, v45  }
0x124: {  	v63 =	vunpack.i.u.bf16.f32 v49;
	v49 =	vunpack.i.l.bf16.f32 v49;
	s24 =	sor.u32 s12, s0;
	v41 =	vld.idx.msk [tilespmem:v57+s3+$0x0], $0xffff;
	v42 =	vadd.f32 v51, v60  }
0x125: {  	v52 =	vadd.s32 v7, v26;
	s0 =	sadd.s32 $0x16400, s24;
	v57 =	vunpack.i.l.bf16.f32 v40;
	v50 =	vld.idx.msk [tilespmem:v58+s3+$0x0], $0xffff;
	v40 =	vunpack.i.u.bf16.f32 v40;
	[tilespmem:s24+$0x16400] =	vst v45  }
0x126: {  	v58 =	vadd.f32 v57, v49;
	v51 =	vadd.s32 v7, v25;
	v43 =	vadd.bf16 v44, v43;
	[tilespmem:s0+$0x10] =	vst v42  }
0x127: {  	v47 =	vadd.s32 v13, v28;
	v40 =	vadd.f32 v40, v63;
	v44 =	vld.idx.msk [tilespmem:v59+s3+$0x0], $0xffff  }
0x128: {  	[tilespmem:s1+$0x440] =	vst v58;
	v60 =	vunpack.i.u.bf16.f32 v39;
	v39 =	vunpack.i.l.bf16.f32 v39;
	v61 =	vunpack.i.l.bf16.f32 v43;
	v49 =	vld.idx.msk [tilespmem:v54+s3+$0x0], $0xffff  }
0x129: {  	[tilespmem:s1+$0x450] =	vst v40;
	v39 =	vadd.f32 v61, v39;
	v59 =	vadd.s32 v7, v24;
	v48 =	vld.idx.msk [tilespmem:v62+s3+$0x0], $0xffff;
	v62 =	vunpack.i.u.bf16.f32 v43  }
0x12a: {  	v63 =	vadd.s32 v13, v27;
	v43 =	vld.idx.msk [tilespmem:v52+s3+$0x0], $0xffff;
	v40 =	vadd.f32 v62, v60  }
0x12b: {  	v53 =	vadd.s32 v13, v30;
	s12 =	sadd.s32 $0x17000, s28;
	v41 =	vadd.bf16 v41, v46;
	v51 =	vld.idx.msk [tilespmem:v51+s3+$0x0], $0xffff;
	[tilespmem:s28+$0x17000] =	vst v39  }
0x12c: {  	v46 =	vadd.s32 v19, v38;
	v57 =	vunpack.i.l.bf16.f32 v50;
	v61 =	vadd.s32 v2, v32;
	[tilespmem:s12+$0x10] =	vst v40  }
0x12d: {  	v58 =	vunpack.i.l.bf16.f32 v41;
	v54 =	vadd.s32 v19, v36;
	v41 =	vunpack.i.u.bf16.f32 v41;
	v47 =	vld.idx.msk [tilespmem:v47+s3+$0x0], $0xffff  }
0x12e: {  	v52 =	vadd.s32 v14, v30;
	v39 =	vadd.f32 v58, v57;
	v45 =	vld.idx.msk [tilespmem:v59+s3+$0x0], $0xffff;
	v59 =	vunpack.i.u.bf16.f32 v50  }
0x12f: {  	v60 =	vadd.s32 v19, v37;
	v42 =	vld.idx.msk [tilespmem:v63+s3+$0x0], $0xffff;
	v40 =	vadd.f32 v41, v59;
	v41 =	vadd.bf16 v49, v44  }
0x130: {  	[tilespmem:s26+$0x40] =	vst v39;
	v39 =	vadd.s32 v2, v31;
	v50 =	vld.idx.msk [tilespmem:v53+s3+$0x0], $0xffff;
	v62 =	vunpack.i.l.bf16.f32 v48;
	v43 =	vadd.bf16 v51, v43  }
0x131: {  	v63 =	vunpack.i.u.bf16.f32 v48;
	v49 =	vadd.s32 v8, v26;
	v56 =	vunpack.i.l.bf16.f32 v41  }
0x132: {  	[tilespmem:s26+$0x50] =	vst v40;
	v41 =	vunpack.i.u.bf16.f32 v41;
	v59 =	vunpack.i.l.bf16.f32 v43;
	v57 =	vadd.f32 v56, v62  }
0x133: {  	v43 =	vunpack.i.u.bf16.f32 v43;
	v46 =	vld.idx.msk [tilespmem:v46+s3+$0x0], $0xffff;
	v40 =	vadd.f32 v41, v63;
	v41 =	vadd.s32 v2, v29  }
0x134: {  	v51 =	vld.idx.msk [tilespmem:v54+s3+$0x0], $0xffff;
	v54 =	vadd.s32 v8, v25;
	v58 =	vunpack.i.u.bf16.f32 v45;
	v45 =	vunpack.i.l.bf16.f32 v45;
	[tilespmem:s0+$0x20] =	vst v57  }
0x135: {  	v44 =	vld.idx.msk [tilespmem:v60+s3+$0x0], $0xffff;
	v63 =	vunpack.i.u.bf16.f32 v42;
	v47 =	vadd.bf16 v47, v50;
	[tilespmem:s0+$0x30] =	vst v40;
	v60 =	vadd.f32 v59, v45  }
0x136: {  	v50 =	vadd.s32 v14, v28;
	v43 =	vadd.f32 v43, v58;
	v45 =	vadd.s32 v8, v24;
	v48 =	vld.idx.msk [tilespmem:v61+s3+$0x0], $0xffff  }
0x137: {  	v59 =	vadd.s32 v14, v27;
	v61 =	vunpack.i.l.bf16.f32 v42;
	v62 =	vunpack.i.l.bf16.f32 v47;
	v39 =	vld.idx.msk [tilespmem:v39+s3+$0x0], $0xffff;
	[tilespmem:s1+$0x460] =	vst v60  }
0x138: {  	v56 =	vunpack.i.u.bf16.f32 v47;
	v47 =	vadd.s32 v15, v30;
	v57 =	vadd.f32 v62, v61;
	[tilespmem:s1+$0x470] =	vst v43;
	v41 =	vld.idx.msk [tilespmem:v41+s3+$0x0], $0xffff  }
0x139: {  	v40 =	vadd.f32 v56, v63;
	v63 =	vadd.s32 v20, v36;
	v58 =	vadd.bf16 v51, v46;
	v42 =	vld.idx.msk [tilespmem:v49+s3+$0x0], $0xffff  }
0x13a: {  	v43 =	vadd.s32 v3, v32;
	v49 =	vadd.s32 v20, v38;
	v60 =	vunpack.i.l.bf16.f32 v44;
	v61 =	vld.idx.msk [tilespmem:v54+s3+$0x0], $0xffff;
	[tilespmem:s12+$0x20] =	vst v57  }
0x13b: {  	v44 =	vunpack.i.u.bf16.f32 v44;
	v54 =	vadd.s32 v9, v25;
	[tilespmem:s12+$0x30] =	vst v40;
	v62 =	vunpack.i.l.bf16.f32 v58;
	v45 =	vld.idx.msk [tilespmem:v45+s3+$0x0], $0xffff  }
0x13c: {  	v55 =	vunpack.i.u.bf16.f32 v58;
	v51 =	vld.idx.msk [tilespmem:v52+s3+$0x0], $0xffff;
	v56 =	vadd.f32 v62, v60;
	v39 =	vadd.bf16 v39, v48  }
0x13d: {  	v57 =	vadd.s32 v20, v37;
	v58 =	vld.idx.msk [tilespmem:v50+s3+$0x0], $0xffff;
	v50 =	vadd.s32 v3, v31;
	v40 =	vadd.f32 v55, v44  }
0x13e: {  	v46 =	vld.idx.msk [tilespmem:v59+s3+$0x0], $0xffff;
	[tilespmem:s26+$0x60] =	vst v56;
	v59 =	vunpack.i.u.bf16.f32 v41;
	v41 =	vunpack.i.l.bf16.f32 v41;
	v60 =	vunpack.i.l.bf16.f32 v39  }
0x13f: {  	[tilespmem:s26+$0x70] =	vst v40;
	v39 =	vunpack.i.u.bf16.f32 v39;
	v42 =	vadd.bf16 v61, v42;
	v41 =	vadd.f32 v60, v41  }
0x140: {  	v52 =	vadd.s32 v9, v26;
	v61 =	vadd.s32 v3, v29;
	v49 =	vld.idx.msk [tilespmem:v49+s3+$0x0], $0xffff;
	v39 =	vadd.f32 v39, v59  }
0x141: {  	v48 =	vadd.s32 v15, v28;
	v53 =	vld.idx.msk [tilespmem:v63+s3+$0x0], $0xffff;
	v62 =	vunpack.i.l.bf16.f32 v45;
	v63 =	vunpack.i.l.bf16.f32 v42;
	[tilespmem:s0+$0x40] =	vst v41  }
0x142: {  	v44 =	vld.idx.msk [tilespmem:v57+s3+$0x0], $0xffff;
	v45 =	vunpack.i.u.bf16.f32 v45;
	v57 =	vunpack.i.u.bf16.f32 v42;
	v58 =	vadd.bf16 v58, v51;
	[tilespmem:s0+$0x50] =	vst v39  }
0x143: {  	v59 =	vunpack.i.u.bf16.f32 v46;
	v46 =	vunpack.i.l.bf16.f32 v46;
	v41 =	vadd.f32 v63, v62;
	v43 =	vld.idx.msk [tilespmem:v43+s3+$0x0], $0xffff  }
0x144: {  	v39 =	vadd.f32 v57, v45;
	v45 =	vadd.s32 v9, v24;
	v62 =	vadd.s32 v15, v27;
	v50 =	vld.idx.msk [tilespmem:v50+s3+$0x0], $0xffff  }
0x145: {  	s1 =	sadd.s32 $0x16C00, s23;
	v51 =	vunpack.i.l.bf16.f32 v58;
	v60 =	vunpack.i.u.bf16.f32 v58;
	v58 =	vadd.s32 v21, v36;
	[tilespmem:s23+$0x16C00] =	vst v41;
	v40 =	vld.idx.msk [tilespmem:v61+s3+$0x0], $0xffff  }
0x146: {  	v46 =	vadd.f32 v51, v46;
	v51 =	vadd.s32 v21, v38;
	[tilespmem:s1+$0x10] =	vst v39;
	v61 =	vadd.bf16 v53, v49  }
0x147: {  	v39 =	vadd.f32 v60, v59;
	v63 =	vunpack.i.l.bf16.f32 v44;
	v44 =	vunpack.i.u.bf16.f32 v44;
	v49 =	vld.idx.msk [tilespmem:v52+s3+$0x0], $0xffff  }
0x148: {  	v53 =	vadd.s32 v16, v27;
	v60 =	vadd.s32 v21, v37;
	v52 =	vld.idx.msk [tilespmem:v54+s3+$0x0], $0xffff;
	[tilespmem:s12+$0x40] =	vst v46;
	v57 =	vunpack.i.l.bf16.f32 v61  }
0x149: {  	v54 =	vadd.s32 v4, v32;
	v45 =	vld.idx.msk [tilespmem:v45+s3+$0x0], $0xffff;
	v42 =	vunpack.i.u.bf16.f32 v61;
	[tilespmem:s12+$0x50] =	vst v39;
	v59 =	vadd.f32 v57, v63  }
0x14a: {  	v61 =	vadd.s32 v4, v29;
	v42 =	vadd.f32 v42, v44;
	v44 =	vld.idx.msk [tilespmem:v47+s3+$0x0], $0xffff;
	v43 =	vadd.bf16 v50, v43  }
0x14b: {  	s26 =	sadd.s32 $0x17800, s25;
	v50 =	vadd.s32 v10, v24;
	v48 =	vld.idx.msk [tilespmem:v48+s3+$0x0], $0xffff;
	v57 =	vadd.s32 v4, v31;
	[tilespmem:s25+$0x17800] =	vst v59  }
0x14c: {  	v41 =	vld.idx.msk [tilespmem:v62+s3+$0x0], $0xffff;
	v62 =	vunpack.i.u.bf16.f32 v40;
	v40 =	vunpack.i.l.bf16.f32 v40;
	v63 =	vunpack.i.l.bf16.f32 v43;
	[tilespmem:s26+$0x10] =	vst v42  }
0x14d: {  	v43 =	vunpack.i.u.bf16.f32 v43;
	v40 =	vadd.f32 v63, v40;
	v49 =	vadd.bf16 v52, v49;
	v51 =	vld.idx.msk [tilespmem:v51+s3+$0x0], $0xffff  }
0x14e: {  	v42 =	vadd.f32 v43, v62;
	v52 =	vadd.s32 v10, v26;
	v46 =	vld.idx.msk [tilespmem:v58+s3+$0x0], $0xffff;
	v58 =	vunpack.i.u.bf16.f32 v45  }
0x14f: {  	v45 =	vunpack.i.l.bf16.f32 v45;
	v47 =	vld.idx.msk [tilespmem:v60+s3+$0x0], $0xffff;
	[tilespmem:s0+$0x60] =	vst v40;
	v59 =	vunpack.i.l.bf16.f32 v49;
	v60 =	vunpack.i.u.bf16.f32 v49  }
0x150: {  	[tilespmem:s0+$0x70] =	vst v42;
	v44 =	vadd.bf16 v48, v44;
	v48 =	vadd.s32 v16, v30;
	v45 =	vadd.f32 v59, v45  }
0x151: {  	v62 =	vunpack.i.u.bf16.f32 v41;
	v39 =	vld.idx.msk [tilespmem:v61+s3+$0x0], $0xffff;
	v40 =	vadd.f32 v60, v58;
	v61 =	vadd.s32 v10, v25  }
0x152: {  	v41 =	vunpack.i.l.bf16.f32 v41;
	v49 =	vld.idx.msk [tilespmem:v54+s3+$0x0], $0xffff;
	v58 =	vadd.s32 v16, v28;
	v63 =	vunpack.i.l.bf16.f32 v44;
	[tilespmem:s1+$0x20] =	vst v45  }
0x153: {  	v43 =	vld.idx.msk [tilespmem:v57+s3+$0x0], $0xffff;
	v56 =	vunpack.i.u.bf16.f32 v44;
	[tilespmem:s1+$0x30] =	vst v40;
	v41 =	vadd.f32 v63, v41;
	v57 =	vadd.bf16 v46, v51  }
0x154: {  	v60 =	vadd.s32 v22, v38;
	v54 =	vadd.s32 v5, v32;
	v40 =	vadd.f32 v56, v62;
	v46 =	vld.idx.msk [tilespmem:v50+s3+$0x0], $0xffff  }
0x155: {  	v62 =	vadd.s32 v22, v36;
	v50 =	vld.idx.msk [tilespmem:v52+s3+$0x0], $0xffff;
	v59 =	vunpack.i.l.bf16.f32 v47;
	[tilespmem:s12+$0x60] =	vst v41;
	v51 =	vunpack.i.l.bf16.f32 v57  }
0x156: {  	v47 =	vunpack.i.u.bf16.f32 v47;
	[tilespmem:s12+$0x70] =	vst v40;
	v42 =	vld.idx.msk [tilespmem:v61+s3+$0x0], $0xffff;
	v44 =	vunpack.i.u.bf16.f32 v57;
	v61 =	vadd.f32 v51, v59  }
0x157: {  	v63 =	vadd.s32 v22, v37;
	v45 =	vadd.s32 v17, v30;
	v44 =	vadd.f32 v44, v47;
	v47 =	vld.idx.msk [tilespmem:v48+s3+$0x0], $0xffff  }
0x158: {  	v43 =	vadd.bf16 v43, v49;
	v48 =	vadd.s32 v23, v38;
	v38 =	vld.idx.msk [tilespmem:v58+s3+$0x0], $0xffff;
	[tilespmem:s26+$0x20] =	vst v61  }
0x159: {  	v49 =	vadd.s32 v11, v26;
	v51 =	vld.idx.msk [tilespmem:v53+s3+$0x0], $0xffff;
	v53 =	vadd.s32 v5, v29;
	[tilespmem:s26+$0x30] =	vst v44  }
0x15a: {  	v57 =	vunpack.i.l.bf16.f32 v43;
	v61 =	vunpack.i.u.bf16.f32 v39;
	v39 =	vunpack.i.l.bf16.f32 v39;
	v52 =	vld.idx.msk [tilespmem:v60+s3+$0x0], $0xffff  }
0x15b: {  	v43 =	vunpack.i.u.bf16.f32 v43;
	v44 =	vadd.s32 v11, v24;
	v41 =	vld.idx.msk [tilespmem:v62+s3+$0x0], $0xffff;
	v39 =	vadd.f32 v57, v39  }
0x15c: {  	v60 =	vadd.s32 v5, v31;
	v43 =	vadd.f32 v43, v61;
	v42 =	vadd.bf16 v42, v50  }
0x15d: {  	v40 =	vld.idx.msk [tilespmem:v63+s3+$0x0], $0xffff;
	v62 =	vunpack.i.u.bf16.f32 v46;
	v46 =	vunpack.i.l.bf16.f32 v46;
	v38 =	vadd.bf16 v38, v47  }
0x15e: {  	[tilespmem:s0+$0x410] =	vst v43;
	v43 =	vadd.s32 v11, v25;
	v63 =	vunpack.i.u.bf16.f32 v42;
	v42 =	vunpack.i.l.bf16.f32 v42  }
0x15f: {  	[tilespmem:s0+$0x400] =	vst v39;
	v56 =	vunpack.i.l.bf16.f32 v51;
	v58 =	vunpack.i.u.bf16.f32 v51;
	v42 =	vadd.f32 v42, v46  }
0x160: {  	v39 =	vadd.f32 v63, v62;
	v46 =	vld.idx.msk [tilespmem:v53+s3+$0x0], $0xffff;
	v57 =	vunpack.i.l.bf16.f32 v38;
	v41 =	vadd.bf16 v41, v52  }
0x161: {  	v51 =	vadd.s32 v23, v36;
	v38 =	vunpack.i.u.bf16.f32 v38;
	v52 =	vld.idx.msk [tilespmem:v54+s3+$0x0], $0xffff;
	v47 =	vadd.f32 v57, v56;
	[tilespmem:s1+$0x40] =	vst v42  }
0x162: {  	v50 =	vld.idx.msk [tilespmem:v60+s3+$0x0], $0xffff;
	v38 =	vadd.f32 v38, v58;
	v59 =	vunpack.i.l.bf16.f32 v40;
	[tilespmem:s1+$0x50] =	vst v39;
	v60 =	vunpack.i.l.bf16.f32 v41  }
0x163: {  	s11 =	sadd.s32 $0x17400, s28;
	s25 =	simm.s32 $0x4;
	v61 =	vunpack.i.u.bf16.f32 v40;
	v44 =	vld.idx.msk [tilespmem:v44+s3+$0x0], $0xffff;
	[tilespmem:s28+$0x17400] =	vst v47;
	v62 =	vunpack.i.u.bf16.f32 v41;
	v39 =	vadd.f32 v60, v59  }
0x164: {  	v63 =	vadd.s32 v17, v28;
	v41 =	vld.idx.msk [tilespmem:v49+s3+$0x0], $0xffff;
	[tilespmem:s11+$0x10] =	vst v38;
	v59 =	vmov s25;
	v40 =	vadd.f32 v62, v61  }
0x165: {  	v43 =	vld.idx.msk [tilespmem:v43+s3+$0x0], $0xffff;
	v60 =	vadd.s32 v23, v37;
	v38 =	vperm.xlane v33, v59;
	[tilespmem:s26+$0x40] =	vst v39  }
0x166: {  	v61 =	vadd.s32 v17, v27;
	v45 =	vld.idx.msk [tilespmem:v45+s3+$0x0], $0xffff;
	v37 =	vperm.xlane v34, v59;
	[tilespmem:s26+$0x50] =	vst v40  }
0x167: {  	v55 =	vadd.s32 v12, v25;
	v36 =	vperm.xlane v35, v59;
	v48 =	vld.idx.msk [tilespmem:v48+s3+$0x0], $0xffff;
	v56 =	vadd.s32 v0, v38  }
0x168: {  	v53 =	vadd.s32 v6, v29;
	v50 =	vadd.bf16 v50, v52;
	v51 =	vld.idx.msk [tilespmem:v51+s3+$0x0], $0xffff;
	v58 =	vadd.s32 v0, v37  }
0x169: {  	v54 =	vadd.s32 v12, v26;
	v42 =	vld.idx.msk [tilespmem:v63+s3+$0x0], $0xffff;
	v59 =	vunpack.i.u.bf16.f32 v46;
	v57 =	vadd.s32 v0, v36  }
0x16a: {  	v46 =	vunpack.i.l.bf16.f32 v46;
	v52 =	vadd.s32 v6, v32;
	v62 =	vunpack.i.l.bf16.f32 v50;
	v40 =	vld.idx.msk [tilespmem:v60+s3+$0x0], $0xffff  }
0x16b: {  	v50 =	vunpack.i.u.bf16.f32 v50;
	v41 =	vadd.bf16 v43, v41;
	v46 =	vadd.f32 v62, v46;
	v47 =	vld.idx.msk [tilespmem:v61+s3+$0x0], $0xffff  }
0x16c: {  	v43 =	vadd.s32 v6, v31;
	v50 =	vadd.f32 v50, v59;
	v59 =	vunpack.i.u.bf16.f32 v44;
	v56 =	vld.idx.msk [tilespmem:v56+s3+$0x0], $0xffff  }
0x16d: {  	v44 =	vunpack.i.l.bf16.f32 v44;
	v60 =	vunpack.i.l.bf16.f32 v41;
	[tilespmem:s0+$0x420] =	vst v46;
	v39 =	vadd.bf16 v51, v48;
	v48 =	vld.idx.msk [tilespmem:v58+s3+$0x0], $0xffff  }
0x16e: {  	v41 =	vunpack.i.u.bf16.f32 v41;
	v42 =	vadd.bf16 v42, v45;
	v44 =	vadd.f32 v60, v44;
	[tilespmem:s0+$0x430] =	vst v50;
	v45 =	vld.idx.msk [tilespmem:v57+s3+$0x0], $0xffff  }
0x16f: {  	v49 =	vadd.s32 v18, v30;
	v63 =	vadd.f32 v41, v59;
	v60 =	vadd.s32 v12, v24;
	v52 =	vld.idx.msk [tilespmem:v52+s3+$0x0], $0xffff  }
0x170: {  	v50 =	vadd.s32 v13, v26;
	v62 =	vunpack.i.l.bf16.f32 v42;
	v42 =	vunpack.i.u.bf16.f32 v42;
	v53 =	vld.idx.msk [tilespmem:v53+s3+$0x0], $0xffff;
	[tilespmem:s1+$0x60] =	vst v44  }
0x171: {  	v57 =	vadd.s32 v1, v37;
	v43 =	vld.idx.msk [tilespmem:v43+s3+$0x0], $0xffff;
	[tilespmem:s1+$0x70] =	vst v63;
	v63 =	vadd.s32 v18, v28;
	v61 =	vunpack.i.l.bf16.f32 v47  }
0x172: {  	v58 =	vunpack.i.u.bf16.f32 v40;
	v47 =	vunpack.i.u.bf16.f32 v47;
	v55 =	vld.idx.msk [tilespmem:v55+s3+$0x0], $0xffff;
	v44 =	vadd.f32 v62, v61  }
0x173: {  	s12 =	simm.s32 $0x0;
	v59 =	vunpack.i.u.bf16.f32 v39;
	v42 =	vadd.f32 v42, v47;
	v47 =	vld.idx.msk [tilespmem:v54+s3+$0x0], $0xffff;
	v48 =	vadd.bf16 v48, v56  }
0x174: {  	s1 =	smul.u32 $0x6000, s12;
	v54 =	vadd.s32 v18, v27;
	v56 =	vadd.s32 v7, v32;
	[tilespmem:s11+$0x20] =	vst v44;
	v44 =	vadd.s32 v1, v38  }
0x175: {  	s31 =	simm.s32 $0x200;
	v51 =	vld.idx.msk [tilespmem:v60+s3+$0x0], $0xffff;
	v60 =	vunpack.i.u.bf16.f32 v45;
	v45 =	vunpack.i.l.bf16.f32 v45;
	v61 =	vunpack.i.l.bf16.f32 v48  }
0x176: {  	s25 =	sand.u32 $0x380, s31;
	s1 =	sshra.s32 s1, $0x2;
	[tilespmem:s11+$0x30] =	vst v42;
	v43 =	vadd.bf16 v43, v52;
	v48 =	vunpack.i.u.bf16.f32 v48;
	v45 =	vadd.f32 v61, v45  }
0x177: {  	s25 =	sor.u32 s25, s1;
	v62 =	vunpack.i.u.bf16.f32 v53;
	v49 =	vld.idx.msk [tilespmem:v49+s3+$0x0], $0xffff;
	v42 =	vadd.f32 v48, v60;
	v48 =	vadd.s32 v1, v36  }
0x178: {  	s29 =	sadd.s32 $0x16400, s25;
	v53 =	vunpack.i.l.bf16.f32 v53;
	v46 =	vld.idx.msk [tilespmem:v63+s3+$0x0], $0xffff;
	v52 =	vadd.s32 v7, v31;
	v63 =	vunpack.i.l.bf16.f32 v43;
	[tilespmem:s25+$0x16400] =	vst v45  }
0x179: {  	v54 =	vld.idx.msk [tilespmem:v54+s3+$0x0], $0xffff;
	v60 =	vunpack.i.u.bf16.f32 v43;
	v47 =	vadd.bf16 v55, v47;
	v61 =	vadd.f32 v63, v53;
	[tilespmem:s29+$0x10] =	vst v42  }
0x17a: {  	v41 =	vadd.f32 v59, v58;
	v45 =	vadd.s32 v7, v29;
	v42 =	vadd.f32 v60, v62;
	v44 =	vld.idx.msk [tilespmem:v44+s3+$0x0], $0xffff  }
0x17b: {  	v63 =	vunpack.i.l.bf16.f32 v47;
	[tilespmem:s0+$0x440] =	vst v61;
	v62 =	vunpack.i.u.bf16.f32 v51;
	v51 =	vunpack.i.l.bf16.f32 v51;
	v55 =	vld.idx.msk [tilespmem:v57+s3+$0x0], $0xffff  }
0x17c: {  	v53 =	vadd.s32 v13, v25;
	v60 =	vunpack.i.u.bf16.f32 v47;
	v61 =	vadd.f32 v63, v51;
	v48 =	vld.idx.msk [tilespmem:v48+s3+$0x0], $0xffff;
	[tilespmem:s0+$0x450] =	vst v42  }
0x17d: {  	v43 =	vadd.s32 v13, v24;
	v46 =	vadd.bf16 v46, v49;
	v42 =	vadd.f32 v60, v62;
	v49 =	vld.idx.msk [tilespmem:v56+s3+$0x0], $0xffff  }
0x17e: {  	s1 =	sadd.s32 $0x17000, s23;
	v51 =	vadd.s32 v19, v30;
	v57 =	vadd.s32 v19, v28;
	v62 =	vunpack.i.l.bf16.f32 v54;
	v52 =	vld.idx.msk [tilespmem:v52+s3+$0x0], $0xffff;
	[tilespmem:s23+$0x17000] =	vst v61  }
0x17f: {  	v63 =	vunpack.i.l.bf16.f32 v46;
	v59 =	vunpack.i.u.bf16.f32 v54;
	v46 =	vunpack.i.u.bf16.f32 v46;
	v45 =	vld.idx.msk [tilespmem:v45+s3+$0x0], $0xffff;
	[tilespmem:s1+$0x10] =	vst v42  }
0x180: {  	v54 =	vadd.s32 v14, v26;
	v47 =	vadd.f32 v63, v62;
	v56 =	vadd.s32 v2, v38;
	v50 =	vld.idx.msk [tilespmem:v50+s3+$0x0], $0xffff  }
0x181: {  	v42 =	vadd.f32 v46, v59;
	v46 =	vadd.s32 v19, v27;
	v53 =	vld.idx.msk [tilespmem:v53+s3+$0x0], $0xffff;
	v44 =	vadd.bf16 v55, v44  }
0x182: {  	[tilespmem:s11+$0x40] =	vst v47;
	v47 =	vadd.s32 v2, v37;
	v55 =	vadd.s32 v8, v32;
	v60 =	vunpack.i.l.bf16.f32 v48  }
0x183: {  	v43 =	vld.idx.msk [tilespmem:v43+s3+$0x0], $0xffff;
	[tilespmem:s11+$0x50] =	vst v42;
	v62 =	vunpack.i.u.bf16.f32 v48;
	v48 =	vadd.s32 v8, v29;
	v61 =	vunpack.i.l.bf16.f32 v44  }
0x184: {  	v51 =	vld.idx.msk [tilespmem:v51+s3+$0x0], $0xffff;
	v44 =	vunpack.i.u.bf16.f32 v44;
	v49 =	vadd.bf16 v52, v49;
	v63 =	vadd.f32 v61, v60  }
0x185: {  	v52 =	vld.idx.msk [tilespmem:v57+s3+$0x0], $0xffff;
	v42 =	vadd.f32 v44, v62;
	v44 =	vadd.s32 v2, v36;
	v60 =	vunpack.i.u.bf16.f32 v45  }
0x186: {  	v45 =	vunpack.i.l.bf16.f32 v45;
	v61 =	vunpack.i.l.bf16.f32 v49;
	v50 =	vadd.bf16 v53, v50;
	[tilespmem:s29+$0x20] =	vst v63  }
0x187: {  	v57 =	vadd.s32 v8, v31;
	v46 =	vld.idx.msk [tilespmem:v46+s3+$0x0], $0xffff;
	v49 =	vunpack.i.u.bf16.f32 v49;
	[tilespmem:s29+$0x30] =	vst v42;
	v62 =	vadd.f32 v61, v45  }
0x188: {  	v45 =	vadd.f32 v49, v60;
	v63 =	vunpack.i.l.bf16.f32 v43;
	v49 =	vld.idx.msk [tilespmem:v56+s3+$0x0], $0xffff;
	v60 =	vunpack.i.l.bf16.f32 v50  }
0x189: {  	v53 =	vadd.s32 v14, v25;
	v61 =	vunpack.i.u.bf16.f32 v43;
	v47 =	vld.idx.msk [tilespmem:v47+s3+$0x0], $0xffff;
	[tilespmem:s0+$0x460] =	vst v62;
	v63 =	vadd.f32 v60, v63  }
0x18a: {  	v62 =	vunpack.i.u.bf16.f32 v50;
	[tilespmem:s0+$0x470] =	vst v45;
	v60 =	vadd.bf16 v52, v51;
	v51 =	vadd.s32 v14, v24;
	v44 =	vld.idx.msk [tilespmem:v44+s3+$0x0], $0xffff  }
0x18b: {  	v52 =	vadd.s32 v20, v30;
	v50 =	vadd.s32 v15, v26;
	v42 =	vadd.f32 v62, v61;
	v43 =	vld.idx.msk [tilespmem:v55+s3+$0x0], $0xffff  }
0x18c: {  	v61 =	vunpack.i.l.bf16.f32 v46;
	v56 =	vld.idx.msk [tilespmem:v57+s3+$0x0], $0xffff;
	v46 =	vunpack.i.u.bf16.f32 v46;
	[tilespmem:s1+$0x20] =	vst v63;
	v62 =	vunpack.i.l.bf16.f32 v60  }
0x18d: {  	v48 =	vld.idx.msk [tilespmem:v48+s3+$0x0], $0xffff;
	v63 =	vadd.s32 v20, v28;
	v59 =	vunpack.i.u.bf16.f32 v60;
	[tilespmem:s1+$0x30] =	vst v42;
	v60 =	vadd.f32 v62, v61  }
0x18e: {  	v45 =	vadd.s32 v3, v38;
	v42 =	vadd.f32 v59, v46;
	v54 =	vld.idx.msk [tilespmem:v54+s3+$0x0], $0xffff;
	v47 =	vadd.bf16 v47, v49  }
0x18f: {  	v39 =	vunpack.i.l.bf16.f32 v39;
	v46 =	vadd.s32 v20, v27;
	v49 =	vld.idx.msk [tilespmem:v53+s3+$0x0], $0xffff;
	v53 =	vadd.s32 v3, v37;
	[tilespmem:s11+$0x60] =	vst v60  }
0x190: {  	v51 =	vld.idx.msk [tilespmem:v51+s3+$0x0], $0xffff;
	[tilespmem:s11+$0x70] =	vst v42;
	v61 =	vunpack.i.u.bf16.f32 v44;
	v44 =	vunpack.i.l.bf16.f32 v44;
	v62 =	vunpack.i.l.bf16.f32 v47  }
0x191: {  	v52 =	vld.idx.msk [tilespmem:v52+s3+$0x0], $0xffff;
	v47 =	vunpack.i.u.bf16.f32 v47;
	v43 =	vadd.bf16 v56, v43;
	v44 =	vadd.f32 v62, v44  }
0x192: {  	v55 =	vadd.s32 v9, v32;
	v56 =	vld.idx.msk [tilespmem:v63+s3+$0x0], $0xffff;
	v42 =	vadd.f32 v47, v61;
	v47 =	vadd.s32 v3, v36  }
0x193: {  	v57 =	vadd.s32 v9, v31;
	v63 =	vunpack.i.l.bf16.f32 v48;
	v60 =	vunpack.i.l.bf16.f32 v43;
	[tilespmem:s29+$0x40] =	vst v44  }
0x194: {  	v48 =	vunpack.i.u.bf16.f32 v48;
	v46 =	vld.idx.msk [tilespmem:v46+s3+$0x0], $0xffff;
	v61 =	vunpack.i.u.bf16.f32 v43;
	[tilespmem:s29+$0x50] =	vst v42;
	v62 =	vadd.f32 v60, v63  }
0x195: {  	v63 =	vadd.bf16 v49, v54;
	v42 =	vadd.f32 v61, v48;
	v48 =	vadd.s32 v9, v29;
	v45 =	vld.idx.msk [tilespmem:v45+s3+$0x0], $0xffff  }
0x196: {  	s11 =	sadd.s32 $0x16C00, s24;
	v43 =	vadd.s32 v15, v24;
	v53 =	vld.idx.msk [tilespmem:v53+s3+$0x0], $0xffff;
	v60 =	vunpack.i.u.bf16.f32 v51;
	v51 =	vunpack.i.l.bf16.f32 v51;
	[tilespmem:s24+$0x16C00] =	vst v62  }
0x197: {  	v54 =	vunpack.i.l.bf16.f32 v63;
	v61 =	vunpack.i.u.bf16.f32 v63;
	v58 =	vld.idx.msk [tilespmem:v47+s3+$0x0], $0xffff;
	[tilespmem:s11+$0x10] =	vst v42;
	v62 =	vadd.bf16 v56, v52  }
0x198: {  	v49 =	vadd.s32 v15, v25;
	v63 =	vadd.f32 v54, v51;
	v42 =	vadd.f32 v61, v60;
	v51 =	vld.idx.msk [tilespmem:v55+s3+$0x0], $0xffff  }
0x199: {  	v52 =	vadd.s32 v21, v30;
	v54 =	vld.idx.msk [tilespmem:v57+s3+$0x0], $0xffff;
	v60 =	vunpack.i.l.bf16.f32 v46;
	v57 =	vadd.s32 v21, v28  }
0x19a: {  	v46 =	vunpack.i.u.bf16.f32 v46;
	v56 =	vunpack.i.l.bf16.f32 v62;
	[tilespmem:s1+$0x40] =	vst v63;
	v59 =	vld.idx.msk [tilespmem:v48+s3+$0x0], $0xffff;
	v44 =	vunpack.i.u.bf16.f32 v62  }
0x19b: {  	[tilespmem:s1+$0x50] =	vst v42;
	v42 =	vadd.s32 v16, v24;
	v47 =	vadd.f32 v56, v60;
	v55 =	vadd.f32 v44, v46  }
0x19c: {  	v46 =	vld.idx.msk [tilespmem:v50+s3+$0x0], $0xffff;
	v60 =	vadd.s32 v21, v27;
	v45 =	vadd.bf16 v53, v45;
	v44 =	vadd.s32 v10, v29  }
0x19d: {  	s30 =	sadd.s32 $0x17800, s28;
	v40 =	vunpack.i.l.bf16.f32 v40;
	v48 =	vld.idx.msk [tilespmem:v49+s3+$0x0], $0xffff;
	v49 =	vadd.s32 v4, v36;
	v50 =	vadd.s32 v4, v38;
	[tilespmem:s28+$0x17800] =	vst v47  }
0x19e: {  	v47 =	vld.idx.msk [tilespmem:v43+s3+$0x0], $0xffff;
	v61 =	vunpack.i.l.bf16.f32 v58;
	v62 =	vunpack.i.l.bf16.f32 v45;
	v63 =	vunpack.i.u.bf16.f32 v45;
	[tilespmem:s30+$0x10] =	vst v55  }
0x19f: {  	[tilespmem:s26+$0x70] =	vst v41;
	v55 =	vunpack.i.u.bf16.f32 v58;
	v56 =	vadd.f32 v62, v61;
	v53 =	vadd.bf16 v54, v51;
	v43 =	vld.idx.msk [tilespmem:v52+s3+$0x0], $0xffff  }
0x1a0: {  	v51 =	vadd.s32 v10, v32;
	v45 =	vld.idx.msk [tilespmem:v57+s3+$0x0], $0xffff;
	v54 =	vadd.f32 v63, v55;
	v52 =	vadd.s32 v4, v37  }
0x1a1: {  	s0 =	simm.s32 $0x5;
	v55 =	vunpack.i.u.bf16.f32 v59;
	[tilespmem:s29+$0x60] =	vst v56;
	v56 =	vunpack.i.l.bf16.f32 v59;
	v57 =	vunpack.i.l.bf16.f32 v53;
	v41 =	vld.idx.msk [tilespmem:v60+s3+$0x0], $0xffff  }
.LBB2_5:
0x1a2: {  	p1 =	sne.s32 s0, $0xF;
	[tilespmem:s29+$0x70] =	vst v54;
	v53 =	vunpack.i.u.bf16.f32 v53;
	v54 =	vadd.f32 v57, v56;
	v46 =	vadd.bf16 v48, v46  }
0x1a3: {  	v48 =	vld.idx.msk [tilespmem:v49+s3+$0x0], $0xffff;
	v49 =	vadd.f32 v53, v55;
	v53 =	vadd.s32 v10, v31;
	v55 =	vadd.s32 v16, v26  }
0x1a4: {  	v50 =	vld.idx.msk [tilespmem:v50+s3+$0x0], $0xffff;
	[tilespmem:s11+$0x20] =	vst v54;
	v54 =	vunpack.i.u.bf16.f32 v47;
	v47 =	vunpack.i.l.bf16.f32 v47;
	v56 =	vunpack.i.l.bf16.f32 v46  }
0x1a5: {  	v46 =	vunpack.i.u.bf16.f32 v46;
	v43 =	vadd.bf16 v45, v43;
	v52 =	vld.idx.msk [tilespmem:v52+s3+$0x0], $0xffff;
	[tilespmem:s11+$0x30] =	vst v49;
	v47 =	vadd.f32 v56, v47  }
0x1a6: {  	v45 =	vadd.f32 v46, v54;
	v46 =	vadd.s32 v16, v25;
	v49 =	vadd.s32 v22, v30;
	v44 =	vld.idx.msk [tilespmem:v44+s3+$0x0], $0xffff  }
0x1a7: {  	v56 =	vadd.s32 v22, v28;
	v54 =	vunpack.i.l.bf16.f32 v43;
	v51 =	vld.idx.msk [tilespmem:v51+s3+$0x0], $0xffff;
	[tilespmem:s1+$0x60] =	vst v47;
	v47 =	vunpack.i.l.bf16.f32 v41  }
0x1a8: {  	v43 =	vunpack.i.u.bf16.f32 v43;
	v41 =	vunpack.i.u.bf16.f32 v41;
	v53 =	vld.idx.msk [tilespmem:v53+s3+$0x0], $0xffff;
	[tilespmem:s1+$0x70] =	vst v45;
	v45 =	vadd.f32 v54, v47  }
0x1a9: {  	v39 =	vadd.f32 v39, v40;
	v41 =	vadd.f32 v43, v41;
	v42 =	vld.idx.msk [tilespmem:v42+s3+$0x0], $0xffff  }
0x1aa: {  	v43 =	vadd.s32 v22, v27;
	v40 =	vld.idx.msk [tilespmem:v55+s3+$0x0], $0xffff;
	[tilespmem:s30+$0x20] =	vst v45;
	v45 =	vadd.s32 v23, v30;
	v30 =	vmov v26  }
0x1ab: {  	v26 =	vmov v32;
	v46 =	vld.idx.msk [tilespmem:v46+s3+$0x0], $0xffff;
	v47 =	vadd.s32 v17, v30;
	[tilespmem:s30+$0x30] =	vst v41;
	v41 =	vadd.s32 v23, v28  }
0x1ac: {  	v50 =	vadd.bf16 v52, v50;
	v52 =	vadd.s32 v11, v29;
	v54 =	vadd.s32 v11, v26;
	v49 =	vld.idx.msk [tilespmem:v49+s3+$0x0], $0xffff  }
0x1ad: {  	v57 =	vadd.s32 v5, v38;
	v58 =	vadd.s32 v5, v37;
	v55 =	vadd.s32 v5, v36;
	v56 =	vld.idx.msk [tilespmem:v56+s3+$0x0], $0xffff  }
0x1ae: {  	v59 =	vunpack.i.u.bf16.f32 v48;
	v48 =	vunpack.i.l.bf16.f32 v48;
	v32 =	vmovc v38;
	v28 =	vmovc v25;
	v60 =	vunpack.i.l.bf16.f32 v50;
	[tilespmem:s26+$0x60] =	vst v39;
	s26 =	smov.u32 s30  }
0x1af: {  	v25 =	vmovc v31;
	v38 =	vunpack.i.u.bf16.f32 v50;
	v39 =	vadd.f32 v60, v48;
	v48 =	vadd.bf16 v53, v51;
	v43 =	vld.idx.msk [tilespmem:v43+s3+$0x0], $0xffff  }
0x1b0: {  	v31 =	vmovc v37;
	v50 =	vunpack.i.u.bf16.f32 v44;
	v44 =	vunpack.i.l.bf16.f32 v44;
	v38 =	vadd.f32 v38, v59  }
0x1b1: {  	v37 =	vunpack.i.u.bf16.f32 v48;
	v40 =	vadd.bf16 v46, v40;
	[tilespmem:s29+$0x400] =	vst v39;
	v39 =	vunpack.i.l.bf16.f32 v48  }
0x1b2: {  	v37 =	vadd.f32 v37, v50;
	[tilespmem:s29+$0x410] =	vst v38;
	v38 =	vadd.f32 v39, v44;
	v39 =	vadd.s32 v11, v25  }
0x1b3: {  	v46 =	vunpack.i.l.bf16.f32 v42;
	v48 =	vunpack.i.l.bf16.f32 v40;
	v49 =	vadd.bf16 v56, v49;
	v44 =	vld.idx.msk [tilespmem:v55+s3+$0x0], $0xffff  }
0x1b4: {  	v40 =	vunpack.i.u.bf16.f32 v40;
	v50 =	vld.idx.msk [tilespmem:v57+s3+$0x0], $0xffff;
	[tilespmem:s11+$0x40] =	vst v38;
	v38 =	vunpack.i.u.bf16.f32 v42;
	v42 =	vadd.f32 v48, v46  }
0x1b5: {  	v46 =	vld.idx.msk [tilespmem:v58+s3+$0x0], $0xffff;
	[tilespmem:s11+$0x50] =	vst v37;
	v37 =	vadd.f32 v40, v38;
	v38 =	vunpack.i.l.bf16.f32 v43;
	v40 =	vunpack.i.l.bf16.f32 v49  }
0x1b6: {  	s28 =	sadd.s32 $0x17400, s23;
	v48 =	vld.idx.msk [tilespmem:v52+s3+$0x0], $0xffff;
	[tilespmem:s23+$0x17400] =	vst v42;
	v42 =	vunpack.i.u.bf16.f32 v43;
	v43 =	vunpack.i.u.bf16.f32 v49;
	v38 =	vadd.f32 v40, v38  }
0x1b7: {  	v49 =	vadd.s32 v17, v28;
	v40 =	vld.idx.msk [tilespmem:v54+s3+$0x0], $0xffff;
	[tilespmem:s28+$0x10] =	vst v37;
	v37 =	vadd.f32 v43, v42  }
0x1b8: {  	v42 =	vmov s0;
	v43 =	vadd.s32 v23, v27;
	v27 =	vmovc v24;
	v24 =	vmovc v29;
	v29 =	vmov v36;
	v39 =	vld.idx.msk [tilespmem:v39+s3+$0x0], $0xffff;
	[tilespmem:s26+$0x40] =	vst v38  }
0x1b9: {  	v36 =	vperm.xlane v35, v42;
	v38 =	vperm.xlane v33, v42;
	v47 =	vld.idx.msk [tilespmem:v47+s3+$0x0], $0xffff;
	[tilespmem:s26+$0x50] =	vst v37  }
0x1ba: {  	v51 =	vadd.s32 v18, v30;
	v37 =	vperm.xlane v34, v42;
	v42 =	vadd.s32 v17, v27;
	v45 =	vld.idx.msk [tilespmem:v45+s3+$0x0], $0xffff  }
0x1bb: {  	v53 =	vadd.s32 v12, v26;
	v54 =	vadd.s32 v12, v25;
	v52 =	vadd.s32 v6, v29;
	v41 =	vld.idx.msk [tilespmem:v41+s3+$0x0], $0xffff  }
0x1bc: {  	v55 =	vadd.s32 v0, v38;
	v46 =	vadd.bf16 v46, v50;
	v50 =	vadd.s32 v6, v32;
	v49 =	vld.idx.msk [tilespmem:v49+s3+$0x0], $0xffff  }
0x1bd: {  	v58 =	vadd.s32 v6, v31;
	v56 =	vadd.s32 v0, v36;
	v57 =	vadd.s32 v0, v37;
	v43 =	vld.idx.msk [tilespmem:v43+s3+$0x0], $0xffff  }
0x1be: {  	v59 =	vunpack.i.u.bf16.f32 v44;
	v44 =	vunpack.i.l.bf16.f32 v44;
	v60 =	vunpack.i.l.bf16.f32 v46  }
0x1bf: {  	v46 =	vunpack.i.u.bf16.f32 v46;
	v44 =	vadd.f32 v60, v44;
	v39 =	vadd.bf16 v39, v40;
	v40 =	vld.idx.msk [tilespmem:v42+s3+$0x0], $0xffff  }
0x1c0: {  	v42 =	vadd.f32 v46, v59;
	v46 =	vunpack.i.u.bf16.f32 v48;
	v48 =	vunpack.i.l.bf16.f32 v48  }
0x1c1: {  	v59 =	vunpack.i.u.bf16.f32 v39;
	v39 =	vunpack.i.l.bf16.f32 v39;
	v41 =	vadd.bf16 v41, v45;
	v55 =	vld.idx.msk [tilespmem:v55+s3+$0x0], $0xffff  }
0x1c2: {  	v39 =	vadd.f32 v39, v48;
	v45 =	vld.idx.msk [tilespmem:v57+s3+$0x0], $0xffff;
	[tilespmem:s29+$0x420] =	vst v44;
	v44 =	vadd.f32 v59, v46  }
0x1c3: {  	v48 =	vunpack.i.u.bf16.f32 v41;
	v46 =	vld.idx.msk [tilespmem:v56+s3+$0x0], $0xffff;
	[tilespmem:s29+$0x430] =	vst v42;
	v42 =	vadd.bf16 v49, v47;
	v47 =	vunpack.i.u.bf16.f32 v43  }
0x1c4: {  	v49 =	vld.idx.msk [tilespmem:v50+s3+$0x0], $0xffff;
	[tilespmem:s11+$0x60] =	vst v39;
	v50 =	vadd.s32 v12, v24;
	v39 =	vunpack.i.l.bf16.f32 v41;
	v41 =	vadd.f32 v48, v47  }
0x1c5: {  	v56 =	vadd.s32 v18, v28;
	v47 =	vld.idx.msk [tilespmem:v58+s3+$0x0], $0xffff;
	[tilespmem:s11+$0x70] =	vst v44;
	v44 =	vunpack.i.l.bf16.f32 v40;
	v48 =	vunpack.i.l.bf16.f32 v42  }
0x1c6: {  	v40 =	vunpack.i.u.bf16.f32 v40;
	v42 =	vunpack.i.u.bf16.f32 v42;
	v52 =	vld.idx.msk [tilespmem:v52+s3+$0x0], $0xffff;
	v44 =	vadd.f32 v48, v44;
	[tilespmem:s26+$0x70] =	vst v41  }
0x1c7: {  	v48 =	vadd.s32 v13, v26;
	v42 =	vadd.f32 v42, v40;
	v41 =	vld.idx.msk [tilespmem:v53+s3+$0x0], $0xffff;
	v53 =	vadd.s32 v18, v27  }
0x1c8: {  	s1 =	sshrl.u32 s0, $0x3;
	v40 =	vunpack.i.l.bf16.f32 v43;
	v45 =	vadd.bf16 v45, v55;
	v55 =	vadd.s32 v7, v32;
	v54 =	vld.idx.msk [tilespmem:v54+s3+$0x0], $0xffff;
	[tilespmem:s28+$0x20] =	vst v44  }
0x1c9: {  	s1 =	smul.u32 $0x6000, s1;
	v43 =	vadd.s32 v1, v38;
	v44 =	vadd.s32 v1, v37;
	v50 =	vld.idx.msk [tilespmem:v50+s3+$0x0], $0xffff;
	[tilespmem:s28+$0x30] =	vst v42  }
0x1ca: {  	s31 =	sadd.s32 $0x80, s31;
	v42 =	vunpack.i.u.bf16.f32 v46;
	v46 =	vunpack.i.l.bf16.f32 v46;
	v57 =	vunpack.i.l.bf16.f32 v45;
	v51 =	vld.idx.msk [tilespmem:v51+s3+$0x0], $0xffff  }
0x1cb: {  	s1 =	sshra.s32 s1, $0x2;
	s11 =	sand.u32 $0x380, s31;
	v45 =	vunpack.i.u.bf16.f32 v45;
	v46 =	vadd.f32 v57, v46;
	v47 =	vadd.bf16 v47, v49;
	v49 =	vld.idx.msk [tilespmem:v56+s3+$0x0], $0xffff  }
0x1cc: {  	s12 =	sor.u32 s11, s1;
	v42 =	vadd.f32 v45, v42;
	v45 =	vadd.s32 v1, v36;
	v56 =	vadd.s32 v7, v31  }
0x1cd: {  	s11 =	sadd.s32 $0x16400, s12;
	v57 =	vunpack.i.l.bf16.f32 v47;
	[tilespmem:s12+$0x16400] =	vst v46;
	v46 =	vunpack.i.u.bf16.f32 v52;
	v52 =	vunpack.i.l.bf16.f32 v52;
	v53 =	vld.idx.msk [tilespmem:v53+s3+$0x0], $0xffff  }
0x1ce: {  	v41 =	vadd.bf16 v54, v41;
	[tilespmem:s11+$0x10] =	vst v42;
	v42 =	vunpack.i.u.bf16.f32 v47;
	v47 =	vadd.f32 v57, v52  }
0x1cf: {  	v52 =	vadd.s32 v13, v25;
	v43 =	vld.idx.msk [tilespmem:v43+s3+$0x0], $0xffff;
	v42 =	vadd.f32 v42, v46;
	v46 =	vadd.s32 v7, v29  }
0x1d0: {  	v54 =	vunpack.i.l.bf16.f32 v41;
	v44 =	vld.idx.msk [tilespmem:v44+s3+$0x0], $0xffff;
	[tilespmem:s29+$0x440] =	vst v47;
	v47 =	vunpack.i.u.bf16.f32 v50;
	v50 =	vunpack.i.l.bf16.f32 v50  }
0x1d1: {  	v41 =	vunpack.i.u.bf16.f32 v41;
	v49 =	vadd.bf16 v49, v51;
	v45 =	vld.idx.msk [tilespmem:v45+s3+$0x0], $0xffff;
	[tilespmem:s29+$0x450] =	vst v42;
	v42 =	vadd.f32 v54, v50  }
0x1d2: {  	v51 =	vadd.s32 v19, v30;
	v41 =	vadd.f32 v41, v47;
	v47 =	vadd.s32 v13, v24;
	v50 =	vld.idx.msk [tilespmem:v55+s3+$0x0], $0xffff  }
0x1d3: {  	s1 =	sadd.s32 $0x17000, s24;
	v55 =	vunpack.i.l.bf16.f32 v49;
	v54 =	vld.idx.msk [tilespmem:v56+s3+$0x0], $0xffff;
	[tilespmem:s24+$0x17000] =	vst v42;
	v42 =	vunpack.i.l.bf16.f32 v53;
	v56 =	vadd.s32 v19, v28  }
0x1d4: {  	v49 =	vunpack.i.u.bf16.f32 v49;
	v46 =	vld.idx.msk [tilespmem:v46+s3+$0x0], $0xffff;
	[tilespmem:s1+$0x10] =	vst v41;
	v41 =	vunpack.i.u.bf16.f32 v53;
	v42 =	vadd.f32 v55, v42  }
0x1d5: {  	v53 =	vadd.s32 v14, v26;
	v48 =	vld.idx.msk [tilespmem:v48+s3+$0x0], $0xffff;
	v41 =	vadd.f32 v49, v41;
	v49 =	vadd.s32 v19, v27  }
0x1d6: {  	v43 =	vadd.bf16 v44, v43;
	v44 =	vadd.s32 v8, v32;
	v52 =	vld.idx.msk [tilespmem:v52+s3+$0x0], $0xffff;
	[tilespmem:s28+$0x40] =	vst v42  }
0x1d7: {  	v55 =	vadd.s32 v2, v37;
	v42 =	vadd.s32 v2, v38;
	v47 =	vld.idx.msk [tilespmem:v47+s3+$0x0], $0xffff;
	[tilespmem:s28+$0x50] =	vst v41  }
0x1d8: {  	v41 =	vunpack.i.u.bf16.f32 v45;
	v45 =	vunpack.i.l.bf16.f32 v45;
	v57 =	vunpack.i.l.bf16.f32 v43;
	v51 =	vld.idx.msk [tilespmem:v51+s3+$0x0], $0xffff  }
0x1d9: {  	v43 =	vunpack.i.u.bf16.f32 v43;
	v45 =	vadd.f32 v57, v45;
	v50 =	vadd.bf16 v54, v50;
	v54 =	vld.idx.msk [tilespmem:v56+s3+$0x0], $0xffff  }
0x1da: {  	v41 =	vadd.f32 v43, v41;
	v43 =	vadd.s32 v2, v36;
	v56 =	vadd.s32 v8, v31  }
0x1db: {  	v57 =	vunpack.i.l.bf16.f32 v50;
	[tilespmem:s11+$0x20] =	vst v45;
	v45 =	vunpack.i.u.bf16.f32 v46;
	v46 =	vunpack.i.l.bf16.f32 v46;
	v49 =	vld.idx.msk [tilespmem:v49+s3+$0x0], $0xffff  }
0x1dc: {  	v48 =	vadd.bf16 v52, v48;
	[tilespmem:s11+$0x30] =	vst v41;
	v41 =	vunpack.i.u.bf16.f32 v50;
	v46 =	vadd.f32 v57, v46  }
0x1dd: {  	v50 =	vadd.s32 v14, v25;
	v42 =	vld.idx.msk [tilespmem:v42+s3+$0x0], $0xffff;
	v41 =	vadd.f32 v41, v45;
	v45 =	vadd.s32 v8, v29  }
0x1de: {  	v52 =	vld.idx.msk [tilespmem:v55+s3+$0x0], $0xffff;
	[tilespmem:s29+$0x460] =	vst v46;
	v46 =	vunpack.i.u.bf16.f32 v47;
	v47 =	vunpack.i.l.bf16.f32 v47;
	v55 =	vunpack.i.l.bf16.f32 v48  }
0x1df: {  	v43 =	vld.idx.msk [tilespmem:v43+s3+$0x0], $0xffff;
	[tilespmem:s29+$0x470] =	vst v41;
	v41 =	vunpack.i.u.bf16.f32 v48;
	v47 =	vadd.f32 v55, v47;
	v48 =	vadd.bf16 v54, v51;
	s29 =	smov.u32 s11  }
0x1e0: {  	v51 =	vadd.s32 v20, v30;
	v44 =	vld.idx.msk [tilespmem:v44+s3+$0x0], $0xffff;
	v41 =	vadd.f32 v41, v46;
	v46 =	vadd.s32 v14, v24  }
0x1e1: {  	v54 =	vld.idx.msk [tilespmem:v56+s3+$0x0], $0xffff;
	[tilespmem:s1+$0x20] =	vst v47;
	v47 =	vunpack.i.l.bf16.f32 v49;
	v55 =	vunpack.i.l.bf16.f32 v48;
	v56 =	vadd.s32 v20, v28  }
0x1e2: {  	v48 =	vunpack.i.u.bf16.f32 v48;
	v45 =	vld.idx.msk [tilespmem:v45+s3+$0x0], $0xffff;
	[tilespmem:s1+$0x30] =	vst v41;
	v41 =	vunpack.i.u.bf16.f32 v49;
	v47 =	vadd.f32 v55, v47  }
0x1e3: {  	v49 =	vld.idx.msk [tilespmem:v53+s3+$0x0], $0xffff;
	v53 =	vadd.s32 v15, v26;
	v41 =	vadd.f32 v48, v41;
	v48 =	vadd.s32 v20, v27  }
0x1e4: {  	v42 =	vadd.bf16 v52, v42;
	v52 =	vadd.s32 v9, v32;
	v50 =	vld.idx.msk [tilespmem:v50+s3+$0x0], $0xffff;
	[tilespmem:s28+$0x60] =	vst v47  }
0x1e5: {  	v55 =	vadd.s32 v3, v37;
	v47 =	vadd.s32 v3, v38;
	v46 =	vld.idx.msk [tilespmem:v46+s3+$0x0], $0xffff;
	[tilespmem:s28+$0x70] =	vst v41  }
0x1e6: {  	v41 =	vunpack.i.u.bf16.f32 v43;
	v43 =	vunpack.i.l.bf16.f32 v43;
	v57 =	vunpack.i.l.bf16.f32 v42;
	v51 =	vld.idx.msk [tilespmem:v51+s3+$0x0], $0xffff  }
0x1e7: {  	v42 =	vunpack.i.u.bf16.f32 v42;
	v43 =	vadd.f32 v57, v43;
	v44 =	vadd.bf16 v54, v44;
	v54 =	vld.idx.msk [tilespmem:v56+s3+$0x0], $0xffff  }
0x1e8: {  	v41 =	vadd.f32 v42, v41;
	v42 =	vadd.s32 v3, v36;
	v56 =	vadd.s32 v9, v31  }
0x1e9: {  	v57 =	vunpack.i.l.bf16.f32 v44;
	[tilespmem:s29+$0x40] =	vst v43;
	v43 =	vunpack.i.u.bf16.f32 v45;
	v45 =	vunpack.i.l.bf16.f32 v45;
	v48 =	vld.idx.msk [tilespmem:v48+s3+$0x0], $0xffff  }
0x1ea: {  	[tilespmem:s29+$0x50] =	vst v41;
	v41 =	vunpack.i.u.bf16.f32 v44;
	v44 =	vadd.f32 v57, v45;
	v45 =	vadd.bf16 v50, v49  }
0x1eb: {  	v49 =	vadd.s32 v15, v25;
	v47 =	vld.idx.msk [tilespmem:v47+s3+$0x0], $0xffff;
	v41 =	vadd.f32 v41, v43;
	v43 =	vadd.s32 v9, v29  }
0x1ec: {  	s11 =	sadd.s32 $0x16C00, s25;
	v50 =	vld.idx.msk [tilespmem:v55+s3+$0x0], $0xffff;
	[tilespmem:s25+$0x16C00] =	vst v44;
	v44 =	vunpack.i.u.bf16.f32 v46;
	v46 =	vunpack.i.l.bf16.f32 v46;
	v55 =	vunpack.i.l.bf16.f32 v45  }
0x1ed: {  	v57 =	vld.idx.msk [tilespmem:v42+s3+$0x0], $0xffff;
	[tilespmem:s11+$0x10] =	vst v41;
	v41 =	vunpack.i.u.bf16.f32 v45;
	v42 =	vadd.f32 v55, v46;
	v45 =	vadd.bf16 v54, v51  }
0x1ee: {  	v54 =	vadd.s32 v21, v30;
	v51 =	vld.idx.msk [tilespmem:v52+s3+$0x0], $0xffff;
	v41 =	vadd.f32 v41, v44;
	v52 =	vadd.s32 v15, v24  }
0x1ef: {  	v55 =	vld.idx.msk [tilespmem:v56+s3+$0x0], $0xffff;
	[tilespmem:s1+$0x40] =	vst v42;
	v42 =	vunpack.i.l.bf16.f32 v48;
	v44 =	vunpack.i.l.bf16.f32 v45;
	v56 =	vadd.s32 v21, v28  }
0x1f0: {  	v58 =	vld.idx.msk [tilespmem:v43+s3+$0x0], $0xffff;
	[tilespmem:s1+$0x50] =	vst v41;
	v41 =	vunpack.i.u.bf16.f32 v48;
	v43 =	vunpack.i.u.bf16.f32 v45;
	v45 =	vadd.f32 v44, v42  }
0x1f1: {  	v59 =	vadd.s32 v21, v27;
	v42 =	vadd.s32 v16, v24;
	v46 =	vld.idx.msk [tilespmem:v53+s3+$0x0], $0xffff;
	v41 =	vadd.f32 v43, v41  }
0x1f2: {  	s30 =	sadd.s32 $0x17800, s23;
	v44 =	vadd.s32 v10, v29;
	v53 =	vadd.bf16 v50, v47;
	v48 =	vld.idx.msk [tilespmem:v49+s3+$0x0], $0xffff;
	[tilespmem:s23+$0x17800] =	vst v45;
	s23 =	smov.u32 s24;
	s24 =	smov.u32 s25  }
.Ltmp1:
0x1f3: {  	v50 =	vadd.s32 v4, v38;
	v49 =	vadd.s32 v4, v36;
	s25 =	smov.u32 s12;
	v47 =	vld.idx.msk [tilespmem:v52+s3+$0x0], $0xffff;
	[tilespmem:s30+$0x10] =	vst v41;
	(pc) =	sbr.rel @p1 .LBB2_5-.Ltmp1, $4  }
0x1f4: {  	v45 =	vunpack.i.l.bf16.f32 v57;
	v41 =	vunpack.i.u.bf16.f32 v57;
	v52 =	vunpack.i.l.bf16.f32 v53;
	v43 =	vld.idx.msk [tilespmem:v54+s3+$0x0], $0xffff  }
0x1f5: {  	v54 =	vunpack.i.u.bf16.f32 v53;
	v57 =	vadd.f32 v52, v45;
	v53 =	vadd.bf16 v55, v51;
	v45 =	vld.idx.msk [tilespmem:v56+s3+$0x0], $0xffff  }
0x1f6: {  	v52 =	vadd.s32 v4, v37;
	v51 =	vadd.s32 v10, v32;
	v54 =	vadd.f32 v54, v41  }
0x1f7: {  	s0 =	sadd.s32 $0x1, s0;
	v55 =	vunpack.i.u.bf16.f32 v58;
	v56 =	vunpack.i.l.bf16.f32 v58;
	[tilespmem:s29+$0x60] =	vst v57;
	v57 =	vunpack.i.l.bf16.f32 v53;
	v41 =	vld.idx.msk [tilespmem:v59+s3+$0x0], $0xffff  }
0x1f8: {  	_ =	sdelay $0x2  }
0x1f9: {  	[tilespmem:s29+$0x70] =	vst v54;
	v33 =	vunpack.i.u.bf16.f32 v53;
	v34 =	vadd.f32 v57, v56;
	v35 =	vadd.s32 v10, v31  }
0x1fa: {  	v33 =	vadd.f32 v33, v55;
	v50 =	vld.idx.msk [tilespmem:v50+s3+$0x0], $0xffff  }
0x1fb: {  	v57 =	vld.idx.msk [tilespmem:v52+s3+$0x0], $0xffff;
	[tilespmem:s11+$0x20] =	vst v34  }
0x1fc: {  	v46 =	vadd.bf16 v48, v46;
	v58 =	vld.idx.msk [tilespmem:v49+s3+$0x0], $0xffff;
	[tilespmem:s11+$0x30] =	vst v33  }
0x1fd: {  	v59 =	vadd.s32 v16, v26;
	v60 =	vld.idx.msk [tilespmem:v51+s3+$0x0], $0xffff  }
0x1fe: {  	v61 =	vunpack.i.u.bf16.f32 v47;
	v62 =	vunpack.i.l.bf16.f32 v47;
	v63 =	vunpack.i.l.bf16.f32 v46;
	v35 =	vld.idx.msk [tilespmem:v35+s3+$0x0], $0xffff  }
0x1ff: {  	v56 =	vadd.s32 v16, v25;
	v46 =	vunpack.i.u.bf16.f32 v46;
	v47 =	vadd.f32 v63, v62  }
0x200: {  	v46 =	vadd.f32 v46, v61;
	v44 =	vld.idx.msk [tilespmem:v44+s3+$0x0], $0xffff;
	v34 =	vadd.bf16 v57, v50  }
0x201: {  	[tilespmem:s1+$0x60] =	vst v47;
	v47 =	vadd.s32 v5, v38;
	v57 =	vadd.s32 v5, v37  }
0x202: {  	[tilespmem:s1+$0x70] =	vst v46;
	v63 =	vunpack.i.u.bf16.f32 v58;
	v48 =	vunpack.i.l.bf16.f32 v58;
	v55 =	vunpack.i.l.bf16.f32 v34  }
0x203: {  	v33 =	vld.idx.msk [tilespmem:v59+s3+$0x0], $0xffff;
	v34 =	vunpack.i.u.bf16.f32 v34;
	v48 =	vadd.f32 v55, v48;
	v35 =	vadd.bf16 v35, v60  }
0x204: {  	v51 =	vadd.s32 v11, v32;
	v56 =	vld.idx.msk [tilespmem:v56+s3+$0x0], $0xffff;
	v58 =	vadd.s32 v5, v36;
	v34 =	vadd.f32 v34, v63  }
0x205: {  	v59 =	vunpack.i.u.bf16.f32 v44;
	v44 =	vunpack.i.l.bf16.f32 v44;
	[tilespmem:s29+$0x400] =	vst v48;
	v60 =	vunpack.i.l.bf16.f32 v35  }
0x206: {  	v62 =	vadd.s32 v11, v31;
	v42 =	vld.idx.msk [tilespmem:v42+s3+$0x0], $0xffff;
	[tilespmem:s29+$0x410] =	vst v34;
	v35 =	vunpack.i.u.bf16.f32 v35;
	v61 =	vadd.f32 v60, v44  }
0x207: {  	v46 =	vld.idx.msk [tilespmem:v47+s3+$0x0], $0xffff;
	v35 =	vadd.f32 v35, v59  }
0x208: {  	v63 =	vadd.s32 v11, v29;
	v57 =	vld.idx.msk [tilespmem:v57+s3+$0x0], $0xffff;
	[tilespmem:s11+$0x40] =	vst v61  }
0x209: {  	v33 =	vadd.bf16 v56, v33;
	v58 =	vld.idx.msk [tilespmem:v58+s3+$0x0], $0xffff;
	[tilespmem:s11+$0x50] =	vst v35  }
0x20a: {  	v52 =	vunpack.i.l.bf16.f32 v41;
	v55 =	vunpack.i.u.bf16.f32 v41;
	v56 =	vadd.s32 v17, v26;
	v59 =	vld.idx.msk [tilespmem:v51+s3+$0x0], $0xffff  }
0x20b: {  	v60 =	vunpack.i.l.bf16.f32 v42;
	v42 =	vunpack.i.u.bf16.f32 v42;
	v61 =	vunpack.i.l.bf16.f32 v33;
	v44 =	vld.idx.msk [tilespmem:v62+s3+$0x0], $0xffff  }
0x20c: {  	v33 =	vunpack.i.u.bf16.f32 v33;
	v50 =	vadd.f32 v61, v60;
	v62 =	vadd.s32 v17, v25  }
0x20d: {  	v47 =	vadd.s32 v6, v38;
	v33 =	vadd.f32 v33, v42;
	v42 =	vld.idx.msk [tilespmem:v63+s3+$0x0], $0xffff;
	v34 =	vadd.bf16 v57, v46  }
0x20e: {  	s0 =	sadd.s32 $0x17400, s23;
	v35 =	vadd.bf16 v45, v43;
	v63 =	vadd.s32 v17, v24;
	v57 =	vunpack.i.u.bf16.f32 v58;
	[tilespmem:s23+$0x17400] =	vst v50  }
0x20f: {  	v48 =	vunpack.i.l.bf16.f32 v58;
	v50 =	vadd.s32 v6, v37;
	[tilespmem:s0+$0x10] =	vst v33;
	v58 =	vunpack.i.l.bf16.f32 v34  }
0x210: {  	v34 =	vunpack.i.u.bf16.f32 v34;
	v45 =	vld.idx.msk [tilespmem:v56+s3+$0x0], $0xffff;
	v48 =	vadd.f32 v58, v48;
	v44 =	vadd.bf16 v44, v59  }
0x211: {  	v60 =	vadd.s32 v12, v32;
	v33 =	vadd.f32 v34, v57;
	v59 =	vadd.s32 v6, v36;
	v51 =	vld.idx.msk [tilespmem:v62+s3+$0x0], $0xffff  }
0x212: {  	v34 =	vadd.s32 v12, v31;
	v61 =	vunpack.i.l.bf16.f32 v42;
	[tilespmem:s29+$0x420] =	vst v48;
	v62 =	vunpack.i.l.bf16.f32 v44  }
0x213: {  	v46 =	vld.idx.msk [tilespmem:v63+s3+$0x0], $0xffff;
	v42 =	vunpack.i.u.bf16.f32 v42;
	[tilespmem:s29+$0x430] =	vst v33;
	v44 =	vunpack.i.u.bf16.f32 v44;
	v63 =	vadd.f32 v62, v61  }
0x214: {  	v43 =	vadd.s32 v22, v30;
	v54 =	vunpack.i.l.bf16.f32 v35;
	v56 =	vld.idx.msk [tilespmem:v47+s3+$0x0], $0xffff;
	v42 =	vadd.f32 v44, v42  }
0x215: {  	v35 =	vunpack.i.u.bf16.f32 v35;
	v57 =	vadd.s32 v12, v29;
	v33 =	vadd.f32 v54, v52;
	v58 =	vld.idx.msk [tilespmem:v50+s3+$0x0], $0xffff;
	[tilespmem:s11+$0x60] =	vst v63  }
0x216: {  	v35 =	vadd.f32 v35, v55;
	v54 =	vadd.bf16 v51, v45;
	[tilespmem:s11+$0x70] =	vst v42;
	v55 =	vld.idx.msk [tilespmem:v59+s3+$0x0], $0xffff  }
0x217: {  	[tilespmem:s30+$0x20] =	vst v33;
	v33 =	vadd.s32 v18, v26;
	v59 =	vadd.s32 v22, v28;
	v49 =	vld.idx.msk [tilespmem:v60+s3+$0x0], $0xffff  }
0x218: {  	[tilespmem:s30+$0x30] =	vst v35;
	v63 =	vadd.s32 v22, v27;
	v60 =	vunpack.i.l.bf16.f32 v46;
	v34 =	vld.idx.msk [tilespmem:v34+s3+$0x0], $0xffff;
	v61 =	vunpack.i.l.bf16.f32 v54  }
0x219: {  	v43 =	vld.idx.msk [tilespmem:v43+s3+$0x0], $0xffff;
	v46 =	vunpack.i.u.bf16.f32 v46;
	v41 =	vunpack.i.u.bf16.f32 v54;
	v35 =	vadd.f32 v61, v60  }
0x21a: {  	v62 =	vadd.s32 v18, v25;
	v44 =	vadd.bf16 v58, v56;
	v41 =	vadd.f32 v41, v46;
	v46 =	vld.idx.msk [tilespmem:v57+s3+$0x0], $0xffff  }
0x21b: {  	v56 =	vadd.s32 v18, v24;
	v57 =	vadd.s32 v7, v38;
	[tilespmem:s0+$0x20] =	vst v35;
	v35 =	vadd.s32 v7, v37  }
0x21c: {  	v45 =	vld.idx.msk [tilespmem:v59+s3+$0x0], $0xffff;
	v58 =	vunpack.i.u.bf16.f32 v55;
	v42 =	vunpack.i.l.bf16.f32 v55;
	v59 =	vunpack.i.l.bf16.f32 v44  }
0x21d: {  	[tilespmem:s0+$0x30] =	vst v41;
	v44 =	vunpack.i.u.bf16.f32 v44;
	v50 =	vld.idx.msk [tilespmem:v63+s3+$0x0], $0xffff;
	v42 =	vadd.f32 v59, v42;
	v34 =	vadd.bf16 v34, v49  }
0x21e: {  	v52 =	vadd.s32 v13, v31;
	v61 =	vadd.s32 v7, v36;
	v33 =	vld.idx.msk [tilespmem:v33+s3+$0x0], $0xffff;
	v41 =	vadd.f32 v44, v58  }
0x21f: {  	v60 =	vadd.s32 v13, v32;
	v51 =	vld.idx.msk [tilespmem:v62+s3+$0x0], $0xffff;
	[tilespmem:s29+$0x440] =	vst v42;
	v62 =	vunpack.i.l.bf16.f32 v46;
	v63 =	vunpack.i.l.bf16.f32 v34  }
0x220: {  	v47 =	vld.idx.msk [tilespmem:v56+s3+$0x0], $0xffff;
	v46 =	vunpack.i.u.bf16.f32 v46;
	[tilespmem:s29+$0x450] =	vst v41;
	v34 =	vunpack.i.u.bf16.f32 v34;
	v56 =	vadd.f32 v63, v62  }
0x221: {  	v57 =	vld.idx.msk [tilespmem:v57+s3+$0x0], $0xffff;
	v34 =	vadd.f32 v34, v46  }
0x222: {  	s1 =	sadd.s32 $0x17000, s24;
	v58 =	vadd.s32 v13, v29;
	v35 =	vld.idx.msk [tilespmem:v35+s3+$0x0], $0xffff;
	[tilespmem:s24+$0x17000] =	vst v56  }
0x223: {  	v59 =	vld.idx.msk [tilespmem:v61+s3+$0x0], $0xffff;
	[tilespmem:s1+$0x10] =	vst v34  }
0x224: {  	v42 =	vadd.s32 v19, v24;
	v33 =	vadd.bf16 v51, v33;
	v44 =	vld.idx.msk [tilespmem:v60+s3+$0x0], $0xffff  }
0x225: {  	v62 =	vadd.s32 v19, v25;
	v34 =	vadd.bf16 v45, v43;
	v43 =	vadd.s32 v19, v26;
	v63 =	vld.idx.msk [tilespmem:v52+s3+$0x0], $0xffff  }
0x226: {  	v60 =	vunpack.i.l.bf16.f32 v47;
	v61 =	vunpack.i.l.bf16.f32 v33;
	v47 =	vunpack.i.u.bf16.f32 v47  }
0x227: {  	v33 =	vunpack.i.u.bf16.f32 v33;
	v46 =	vld.idx.msk [tilespmem:v58+s3+$0x0], $0xffff;
	v45 =	vadd.f32 v61, v60;
	v35 =	vadd.bf16 v35, v57  }
0x228: {  	v56 =	vadd.s32 v8, v38;
	v33 =	vadd.f32 v33, v47;
	v58 =	vunpack.i.u.bf16.f32 v59  }
0x229: {  	v41 =	vunpack.i.l.bf16.f32 v59;
	v57 =	vadd.s32 v8, v37;
	[tilespmem:s0+$0x40] =	vst v45;
	v59 =	vunpack.i.l.bf16.f32 v35  }
0x22a: {  	[tilespmem:s0+$0x50] =	vst v33;
	v35 =	vunpack.i.u.bf16.f32 v35;
	v41 =	vadd.f32 v59, v41;
	v44 =	vadd.bf16 v63, v44  }
0x22b: {  	v52 =	vadd.s32 v14, v31;
	v61 =	vadd.s32 v8, v36;
	v43 =	vld.idx.msk [tilespmem:v43+s3+$0x0], $0xffff;
	v33 =	vadd.f32 v35, v58  }
0x22c: {  	v60 =	vadd.s32 v14, v32;
	v49 =	vld.idx.msk [tilespmem:v62+s3+$0x0], $0xffff;
	v62 =	vunpack.i.l.bf16.f32 v46;
	[tilespmem:s29+$0x460] =	vst v41;
	v63 =	vunpack.i.l.bf16.f32 v44  }
0x22d: {  	v42 =	vld.idx.msk [tilespmem:v42+s3+$0x0], $0xffff;
	v46 =	vunpack.i.u.bf16.f32 v46;
	[tilespmem:s29+$0x470] =	vst v33;
	v54 =	vunpack.i.u.bf16.f32 v44;
	v41 =	vadd.f32 v63, v62  }
0x22e: {  	v30 =	vadd.s32 v23, v30;
	v28 =	vadd.s32 v23, v28;
	v47 =	vld.idx.msk [tilespmem:v56+s3+$0x0], $0xffff;
	v33 =	vadd.f32 v54, v46  }
0x22f: {  	v27 =	vadd.s32 v23, v27;
	v48 =	vunpack.i.l.bf16.f32 v50;
	v56 =	vadd.s32 v14, v29;
	v45 =	vld.idx.msk [tilespmem:v57+s3+$0x0], $0xffff;
	[tilespmem:s1+$0x20] =	vst v41  }
0x230: {  	v50 =	vunpack.i.u.bf16.f32 v50;
	v55 =	vunpack.i.l.bf16.f32 v34;
	v34 =	vunpack.i.u.bf16.f32 v34;
	v35 =	vld.idx.msk [tilespmem:v61+s3+$0x0], $0xffff;
	[tilespmem:s1+$0x30] =	vst v33  }
0x231: {  	v34 =	vadd.f32 v34, v50;
	v58 =	vadd.s32 v20, v26;
	v57 =	vadd.bf16 v49, v43;
	v59 =	vld.idx.msk [tilespmem:v60+s3+$0x0], $0xffff  }
0x232: {  	v44 =	vadd.f32 v55, v48;
	v55 =	vadd.s32 v9, v38;
	v62 =	vadd.s32 v20, v25;
	v63 =	vld.idx.msk [tilespmem:v52+s3+$0x0], $0xffff  }
0x233: {  	[tilespmem:s30+$0x50] =	vst v34;
	v60 =	vunpack.i.l.bf16.f32 v42;
	v61 =	vunpack.i.l.bf16.f32 v57;
	v42 =	vunpack.i.u.bf16.f32 v42  }
0x234: {  	[tilespmem:s30+$0x40] =	vst v44;
	v41 =	vunpack.i.u.bf16.f32 v57;
	v34 =	vadd.f32 v61, v60;
	v52 =	vld.idx.msk [tilespmem:v56+s3+$0x0], $0xffff;
	v53 =	vadd.bf16 v45, v47  }
0x235: {  	v54 =	vadd.s32 v20, v24;
	v30 =	vld.idx.msk [tilespmem:v30+s3+$0x0], $0xffff;
	v41 =	vadd.f32 v41, v42;
	v56 =	vadd.s32 v9, v37  }
0x236: {  	v28 =	vld.idx.msk [tilespmem:v28+s3+$0x0], $0xffff;
	v57 =	vunpack.i.u.bf16.f32 v35;
	v35 =	vunpack.i.l.bf16.f32 v35;
	[tilespmem:s0+$0x60] =	vst v34;
	v47 =	vunpack.i.l.bf16.f32 v53  }
0x237: {  	v27 =	vld.idx.msk [tilespmem:v27+s3+$0x0], $0xffff;
	[tilespmem:s0+$0x70] =	vst v41;
	v44 =	vunpack.i.u.bf16.f32 v53;
	v35 =	vadd.f32 v47, v35;
	v43 =	vadd.bf16 v63, v59  }
0x238: {  	v60 =	vadd.s32 v15, v31;
	v33 =	vld.idx.msk [tilespmem:v58+s3+$0x0], $0xffff;
	v41 =	vadd.f32 v44, v57;
	v59 =	vadd.s32 v9, v36  }
0x239: {  	s12 =	sadd.s32 $0x16C00, s25;
	v58 =	vadd.s32 v15, v32;
	v48 =	vld.idx.msk [tilespmem:v62+s3+$0x0], $0xffff;
	[tilespmem:s25+$0x16C00] =	vst v35;
	v61 =	vunpack.i.l.bf16.f32 v52;
	v62 =	vunpack.i.l.bf16.f32 v43  }
0x23a: {  	v45 =	vld.idx.msk [tilespmem:v54+s3+$0x0], $0xffff;
	v42 =	vunpack.i.u.bf16.f32 v52;
	v63 =	vunpack.i.u.bf16.f32 v43;
	[tilespmem:s12+$0x10] =	vst v41;
	v35 =	vadd.f32 v62, v61  }
0x23b: {  	v41 =	vadd.f32 v63, v42;
	v50 =	vld.idx.msk [tilespmem:v55+s3+$0x0], $0xffff  }
0x23c: {  	v51 =	vadd.s32 v15, v29;
	v34 =	vld.idx.msk [tilespmem:v56+s3+$0x0], $0xffff;
	[tilespmem:s1+$0x40] =	vst v35  }
0x23d: {  	v39 =	vadd.f32 v39, v40;
	v52 =	vld.idx.msk [tilespmem:v59+s3+$0x0], $0xffff;
	[tilespmem:s1+$0x50] =	vst v41  }
0x23e: {  	v28 =	vadd.bf16 v28, v30;
	v30 =	vunpack.i.u.bf16.f32 v27;
	v33 =	vadd.bf16 v48, v33;
	v53 =	vld.idx.msk [tilespmem:v58+s3+$0x0], $0xffff  }
0x23f: {  	v54 =	vadd.s32 v21, v26;
	v61 =	vadd.s32 v10, v38;
	v55 =	vunpack.i.l.bf16.f32 v45;
	v57 =	vld.idx.msk [tilespmem:v60+s3+$0x0], $0xffff  }
0x240: {  	v45 =	vunpack.i.u.bf16.f32 v45;
	v59 =	vadd.s32 v21, v24;
	v56 =	vunpack.i.l.bf16.f32 v33  }
0x241: {  	v33 =	vunpack.i.u.bf16.f32 v33;
	v42 =	vld.idx.msk [tilespmem:v51+s3+$0x0], $0xffff;
	v44 =	vadd.f32 v56, v55;
	v34 =	vadd.bf16 v34, v50  }
0x242: {  	v58 =	vadd.s32 v21, v25;
	v60 =	vadd.s32 v10, v36;
	v33 =	vadd.f32 v33, v45  }
0x243: {  	s0 =	sadd.s32 $0x17800, s23;
	[tilespmem:s23+$0x17800] =	vst v44;
	v62 =	vunpack.i.u.bf16.f32 v52;
	v35 =	vunpack.i.l.bf16.f32 v52;
	v63 =	vunpack.i.l.bf16.f32 v34  }
0x244: {  	[tilespmem:s0+$0x10] =	vst v33;
	v34 =	vunpack.i.u.bf16.f32 v34;
	v40 =	vadd.bf16 v57, v53;
	v35 =	vadd.f32 v63, v35  }
0x245: {  	[tilespmem:s26+$0x60] =	vst v39;
	v52 =	vunpack.i.u.bf16.f32 v28;
	v33 =	vld.idx.msk [tilespmem:v54+s3+$0x0], $0xffff;
	v54 =	vadd.s32 v10, v37;
	v53 =	vadd.f32 v34, v62  }
0x246: {  	v39 =	vadd.f32 v52, v30;
	v55 =	vunpack.i.l.bf16.f32 v42;
	v30 =	vld.idx.msk [tilespmem:v59+s3+$0x0], $0xffff;
	v56 =	vunpack.i.l.bf16.f32 v40;
	[tilespmem:s12+$0x20] =	vst v35  }
0x247: {  	v34 =	vld.idx.msk [tilespmem:v58+s3+$0x0], $0xffff;
	[tilespmem:s12+$0x30] =	vst v53;
	v35 =	vadd.f32 v56, v55  }
0x248: {  	[tilespmem:s30+$0x70] =	vst v39;
	v57 =	vld.idx.msk [tilespmem:v60+s3+$0x0], $0xffff  }
0x249: {  	v41 =	vld.idx.msk [tilespmem:v61+s3+$0x0], $0xffff;
	[tilespmem:s1+$0x60] =	vst v35  }
0x24a: {  	v35 =	vld.idx.msk [tilespmem:v54+s3+$0x0], $0xffff;
	_ =	sdelay $0x4  }
0x24b: {  	v35 =	vadd.bf16 v35, v41  }
0x24c: {  	v58 =	vadd.s32 v11, v38  }
0x24d: {  	v61 =	vadd.s32 v11, v37;
	v39 =	vunpack.i.l.bf16.f32 v57;
	v60 =	vunpack.i.l.bf16.f32 v35  }
0x24e: {  	v59 =	vunpack.i.u.bf16.f32 v57;
	v35 =	vunpack.i.u.bf16.f32 v35;
	v39 =	vadd.f32 v60, v39  }
0x24f: {  	v35 =	vadd.f32 v35, v59  }
0x250: {  	v62 =	vadd.s32 v11, v36;
	[tilespmem:s12+$0x40] =	vst v39  }
0x251: {  	[tilespmem:s12+$0x50] =	vst v35  }
0x252: {  	v35 =	vld.idx.msk [tilespmem:v58+s3+$0x0], $0xffff  }
0x253: {  	v39 =	vld.idx.msk [tilespmem:v61+s3+$0x0], $0xffff;
	_ =	sdelay $0x1  }
0x254: {  	v63 =	vld.idx.msk [tilespmem:v62+s3+$0x0], $0xffff;
	_ =	sdelay $0x2  }
0x255: {  	v35 =	vadd.bf16 v39, v35  }
0x256: {  	v49 =	vadd.s32 v12, v37  }
0x257: {  	v48 =	vadd.s32 v12, v38;
	v50 =	vunpack.i.l.bf16.f32 v63;
	v51 =	vunpack.i.l.bf16.f32 v35  }
0x258: {  	v41 =	vunpack.i.u.bf16.f32 v63;
	v35 =	vunpack.i.u.bf16.f32 v35;
	v44 =	vadd.f32 v51, v50  }
0x259: {  	v35 =	vadd.f32 v35, v41  }
0x25a: {  	v52 =	vadd.s32 v12, v36;
	[tilespmem:s12+$0x60] =	vst v44  }
0x25b: {  	[tilespmem:s12+$0x70] =	vst v35  }
0x25c: {  	v35 =	vld.idx.msk [tilespmem:v48+s3+$0x0], $0xffff  }
0x25d: {  	v53 =	vld.idx.msk [tilespmem:v49+s3+$0x0], $0xffff;
	_ =	sdelay $0x1  }
0x25e: {  	v41 =	vld.idx.msk [tilespmem:v52+s3+$0x0], $0xffff;
	_ =	sdelay $0x2  }
0x25f: {  	v35 =	vadd.bf16 v53, v35  }
0x260: {  	v55 =	vadd.s32 v13, v37  }
0x261: {  	v54 =	vadd.s32 v13, v38;
	v56 =	vunpack.i.l.bf16.f32 v41;
	v57 =	vunpack.i.l.bf16.f32 v35  }
0x262: {  	v41 =	vunpack.i.u.bf16.f32 v41;
	v35 =	vunpack.i.u.bf16.f32 v35;
	v44 =	vadd.f32 v57, v56  }
0x263: {  	v35 =	vadd.f32 v35, v41  }
0x264: {  	s26 =	sadd.s32 $0x17000, s25;
	v58 =	vadd.s32 v13, v36;
	[tilespmem:s25+$0x17000] =	vst v44  }
0x265: {  	[tilespmem:s26+$0x10] =	vst v35  }
0x266: {  	v35 =	vld.idx.msk [tilespmem:v54+s3+$0x0], $0xffff  }
0x267: {  	v59 =	vld.idx.msk [tilespmem:v55+s3+$0x0], $0xffff;
	_ =	sdelay $0x1  }
0x268: {  	v41 =	vld.idx.msk [tilespmem:v58+s3+$0x0], $0xffff;
	_ =	sdelay $0x2  }
0x269: {  	v35 =	vadd.bf16 v59, v35  }
0x26a: {  	v60 =	vadd.s32 v14, v38  }
0x26b: {  	v61 =	vadd.s32 v14, v37;
	v62 =	vunpack.i.l.bf16.f32 v41;
	v63 =	vunpack.i.l.bf16.f32 v35  }
0x26c: {  	v41 =	vunpack.i.u.bf16.f32 v41;
	v35 =	vunpack.i.u.bf16.f32 v35;
	v44 =	vadd.f32 v63, v62  }
0x26d: {  	v35 =	vadd.f32 v35, v41  }
0x26e: {  	v46 =	vadd.s32 v14, v36;
	[tilespmem:s26+$0x20] =	vst v44  }
0x26f: {  	[tilespmem:s26+$0x30] =	vst v35  }
0x270: {  	v35 =	vld.idx.msk [tilespmem:v60+s3+$0x0], $0xffff  }
0x271: {  	v47 =	vld.idx.msk [tilespmem:v61+s3+$0x0], $0xffff;
	_ =	sdelay $0x1  }
0x272: {  	v41 =	vld.idx.msk [tilespmem:v46+s3+$0x0], $0xffff;
	_ =	sdelay $0x2  }
0x273: {  	v35 =	vadd.bf16 v47, v35  }
0x274: {  	v48 =	vadd.s32 v15, v38  }
0x275: {  	v49 =	vadd.s32 v15, v37;
	v50 =	vunpack.i.l.bf16.f32 v41;
	v51 =	vunpack.i.l.bf16.f32 v35  }
0x276: {  	v41 =	vunpack.i.u.bf16.f32 v41;
	v35 =	vunpack.i.u.bf16.f32 v35;
	v44 =	vadd.f32 v51, v50  }
0x277: {  	v35 =	vadd.f32 v35, v41  }
0x278: {  	v52 =	vadd.s32 v15, v36;
	[tilespmem:s26+$0x40] =	vst v44  }
0x279: {  	[tilespmem:s26+$0x50] =	vst v35  }
0x27a: {  	v35 =	vld.idx.msk [tilespmem:v48+s3+$0x0], $0xffff  }
0x27b: {  	v53 =	vld.idx.msk [tilespmem:v49+s3+$0x0], $0xffff;
	_ =	sdelay $0x1  }
0x27c: {  	v41 =	vld.idx.msk [tilespmem:v52+s3+$0x0], $0xffff;
	_ =	sdelay $0x1  }
0x27d: {  	v42 =	vunpack.i.u.bf16.f32 v42;
	v54 =	vadd.s32 v16, v32  }
0x27e: {  	v40 =	vunpack.i.u.bf16.f32 v40;
	v55 =	vadd.s32 v16, v31;
	v35 =	vadd.bf16 v53, v35  }
0x27f: {  	v40 =	vadd.f32 v40, v42;
	v56 =	vadd.s32 v16, v29;
	v57 =	vadd.s32 v16, v38  }
0x280: {  	v58 =	vunpack.i.u.bf16.f32 v41;
	v41 =	vunpack.i.l.bf16.f32 v41;
	v59 =	vunpack.i.l.bf16.f32 v35  }
0x281: {  	[tilespmem:s1+$0x70] =	vst v40;
	v61 =	vadd.s32 v16, v37;
	v35 =	vunpack.i.u.bf16.f32 v35;
	v60 =	vadd.f32 v59, v41  }
0x282: {  	v43 =	vld.idx.msk [tilespmem:v54+s3+$0x0], $0xffff;
	v35 =	vadd.f32 v35, v58  }
0x283: {  	v62 =	vadd.s32 v16, v36;
	v44 =	vld.idx.msk [tilespmem:v55+s3+$0x0], $0xffff;
	[tilespmem:s26+$0x60] =	vst v60  }
0x284: {  	v39 =	vld.idx.msk [tilespmem:v56+s3+$0x0], $0xffff;
	[tilespmem:s26+$0x70] =	vst v35  }
0x285: {  	v35 =	vld.idx.msk [tilespmem:v57+s3+$0x0], $0xffff  }
0x286: {  	v40 =	vld.idx.msk [tilespmem:v61+s3+$0x0], $0xffff;
	_ =	sdelay $0x1  }
0x287: {  	v63 =	vadd.bf16 v44, v43;
	v48 =	vld.idx.msk [tilespmem:v62+s3+$0x0], $0xffff  }
0x288: {  	v50 =	vunpack.i.l.bf16.f32 v39;
	v39 =	vunpack.i.u.bf16.f32 v39  }
0x289: {  	v49 =	vadd.s32 v17, v32;
	v52 =	vadd.s32 v17, v31;
	v51 =	vunpack.i.l.bf16.f32 v63  }
0x28a: {  	v44 =	vadd.f32 v51, v50;
	v41 =	vunpack.i.u.bf16.f32 v63;
	v35 =	vadd.bf16 v40, v35  }
0x28b: {  	v54 =	vadd.s32 v17, v38;
	v53 =	vadd.s32 v17, v29;
	v39 =	vadd.f32 v41, v39  }
0x28c: {  	s11 =	sadd.s32 $0x17400, s24;
	v58 =	vadd.s32 v17, v37;
	[tilespmem:s24+$0x17400] =	vst v44;
	v55 =	vunpack.i.l.bf16.f32 v48;
	v56 =	vunpack.i.l.bf16.f32 v35  }
0x28d: {  	[tilespmem:s11+$0x10] =	vst v39;
	v42 =	vunpack.i.u.bf16.f32 v48;
	v35 =	vunpack.i.u.bf16.f32 v35;
	v57 =	vadd.f32 v56, v55  }
0x28e: {  	v43 =	vld.idx.msk [tilespmem:v49+s3+$0x0], $0xffff;
	v35 =	vadd.f32 v35, v42  }
0x28f: {  	s12 =	sadd.s32 $0x17400, s25;
	v60 =	vadd.s32 v17, v36;
	v59 =	vld.idx.msk [tilespmem:v52+s3+$0x0], $0xffff;
	[tilespmem:s25+$0x17400] =	vst v57  }
0x290: {  	v40 =	vld.idx.msk [tilespmem:v53+s3+$0x0], $0xffff;
	[tilespmem:s12+$0x10] =	vst v35  }
0x291: {  	v35 =	vld.idx.msk [tilespmem:v54+s3+$0x0], $0xffff  }
0x292: {  	v61 =	vld.idx.msk [tilespmem:v58+s3+$0x0], $0xffff;
	_ =	sdelay $0x1  }
0x293: {  	v42 =	vadd.bf16 v59, v43;
	v39 =	vld.idx.msk [tilespmem:v60+s3+$0x0], $0xffff  }
0x294: {  	v62 =	vadd.s32 v18, v32;
	v49 =	vadd.s32 v18, v31  }
0x295: {  	v63 =	vunpack.i.l.bf16.f32 v40;
	v48 =	vunpack.i.l.bf16.f32 v42;
	v40 =	vunpack.i.u.bf16.f32 v40  }
0x296: {  	v42 =	vunpack.i.u.bf16.f32 v42;
	v44 =	vadd.f32 v48, v63;
	v35 =	vadd.bf16 v61, v35  }
0x297: {  	v50 =	vadd.s32 v18, v29;
	v51 =	vadd.s32 v18, v38;
	v40 =	vadd.f32 v42, v40  }
0x298: {  	v54 =	vadd.s32 v18, v37;
	[tilespmem:s11+$0x20] =	vst v44;
	v52 =	vunpack.i.l.bf16.f32 v39;
	v53 =	vunpack.i.l.bf16.f32 v35  }
0x299: {  	[tilespmem:s11+$0x30] =	vst v40;
	v39 =	vunpack.i.u.bf16.f32 v39;
	v35 =	vunpack.i.u.bf16.f32 v35;
	v55 =	vadd.f32 v53, v52  }
0x29a: {  	v43 =	vld.idx.msk [tilespmem:v62+s3+$0x0], $0xffff;
	v35 =	vadd.f32 v35, v39  }
0x29b: {  	v57 =	vadd.s32 v18, v36;
	v56 =	vld.idx.msk [tilespmem:v49+s3+$0x0], $0xffff;
	[tilespmem:s12+$0x20] =	vst v55  }
0x29c: {  	v58 =	vld.idx.msk [tilespmem:v50+s3+$0x0], $0xffff;
	[tilespmem:s12+$0x30] =	vst v35  }
0x29d: {  	v35 =	vld.idx.msk [tilespmem:v51+s3+$0x0], $0xffff  }
0x29e: {  	v59 =	vld.idx.msk [tilespmem:v54+s3+$0x0], $0xffff;
	_ =	sdelay $0x1  }
0x29f: {  	v39 =	vadd.bf16 v56, v43;
	v60 =	vld.idx.msk [tilespmem:v57+s3+$0x0], $0xffff  }
0x2a0: {  	v48 =	vadd.s32 v19, v31;
	v61 =	vadd.s32 v19, v32  }
0x2a1: {  	v62 =	vunpack.i.l.bf16.f32 v58;
	v40 =	vunpack.i.u.bf16.f32 v58;
	v63 =	vunpack.i.l.bf16.f32 v39  }
0x2a2: {  	v39 =	vunpack.i.u.bf16.f32 v39;
	v44 =	vadd.f32 v63, v62;
	v35 =	vadd.bf16 v59, v35  }
0x2a3: {  	v49 =	vadd.s32 v19, v29;
	v50 =	vadd.s32 v19, v38;
	v39 =	vadd.f32 v39, v40  }
0x2a4: {  	v53 =	vadd.s32 v19, v37;
	[tilespmem:s11+$0x40] =	vst v44;
	v51 =	vunpack.i.l.bf16.f32 v60;
	v52 =	vunpack.i.l.bf16.f32 v35  }
0x2a5: {  	[tilespmem:s11+$0x50] =	vst v39;
	v54 =	vunpack.i.u.bf16.f32 v60;
	v35 =	vunpack.i.u.bf16.f32 v35;
	v55 =	vadd.f32 v52, v51  }
0x2a6: {  	v43 =	vld.idx.msk [tilespmem:v61+s3+$0x0], $0xffff;
	v35 =	vadd.f32 v35, v54  }
0x2a7: {  	v57 =	vadd.s32 v19, v36;
	v56 =	vld.idx.msk [tilespmem:v48+s3+$0x0], $0xffff;
	[tilespmem:s12+$0x40] =	vst v55  }
0x2a8: {  	v40 =	vld.idx.msk [tilespmem:v49+s3+$0x0], $0xffff;
	[tilespmem:s12+$0x50] =	vst v35  }
0x2a9: {  	v35 =	vld.idx.msk [tilespmem:v50+s3+$0x0], $0xffff  }
0x2aa: {  	v58 =	vld.idx.msk [tilespmem:v53+s3+$0x0], $0xffff;
	_ =	sdelay $0x1  }
0x2ab: {  	v39 =	vadd.bf16 v56, v43;
	v42 =	vld.idx.msk [tilespmem:v57+s3+$0x0], $0xffff  }
0x2ac: {  	v62 =	vadd.s32 v20, v31;
	v59 =	vadd.s32 v20, v32  }
0x2ad: {  	v60 =	vunpack.i.l.bf16.f32 v40;
	v40 =	vunpack.i.u.bf16.f32 v40;
	v61 =	vunpack.i.l.bf16.f32 v39  }
0x2ae: {  	v39 =	vunpack.i.u.bf16.f32 v39;
	v44 =	vadd.f32 v61, v60;
	v35 =	vadd.bf16 v58, v35  }
0x2af: {  	v63 =	vadd.s32 v20, v29;
	v48 =	vadd.s32 v20, v38;
	v39 =	vadd.f32 v39, v40  }
0x2b0: {  	v51 =	vadd.s32 v20, v37;
	[tilespmem:s11+$0x60] =	vst v44;
	v49 =	vunpack.i.l.bf16.f32 v42;
	v50 =	vunpack.i.l.bf16.f32 v35  }
0x2b1: {  	[tilespmem:s11+$0x70] =	vst v39;
	v52 =	vunpack.i.u.bf16.f32 v42;
	v35 =	vunpack.i.u.bf16.f32 v35;
	v53 =	vadd.f32 v50, v49  }
0x2b2: {  	v43 =	vld.idx.msk [tilespmem:v59+s3+$0x0], $0xffff;
	v35 =	vadd.f32 v35, v52  }
0x2b3: {  	v55 =	vadd.s32 v20, v36;
	v54 =	vld.idx.msk [tilespmem:v62+s3+$0x0], $0xffff;
	[tilespmem:s12+$0x60] =	vst v53  }
0x2b4: {  	v40 =	vld.idx.msk [tilespmem:v63+s3+$0x0], $0xffff;
	[tilespmem:s12+$0x70] =	vst v35  }
0x2b5: {  	v35 =	vld.idx.msk [tilespmem:v48+s3+$0x0], $0xffff  }
0x2b6: {  	v56 =	vld.idx.msk [tilespmem:v51+s3+$0x0], $0xffff;
	_ =	sdelay $0x1  }
0x2b7: {  	v39 =	vadd.bf16 v54, v43;
	v42 =	vld.idx.msk [tilespmem:v55+s3+$0x0], $0xffff  }
0x2b8: {  	v57 =	vadd.s32 v21, v32;
	v60 =	vadd.s32 v21, v31  }
0x2b9: {  	v58 =	vunpack.i.l.bf16.f32 v40;
	v40 =	vunpack.i.u.bf16.f32 v40;
	v59 =	vunpack.i.l.bf16.f32 v39  }
0x2ba: {  	v39 =	vunpack.i.u.bf16.f32 v39;
	v44 =	vadd.f32 v59, v58;
	v35 =	vadd.bf16 v56, v35  }
0x2bb: {  	v61 =	vadd.s32 v21, v29;
	v62 =	vadd.s32 v21, v38;
	v39 =	vadd.f32 v39, v40  }
0x2bc: {  	s23 =	sadd.s32 $0x17800, s24;
	v49 =	vadd.s32 v21, v37;
	[tilespmem:s24+$0x17800] =	vst v44;
	v63 =	vunpack.i.l.bf16.f32 v42;
	v48 =	vunpack.i.l.bf16.f32 v35  }
0x2bd: {  	[tilespmem:s23+$0x10] =	vst v39;
	v50 =	vunpack.i.u.bf16.f32 v42;
	v35 =	vunpack.i.u.bf16.f32 v35;
	v51 =	vadd.f32 v48, v63  }
0x2be: {  	v43 =	vld.idx.msk [tilespmem:v57+s3+$0x0], $0xffff;
	v35 =	vadd.f32 v35, v50  }
0x2bf: {  	v53 =	vadd.s32 v21, v36;
	s24 =	sadd.s32 $0x17800, s25;
	v52 =	vld.idx.msk [tilespmem:v60+s3+$0x0], $0xffff;
	[tilespmem:s25+$0x17800] =	vst v51  }
0x2c0: {  	v33 =	vadd.bf16 v34, v33;
	v54 =	vld.idx.msk [tilespmem:v61+s3+$0x0], $0xffff;
	[tilespmem:s24+$0x10] =	vst v35  }
0x2c1: {  	v56 =	vld.idx.msk [tilespmem:v62+s3+$0x0], $0xffff  }
0x2c2: {  	v58 =	vunpack.i.l.bf16.f32 v33;
	v59 =	vadd.s32 v22, v25;
	v57 =	vunpack.i.l.bf16.f32 v30;
	v60 =	vld.idx.msk [tilespmem:v49+s3+$0x0], $0xffff  }
0x2c3: {  	v33 =	vunpack.i.u.bf16.f32 v33;
	v30 =	vunpack.i.u.bf16.f32 v30;
	v41 =	vadd.f32 v58, v57  }
0x2c4: {  	v55 =	vadd.s32 v22, v26;
	v30 =	vadd.f32 v33, v30;
	v61 =	vadd.bf16 v52, v43;
	v62 =	vld.idx.msk [tilespmem:v53+s3+$0x0], $0xffff  }
0x2c5: {  	v63 =	vadd.s32 v22, v24;
	v48 =	vadd.s32 v22, v32;
	v50 =	vadd.s32 v22, v31  }
0x2c6: {  	[tilespmem:s0+$0x30] =	vst v30;
	v34 =	vunpack.i.u.bf16.f32 v54;
	v30 =	vunpack.i.l.bf16.f32 v61;
	v49 =	vunpack.i.l.bf16.f32 v54  }
0x2c7: {  	[tilespmem:s0+$0x20] =	vst v41;
	v33 =	vunpack.i.u.bf16.f32 v61;
	v30 =	vadd.f32 v30, v49;
	v40 =	vadd.bf16 v60, v56  }
0x2c8: {  	v52 =	vadd.s32 v22, v29;
	v51 =	vld.idx.msk [tilespmem:v59+s3+$0x0], $0xffff;
	v33 =	vadd.f32 v33, v34;
	v53 =	vadd.s32 v22, v38  }
0x2c9: {  	v35 =	vld.idx.msk [tilespmem:v55+s3+$0x0], $0xffff;
	v54 =	vadd.s32 v22, v37;
	[tilespmem:s23+$0x20] =	vst v30;
	v30 =	vunpack.i.l.bf16.f32 v62;
	v46 =	vunpack.i.l.bf16.f32 v40  }
0x2ca: {  	v41 =	vld.idx.msk [tilespmem:v63+s3+$0x0], $0xffff;
	[tilespmem:s23+$0x30] =	vst v33;
	v55 =	vunpack.i.u.bf16.f32 v62;
	v56 =	vunpack.i.u.bf16.f32 v40;
	v30 =	vadd.f32 v46, v30  }
0x2cb: {  	v57 =	vld.idx.msk [tilespmem:v48+s3+$0x0], $0xffff;
	v33 =	vadd.f32 v56, v55  }
0x2cc: {  	v58 =	vld.idx.msk [tilespmem:v50+s3+$0x0], $0xffff;
	[tilespmem:s24+$0x20] =	vst v30;
	v30 =	vadd.s32 v22, v36  }
0x2cd: {  	v34 =	vld.idx.msk [tilespmem:v52+s3+$0x0], $0xffff;
	[tilespmem:s24+$0x30] =	vst v33  }
0x2ce: {  	v35 =	vadd.bf16 v51, v35;
	v33 =	vld.idx.msk [tilespmem:v53+s3+$0x0], $0xffff  }
0x2cf: {  	v26 =	vadd.s32 v23, v26;
	v25 =	vadd.s32 v23, v25;
	v24 =	vadd.s32 v23, v24;
	v60 =	vld.idx.msk [tilespmem:v54+s3+$0x0], $0xffff  }
0x2d0: {  	v59 =	vunpack.i.l.bf16.f32 v41;
	v43 =	vunpack.i.l.bf16.f32 v35;
	v41 =	vunpack.i.u.bf16.f32 v41  }
0x2d1: {  	v35 =	vunpack.i.u.bf16.f32 v35;
	v42 =	vadd.f32 v43, v59;
	v39 =	vadd.bf16 v58, v57;
	v30 =	vld.idx.msk [tilespmem:v30+s3+$0x0], $0xffff  }
0x2d2: {  	v31 =	vadd.s32 v23, v31;
	v61 =	vadd.s32 v23, v32;
	v35 =	vadd.f32 v35, v41  }
0x2d3: {  	[tilespmem:s0+$0x40] =	vst v42;
	v62 =	vunpack.i.l.bf16.f32 v34;
	v34 =	vunpack.i.u.bf16.f32 v34;
	v63 =	vunpack.i.l.bf16.f32 v39  }
0x2d4: {  	[tilespmem:s0+$0x50] =	vst v35;
	v45 =	vunpack.i.u.bf16.f32 v39;
	v46 =	vadd.f32 v63, v62;
	v33 =	vadd.bf16 v60, v33  }
0x2d5: {  	v47 =	vadd.s32 v23, v38;
	v29 =	vadd.s32 v23, v29;
	v26 =	vld.idx.msk [tilespmem:v26+s3+$0x0], $0xffff;
	v34 =	vadd.f32 v45, v34  }
0x2d6: {  	v48 =	vadd.s32 v23, v37;
	v25 =	vld.idx.msk [tilespmem:v25+s3+$0x0], $0xffff;
	[tilespmem:s23+$0x40] =	vst v46;
	v50 =	vunpack.i.l.bf16.f32 v33;
	v49 =	vunpack.i.l.bf16.f32 v30  }
0x2d7: {  	v24 =	vld.idx.msk [tilespmem:v24+s3+$0x0], $0xffff;
	[tilespmem:s23+$0x50] =	vst v34;
	v33 =	vunpack.i.u.bf16.f32 v33;
	v30 =	vunpack.i.u.bf16.f32 v30;
	v51 =	vadd.f32 v50, v49  }
0x2d8: {  	v32 =	vld.idx.msk [tilespmem:v61+s3+$0x0], $0xffff;
	v30 =	vadd.f32 v33, v30  }
0x2d9: {  	v52 =	vadd.s32 v23, v36;
	v31 =	vld.idx.msk [tilespmem:v31+s3+$0x0], $0xffff;
	[tilespmem:s24+$0x40] =	vst v51  }
0x2da: {  	v29 =	vld.idx.msk [tilespmem:v29+s3+$0x0], $0xffff;
	[tilespmem:s24+$0x50] =	vst v30  }
0x2db: {  	v30 =	vld.idx.msk [tilespmem:v47+s3+$0x0], $0xffff  }
0x2dc: {  	v25 =	vadd.bf16 v25, v26;
	v26 =	vld.idx.msk [tilespmem:v48+s3+$0x0], $0xffff  }
0x2dd: {  	v27 =	vunpack.i.l.bf16.f32 v27;
	v28 =	vunpack.i.l.bf16.f32 v28  }
0x2de: {  	v27 =	vadd.f32 v28, v27;
	v28 =	vunpack.i.u.bf16.f32 v24;
	v24 =	vunpack.i.l.bf16.f32 v24;
	v33 =	vld.idx.msk [tilespmem:v52+s3+$0x0], $0xffff  }
0x2df: {  	v53 =	vunpack.i.u.bf16.f32 v25;
	v25 =	vunpack.i.l.bf16.f32 v25;
	v31 =	vadd.bf16 v31, v32  }
0x2e0: {  	v28 =	vadd.f32 v53, v28;
	v24 =	vadd.f32 v25, v24  }
0x2e1: {  	[tilespmem:s30+$0x60] =	vst v27;
	v25 =	vunpack.i.u.bf16.f32 v29;
	v27 =	vunpack.i.u.bf16.f32 v31;
	v26 =	vadd.bf16 v26, v30  }
0x2e2: {  	[tilespmem:s0+$0x70] =	vst v28;
	v28 =	vunpack.i.l.bf16.f32 v31;
	v25 =	vadd.f32 v27, v25;
	v27 =	vunpack.i.l.bf16.f32 v29  }
0x2e3: {  	s25 =	sor.u32 s4, s22;
	[tilespmem:s0+$0x60] =	vst v24;
	v24 =	vadd.f32 v28, v27;
	v27 =	vunpack.i.u.bf16.f32 v33;
	v28 =	vunpack.i.u.bf16.f32 v26  }
0x2e4: {  	s0 =	sshrl.u32 s25, $0x3;
	[tilespmem:s23+$0x70] =	vst v25;
	v25 =	vunpack.i.l.bf16.f32 v26;
	v26 =	vadd.f32 v28, v27;
	v27 =	vunpack.i.l.bf16.f32 v33  }
0x2e5: {  	s0 =	smul.u32 $0x300, s0;
	[tilespmem:s23+$0x60] =	vst v24;
	v24 =	vadd.f32 v25, v27  }
0x2e6: {  	[tilespmem:s24+$0x70] =	vst v26  }
0x2e7: {  	s0 =	sadd.s32 s2, s0;
	[tilespmem:s24+$0x60] =	vst v24  }
0x2e8: {  	[hbm4b:s0+s3] =	stream.linear.scatter [tilespmem:s17], [sflag:$0x1], $0x3000, $0x38;
	[tilespmem:$0x1C400] =	vst v63  }
0x2e9: {  	v33 =	vld [tilespmem:s22+$0x16010]  }
0x2ea: {  	v34 =	vld [tilespmem:s22+$0x16210];
	_ =	sdelay $0x1  }
0x2eb: {  	s26 =	simm.s32 $0x0;
	v35 =	vld [tilespmem:s22+$0x15C10]  }
0x2ec: {  	v24 =	vmov s26  }
0x2ed: {  	v38 =	vperm.xlane v33, v24  }
0x2ee: {  	v36 =	vperm.xlane v34, v24  }
0x2ef: {  	v25 =	vadd.s32 v0, v38  }
0x2f0: {  	s1 =	simm.s32 @!p0 $0x1;
	v37 =	vperm.xlane v35, v24;
	v24 =	vadd.s32 v0, v36  }
0x2f1: {  	_ =	swait.ge @!p0 [sflag:s1], $0x3000  }
0x2f2: {  	[sflag:s1] =	ssyncset.done @!p0 $0x0;
	v26 =	vadd.s32 v0, v37  }
0x2f3: {  	[sflag:s1] =	ssyncadd.s32 @!p0 $0xFFFFD000  }
0x2f4: {  	v25 =	vld.idx.msk [tilespmem:v25+s3+$0x0], $0xffff  }
0x2f5: {  	v24 =	vld.idx.msk [tilespmem:v24+s3+$0x0], $0xffff;
	_ =	sdelay $0x1  }
0x2f6: {  	v26 =	vld.idx.msk [tilespmem:v26+s3+$0x0], $0xffff;
	_ =	sdelay $0x2  }
0x2f7: {  	s11 =	simm.s32 $0x0;
	v24 =	vadd.bf16 v24, v25  }
0x2f8: {  	s1 =	smul.u32 $0x6000, s11;
	v27 =	vadd.s32 v1, v36  }
0x2f9: {  	v25 =	vadd.s32 v1, v38;
	v28 =	vunpack.i.l.bf16.f32 v26;
	v29 =	vunpack.i.l.bf16.f32 v24  }
0x2fa: {  	s0 =	sand.u32 $0x380, s26;
	s1 =	sshra.s32 s1, $0x2;
	v26 =	vunpack.i.u.bf16.f32 v26;
	v24 =	vunpack.i.u.bf16.f32 v24;
	v28 =	vadd.f32 v29, v28  }
0x2fb: {  	s26 =	sor.u32 s0, s1;
	v24 =	vadd.f32 v24, v26  }
0x2fc: {  	s0 =	sadd.s32 $0x19400, s26;
	v26 =	vadd.s32 v1, v37;
	[tilespmem:s26+$0x19400] =	vst v28  }
0x2fd: {  	[tilespmem:s0+$0x10] =	vst v24  }
0x2fe: {  	v24 =	vld.idx.msk [tilespmem:v25+s3+$0x0], $0xffff  }
0x2ff: {  	v25 =	vld.idx.msk [tilespmem:v27+s3+$0x0], $0xffff;
	_ =	sdelay $0x1  }
0x300: {  	v26 =	vld.idx.msk [tilespmem:v26+s3+$0x0], $0xffff;
	_ =	sdelay $0x2  }
0x301: {  	v24 =	vadd.bf16 v25, v24  }
0x302: {  	v27 =	vadd.s32 v2, v36  }
0x303: {  	v25 =	vadd.s32 v2, v38;
	v28 =	vunpack.i.l.bf16.f32 v26;
	v29 =	vunpack.i.l.bf16.f32 v24  }
0x304: {  	v26 =	vunpack.i.u.bf16.f32 v26;
	v24 =	vunpack.i.u.bf16.f32 v24;
	v28 =	vadd.f32 v29, v28  }
0x305: {  	v24 =	vadd.f32 v24, v26  }
0x306: {  	v26 =	vadd.s32 v2, v37;
	[tilespmem:s0+$0x20] =	vst v28  }
0x307: {  	[tilespmem:s0+$0x30] =	vst v24  }
0x308: {  	v24 =	vld.idx.msk [tilespmem:v25+s3+$0x0], $0xffff  }
0x309: {  	v25 =	vld.idx.msk [tilespmem:v27+s3+$0x0], $0xffff;
	_ =	sdelay $0x1  }
0x30a: {  	v26 =	vld.idx.msk [tilespmem:v26+s3+$0x0], $0xffff;
	_ =	sdelay $0x2  }
0x30b: {  	v24 =	vadd.bf16 v25, v24  }
0x30c: {  	v27 =	vadd.s32 v3, v36  }
0x30d: {  	v25 =	vadd.s32 v3, v38;
	v28 =	vunpack.i.l.bf16.f32 v26;
	v29 =	vunpack.i.l.bf16.f32 v24  }
0x30e: {  	v26 =	vunpack.i.u.bf16.f32 v26;
	v24 =	vunpack.i.u.bf16.f32 v24;
	v28 =	vadd.f32 v29, v28  }
0x30f: {  	v24 =	vadd.f32 v24, v26  }
0x310: {  	v26 =	vadd.s32 v3, v37;
	[tilespmem:s0+$0x40] =	vst v28  }
0x311: {  	[tilespmem:s0+$0x50] =	vst v24  }
0x312: {  	v24 =	vld.idx.msk [tilespmem:v25+s3+$0x0], $0xffff  }
0x313: {  	v25 =	vld.idx.msk [tilespmem:v27+s3+$0x0], $0xffff;
	_ =	sdelay $0x1  }
0x314: {  	v26 =	vld.idx.msk [tilespmem:v26+s3+$0x0], $0xffff;
	_ =	sdelay $0x2  }
0x315: {  	v24 =	vadd.bf16 v25, v24  }
0x316: {  	v25 =	vadd.s32 v4, v38  }
0x317: {  	v27 =	vunpack.i.u.bf16.f32 v26;
	v26 =	vunpack.i.l.bf16.f32 v26;
	v28 =	vunpack.i.l.bf16.f32 v24  }
0x318: {  	v24 =	vunpack.i.u.bf16.f32 v24;
	v26 =	vadd.f32 v28, v26;
	v28 =	vadd.s32 v4, v36  }
0x319: {  	v24 =	vadd.f32 v24, v27  }
0x31a: {  	v27 =	vadd.s32 v4, v37;
	[tilespmem:s0+$0x60] =	vst v26  }
0x31b: {  	[tilespmem:s0+$0x70] =	vst v24  }
0x31c: {  	v24 =	vld.idx.msk [tilespmem:v25+s3+$0x0], $0xffff  }
0x31d: {  	v25 =	vld.idx.msk [tilespmem:v28+s3+$0x0], $0xffff;
	_ =	sdelay $0x1  }
0x31e: {  	v26 =	vld.idx.msk [tilespmem:v27+s3+$0x0], $0xffff;
	_ =	sdelay $0x2  }
0x31f: {  	v24 =	vadd.bf16 v25, v24  }
0x320: {  	v27 =	vadd.s32 v5, v36  }
0x321: {  	v25 =	vadd.s32 v5, v38;
	v28 =	vunpack.i.l.bf16.f32 v26;
	v29 =	vunpack.i.l.bf16.f32 v24  }
0x322: {  	v26 =	vunpack.i.u.bf16.f32 v26;
	v24 =	vunpack.i.u.bf16.f32 v24;
	v28 =	vadd.f32 v29, v28  }
0x323: {  	v24 =	vadd.f32 v24, v26  }
0x324: {  	v26 =	vadd.s32 v5, v37;
	[tilespmem:s0+$0x400] =	vst v28  }
0x325: {  	[tilespmem:s0+$0x410] =	vst v24  }
0x326: {  	v28 =	vld.idx.msk [tilespmem:v25+s3+$0x0], $0xffff  }
0x327: {  	s12 =	simm.s32 $0x1;
	v27 =	vld.idx.msk [tilespmem:v27+s3+$0x0], $0xffff  }
0x328: {  	v24 =	vmov s12  }
0x329: {  	v25 =	vperm.xlane v33, v24;
	v29 =	vld.idx.msk [tilespmem:v26+s3+$0x0], $0xffff  }
0x32a: {  	v26 =	vperm.xlane v34, v24  }
0x32b: {  	v30 =	vadd.s32 v0, v25;
	v24 =	vperm.xlane v35, v24  }
0x32c: {  	v31 =	vadd.s32 v0, v26;
	v27 =	vadd.bf16 v27, v28  }
0x32d: {  	v55 =	vadd.s32 v6, v36;
	v54 =	vadd.s32 v0, v24  }
0x32e: {  	v28 =	vadd.s32 v6, v38;
	v56 =	vunpack.i.l.bf16.f32 v29;
	v57 =	vunpack.i.l.bf16.f32 v27  }
0x32f: {  	v29 =	vunpack.i.u.bf16.f32 v29;
	v27 =	vunpack.i.u.bf16.f32 v27;
	v40 =	vadd.f32 v57, v56  }
0x330: {  	v30 =	vld.idx.msk [tilespmem:v30+s3+$0x0], $0xffff;
	v27 =	vadd.f32 v27, v29  }
0x331: {  	v29 =	vld.idx.msk [tilespmem:v31+s3+$0x0], $0xffff;
	v31 =	vadd.s32 v6, v37;
	[tilespmem:s0+$0x420] =	vst v40  }
0x332: {  	v32 =	vld.idx.msk [tilespmem:v54+s3+$0x0], $0xffff;
	[tilespmem:s0+$0x430] =	vst v27  }
0x333: {  	v27 =	vld.idx.msk [tilespmem:v28+s3+$0x0], $0xffff  }
0x334: {  	v28 =	vld.idx.msk [tilespmem:v55+s3+$0x0], $0xffff;
	_ =	sdelay $0x1  }
0x335: {  	s23 =	simm.s32 $0x0;
	v29 =	vadd.bf16 v29, v30;
	v30 =	vld.idx.msk [tilespmem:v31+s3+$0x0], $0xffff  }
0x336: {  	s1 =	smul.u32 $0x6000, s23;
	v58 =	vadd.s32 v1, v26;
	v31 =	vadd.s32 v1, v25  }
0x337: {  	s24 =	simm.s32 $0x80;
	v59 =	vunpack.i.l.bf16.f32 v32;
	v32 =	vunpack.i.u.bf16.f32 v32;
	v60 =	vunpack.i.l.bf16.f32 v29  }
0x338: {  	s11 =	sand.u32 $0x380, s24;
	s1 =	sshra.s32 s1, $0x2;
	v29 =	vunpack.i.u.bf16.f32 v29;
	v27 =	vadd.bf16 v28, v27;
	v40 =	vadd.f32 v60, v59  }
0x339: {  	v62 =	vadd.s32 v7, v36;
	s28 =	sor.u32 s11, s1;
	v61 =	vadd.s32 v1, v24;
	v28 =	vadd.f32 v29, v32  }
0x33a: {  	s1 =	sadd.s32 $0x19400, s28;
	v29 =	vadd.s32 v7, v38;
	v45 =	vunpack.i.l.bf16.f32 v27;
	[tilespmem:s28+$0x19400] =	vst v40;
	v63 =	vunpack.i.l.bf16.f32 v30  }
0x33b: {  	v27 =	vunpack.i.u.bf16.f32 v27;
	[tilespmem:s1+$0x10] =	vst v28;
	v28 =	vunpack.i.u.bf16.f32 v30;
	v30 =	vadd.f32 v45, v63  }
0x33c: {  	v31 =	vld.idx.msk [tilespmem:v31+s3+$0x0], $0xffff;
	v27 =	vadd.f32 v27, v28  }
0x33d: {  	v46 =	vadd.s32 v7, v37;
	v28 =	vld.idx.msk [tilespmem:v58+s3+$0x0], $0xffff;
	[tilespmem:s0+$0x440] =	vst v30  }
0x33e: {  	v30 =	vld.idx.msk [tilespmem:v61+s3+$0x0], $0xffff;
	[tilespmem:s0+$0x450] =	vst v27  }
0x33f: {  	v27 =	vld.idx.msk [tilespmem:v29+s3+$0x0], $0xffff  }
0x340: {  	v29 =	vld.idx.msk [tilespmem:v62+s3+$0x0], $0xffff;
	_ =	sdelay $0x1  }
0x341: {  	v28 =	vadd.bf16 v28, v31;
	v31 =	vld.idx.msk [tilespmem:v46+s3+$0x0], $0xffff  }
0x342: {  	v47 =	vadd.s32 v2, v25;
	v48 =	vadd.s32 v2, v26  }
0x343: {  	v49 =	vunpack.i.l.bf16.f32 v30;
	v30 =	vunpack.i.u.bf16.f32 v30;
	v50 =	vunpack.i.l.bf16.f32 v28  }
0x344: {  	v28 =	vunpack.i.u.bf16.f32 v28;
	v40 =	vadd.f32 v50, v49;
	v27 =	vadd.bf16 v29, v27  }
0x345: {  	v51 =	vadd.s32 v8, v36;
	v28 =	vadd.f32 v28, v30;
	v30 =	vadd.s32 v2, v24  }
0x346: {  	v29 =	vadd.s32 v8, v38;
	[tilespmem:s1+$0x20] =	vst v40;
	v52 =	vunpack.i.l.bf16.f32 v31;
	v53 =	vunpack.i.l.bf16.f32 v27  }
0x347: {  	[tilespmem:s1+$0x30] =	vst v28;
	v28 =	vunpack.i.u.bf16.f32 v31;
	v27 =	vunpack.i.u.bf16.f32 v27;
	v31 =	vadd.f32 v53, v52  }
0x348: {  	v32 =	vld.idx.msk [tilespmem:v47+s3+$0x0], $0xffff;
	v27 =	vadd.f32 v27, v28  }
0x349: {  	v54 =	vadd.s32 v8, v37;
	v28 =	vld.idx.msk [tilespmem:v48+s3+$0x0], $0xffff;
	[tilespmem:s0+$0x460] =	vst v31  }
0x34a: {  	v30 =	vld.idx.msk [tilespmem:v30+s3+$0x0], $0xffff;
	[tilespmem:s0+$0x470] =	vst v27  }
0x34b: {  	v27 =	vld.idx.msk [tilespmem:v29+s3+$0x0], $0xffff  }
0x34c: {  	v29 =	vld.idx.msk [tilespmem:v51+s3+$0x0], $0xffff;
	_ =	sdelay $0x1  }
0x34d: {  	v31 =	vld.idx.msk [tilespmem:v54+s3+$0x0], $0xffff;
	v28 =	vadd.bf16 v28, v32  }
0x34e: {  	v56 =	vadd.s32 v3, v26;
	v55 =	vadd.s32 v3, v25  }
0x34f: {  	v57 =	vunpack.i.l.bf16.f32 v30;
	v58 =	vunpack.i.l.bf16.f32 v28;
	v30 =	vunpack.i.u.bf16.f32 v30  }
0x350: {  	v28 =	vunpack.i.u.bf16.f32 v28;
	v40 =	vadd.f32 v58, v57;
	v27 =	vadd.bf16 v29, v27  }
0x351: {  	v59 =	vadd.s32 v9, v36;
	v28 =	vadd.f32 v28, v30;
	v30 =	vadd.s32 v3, v24  }
0x352: {  	v29 =	vadd.s32 v9, v38;
	v60 =	vunpack.i.l.bf16.f32 v31;
	[tilespmem:s1+$0x40] =	vst v40;
	v61 =	vunpack.i.l.bf16.f32 v27  }
0x353: {  	[tilespmem:s1+$0x50] =	vst v28;
	v28 =	vunpack.i.u.bf16.f32 v31;
	v27 =	vunpack.i.u.bf16.f32 v27;
	v31 =	vadd.f32 v61, v60  }
0x354: {  	v32 =	vld.idx.msk [tilespmem:v55+s3+$0x0], $0xffff;
	v27 =	vadd.f32 v27, v28  }
0x355: {  	s25 =	sadd.s32 $0x19C00, s26;
	v62 =	vadd.s32 v9, v37;
	v28 =	vld.idx.msk [tilespmem:v56+s3+$0x0], $0xffff;
	[tilespmem:s26+$0x19C00] =	vst v31  }
0x356: {  	v30 =	vld.idx.msk [tilespmem:v30+s3+$0x0], $0xffff;
	[tilespmem:s25+$0x10] =	vst v27  }
0x357: {  	v27 =	vld.idx.msk [tilespmem:v29+s3+$0x0], $0xffff  }
0x358: {  	v29 =	vld.idx.msk [tilespmem:v59+s3+$0x0], $0xffff;
	_ =	sdelay $0x1  }
0x359: {  	v31 =	vld.idx.msk [tilespmem:v62+s3+$0x0], $0xffff;
	v28 =	vadd.bf16 v28, v32  }
0x35a: {  	v63 =	vadd.s32 v4, v25;
	v46 =	vadd.s32 v4, v26  }
0x35b: {  	v44 =	vunpack.i.u.bf16.f32 v30;
	v30 =	vunpack.i.l.bf16.f32 v30;
	v45 =	vunpack.i.l.bf16.f32 v28  }
0x35c: {  	v28 =	vunpack.i.u.bf16.f32 v28;
	v30 =	vadd.f32 v45, v30;
	v27 =	vadd.bf16 v29, v27  }
0x35d: {  	v47 =	vadd.s32 v10, v38;
	v28 =	vadd.f32 v28, v44;
	v29 =	vadd.s32 v4, v24  }
0x35e: {  	[tilespmem:s1+$0x60] =	vst v30;
	v30 =	vunpack.i.u.bf16.f32 v31;
	v31 =	vunpack.i.l.bf16.f32 v31;
	v48 =	vunpack.i.l.bf16.f32 v27  }
0x35f: {  	[tilespmem:s1+$0x70] =	vst v28;
	v27 =	vunpack.i.u.bf16.f32 v27;
	v28 =	vadd.f32 v48, v31;
	v31 =	vadd.s32 v10, v36  }
0x360: {  	v32 =	vld.idx.msk [tilespmem:v63+s3+$0x0], $0xffff;
	v27 =	vadd.f32 v27, v30  }
0x361: {  	v49 =	vadd.s32 v10, v37;
	v30 =	vld.idx.msk [tilespmem:v46+s3+$0x0], $0xffff;
	[tilespmem:s25+$0x20] =	vst v28  }
0x362: {  	v28 =	vld.idx.msk [tilespmem:v29+s3+$0x0], $0xffff;
	[tilespmem:s25+$0x30] =	vst v27  }
0x363: {  	v27 =	vld.idx.msk [tilespmem:v47+s3+$0x0], $0xffff  }
0x364: {  	v29 =	vld.idx.msk [tilespmem:v31+s3+$0x0], $0xffff;
	_ =	sdelay $0x1  }
0x365: {  	v30 =	vadd.bf16 v30, v32;
	v31 =	vld.idx.msk [tilespmem:v49+s3+$0x0], $0xffff  }
0x366: {  	v50 =	vadd.s32 v5, v25;
	v51 =	vadd.s32 v5, v26  }
0x367: {  	v52 =	vunpack.i.l.bf16.f32 v28;
	v53 =	vunpack.i.l.bf16.f32 v30;
	v28 =	vunpack.i.u.bf16.f32 v28  }
0x368: {  	v30 =	vunpack.i.u.bf16.f32 v30;
	v40 =	vadd.f32 v53, v52;
	v27 =	vadd.bf16 v29, v27  }
0x369: {  	v28 =	vadd.f32 v30, v28;
	v30 =	vadd.s32 v11, v38;
	v29 =	vadd.s32 v5, v24  }
0x36a: {  	[tilespmem:s1+$0x400] =	vst v40;
	v54 =	vunpack.i.u.bf16.f32 v31;
	v31 =	vunpack.i.l.bf16.f32 v31;
	v55 =	vunpack.i.l.bf16.f32 v27  }
0x36b: {  	[tilespmem:s1+$0x410] =	vst v28;
	v27 =	vunpack.i.u.bf16.f32 v27;
	v28 =	vadd.f32 v55, v31;
	v31 =	vadd.s32 v11, v36  }
0x36c: {  	s12 =	simm.s32 $0x2;
	v32 =	vld.idx.msk [tilespmem:v50+s3+$0x0], $0xffff;
	v27 =	vadd.f32 v27, v54  }
0x36d: {  	v57 =	vmov s12;
	v56 =	vadd.s32 v11, v37;
	v39 =	vld.idx.msk [tilespmem:v51+s3+$0x0], $0xffff;
	[tilespmem:s25+$0x40] =	vst v28  }
0x36e: {  	v58 =	vld.idx.msk [tilespmem:v29+s3+$0x0], $0xffff;
	[tilespmem:s25+$0x50] =	vst v27;
	v29 =	vperm.xlane v33, v57  }
0x36f: {  	v28 =	vperm.xlane v34, v57;
	v30 =	vld.idx.msk [tilespmem:v30+s3+$0x0], $0xffff  }
0x370: {  	v59 =	vadd.s32 v0, v29;
	v31 =	vld.idx.msk [tilespmem:v31+s3+$0x0], $0xffff  }
0x371: {  	v27 =	vperm.xlane v35, v57;
	v60 =	vadd.s32 v0, v28  }
0x372: {  	v32 =	vadd.bf16 v39, v32;
	v40 =	vld.idx.msk [tilespmem:v56+s3+$0x0], $0xffff  }
0x373: {  	v61 =	vadd.s32 v6, v25;
	v63 =	vadd.s32 v6, v26;
	v62 =	vadd.s32 v0, v27  }
0x374: {  	v51 =	vunpack.i.l.bf16.f32 v32;
	v32 =	vunpack.i.u.bf16.f32 v32;
	v50 =	vunpack.i.l.bf16.f32 v58  }
0x375: {  	v42 =	vunpack.i.u.bf16.f32 v58;
	v46 =	vadd.f32 v51, v50;
	v52 =	vld.idx.msk [tilespmem:v59+s3+$0x0], $0xffff;
	v30 =	vadd.bf16 v31, v30  }
0x376: {  	v53 =	vadd.s32 v6, v24;
	v54 =	vadd.s32 v12, v38;
	v39 =	vld.idx.msk [tilespmem:v60+s3+$0x0], $0xffff;
	v31 =	vadd.f32 v32, v42  }
0x377: {  	v55 =	vadd.s32 v12, v36;
	v56 =	vunpack.i.l.bf16.f32 v40;
	[tilespmem:s1+$0x420] =	vst v46;
	v57 =	vunpack.i.l.bf16.f32 v30  }
0x378: {  	v44 =	vld.idx.msk [tilespmem:v62+s3+$0x0], $0xffff;
	[tilespmem:s1+$0x430] =	vst v31;
	v31 =	vunpack.i.u.bf16.f32 v40;
	v30 =	vunpack.i.u.bf16.f32 v30;
	v58 =	vadd.f32 v57, v56  }
0x379: {  	v43 =	vld.idx.msk [tilespmem:v61+s3+$0x0], $0xffff;
	v30 =	vadd.f32 v30, v31  }
0x37a: {  	v59 =	vadd.s32 v12, v37;
	v31 =	vld.idx.msk [tilespmem:v63+s3+$0x0], $0xffff;
	[tilespmem:s25+$0x60] =	vst v58  }
0x37b: {  	s23 =	simm.s32 $0x0;
	v32 =	vadd.bf16 v39, v52;
	[tilespmem:s25+$0x70] =	vst v30;
	v30 =	vld.idx.msk [tilespmem:v53+s3+$0x0], $0xffff  }
0x37c: {  	s0 =	smul.u32 $0x6000, s23;
	v61 =	vadd.s32 v1, v29;
	v60 =	vld.idx.msk [tilespmem:v54+s3+$0x0], $0xffff  }
0x37d: {  	s24 =	simm.s32 $0x100;
	v52 =	vunpack.i.u.bf16.f32 v44;
	v44 =	vunpack.i.l.bf16.f32 v44;
	v63 =	vld.idx.msk [tilespmem:v55+s3+$0x0], $0xffff;
	v53 =	vunpack.i.l.bf16.f32 v32  }
0x37e: {  	s11 =	sand.u32 $0x380, s24;
	s0 =	sshra.s32 s0, $0x2;
	v62 =	vadd.s32 v1, v28;
	v32 =	vunpack.i.u.bf16.f32 v32;
	v44 =	vadd.f32 v53, v44  }
0x37f: {  	s23 =	sor.u32 s11, s0;
	v40 =	vld.idx.msk [tilespmem:v59+s3+$0x0], $0xffff;
	v32 =	vadd.f32 v32, v52;
	v31 =	vadd.bf16 v31, v43  }
0x380: {  	s0 =	sadd.s32 $0x19400, s23;
	v56 =	vadd.s32 v7, v26;
	v54 =	vadd.s32 v7, v25;
	v55 =	vadd.s32 v1, v27;
	[tilespmem:s23+$0x19400] =	vst v44  }
0x381: {  	v57 =	vunpack.i.l.bf16.f32 v30;
	v58 =	vunpack.i.l.bf16.f32 v31;
	v30 =	vunpack.i.u.bf16.f32 v30;
	[tilespmem:s0+$0x10] =	vst v32  }
0x382: {  	v31 =	vunpack.i.u.bf16.f32 v31;
	v59 =	vadd.f32 v58, v57;
	v39 =	vadd.bf16 v63, v60;
	v41 =	vld.idx.msk [tilespmem:v61+s3+$0x0], $0xffff  }
0x383: {  	v30 =	vadd.f32 v31, v30;
	v31 =	vadd.s32 v13, v38;
	v42 =	vld.idx.msk [tilespmem:v62+s3+$0x0], $0xffff  }
0x384: {  	v60 =	vadd.s32 v7, v24;
	v62 =	vunpack.i.l.bf16.f32 v40;
	[tilespmem:s1+$0x440] =	vst v59;
	v63 =	vunpack.i.l.bf16.f32 v39  }
0x385: {  	v46 =	vld.idx.msk [tilespmem:v55+s3+$0x0], $0xffff;
	[tilespmem:s1+$0x450] =	vst v30;
	v30 =	vunpack.i.u.bf16.f32 v40;
	v39 =	vunpack.i.u.bf16.f32 v39;
	v52 =	vadd.f32 v63, v62  }
0x386: {  	v61 =	vadd.s32 v13, v36;
	v43 =	vld.idx.msk [tilespmem:v54+s3+$0x0], $0xffff;
	v30 =	vadd.f32 v39, v30  }
0x387: {  	s25 =	sadd.s32 $0x1A000, s26;
	v53 =	vld.idx.msk [tilespmem:v56+s3+$0x0], $0xffff;
	[tilespmem:s26+$0x1A000] =	vst v52  }
0x388: {  	v54 =	vadd.s32 v13, v37;
	[tilespmem:s25+$0x10] =	vst v30;
	v30 =	vadd.bf16 v42, v41  }
0x389: {  	v56 =	vadd.s32 v2, v29;
	v55 =	vld.idx.msk [tilespmem:v60+s3+$0x0], $0xffff  }
0x38a: {  	v58 =	vunpack.i.u.bf16.f32 v46;
	v46 =	vunpack.i.l.bf16.f32 v46;
	v31 =	vld.idx.msk [tilespmem:v31+s3+$0x0], $0xffff;
	v59 =	vunpack.i.l.bf16.f32 v30  }
0x38b: {  	v57 =	vadd.s32 v2, v28;
	v32 =	vld.idx.msk [tilespmem:v61+s3+$0x0], $0xffff;
	v30 =	vunpack.i.u.bf16.f32 v30;
	v46 =	vadd.f32 v59, v46  }
0x38c: {  	v39 =	vadd.bf16 v53, v43;
	v30 =	vadd.f32 v30, v58  }
0x38d: {  	v60 =	vadd.s32 v2, v27;
	v61 =	vadd.s32 v8, v26;
	v45 =	vld.idx.msk [tilespmem:v54+s3+$0x0], $0xffff;
	[tilespmem:s0+$0x20] =	vst v46  }
0x38e: {  	v43 =	vadd.s32 v8, v25;
	v62 =	vunpack.i.l.bf16.f32 v55;
	v63 =	vunpack.i.l.bf16.f32 v39;
	[tilespmem:s0+$0x30] =	vst v30  }
0x38f: {  	v40 =	vunpack.i.u.bf16.f32 v55;
	v30 =	vunpack.i.u.bf16.f32 v39;
	v52 =	vadd.f32 v63, v62;
	v53 =	vld.idx.msk [tilespmem:v56+s3+$0x0], $0xffff  }
0x390: {  	v31 =	vadd.bf16 v32, v31;
	v30 =	vadd.f32 v30, v40;
	v42 =	vld.idx.msk [tilespmem:v57+s3+$0x0], $0xffff  }
0x391: {  	v54 =	vadd.s32 v14, v38;
	v55 =	vadd.s32 v8, v24;
	[tilespmem:s1+$0x460] =	vst v52  }
0x392: {  	v44 =	vld.idx.msk [tilespmem:v60+s3+$0x0], $0xffff;
	v58 =	vunpack.i.l.bf16.f32 v31;
	[tilespmem:s1+$0x470] =	vst v30;
	v30 =	vunpack.i.u.bf16.f32 v45;
	v31 =	vunpack.i.u.bf16.f32 v31  }
0x393: {  	v56 =	vadd.s32 v14, v36;
	v57 =	vunpack.i.l.bf16.f32 v45;
	v43 =	vld.idx.msk [tilespmem:v43+s3+$0x0], $0xffff;
	v30 =	vadd.f32 v31, v30  }
0x394: {  	v59 =	vadd.f32 v58, v57;
	v31 =	vld.idx.msk [tilespmem:v61+s3+$0x0], $0xffff  }
0x395: {  	v60 =	vadd.s32 v14, v37;
	[tilespmem:s25+$0x30] =	vst v30;
	v30 =	vadd.bf16 v42, v53  }
0x396: {  	v62 =	vadd.s32 v3, v29;
	v41 =	vld.idx.msk [tilespmem:v55+s3+$0x0], $0xffff;
	[tilespmem:s25+$0x20] =	vst v59  }
0x397: {  	v51 =	vunpack.i.u.bf16.f32 v44;
	v44 =	vunpack.i.l.bf16.f32 v44;
	v61 =	vld.idx.msk [tilespmem:v54+s3+$0x0], $0xffff;
	v52 =	vunpack.i.l.bf16.f32 v30  }
0x398: {  	v63 =	vadd.s32 v3, v28;
	v39 =	vld.idx.msk [tilespmem:v56+s3+$0x0], $0xffff;
	v30 =	vunpack.i.u.bf16.f32 v30;
	v44 =	vadd.f32 v52, v44  }
0x399: {  	v31 =	vadd.bf16 v31, v43;
	v30 =	vadd.f32 v30, v51  }
0x39a: {  	v46 =	vld.idx.msk [tilespmem:v60+s3+$0x0], $0xffff;
	v54 =	vadd.s32 v3, v27;
	[tilespmem:s0+$0x40] =	vst v44  }
0x39b: {  	v53 =	vadd.s32 v9, v25;
	v56 =	vunpack.i.l.bf16.f32 v41;
	v57 =	vunpack.i.l.bf16.f32 v31;
	[tilespmem:s0+$0x50] =	vst v30  }
0x39c: {  	v41 =	vunpack.i.u.bf16.f32 v41;
	v30 =	vunpack.i.u.bf16.f32 v31;
	v31 =	vadd.f32 v57, v56;
	v58 =	vld.idx.msk [tilespmem:v62+s3+$0x0], $0xffff  }
0x39d: {  	v55 =	vadd.s32 v9, v26;
	v32 =	vadd.bf16 v39, v61;
	v30 =	vadd.f32 v30, v41;
	v42 =	vld.idx.msk [tilespmem:v63+s3+$0x0], $0xffff  }
0x39e: {  	s12 =	sadd.s32 $0x19C00, s28;
	v59 =	vadd.s32 v15, v38;
	v60 =	vadd.s32 v9, v24;
	[tilespmem:s28+$0x19C00] =	vst v31  }
0x39f: {  	v45 =	vld.idx.msk [tilespmem:v54+s3+$0x0], $0xffff;
	v62 =	vunpack.i.l.bf16.f32 v32;
	v32 =	vunpack.i.u.bf16.f32 v32;
	[tilespmem:s12+$0x10] =	vst v30;
	v30 =	vunpack.i.u.bf16.f32 v46  }
0x3a0: {  	v61 =	vunpack.i.l.bf16.f32 v46;
	v31 =	vadd.s32 v15, v36;
	v30 =	vadd.f32 v32, v30  }
0x3a1: {  	v44 =	vadd.f32 v62, v61;
	v43 =	vld.idx.msk [tilespmem:v53+s3+$0x0], $0xffff  }
0x3a2: {  	v48 =	vadd.s32 v15, v37;
	v63 =	vld.idx.msk [tilespmem:v55+s3+$0x0], $0xffff;
	[tilespmem:s25+$0x50] =	vst v30;
	v30 =	vadd.bf16 v42, v58  }
0x3a3: {  	v50 =	vadd.s32 v4, v29;
	v41 =	vld.idx.msk [tilespmem:v60+s3+$0x0], $0xffff;
	[tilespmem:s25+$0x40] =	vst v44  }
0x3a4: {  	v54 =	vadd.s32 v4, v28;
	v52 =	vunpack.i.l.bf16.f32 v45;
	v49 =	vld.idx.msk [tilespmem:v59+s3+$0x0], $0xffff;
	v53 =	vunpack.i.l.bf16.f32 v30  }
0x3a5: {  	v51 =	vunpack.i.u.bf16.f32 v45;
	v31 =	vld.idx.msk [tilespmem:v31+s3+$0x0], $0xffff;
	v30 =	vunpack.i.u.bf16.f32 v30;
	v44 =	vadd.f32 v53, v52  }
0x3a6: {  	v30 =	vadd.f32 v30, v51  }
0x3a7: {  	v55 =	vadd.s32 v4, v27;
	v46 =	vld.idx.msk [tilespmem:v48+s3+$0x0], $0xffff;
	v32 =	vadd.bf16 v63, v43;
	[tilespmem:s0+$0x60] =	vst v44  }
0x3a8: {  	v56 =	vadd.s32 v10, v25;
	v60 =	vadd.s32 v10, v26;
	[tilespmem:s0+$0x70] =	vst v30  }
0x3a9: {  	v57 =	vunpack.i.u.bf16.f32 v41;
	v41 =	vunpack.i.l.bf16.f32 v41;
	v30 =	vunpack.i.u.bf16.f32 v32;
	v61 =	vld.idx.msk [tilespmem:v50+s3+$0x0], $0xffff  }
0x3aa: {  	v58 =	vunpack.i.l.bf16.f32 v32;
	v31 =	vadd.bf16 v31, v49;
	v30 =	vadd.f32 v30, v57;
	v48 =	vld.idx.msk [tilespmem:v54+s3+$0x0], $0xffff  }
0x3ab: {  	v62 =	vadd.s32 v10, v24;
	v63 =	vadd.s32 v16, v38;
	v59 =	vadd.f32 v58, v41  }
0x3ac: {  	v52 =	vadd.s32 v16, v36;
	v49 =	vld.idx.msk [tilespmem:v55+s3+$0x0], $0xffff;
	v50 =	vunpack.i.u.bf16.f32 v46;
	[tilespmem:s12+$0x30] =	vst v30;
	v30 =	vunpack.i.u.bf16.f32 v31  }
0x3ad: {  	v46 =	vunpack.i.l.bf16.f32 v46;
	[tilespmem:s12+$0x20] =	vst v59;
	v51 =	vunpack.i.l.bf16.f32 v31;
	v30 =	vadd.f32 v30, v50  }
0x3ae: {  	v53 =	vadd.s32 v16, v37;
	v31 =	vadd.f32 v51, v46;
	v42 =	vld.idx.msk [tilespmem:v56+s3+$0x0], $0xffff  }
0x3af: {  	v41 =	vld.idx.msk [tilespmem:v60+s3+$0x0], $0xffff;
	[tilespmem:s25+$0x70] =	vst v30;
	v30 =	vadd.bf16 v48, v61  }
0x3b0: {  	v56 =	vadd.s32 v5, v29;
	[tilespmem:s25+$0x60] =	vst v31;
	v31 =	vld.idx.msk [tilespmem:v62+s3+$0x0], $0xffff  }
0x3b1: {  	v58 =	vunpack.i.u.bf16.f32 v49;
	v43 =	vunpack.i.l.bf16.f32 v49;
	v54 =	vld.idx.msk [tilespmem:v63+s3+$0x0], $0xffff;
	v59 =	vunpack.i.l.bf16.f32 v30  }
0x3b2: {  	v62 =	vadd.s32 v5, v28;
	v57 =	vld.idx.msk [tilespmem:v52+s3+$0x0], $0xffff;
	v30 =	vunpack.i.u.bf16.f32 v30;
	v43 =	vadd.f32 v59, v43  }
0x3b3: {  	v55 =	vadd.s32 v5, v27;
	v60 =	vld.idx.msk [tilespmem:v53+s3+$0x0], $0xffff;
	v30 =	vadd.f32 v30, v58  }
0x3b4: {  	v41 =	vadd.bf16 v41, v42;
	[tilespmem:s0+$0x400] =	vst v43  }
0x3b5: {  	v61 =	vadd.s32 v11, v24;
	v63 =	vadd.s32 v11, v25;
	v52 =	vunpack.i.l.bf16.f32 v31;
	[tilespmem:s0+$0x410] =	vst v30  }
0x3b6: {  	v53 =	vunpack.i.l.bf16.f32 v41;
	v31 =	vunpack.i.u.bf16.f32 v31;
	v41 =	vunpack.i.u.bf16.f32 v41;
	v40 =	vld.idx.msk [tilespmem:v56+s3+$0x0], $0xffff  }
0x3b7: {  	v30 =	vadd.f32 v53, v52;
	v32 =	vadd.bf16 v57, v54;
	v54 =	vadd.s32 v11, v26;
	v47 =	vld.idx.msk [tilespmem:v62+s3+$0x0], $0xffff  }
0x3b8: {  	s24 =	simm.s32 $0x3;
	v31 =	vadd.f32 v41, v31;
	v39 =	vld.idx.msk [tilespmem:v55+s3+$0x0], $0xffff;
	v55 =	vadd.s32 v17, v38;
	v42 =	vunpack.i.u.bf16.f32 v60  }
0x3b9: {  	v57 =	vmov s24;
	[tilespmem:s12+$0x40] =	vst v30;
	v30 =	vunpack.i.l.bf16.f32 v60;
	v44 =	vunpack.i.l.bf16.f32 v32  }
0x3ba: {  	[tilespmem:s12+$0x50] =	vst v31;
	v31 =	vunpack.i.u.bf16.f32 v32;
	v32 =	vperm.xlane v33, v57;
	v30 =	vadd.f32 v44, v30  }
0x3bb: {  	v58 =	vadd.s32 v17, v37;
	v56 =	vadd.s32 v17, v36;
	v31 =	vadd.f32 v31, v42;
	v42 =	vld.idx.msk [tilespmem:v63+s3+$0x0], $0xffff  }
0x3bc: {  	s11 =	sadd.s32 $0x1A400, s26;
	v59 =	vadd.s32 v0, v32;
	[tilespmem:s26+$0x1A400] =	vst v30;
	v41 =	vld.idx.msk [tilespmem:v54+s3+$0x0], $0xffff;
	v40 =	vadd.bf16 v47, v40  }
0x3bd: {  	v30 =	vperm.xlane v35, v57;
	v47 =	vadd.s32 v6, v29;
	[tilespmem:s11+$0x10] =	vst v31;
	v31 =	vperm.xlane v34, v57  }
0x3be: {  	v44 =	vld.idx.msk [tilespmem:v61+s3+$0x0], $0xffff;
	v62 =	vunpack.i.u.bf16.f32 v39;
	v39 =	vunpack.i.l.bf16.f32 v39;
	v63 =	vunpack.i.l.bf16.f32 v40  }
0x3bf: {  	v43 =	vld.idx.msk [tilespmem:v55+s3+$0x0], $0xffff;
	v40 =	vunpack.i.u.bf16.f32 v40;
	v60 =	vadd.s32 v0, v31;
	v39 =	vadd.f32 v63, v39  }
0x3c0: {  	v48 =	vadd.s32 v6, v28;
	v45 =	vld.idx.msk [tilespmem:v56+s3+$0x0], $0xffff;
	v40 =	vadd.f32 v40, v62  }
0x3c1: {  	v61 =	vadd.s32 v0, v30;
	v51 =	vld.idx.msk [tilespmem:v59+s3+$0x0], $0xffff;
	[tilespmem:s0+$0x420] =	vst v39  }
0x3c2: {  	v46 =	vadd.s32 v18, v38;
	v41 =	vadd.bf16 v41, v42;
	v42 =	vld.idx.msk [tilespmem:v58+s3+$0x0], $0xffff;
	[tilespmem:s0+$0x430] =	vst v40  }
0x3c3: {  	v50 =	vadd.s32 v12, v25;
	v49 =	vadd.s32 v6, v27;
	v57 =	vunpack.i.u.bf16.f32 v44;
	v40 =	vld.idx.msk [tilespmem:v47+s3+$0x0], $0xffff  }
0x3c4: {  	v44 =	vunpack.i.l.bf16.f32 v44;
	v58 =	vunpack.i.l.bf16.f32 v41;
	v41 =	vunpack.i.u.bf16.f32 v41;
	v52 =	vld.idx.msk [tilespmem:v60+s3+$0x0], $0xffff  }
0x3c5: {  	v48 =	vld.idx.msk [tilespmem:v48+s3+$0x0], $0xffff;
	v43 =	vadd.bf16 v45, v43;
	v59 =	vadd.f32 v58, v44;
	v60 =	vadd.s32 v12, v26  }
0x3c6: {  	v62 =	vadd.s32 v12, v24;
	v54 =	vadd.s32 v1, v31;
	v61 =	vld.idx.msk [tilespmem:v61+s3+$0x0], $0xffff;
	v41 =	vadd.f32 v41, v57  }
0x3c7: {  	v57 =	vadd.s32 v18, v36;
	v56 =	vunpack.i.l.bf16.f32 v43;
	[tilespmem:s12+$0x60] =	vst v59;
	v63 =	vunpack.i.l.bf16.f32 v42  }
0x3c8: {  	v49 =	vld.idx.msk [tilespmem:v49+s3+$0x0], $0xffff;
	v43 =	vunpack.i.u.bf16.f32 v43;
	[tilespmem:s12+$0x70] =	vst v41;
	v42 =	vunpack.i.u.bf16.f32 v42;
	v47 =	vadd.f32 v56, v63  }
0x3c9: {  	s25 =	simm.s32 $0x0;
	v58 =	vadd.s32 v18, v37;
	v42 =	vadd.f32 v43, v42;
	v43 =	vld.idx.msk [tilespmem:v50+s3+$0x0], $0xffff;
	v51 =	vadd.bf16 v52, v51  }
0x3ca: {  	s1 =	smul.u32 $0x6000, s25;
	v59 =	vadd.s32 v1, v32;
	v40 =	vadd.bf16 v48, v40;
	v44 =	vld.idx.msk [tilespmem:v60+s3+$0x0], $0xffff;
	[tilespmem:s11+$0x20] =	vst v47  }
0x3cb: {  	s12 =	simm.s32 $0x180;
	v39 =	vld.idx.msk [tilespmem:v62+s3+$0x0], $0xffff;
	v45 =	vunpack.i.l.bf16.f32 v61;
	[tilespmem:s11+$0x30] =	vst v42;
	v60 =	vunpack.i.u.bf16.f32 v61;
	v61 =	vunpack.i.l.bf16.f32 v51  }
0x3cc: {  	s1 =	sshra.s32 s1, $0x2;
	s12 =	sand.u32 $0x380, s12;
	v62 =	vadd.s32 v1, v30;
	v46 =	vld.idx.msk [tilespmem:v46+s3+$0x0], $0xffff;
	v51 =	vunpack.i.u.bf16.f32 v51;
	v45 =	vadd.f32 v61, v45  }
0x3cd: {  	v63 =	vunpack.i.u.bf16.f32 v49;
	v49 =	vunpack.i.l.bf16.f32 v49;
	s24 =	sor.u32 s12, s1;
	v41 =	vld.idx.msk [tilespmem:v57+s3+$0x0], $0xffff;
	v42 =	vadd.f32 v51, v60  }
0x3ce: {  	v52 =	vadd.s32 v7, v29;
	s1 =	sadd.s32 $0x19400, s24;
	v57 =	vunpack.i.l.bf16.f32 v40;
	v50 =	vld.idx.msk [tilespmem:v58+s3+$0x0], $0xffff;
	v40 =	vunpack.i.u.bf16.f32 v40;
	[tilespmem:s24+$0x19400] =	vst v45  }
0x3cf: {  	v58 =	vadd.f32 v57, v49;
	v51 =	vadd.s32 v7, v28;
	v43 =	vadd.bf16 v44, v43;
	[tilespmem:s1+$0x10] =	vst v42  }
0x3d0: {  	v53 =	vadd.s32 v13, v25;
	v40 =	vadd.f32 v40, v63;
	v44 =	vld.idx.msk [tilespmem:v59+s3+$0x0], $0xffff;
	v59 =	vadd.s32 v7, v27  }
0x3d1: {  	v60 =	vunpack.i.u.bf16.f32 v39;
	v39 =	vunpack.i.l.bf16.f32 v39;
	[tilespmem:s0+$0x440] =	vst v58;
	v49 =	vld.idx.msk [tilespmem:v54+s3+$0x0], $0xffff;
	v61 =	vunpack.i.l.bf16.f32 v43  }
0x3d2: {  	v47 =	vadd.s32 v13, v26;
	[tilespmem:s0+$0x450] =	vst v40;
	v48 =	vld.idx.msk [tilespmem:v62+s3+$0x0], $0xffff;
	v62 =	vunpack.i.u.bf16.f32 v43;
	v39 =	vadd.f32 v61, v39  }
0x3d3: {  	v41 =	vadd.bf16 v41, v46;
	v43 =	vld.idx.msk [tilespmem:v52+s3+$0x0], $0xffff;
	v40 =	vadd.f32 v62, v60  }
0x3d4: {  	s12 =	sadd.s32 $0x1A000, s28;
	v63 =	vadd.s32 v13, v24;
	v46 =	vadd.s32 v19, v38;
	v51 =	vld.idx.msk [tilespmem:v51+s3+$0x0], $0xffff;
	[tilespmem:s28+$0x1A000] =	vst v39  }
0x3d5: {  	v57 =	vunpack.i.l.bf16.f32 v50;
	v54 =	vadd.s32 v19, v36;
	v58 =	vunpack.i.l.bf16.f32 v41;
	[tilespmem:s12+$0x10] =	vst v40;
	v45 =	vld.idx.msk [tilespmem:v59+s3+$0x0], $0xffff  }
0x3d6: {  	v52 =	vadd.s32 v14, v25;
	v39 =	vadd.f32 v58, v57;
	v59 =	vunpack.i.u.bf16.f32 v50;
	v50 =	vld.idx.msk [tilespmem:v53+s3+$0x0], $0xffff  }
0x3d7: {  	v41 =	vunpack.i.u.bf16.f32 v41;
	v60 =	vadd.s32 v19, v37;
	v47 =	vld.idx.msk [tilespmem:v47+s3+$0x0], $0xffff;
	v53 =	vadd.s32 v2, v32  }
0x3d8: {  	[tilespmem:s11+$0x40] =	vst v39;
	v39 =	vadd.s32 v2, v31;
	v40 =	vadd.f32 v41, v59;
	v41 =	vadd.bf16 v49, v44  }
0x3d9: {  	v61 =	vunpack.i.l.bf16.f32 v48;
	v42 =	vld.idx.msk [tilespmem:v63+s3+$0x0], $0xffff;
	v63 =	vunpack.i.u.bf16.f32 v48;
	v43 =	vadd.bf16 v51, v43  }
0x3da: {  	v49 =	vadd.s32 v8, v29;
	v62 =	vunpack.i.l.bf16.f32 v41;
	[tilespmem:s11+$0x50] =	vst v40;
	v41 =	vunpack.i.u.bf16.f32 v41  }
0x3db: {  	v59 =	vunpack.i.l.bf16.f32 v43;
	v43 =	vunpack.i.u.bf16.f32 v43;
	v57 =	vadd.f32 v62, v61;
	v46 =	vld.idx.msk [tilespmem:v46+s3+$0x0], $0xffff  }
0x3dc: {  	v40 =	vadd.f32 v41, v63;
	v41 =	vadd.s32 v2, v30;
	v51 =	vld.idx.msk [tilespmem:v54+s3+$0x0], $0xffff;
	v54 =	vadd.s32 v8, v28  }
0x3dd: {  	v58 =	vunpack.i.u.bf16.f32 v45;
	v45 =	vunpack.i.l.bf16.f32 v45;
	v47 =	vadd.bf16 v47, v50;
	[tilespmem:s1+$0x20] =	vst v57  }
0x3de: {  	v44 =	vld.idx.msk [tilespmem:v60+s3+$0x0], $0xffff;
	v50 =	vadd.s32 v14, v26;
	v61 =	vunpack.i.l.bf16.f32 v42;
	[tilespmem:s1+$0x30] =	vst v40;
	v60 =	vadd.f32 v59, v45  }
0x3df: {  	v43 =	vadd.f32 v43, v58;
	v45 =	vadd.s32 v8, v27;
	v59 =	vadd.s32 v14, v24;
	v48 =	vld.idx.msk [tilespmem:v53+s3+$0x0], $0xffff  }
0x3e0: {  	v62 =	vunpack.i.l.bf16.f32 v47;
	v39 =	vld.idx.msk [tilespmem:v39+s3+$0x0], $0xffff;
	v56 =	vunpack.i.u.bf16.f32 v47;
	v47 =	vadd.s32 v15, v25;
	[tilespmem:s0+$0x460] =	vst v60  }
0x3e1: {  	v63 =	vunpack.i.u.bf16.f32 v42;
	v57 =	vadd.f32 v62, v61;
	[tilespmem:s0+$0x470] =	vst v43;
	v41 =	vld.idx.msk [tilespmem:v41+s3+$0x0], $0xffff;
	v58 =	vadd.bf16 v51, v46  }
0x3e2: {  	v40 =	vadd.f32 v56, v63;
	v63 =	vadd.s32 v20, v36;
	v43 =	vadd.s32 v3, v32;
	v42 =	vld.idx.msk [tilespmem:v49+s3+$0x0], $0xffff  }
0x3e3: {  	v49 =	vadd.s32 v20, v38;
	v60 =	vunpack.i.l.bf16.f32 v44;
	v61 =	vld.idx.msk [tilespmem:v54+s3+$0x0], $0xffff;
	[tilespmem:s12+$0x20] =	vst v57;
	v62 =	vunpack.i.l.bf16.f32 v58  }
0x3e4: {  	v44 =	vunpack.i.u.bf16.f32 v44;
	[tilespmem:s12+$0x30] =	vst v40;
	v45 =	vld.idx.msk [tilespmem:v45+s3+$0x0], $0xffff;
	v55 =	vunpack.i.u.bf16.f32 v58;
	v56 =	vadd.f32 v62, v60  }
0x3e5: {  	v54 =	vadd.s32 v9, v28;
	v51 =	vld.idx.msk [tilespmem:v52+s3+$0x0], $0xffff;
	v40 =	vadd.f32 v55, v44;
	v39 =	vadd.bf16 v39, v48  }
0x3e6: {  	v57 =	vadd.s32 v20, v37;
	v58 =	vld.idx.msk [tilespmem:v50+s3+$0x0], $0xffff;
	v50 =	vadd.s32 v3, v31;
	[tilespmem:s11+$0x60] =	vst v56  }
0x3e7: {  	v46 =	vld.idx.msk [tilespmem:v59+s3+$0x0], $0xffff;
	[tilespmem:s11+$0x70] =	vst v40;
	v59 =	vunpack.i.u.bf16.f32 v41;
	v41 =	vunpack.i.l.bf16.f32 v41;
	v60 =	vunpack.i.l.bf16.f32 v39  }
0x3e8: {  	v39 =	vunpack.i.u.bf16.f32 v39;
	v42 =	vadd.bf16 v61, v42;
	v49 =	vld.idx.msk [tilespmem:v49+s3+$0x0], $0xffff;
	v41 =	vadd.f32 v60, v41  }
0x3e9: {  	v52 =	vadd.s32 v9, v29;
	v61 =	vadd.s32 v3, v30;
	v53 =	vld.idx.msk [tilespmem:v63+s3+$0x0], $0xffff;
	v39 =	vadd.f32 v39, v59  }
0x3ea: {  	v62 =	vunpack.i.l.bf16.f32 v45;
	v63 =	vunpack.i.l.bf16.f32 v42;
	v45 =	vunpack.i.u.bf16.f32 v45;
	[tilespmem:s1+$0x40] =	vst v41  }
0x3eb: {  	v44 =	vld.idx.msk [tilespmem:v57+s3+$0x0], $0xffff;
	v57 =	vunpack.i.u.bf16.f32 v42;
	v58 =	vadd.bf16 v58, v51;
	[tilespmem:s1+$0x50] =	vst v39;
	v41 =	vadd.f32 v63, v62  }
0x3ec: {  	v48 =	vadd.s32 v15, v26;
	v39 =	vadd.f32 v57, v45;
	v45 =	vadd.s32 v9, v27;
	v43 =	vld.idx.msk [tilespmem:v43+s3+$0x0], $0xffff  }
0x3ed: {  	s0 =	sadd.s32 $0x19C00, s23;
	v59 =	vunpack.i.u.bf16.f32 v46;
	v46 =	vunpack.i.l.bf16.f32 v46;
	v50 =	vld.idx.msk [tilespmem:v50+s3+$0x0], $0xffff;
	v51 =	vunpack.i.l.bf16.f32 v58;
	[tilespmem:s23+$0x19C00] =	vst v41  }
0x3ee: {  	v60 =	vunpack.i.u.bf16.f32 v58;
	v40 =	vld.idx.msk [tilespmem:v61+s3+$0x0], $0xffff;
	v46 =	vadd.f32 v51, v46;
	[tilespmem:s0+$0x10] =	vst v39;
	v61 =	vadd.bf16 v53, v49  }
0x3ef: {  	v62 =	vadd.s32 v15, v24;
	v58 =	vadd.s32 v21, v36;
	v39 =	vadd.f32 v60, v59;
	v49 =	vld.idx.msk [tilespmem:v52+s3+$0x0], $0xffff  }
0x3f0: {  	v51 =	vadd.s32 v21, v38;
	v63 =	vunpack.i.l.bf16.f32 v44;
	v52 =	vld.idx.msk [tilespmem:v54+s3+$0x0], $0xffff;
	[tilespmem:s12+$0x40] =	vst v46;
	v57 =	vunpack.i.l.bf16.f32 v61  }
0x3f1: {  	v44 =	vunpack.i.u.bf16.f32 v44;
	v45 =	vld.idx.msk [tilespmem:v45+s3+$0x0], $0xffff;
	v42 =	vunpack.i.u.bf16.f32 v61;
	[tilespmem:s12+$0x50] =	vst v39;
	v59 =	vadd.f32 v57, v63  }
0x3f2: {  	v60 =	vadd.s32 v21, v37;
	v42 =	vadd.f32 v42, v44;
	v44 =	vld.idx.msk [tilespmem:v47+s3+$0x0], $0xffff;
	v43 =	vadd.bf16 v50, v43  }
0x3f3: {  	v54 =	vadd.s32 v4, v32;
	v61 =	vadd.s32 v4, v30;
	v50 =	vadd.s32 v10, v27;
	v48 =	vld.idx.msk [tilespmem:v48+s3+$0x0], $0xffff  }
0x3f4: {  	s25 =	sadd.s32 $0x1A800, s26;
	v41 =	vld.idx.msk [tilespmem:v62+s3+$0x0], $0xffff;
	v62 =	vunpack.i.u.bf16.f32 v40;
	v40 =	vunpack.i.l.bf16.f32 v40;
	[tilespmem:s26+$0x1A800] =	vst v59;
	v63 =	vunpack.i.l.bf16.f32 v43  }
0x3f5: {  	v43 =	vunpack.i.u.bf16.f32 v43;
	[tilespmem:s25+$0x10] =	vst v42;
	v40 =	vadd.f32 v63, v40;
	v49 =	vadd.bf16 v52, v49  }
0x3f6: {  	v57 =	vadd.s32 v4, v31;
	v42 =	vadd.f32 v43, v62;
	v52 =	vadd.s32 v10, v29;
	v51 =	vld.idx.msk [tilespmem:v51+s3+$0x0], $0xffff  }
0x3f7: {  	v46 =	vld.idx.msk [tilespmem:v58+s3+$0x0], $0xffff;
	v58 =	vunpack.i.u.bf16.f32 v45;
	v45 =	vunpack.i.l.bf16.f32 v45;
	[tilespmem:s1+$0x60] =	vst v40;
	v59 =	vunpack.i.l.bf16.f32 v49  }
0x3f8: {  	v47 =	vld.idx.msk [tilespmem:v60+s3+$0x0], $0xffff;
	[tilespmem:s1+$0x70] =	vst v42;
	v60 =	vunpack.i.u.bf16.f32 v49;
	v44 =	vadd.bf16 v48, v44;
	v45 =	vadd.f32 v59, v45  }
0x3f9: {  	v53 =	vadd.s32 v16, v24;
	v39 =	vld.idx.msk [tilespmem:v61+s3+$0x0], $0xffff;
	v40 =	vadd.f32 v60, v58;
	v61 =	vadd.s32 v10, v28  }
0x3fa: {  	v62 =	vunpack.i.u.bf16.f32 v41;
	v41 =	vunpack.i.l.bf16.f32 v41;
	v49 =	vld.idx.msk [tilespmem:v54+s3+$0x0], $0xffff;
	v63 =	vunpack.i.l.bf16.f32 v44;
	[tilespmem:s0+$0x20] =	vst v45  }
0x3fb: {  	v48 =	vadd.s32 v16, v25;
	v43 =	vld.idx.msk [tilespmem:v57+s3+$0x0], $0xffff;
	v56 =	vunpack.i.u.bf16.f32 v44;
	[tilespmem:s0+$0x30] =	vst v40;
	v41 =	vadd.f32 v63, v41  }
0x3fc: {  	v58 =	vadd.s32 v16, v26;
	v40 =	vadd.f32 v56, v62;
	v57 =	vadd.bf16 v46, v51;
	v46 =	vld.idx.msk [tilespmem:v50+s3+$0x0], $0xffff  }
0x3fd: {  	v55 =	vadd.s32 v5, v31;
	v60 =	vadd.s32 v22, v38;
	v50 =	vld.idx.msk [tilespmem:v52+s3+$0x0], $0xffff;
	[tilespmem:s12+$0x60] =	vst v41  }
0x3fe: {  	v62 =	vadd.s32 v22, v36;
	v59 =	vunpack.i.l.bf16.f32 v47;
	[tilespmem:s12+$0x70] =	vst v40;
	v51 =	vunpack.i.l.bf16.f32 v57;
	v42 =	vld.idx.msk [tilespmem:v61+s3+$0x0], $0xffff  }
0x3ff: {  	v47 =	vunpack.i.u.bf16.f32 v47;
	v44 =	vunpack.i.u.bf16.f32 v57;
	v61 =	vadd.f32 v51, v59;
	v51 =	vld.idx.msk [tilespmem:v53+s3+$0x0], $0xffff  }
0x400: {  	v54 =	vadd.s32 v5, v32;
	v63 =	vadd.s32 v22, v37;
	v44 =	vadd.f32 v44, v47;
	v47 =	vld.idx.msk [tilespmem:v48+s3+$0x0], $0xffff  }
0x401: {  	v43 =	vadd.bf16 v43, v49;
	v48 =	vadd.s32 v23, v38;
	v38 =	vld.idx.msk [tilespmem:v58+s3+$0x0], $0xffff;
	[tilespmem:s25+$0x20] =	vst v61  }
0x402: {  	v45 =	vadd.s32 v17, v25;
	v49 =	vadd.s32 v11, v29;
	v53 =	vadd.s32 v5, v30;
	[tilespmem:s25+$0x30] =	vst v44  }
0x403: {  	v44 =	vadd.s32 v11, v27;
	v61 =	vunpack.i.l.bf16.f32 v43;
	v43 =	vunpack.i.u.bf16.f32 v43;
	v52 =	vld.idx.msk [tilespmem:v60+s3+$0x0], $0xffff  }
0x404: {  	v41 =	vld.idx.msk [tilespmem:v62+s3+$0x0], $0xffff;
	v60 =	vunpack.i.u.bf16.f32 v39;
	v39 =	vunpack.i.l.bf16.f32 v39;
	v62 =	vunpack.i.u.bf16.f32 v46  }
0x405: {  	v46 =	vunpack.i.l.bf16.f32 v46;
	v39 =	vadd.f32 v61, v39;
	v42 =	vadd.bf16 v42, v50  }
0x406: {  	v40 =	vld.idx.msk [tilespmem:v63+s3+$0x0], $0xffff;
	v43 =	vadd.f32 v43, v60;
	v38 =	vadd.bf16 v38, v47;
	v56 =	vunpack.i.l.bf16.f32 v51  }
0x407: {  	v58 =	vunpack.i.u.bf16.f32 v51;
	[tilespmem:s1+$0x400] =	vst v39;
	v63 =	vunpack.i.u.bf16.f32 v42;
	v42 =	vunpack.i.l.bf16.f32 v42  }
0x408: {  	v51 =	vadd.s32 v23, v36;
	[tilespmem:s1+$0x410] =	vst v43;
	v43 =	vadd.s32 v11, v28;
	v42 =	vadd.f32 v42, v46  }
0x409: {  	v39 =	vadd.f32 v63, v62;
	v46 =	vld.idx.msk [tilespmem:v53+s3+$0x0], $0xffff;
	v57 =	vunpack.i.l.bf16.f32 v38;
	v41 =	vadd.bf16 v41, v52  }
0x40a: {  	v38 =	vunpack.i.u.bf16.f32 v38;
	v50 =	vld.idx.msk [tilespmem:v55+s3+$0x0], $0xffff;
	v63 =	vadd.s32 v17, v26;
	v47 =	vadd.f32 v57, v56;
	[tilespmem:s0+$0x40] =	vst v42  }
0x40b: {  	v52 =	vld.idx.msk [tilespmem:v54+s3+$0x0], $0xffff;
	v38 =	vadd.f32 v38, v58;
	v59 =	vunpack.i.l.bf16.f32 v40;
	[tilespmem:s0+$0x50] =	vst v39;
	v60 =	vunpack.i.l.bf16.f32 v41  }
0x40c: {  	s11 =	sadd.s32 $0x1A400, s28;
	s26 =	simm.s32 $0x4;
	v61 =	vunpack.i.u.bf16.f32 v40;
	v44 =	vld.idx.msk [tilespmem:v44+s3+$0x0], $0xffff;
	[tilespmem:s28+$0x1A400] =	vst v47;
	v62 =	vunpack.i.u.bf16.f32 v41;
	v39 =	vadd.f32 v60, v59  }
0x40d: {  	v53 =	vadd.s32 v6, v30;
	v41 =	vld.idx.msk [tilespmem:v49+s3+$0x0], $0xffff;
	[tilespmem:s11+$0x10] =	vst v38;
	v59 =	vmov s26;
	v40 =	vadd.f32 v62, v61  }
0x40e: {  	v43 =	vld.idx.msk [tilespmem:v43+s3+$0x0], $0xffff;
	v60 =	vadd.s32 v23, v37;
	v38 =	vperm.xlane v33, v59;
	[tilespmem:s25+$0x40] =	vst v39  }
0x40f: {  	v61 =	vadd.s32 v17, v24;
	v45 =	vld.idx.msk [tilespmem:v45+s3+$0x0], $0xffff;
	v37 =	vperm.xlane v34, v59;
	[tilespmem:s25+$0x50] =	vst v40  }
0x410: {  	v55 =	vadd.s32 v12, v28;
	v36 =	vperm.xlane v35, v59;
	v48 =	vld.idx.msk [tilespmem:v48+s3+$0x0], $0xffff;
	v56 =	vadd.s32 v0, v38  }
0x411: {  	v54 =	vadd.s32 v12, v29;
	v50 =	vadd.bf16 v50, v52;
	v51 =	vld.idx.msk [tilespmem:v51+s3+$0x0], $0xffff;
	v58 =	vadd.s32 v0, v37  }
0x412: {  	v49 =	vadd.s32 v18, v25;
	v42 =	vld.idx.msk [tilespmem:v63+s3+$0x0], $0xffff;
	v59 =	vunpack.i.u.bf16.f32 v46;
	v57 =	vadd.s32 v0, v36  }
0x413: {  	v46 =	vunpack.i.l.bf16.f32 v46;
	v52 =	vadd.s32 v6, v32;
	v62 =	vunpack.i.l.bf16.f32 v50;
	v40 =	vld.idx.msk [tilespmem:v60+s3+$0x0], $0xffff  }
0x414: {  	v50 =	vunpack.i.u.bf16.f32 v50;
	v41 =	vadd.bf16 v43, v41;
	v46 =	vadd.f32 v62, v46;
	v47 =	vld.idx.msk [tilespmem:v61+s3+$0x0], $0xffff  }
0x415: {  	v43 =	vadd.s32 v6, v31;
	v50 =	vadd.f32 v50, v59;
	v59 =	vunpack.i.u.bf16.f32 v44;
	v56 =	vld.idx.msk [tilespmem:v56+s3+$0x0], $0xffff  }
0x416: {  	v44 =	vunpack.i.l.bf16.f32 v44;
	v60 =	vunpack.i.l.bf16.f32 v41;
	[tilespmem:s1+$0x420] =	vst v46;
	v39 =	vadd.bf16 v51, v48;
	v48 =	vld.idx.msk [tilespmem:v58+s3+$0x0], $0xffff  }
0x417: {  	v42 =	vadd.bf16 v42, v45;
	v41 =	vunpack.i.u.bf16.f32 v41;
	[tilespmem:s1+$0x430] =	vst v50;
	v44 =	vadd.f32 v60, v44;
	v45 =	vld.idx.msk [tilespmem:v57+s3+$0x0], $0xffff  }
0x418: {  	v50 =	vadd.s32 v13, v29;
	v63 =	vadd.f32 v41, v59;
	v60 =	vadd.s32 v12, v27;
	v52 =	vld.idx.msk [tilespmem:v52+s3+$0x0], $0xffff  }
0x419: {  	v62 =	vunpack.i.l.bf16.f32 v42;
	v42 =	vunpack.i.u.bf16.f32 v42;
	v53 =	vld.idx.msk [tilespmem:v53+s3+$0x0], $0xffff;
	v57 =	vadd.s32 v1, v37;
	[tilespmem:s0+$0x60] =	vst v44  }
0x41a: {  	v58 =	vunpack.i.u.bf16.f32 v40;
	v61 =	vunpack.i.l.bf16.f32 v47;
	v43 =	vld.idx.msk [tilespmem:v43+s3+$0x0], $0xffff;
	[tilespmem:s0+$0x70] =	vst v63;
	v47 =	vunpack.i.u.bf16.f32 v47  }
0x41b: {  	v59 =	vunpack.i.u.bf16.f32 v39;
	v44 =	vadd.f32 v62, v61;
	v42 =	vadd.f32 v42, v47;
	v47 =	vld.idx.msk [tilespmem:v54+s3+$0x0], $0xffff  }
0x41c: {  	v63 =	vadd.s32 v18, v26;
	v41 =	vadd.f32 v59, v58;
	v54 =	vadd.s32 v18, v24;
	v55 =	vld.idx.msk [tilespmem:v55+s3+$0x0], $0xffff  }
0x41d: {  	s12 =	simm.s32 $0x0;
	v48 =	vadd.bf16 v48, v56;
	v56 =	vadd.s32 v7, v32;
	[tilespmem:s11+$0x20] =	vst v44;
	v44 =	vadd.s32 v1, v38  }
0x41e: {  	s0 =	smul.u32 $0x6000, s12;
	v51 =	vld.idx.msk [tilespmem:v60+s3+$0x0], $0xffff;
	v60 =	vunpack.i.u.bf16.f32 v45;
	v45 =	vunpack.i.l.bf16.f32 v45;
	v62 =	vunpack.i.u.bf16.f32 v53  }
0x41f: {  	s31 =	simm.s32 $0x200;
	[tilespmem:s11+$0x30] =	vst v42;
	v53 =	vunpack.i.l.bf16.f32 v53;
	v61 =	vunpack.i.l.bf16.f32 v48;
	v48 =	vunpack.i.u.bf16.f32 v48  }
0x420: {  	s26 =	sand.u32 $0x380, s31;
	s0 =	sshra.s32 s0, $0x2;
	v49 =	vld.idx.msk [tilespmem:v49+s3+$0x0], $0xffff;
	v43 =	vadd.bf16 v43, v52;
	v52 =	vadd.s32 v7, v31;
	v45 =	vadd.f32 v61, v45  }
0x421: {  	s26 =	sor.u32 s26, s0;
	v46 =	vld.idx.msk [tilespmem:v63+s3+$0x0], $0xffff;
	v42 =	vadd.f32 v48, v60;
	v48 =	vadd.s32 v1, v36;
	v47 =	vadd.bf16 v55, v47  }
0x422: {  	s30 =	sadd.s32 $0x19400, s26;
	v54 =	vld.idx.msk [tilespmem:v54+s3+$0x0], $0xffff;
	v63 =	vunpack.i.l.bf16.f32 v43;
	v60 =	vunpack.i.u.bf16.f32 v43;
	v43 =	vadd.s32 v13, v27;
	[tilespmem:s26+$0x19400] =	vst v45  }
0x423: {  	v61 =	vadd.f32 v63, v53;
	v45 =	vadd.s32 v7, v30;
	v63 =	vunpack.i.l.bf16.f32 v47;
	[tilespmem:s30+$0x10] =	vst v42  }
0x424: {  	v42 =	vadd.f32 v60, v62;
	v62 =	vunpack.i.u.bf16.f32 v51;
	v51 =	vunpack.i.l.bf16.f32 v51;
	v44 =	vld.idx.msk [tilespmem:v44+s3+$0x0], $0xffff  }
0x425: {  	v53 =	vadd.s32 v13, v28;
	v55 =	vld.idx.msk [tilespmem:v57+s3+$0x0], $0xffff;
	[tilespmem:s1+$0x440] =	vst v61;
	v59 =	vadd.f32 v63, v51  }
0x426: {  	v58 =	vunpack.i.u.bf16.f32 v47;
	v46 =	vadd.bf16 v46, v49;
	v51 =	vadd.s32 v19, v25;
	v48 =	vld.idx.msk [tilespmem:v48+s3+$0x0], $0xffff;
	[tilespmem:s1+$0x450] =	vst v42  }
0x427: {  	v57 =	vadd.s32 v19, v26;
	v42 =	vadd.f32 v58, v62;
	v60 =	vunpack.i.l.bf16.f32 v54;
	v49 =	vld.idx.msk [tilespmem:v56+s3+$0x0], $0xffff  }
0x428: {  	s0 =	sadd.s32 $0x1A000, s23;
	v62 =	vunpack.i.u.bf16.f32 v54;
	v54 =	vadd.s32 v14, v29;
	v52 =	vld.idx.msk [tilespmem:v52+s3+$0x0], $0xffff;
	[tilespmem:s23+$0x1A000] =	vst v59;
	v61 =	vunpack.i.l.bf16.f32 v46  }
0x429: {  	v46 =	vunpack.i.u.bf16.f32 v46;
	v56 =	vadd.s32 v2, v38;
	v45 =	vld.idx.msk [tilespmem:v45+s3+$0x0], $0xffff;
	[tilespmem:s0+$0x10] =	vst v42;
	v47 =	vadd.f32 v61, v60  }
0x42a: {  	v42 =	vadd.f32 v46, v62;
	v46 =	vadd.s32 v19, v24;
	v50 =	vld.idx.msk [tilespmem:v50+s3+$0x0], $0xffff;
	v44 =	vadd.bf16 v55, v44  }
0x42b: {  	v53 =	vld.idx.msk [tilespmem:v53+s3+$0x0], $0xffff;
	v55 =	vadd.s32 v8, v32;
	[tilespmem:s11+$0x40] =	vst v47;
	v47 =	vadd.s32 v2, v37;
	v63 =	vunpack.i.l.bf16.f32 v48  }
0x42c: {  	v43 =	vld.idx.msk [tilespmem:v43+s3+$0x0], $0xffff;
	[tilespmem:s11+$0x50] =	vst v42;
	v61 =	vunpack.i.u.bf16.f32 v48;
	v48 =	vadd.s32 v8, v30;
	v60 =	vunpack.i.l.bf16.f32 v44  }
0x42d: {  	v51 =	vld.idx.msk [tilespmem:v51+s3+$0x0], $0xffff;
	v44 =	vunpack.i.u.bf16.f32 v44;
	v49 =	vadd.bf16 v52, v49;
	v62 =	vadd.f32 v60, v63  }
0x42e: {  	v52 =	vld.idx.msk [tilespmem:v57+s3+$0x0], $0xffff;
	v57 =	vadd.s32 v8, v31;
	v42 =	vadd.f32 v44, v61;
	v44 =	vadd.s32 v2, v36  }
0x42f: {  	v63 =	vunpack.i.u.bf16.f32 v45;
	v45 =	vunpack.i.l.bf16.f32 v45;
	v60 =	vunpack.i.l.bf16.f32 v49;
	[tilespmem:s30+$0x20] =	vst v62  }
0x430: {  	v46 =	vld.idx.msk [tilespmem:v46+s3+$0x0], $0xffff;
	v49 =	vunpack.i.u.bf16.f32 v49;
	v50 =	vadd.bf16 v53, v50;
	[tilespmem:s30+$0x30] =	vst v42;
	v61 =	vadd.f32 v60, v45  }
0x431: {  	v53 =	vadd.s32 v14, v28;
	v45 =	vadd.f32 v49, v63;
	v62 =	vunpack.i.l.bf16.f32 v43;
	v49 =	vld.idx.msk [tilespmem:v56+s3+$0x0], $0xffff  }
0x432: {  	v63 =	vunpack.i.l.bf16.f32 v50;
	v47 =	vld.idx.msk [tilespmem:v47+s3+$0x0], $0xffff;
	v60 =	vunpack.i.u.bf16.f32 v50;
	v50 =	vadd.s32 v15, v29;
	[tilespmem:s1+$0x460] =	vst v61  }
0x433: {  	v59 =	vunpack.i.u.bf16.f32 v43;
	v61 =	vadd.f32 v63, v62;
	[tilespmem:s1+$0x470] =	vst v45;
	v62 =	vadd.bf16 v52, v51;
	v44 =	vld.idx.msk [tilespmem:v44+s3+$0x0], $0xffff  }
0x434: {  	v42 =	vadd.f32 v60, v59;
	v51 =	vadd.s32 v14, v27;
	v52 =	vadd.s32 v20, v25;
	v43 =	vld.idx.msk [tilespmem:v55+s3+$0x0], $0xffff  }
0x435: {  	v63 =	vunpack.i.l.bf16.f32 v46;
	v56 =	vld.idx.msk [tilespmem:v57+s3+$0x0], $0xffff;
	v57 =	vadd.s32 v20, v26;
	[tilespmem:s0+$0x20] =	vst v61;
	v60 =	vunpack.i.l.bf16.f32 v62  }
0x436: {  	v46 =	vunpack.i.u.bf16.f32 v46;
	v48 =	vld.idx.msk [tilespmem:v48+s3+$0x0], $0xffff;
	[tilespmem:s0+$0x30] =	vst v42;
	v61 =	vunpack.i.u.bf16.f32 v62;
	v62 =	vadd.f32 v60, v63  }
0x437: {  	v45 =	vadd.s32 v3, v38;
	v55 =	vadd.s32 v9, v32;
	v54 =	vld.idx.msk [tilespmem:v54+s3+$0x0], $0xffff;
	v42 =	vadd.f32 v61, v46  }
0x438: {  	v39 =	vunpack.i.l.bf16.f32 v39;
	v46 =	vadd.s32 v20, v24;
	v47 =	vadd.bf16 v47, v49;
	v49 =	vld.idx.msk [tilespmem:v53+s3+$0x0], $0xffff;
	[tilespmem:s11+$0x60] =	vst v62  }
0x439: {  	v53 =	vadd.s32 v3, v37;
	v51 =	vld.idx.msk [tilespmem:v51+s3+$0x0], $0xffff;
	[tilespmem:s11+$0x70] =	vst v42;
	v63 =	vunpack.i.u.bf16.f32 v44;
	v44 =	vunpack.i.l.bf16.f32 v44  }
0x43a: {  	v60 =	vunpack.i.l.bf16.f32 v47;
	v52 =	vld.idx.msk [tilespmem:v52+s3+$0x0], $0xffff;
	v47 =	vunpack.i.u.bf16.f32 v47;
	v43 =	vadd.bf16 v56, v43  }
0x43b: {  	v56 =	vld.idx.msk [tilespmem:v57+s3+$0x0], $0xffff;
	v57 =	vadd.s32 v9, v31;
	v61 =	vunpack.i.l.bf16.f32 v48;
	v44 =	vadd.f32 v60, v44  }
0x43c: {  	v42 =	vadd.f32 v47, v63;
	v47 =	vadd.s32 v3, v36;
	v62 =	vunpack.i.l.bf16.f32 v43  }
0x43d: {  	v48 =	vunpack.i.u.bf16.f32 v48;
	v46 =	vld.idx.msk [tilespmem:v46+s3+$0x0], $0xffff;
	v63 =	vunpack.i.u.bf16.f32 v43;
	[tilespmem:s30+$0x40] =	vst v44;
	v59 =	vadd.f32 v62, v61  }
0x43e: {  	[tilespmem:s30+$0x50] =	vst v42;
	v60 =	vadd.bf16 v49, v54;
	v42 =	vadd.f32 v63, v48;
	v54 =	vadd.s32 v15, v28  }
0x43f: {  	v44 =	vadd.s32 v16, v27;
	v49 =	vld.idx.msk [tilespmem:v45+s3+$0x0], $0xffff;
	v45 =	vadd.s32 v9, v30;
	v43 =	vunpack.i.u.bf16.f32 v51  }
0x440: {  	s1 =	sadd.s32 $0x19C00, s24;
	v48 =	vld.idx.msk [tilespmem:v53+s3+$0x0], $0xffff;
	v51 =	vunpack.i.l.bf16.f32 v51;
	[tilespmem:s24+$0x19C00] =	vst v59;
	v61 =	vunpack.i.l.bf16.f32 v60;
	v63 =	vadd.bf16 v56, v52  }
0x441: {  	v62 =	vunpack.i.u.bf16.f32 v60;
	v52 =	vadd.s32 v21, v25;
	v58 =	vld.idx.msk [tilespmem:v47+s3+$0x0], $0xffff;
	[tilespmem:s1+$0x10] =	vst v42;
	v60 =	vadd.f32 v61, v51  }
0x442: {  	v42 =	vadd.f32 v62, v43;
	v43 =	vadd.s32 v15, v27;
	v51 =	vld.idx.msk [tilespmem:v55+s3+$0x0], $0xffff;
	v61 =	vunpack.i.l.bf16.f32 v46  }
0x443: {  	v53 =	vld.idx.msk [tilespmem:v57+s3+$0x0], $0xffff;
	v56 =	vunpack.i.l.bf16.f32 v63;
	v57 =	vadd.s32 v21, v26;
	v62 =	vunpack.i.u.bf16.f32 v46;
	[tilespmem:s0+$0x40] =	vst v60  }
0x444: {  	v63 =	vunpack.i.u.bf16.f32 v63;
	v55 =	vadd.s32 v4, v36;
	[tilespmem:s0+$0x50] =	vst v42;
	v42 =	vadd.f32 v56, v61;
	v59 =	vld.idx.msk [tilespmem:v45+s3+$0x0], $0xffff  }
0x445: {  	v56 =	vadd.f32 v63, v62;
	v60 =	vadd.s32 v21, v24;
	v45 =	vld.idx.msk [tilespmem:v50+s3+$0x0], $0xffff;
	v49 =	vadd.bf16 v48, v49  }
0x446: {  	s29 =	sadd.s32 $0x1A800, s28;
	v40 =	vunpack.i.l.bf16.f32 v40;
	v48 =	vadd.s32 v10, v30;
	v47 =	vld.idx.msk [tilespmem:v54+s3+$0x0], $0xffff;
	v54 =	vadd.s32 v4, v38;
	[tilespmem:s28+$0x1A800] =	vst v42  }
0x447: {  	v46 =	vld.idx.msk [tilespmem:v43+s3+$0x0], $0xffff;
	[tilespmem:s29+$0x10] =	vst v56;
	v56 =	vunpack.i.u.bf16.f32 v58;
	v58 =	vunpack.i.l.bf16.f32 v58;
	v61 =	vunpack.i.l.bf16.f32 v49  }
0x448: {  	[tilespmem:s25+$0x70] =	vst v41;
	v62 =	vunpack.i.u.bf16.f32 v49;
	v42 =	vld.idx.msk [tilespmem:v52+s3+$0x0], $0xffff;
	v63 =	vadd.f32 v61, v58;
	v50 =	vadd.bf16 v53, v51  }
0x449: {  	v49 =	vadd.s32 v10, v32;
	v43 =	vld.idx.msk [tilespmem:v57+s3+$0x0], $0xffff;
	v57 =	vadd.f32 v62, v56;
	v56 =	vadd.s32 v4, v37  }
0x44a: {  	s22 =	sor.u32 $0x10, s22;
	s28 =	simm.s32 $0x5;
	v41 =	vld.idx.msk [tilespmem:v60+s3+$0x0], $0xffff;
	[tilespmem:s30+$0x60] =	vst v63;
	v51 =	vunpack.i.u.bf16.f32 v59;
	v52 =	vunpack.i.l.bf16.f32 v59;
	v53 =	vunpack.i.l.bf16.f32 v50  }
.LBB2_7:
0x44b: {  	p0 =	sne.s32 s28, $0xF;
	[tilespmem:s30+$0x70] =	vst v57;
	v50 =	vunpack.i.u.bf16.f32 v50;
	v52 =	vadd.f32 v53, v52;
	v45 =	vadd.bf16 v47, v45  }
0x44c: {  	v53 =	vadd.s32 v16, v29;
	v47 =	vld.idx.msk [tilespmem:v55+s3+$0x0], $0xffff;
	v50 =	vadd.f32 v50, v51;
	v51 =	vadd.s32 v10, v31  }
0x44d: {  	v54 =	vld.idx.msk [tilespmem:v54+s3+$0x0], $0xffff;
	[tilespmem:s1+$0x20] =	vst v52;
	v52 =	vunpack.i.u.bf16.f32 v46;
	v46 =	vunpack.i.l.bf16.f32 v46;
	v55 =	vunpack.i.l.bf16.f32 v45  }
0x44e: {  	v45 =	vunpack.i.u.bf16.f32 v45;
	v42 =	vadd.bf16 v43, v42;
	v56 =	vld.idx.msk [tilespmem:v56+s3+$0x0], $0xffff;
	[tilespmem:s1+$0x30] =	vst v50;
	v46 =	vadd.f32 v55, v46  }
0x44f: {  	v45 =	vadd.f32 v45, v52;
	v50 =	vadd.s32 v22, v25;
	v43 =	vld.idx.msk [tilespmem:v48+s3+$0x0], $0xffff;
	v48 =	vadd.s32 v16, v28  }
0x450: {  	v55 =	vadd.s32 v22, v26;
	v52 =	vunpack.i.l.bf16.f32 v42;
	v49 =	vld.idx.msk [tilespmem:v49+s3+$0x0], $0xffff;
	[tilespmem:s0+$0x60] =	vst v46;
	v46 =	vunpack.i.l.bf16.f32 v41  }
0x451: {  	v42 =	vunpack.i.u.bf16.f32 v42;
	v41 =	vunpack.i.u.bf16.f32 v41;
	v51 =	vld.idx.msk [tilespmem:v51+s3+$0x0], $0xffff;
	[tilespmem:s0+$0x70] =	vst v45;
	v45 =	vadd.f32 v52, v46  }
0x452: {  	v39 =	vadd.f32 v39, v40;
	v41 =	vadd.f32 v42, v41;
	v44 =	vld.idx.msk [tilespmem:v44+s3+$0x0], $0xffff  }
0x453: {  	v42 =	vadd.s32 v22, v24;
	v40 =	vld.idx.msk [tilespmem:v53+s3+$0x0], $0xffff;
	[tilespmem:s29+$0x20] =	vst v45;
	v45 =	vadd.s32 v23, v25;
	v25 =	vmov v29  }
0x454: {  	v29 =	vmov v32;
	v46 =	vld.idx.msk [tilespmem:v48+s3+$0x0], $0xffff;
	v48 =	vadd.s32 v17, v25;
	[tilespmem:s29+$0x30] =	vst v41;
	v41 =	vadd.s32 v23, v26  }
0x455: {  	v52 =	vadd.bf16 v56, v54;
	v53 =	vadd.s32 v11, v30;
	v54 =	vadd.s32 v11, v29;
	v50 =	vld.idx.msk [tilespmem:v50+s3+$0x0], $0xffff  }
0x456: {  	v57 =	vadd.s32 v5, v38;
	v58 =	vadd.s32 v5, v37;
	v56 =	vadd.s32 v5, v36;
	v55 =	vld.idx.msk [tilespmem:v55+s3+$0x0], $0xffff  }
0x457: {  	v59 =	vunpack.i.u.bf16.f32 v47;
	v47 =	vunpack.i.l.bf16.f32 v47;
	v32 =	vmovc v38;
	v26 =	vmovc v28;
	v60 =	vunpack.i.l.bf16.f32 v52;
	[tilespmem:s25+$0x60] =	vst v39;
	s25 =	smov.u32 s29  }
0x458: {  	v28 =	vmovc v31;
	v38 =	vunpack.i.u.bf16.f32 v52;
	v39 =	vadd.f32 v60, v47;
	v47 =	vadd.bf16 v51, v49;
	v42 =	vld.idx.msk [tilespmem:v42+s3+$0x0], $0xffff  }
0x459: {  	v31 =	vmovc v37;
	v38 =	vadd.f32 v38, v59;
	v49 =	vunpack.i.u.bf16.f32 v43;
	v43 =	vunpack.i.l.bf16.f32 v43  }
0x45a: {  	v37 =	vunpack.i.u.bf16.f32 v47;
	v40 =	vadd.bf16 v46, v40;
	[tilespmem:s30+$0x400] =	vst v39;
	v39 =	vunpack.i.l.bf16.f32 v47  }
0x45b: {  	v37 =	vadd.f32 v37, v49;
	[tilespmem:s30+$0x410] =	vst v38;
	v38 =	vadd.f32 v39, v43;
	v39 =	vadd.s32 v11, v28  }
0x45c: {  	v46 =	vunpack.i.l.bf16.f32 v44;
	v47 =	vunpack.i.l.bf16.f32 v40;
	v49 =	vadd.bf16 v55, v50;
	v43 =	vld.idx.msk [tilespmem:v56+s3+$0x0], $0xffff  }
0x45d: {  	v40 =	vunpack.i.u.bf16.f32 v40;
	v50 =	vld.idx.msk [tilespmem:v57+s3+$0x0], $0xffff;
	[tilespmem:s1+$0x40] =	vst v38;
	v38 =	vunpack.i.u.bf16.f32 v44;
	v44 =	vadd.f32 v47, v46  }
0x45e: {  	v46 =	vld.idx.msk [tilespmem:v58+s3+$0x0], $0xffff;
	[tilespmem:s1+$0x50] =	vst v37;
	v37 =	vadd.f32 v40, v38;
	v38 =	vunpack.i.l.bf16.f32 v42;
	v40 =	vunpack.i.l.bf16.f32 v49  }
0x45f: {  	s11 =	sadd.s32 $0x1A400, s23;
	v42 =	vunpack.i.u.bf16.f32 v42;
	v47 =	vld.idx.msk [tilespmem:v53+s3+$0x0], $0xffff;
	[tilespmem:s23+$0x1A400] =	vst v44;
	v44 =	vunpack.i.u.bf16.f32 v49;
	v38 =	vadd.f32 v40, v38  }
0x460: {  	v49 =	vadd.s32 v17, v26;
	v40 =	vld.idx.msk [tilespmem:v54+s3+$0x0], $0xffff;
	[tilespmem:s11+$0x10] =	vst v37;
	v37 =	vadd.f32 v44, v42  }
0x461: {  	v42 =	vmov s28;
	v44 =	vadd.s32 v23, v24;
	v24 =	vmovc v27;
	v27 =	vmovc v30;
	v30 =	vmov v36;
	v39 =	vld.idx.msk [tilespmem:v39+s3+$0x0], $0xffff;
	[tilespmem:s25+$0x40] =	vst v38  }
0x462: {  	v36 =	vperm.xlane v35, v42;
	v38 =	vperm.xlane v33, v42;
	v48 =	vld.idx.msk [tilespmem:v48+s3+$0x0], $0xffff;
	[tilespmem:s25+$0x50] =	vst v37  }
0x463: {  	v51 =	vadd.s32 v18, v25;
	v37 =	vperm.xlane v34, v42;
	v42 =	vadd.s32 v17, v24;
	v45 =	vld.idx.msk [tilespmem:v45+s3+$0x0], $0xffff  }
0x464: {  	v53 =	vadd.s32 v12, v29;
	v54 =	vadd.s32 v12, v28;
	v52 =	vadd.s32 v6, v30;
	v41 =	vld.idx.msk [tilespmem:v41+s3+$0x0], $0xffff  }
0x465: {  	v55 =	vadd.s32 v0, v38;
	v46 =	vadd.bf16 v46, v50;
	v50 =	vadd.s32 v6, v32;
	v49 =	vld.idx.msk [tilespmem:v49+s3+$0x0], $0xffff  }
0x466: {  	v58 =	vadd.s32 v6, v31;
	v56 =	vadd.s32 v0, v36;
	v57 =	vadd.s32 v0, v37;
	v44 =	vld.idx.msk [tilespmem:v44+s3+$0x0], $0xffff  }
0x467: {  	v59 =	vunpack.i.u.bf16.f32 v43;
	v43 =	vunpack.i.l.bf16.f32 v43;
	v60 =	vunpack.i.l.bf16.f32 v46  }
0x468: {  	v46 =	vunpack.i.u.bf16.f32 v46;
	v43 =	vadd.f32 v60, v43;
	v39 =	vadd.bf16 v39, v40;
	v40 =	vld.idx.msk [tilespmem:v42+s3+$0x0], $0xffff  }
0x469: {  	v42 =	vadd.f32 v46, v59;
	v46 =	vunpack.i.u.bf16.f32 v47;
	v47 =	vunpack.i.l.bf16.f32 v47  }
0x46a: {  	v59 =	vunpack.i.u.bf16.f32 v39;
	v39 =	vunpack.i.l.bf16.f32 v39;
	v41 =	vadd.bf16 v41, v45;
	v55 =	vld.idx.msk [tilespmem:v55+s3+$0x0], $0xffff  }
0x46b: {  	v39 =	vadd.f32 v39, v47;
	v45 =	vld.idx.msk [tilespmem:v57+s3+$0x0], $0xffff;
	[tilespmem:s30+$0x420] =	vst v43;
	v43 =	vadd.f32 v59, v46  }
0x46c: {  	v47 =	vunpack.i.u.bf16.f32 v44;
	v46 =	vld.idx.msk [tilespmem:v56+s3+$0x0], $0xffff;
	[tilespmem:s30+$0x430] =	vst v42;
	v42 =	vadd.bf16 v49, v48;
	v48 =	vunpack.i.u.bf16.f32 v41  }
0x46d: {  	v49 =	vld.idx.msk [tilespmem:v50+s3+$0x0], $0xffff;
	[tilespmem:s1+$0x60] =	vst v39;
	v50 =	vadd.s32 v12, v27;
	v39 =	vunpack.i.l.bf16.f32 v41;
	v41 =	vadd.f32 v48, v47  }
0x46e: {  	v56 =	vadd.s32 v18, v26;
	v47 =	vld.idx.msk [tilespmem:v58+s3+$0x0], $0xffff;
	[tilespmem:s1+$0x70] =	vst v43;
	v43 =	vunpack.i.l.bf16.f32 v40;
	v48 =	vunpack.i.l.bf16.f32 v42  }
0x46f: {  	v40 =	vunpack.i.u.bf16.f32 v40;
	v42 =	vunpack.i.u.bf16.f32 v42;
	v52 =	vld.idx.msk [tilespmem:v52+s3+$0x0], $0xffff;
	v43 =	vadd.f32 v48, v43;
	[tilespmem:s25+$0x70] =	vst v41  }
0x470: {  	v48 =	vadd.s32 v13, v29;
	v42 =	vadd.f32 v42, v40;
	v41 =	vld.idx.msk [tilespmem:v53+s3+$0x0], $0xffff;
	v53 =	vadd.s32 v18, v24  }
0x471: {  	s0 =	sshrl.u32 s28, $0x3;
	v40 =	vunpack.i.l.bf16.f32 v44;
	v45 =	vadd.bf16 v45, v55;
	v55 =	vadd.s32 v7, v32;
	v54 =	vld.idx.msk [tilespmem:v54+s3+$0x0], $0xffff;
	[tilespmem:s11+$0x20] =	vst v43  }
0x472: {  	s0 =	smul.u32 $0x6000, s0;
	v44 =	vadd.s32 v1, v37;
	v43 =	vadd.s32 v1, v38;
	v50 =	vld.idx.msk [tilespmem:v50+s3+$0x0], $0xffff;
	[tilespmem:s11+$0x30] =	vst v42  }
0x473: {  	s31 =	sadd.s32 $0x80, s31;
	v42 =	vunpack.i.u.bf16.f32 v46;
	v46 =	vunpack.i.l.bf16.f32 v46;
	v57 =	vunpack.i.l.bf16.f32 v45;
	v51 =	vld.idx.msk [tilespmem:v51+s3+$0x0], $0xffff  }
0x474: {  	s0 =	sshra.s32 s0, $0x2;
	s1 =	sand.u32 $0x380, s31;
	v45 =	vunpack.i.u.bf16.f32 v45;
	v46 =	vadd.f32 v57, v46;
	v47 =	vadd.bf16 v47, v49;
	v49 =	vld.idx.msk [tilespmem:v56+s3+$0x0], $0xffff  }
0x475: {  	s12 =	sor.u32 s1, s0;
	v42 =	vadd.f32 v45, v42;
	v45 =	vadd.s32 v1, v36;
	v56 =	vadd.s32 v7, v31  }
0x476: {  	s1 =	sadd.s32 $0x19400, s12;
	v57 =	vunpack.i.l.bf16.f32 v47;
	[tilespmem:s12+$0x19400] =	vst v46;
	v46 =	vunpack.i.u.bf16.f32 v52;
	v52 =	vunpack.i.l.bf16.f32 v52;
	v53 =	vld.idx.msk [tilespmem:v53+s3+$0x0], $0xffff  }
0x477: {  	v41 =	vadd.bf16 v54, v41;
	[tilespmem:s1+$0x10] =	vst v42;
	v42 =	vunpack.i.u.bf16.f32 v47;
	v47 =	vadd.f32 v57, v52  }
0x478: {  	v52 =	vadd.s32 v13, v28;
	v43 =	vld.idx.msk [tilespmem:v43+s3+$0x0], $0xffff;
	v42 =	vadd.f32 v42, v46;
	v46 =	vadd.s32 v7, v30  }
0x479: {  	v54 =	vunpack.i.l.bf16.f32 v41;
	v44 =	vld.idx.msk [tilespmem:v44+s3+$0x0], $0xffff;
	[tilespmem:s30+$0x440] =	vst v47;
	v47 =	vunpack.i.u.bf16.f32 v50;
	v50 =	vunpack.i.l.bf16.f32 v50  }
0x47a: {  	v41 =	vunpack.i.u.bf16.f32 v41;
	v49 =	vadd.bf16 v49, v51;
	v45 =	vld.idx.msk [tilespmem:v45+s3+$0x0], $0xffff;
	[tilespmem:s30+$0x450] =	vst v42;
	v42 =	vadd.f32 v54, v50  }
0x47b: {  	v51 =	vadd.s32 v19, v25;
	v41 =	vadd.f32 v41, v47;
	v47 =	vadd.s32 v13, v27;
	v50 =	vld.idx.msk [tilespmem:v55+s3+$0x0], $0xffff  }
0x47c: {  	s0 =	sadd.s32 $0x1A000, s24;
	v55 =	vunpack.i.l.bf16.f32 v49;
	v54 =	vld.idx.msk [tilespmem:v56+s3+$0x0], $0xffff;
	[tilespmem:s24+$0x1A000] =	vst v42;
	v42 =	vunpack.i.l.bf16.f32 v53;
	v56 =	vadd.s32 v19, v26  }
0x47d: {  	v49 =	vunpack.i.u.bf16.f32 v49;
	v46 =	vld.idx.msk [tilespmem:v46+s3+$0x0], $0xffff;
	[tilespmem:s0+$0x10] =	vst v41;
	v41 =	vunpack.i.u.bf16.f32 v53;
	v42 =	vadd.f32 v55, v42  }
0x47e: {  	v53 =	vadd.s32 v14, v29;
	v48 =	vld.idx.msk [tilespmem:v48+s3+$0x0], $0xffff;
	v41 =	vadd.f32 v49, v41;
	v49 =	vadd.s32 v19, v24  }
0x47f: {  	v43 =	vadd.bf16 v44, v43;
	v44 =	vadd.s32 v8, v32;
	v52 =	vld.idx.msk [tilespmem:v52+s3+$0x0], $0xffff;
	[tilespmem:s11+$0x40] =	vst v42  }
0x480: {  	v55 =	vadd.s32 v2, v37;
	v42 =	vadd.s32 v2, v38;
	v47 =	vld.idx.msk [tilespmem:v47+s3+$0x0], $0xffff;
	[tilespmem:s11+$0x50] =	vst v41  }
0x481: {  	v41 =	vunpack.i.u.bf16.f32 v45;
	v45 =	vunpack.i.l.bf16.f32 v45;
	v57 =	vunpack.i.l.bf16.f32 v43;
	v51 =	vld.idx.msk [tilespmem:v51+s3+$0x0], $0xffff  }
0x482: {  	v43 =	vunpack.i.u.bf16.f32 v43;
	v45 =	vadd.f32 v57, v45;
	v50 =	vadd.bf16 v54, v50;
	v54 =	vld.idx.msk [tilespmem:v56+s3+$0x0], $0xffff  }
0x483: {  	v41 =	vadd.f32 v43, v41;
	v43 =	vadd.s32 v2, v36;
	v56 =	vadd.s32 v8, v31  }
0x484: {  	v57 =	vunpack.i.l.bf16.f32 v50;
	[tilespmem:s1+$0x20] =	vst v45;
	v45 =	vunpack.i.u.bf16.f32 v46;
	v46 =	vunpack.i.l.bf16.f32 v46;
	v49 =	vld.idx.msk [tilespmem:v49+s3+$0x0], $0xffff  }
0x485: {  	v48 =	vadd.bf16 v52, v48;
	[tilespmem:s1+$0x30] =	vst v41;
	v41 =	vunpack.i.u.bf16.f32 v50;
	v46 =	vadd.f32 v57, v46  }
0x486: {  	v50 =	vadd.s32 v14, v28;
	v42 =	vld.idx.msk [tilespmem:v42+s3+$0x0], $0xffff;
	v41 =	vadd.f32 v41, v45;
	v45 =	vadd.s32 v8, v30  }
0x487: {  	v52 =	vld.idx.msk [tilespmem:v55+s3+$0x0], $0xffff;
	[tilespmem:s30+$0x460] =	vst v46;
	v46 =	vunpack.i.u.bf16.f32 v47;
	v47 =	vunpack.i.l.bf16.f32 v47;
	v55 =	vunpack.i.l.bf16.f32 v48  }
0x488: {  	v43 =	vld.idx.msk [tilespmem:v43+s3+$0x0], $0xffff;
	[tilespmem:s30+$0x470] =	vst v41;
	v41 =	vunpack.i.u.bf16.f32 v48;
	v47 =	vadd.f32 v55, v47;
	v48 =	vadd.bf16 v54, v51;
	s30 =	smov.u32 s1  }
0x489: {  	v51 =	vadd.s32 v20, v25;
	v44 =	vld.idx.msk [tilespmem:v44+s3+$0x0], $0xffff;
	v41 =	vadd.f32 v41, v46;
	v46 =	vadd.s32 v14, v27  }
0x48a: {  	v54 =	vld.idx.msk [tilespmem:v56+s3+$0x0], $0xffff;
	[tilespmem:s0+$0x20] =	vst v47;
	v47 =	vunpack.i.l.bf16.f32 v49;
	v55 =	vunpack.i.l.bf16.f32 v48;
	v56 =	vadd.s32 v20, v26  }
0x48b: {  	v48 =	vunpack.i.u.bf16.f32 v48;
	v45 =	vld.idx.msk [tilespmem:v45+s3+$0x0], $0xffff;
	[tilespmem:s0+$0x30] =	vst v41;
	v41 =	vunpack.i.u.bf16.f32 v49;
	v47 =	vadd.f32 v55, v47  }
0x48c: {  	v49 =	vld.idx.msk [tilespmem:v53+s3+$0x0], $0xffff;
	v53 =	vadd.s32 v15, v29;
	v41 =	vadd.f32 v48, v41;
	v48 =	vadd.s32 v20, v24  }
0x48d: {  	v42 =	vadd.bf16 v52, v42;
	v52 =	vadd.s32 v9, v32;
	v50 =	vld.idx.msk [tilespmem:v50+s3+$0x0], $0xffff;
	[tilespmem:s11+$0x60] =	vst v47  }
0x48e: {  	v55 =	vadd.s32 v3, v37;
	v47 =	vadd.s32 v3, v38;
	v46 =	vld.idx.msk [tilespmem:v46+s3+$0x0], $0xffff;
	[tilespmem:s11+$0x70] =	vst v41  }
0x48f: {  	v41 =	vunpack.i.u.bf16.f32 v43;
	v43 =	vunpack.i.l.bf16.f32 v43;
	v57 =	vunpack.i.l.bf16.f32 v42;
	v51 =	vld.idx.msk [tilespmem:v51+s3+$0x0], $0xffff  }
0x490: {  	v42 =	vunpack.i.u.bf16.f32 v42;
	v43 =	vadd.f32 v57, v43;
	v44 =	vadd.bf16 v54, v44;
	v54 =	vld.idx.msk [tilespmem:v56+s3+$0x0], $0xffff  }
0x491: {  	v41 =	vadd.f32 v42, v41;
	v42 =	vadd.s32 v3, v36;
	v56 =	vadd.s32 v9, v31  }
0x492: {  	v57 =	vunpack.i.l.bf16.f32 v44;
	[tilespmem:s30+$0x40] =	vst v43;
	v43 =	vunpack.i.u.bf16.f32 v45;
	v45 =	vunpack.i.l.bf16.f32 v45;
	v48 =	vld.idx.msk [tilespmem:v48+s3+$0x0], $0xffff  }
0x493: {  	[tilespmem:s30+$0x50] =	vst v41;
	v41 =	vunpack.i.u.bf16.f32 v44;
	v44 =	vadd.f32 v57, v45;
	v45 =	vadd.bf16 v50, v49  }
0x494: {  	v49 =	vadd.s32 v15, v28;
	v47 =	vld.idx.msk [tilespmem:v47+s3+$0x0], $0xffff;
	v41 =	vadd.f32 v41, v43;
	v43 =	vadd.s32 v9, v30  }
0x495: {  	s1 =	sadd.s32 $0x19C00, s26;
	v50 =	vld.idx.msk [tilespmem:v55+s3+$0x0], $0xffff;
	[tilespmem:s26+$0x19C00] =	vst v44;
	v44 =	vunpack.i.u.bf16.f32 v46;
	v46 =	vunpack.i.l.bf16.f32 v46;
	v55 =	vunpack.i.l.bf16.f32 v45  }
0x496: {  	v42 =	vld.idx.msk [tilespmem:v42+s3+$0x0], $0xffff;
	[tilespmem:s1+$0x10] =	vst v41;
	v41 =	vunpack.i.u.bf16.f32 v45;
	v45 =	vadd.f32 v55, v46;
	v46 =	vadd.bf16 v54, v51  }
0x497: {  	v57 =	vadd.s32 v21, v25;
	v51 =	vld.idx.msk [tilespmem:v52+s3+$0x0], $0xffff;
	v41 =	vadd.f32 v41, v44;
	v52 =	vadd.s32 v15, v27  }
0x498: {  	v58 =	vadd.s32 v21, v26;
	v44 =	vunpack.i.l.bf16.f32 v48;
	v56 =	vld.idx.msk [tilespmem:v56+s3+$0x0], $0xffff;
	[tilespmem:s0+$0x40] =	vst v45;
	v45 =	vunpack.i.l.bf16.f32 v46  }
0x499: {  	v59 =	vld.idx.msk [tilespmem:v43+s3+$0x0], $0xffff;
	[tilespmem:s0+$0x50] =	vst v41;
	v41 =	vunpack.i.u.bf16.f32 v48;
	v43 =	vunpack.i.u.bf16.f32 v46;
	v46 =	vadd.f32 v45, v44  }
0x49a: {  	v60 =	vadd.s32 v21, v24;
	v44 =	vadd.s32 v16, v27;
	v45 =	vld.idx.msk [tilespmem:v53+s3+$0x0], $0xffff;
	v41 =	vadd.f32 v43, v41  }
0x49b: {  	s29 =	sadd.s32 $0x1A800, s23;
	v48 =	vadd.s32 v10, v30;
	v43 =	vadd.bf16 v50, v47;
	v47 =	vld.idx.msk [tilespmem:v49+s3+$0x0], $0xffff;
	[tilespmem:s23+$0x1A800] =	vst v46;
	s23 =	smov.u32 s24;
	s24 =	smov.u32 s26  }
.Ltmp2:
0x49c: {  	v55 =	vadd.s32 v4, v36;
	v54 =	vadd.s32 v4, v38;
	s26 =	smov.u32 s12;
	v46 =	vld.idx.msk [tilespmem:v52+s3+$0x0], $0xffff;
	[tilespmem:s29+$0x10] =	vst v41;
	(pc) =	sbr.rel @p0 .LBB2_7-.Ltmp2, $4  }
0x49d: {  	v49 =	vunpack.i.l.bf16.f32 v42;
	v41 =	vunpack.i.u.bf16.f32 v42;
	v50 =	vunpack.i.l.bf16.f32 v43;
	v42 =	vld.idx.msk [tilespmem:v57+s3+$0x0], $0xffff  }
0x49e: {  	v52 =	vunpack.i.u.bf16.f32 v43;
	v53 =	vadd.f32 v50, v49;
	v50 =	vadd.bf16 v56, v51;
	v43 =	vld.idx.msk [tilespmem:v58+s3+$0x0], $0xffff  }
0x49f: {  	v57 =	vadd.f32 v52, v41;
	v56 =	vadd.s32 v4, v37;
	v49 =	vadd.s32 v10, v32  }
0x4a0: {  	s28 =	sadd.s32 $0x1, s28;
	v51 =	vunpack.i.u.bf16.f32 v59;
	v52 =	vunpack.i.l.bf16.f32 v59;
	[tilespmem:s30+$0x60] =	vst v53;
	v53 =	vunpack.i.l.bf16.f32 v50;
	v41 =	vld.idx.msk [tilespmem:v60+s3+$0x0], $0xffff  }
0x4a1: {  	_ =	sdelay $0x2  }
0x4a2: {  	[tilespmem:s30+$0x70] =	vst v57  }
0x4a3: {  	v33 =	vld.idx.msk [tilespmem:v54+s3+$0x0], $0xffff  }
0x4a4: {  	v34 =	vld.idx.msk [tilespmem:v56+s3+$0x0], $0xffff;
	_ =	sdelay $0x1  }
0x4a5: {  	v35 =	vld.idx.msk [tilespmem:v55+s3+$0x0], $0xffff;
	_ =	sdelay $0x2  }
0x4a6: {  	v33 =	vadd.bf16 v34, v33  }
0x4a7: {  	v59 =	vadd.s32 v5, v38  }
0x4a8: {  	v60 =	vadd.s32 v5, v37;
	v57 =	vunpack.i.l.bf16.f32 v35;
	v58 =	vunpack.i.l.bf16.f32 v33  }
0x4a9: {  	v35 =	vunpack.i.u.bf16.f32 v35;
	v33 =	vunpack.i.u.bf16.f32 v33;
	v34 =	vadd.f32 v58, v57  }
0x4aa: {  	v33 =	vadd.f32 v33, v35  }
0x4ab: {  	v61 =	vadd.s32 v5, v36;
	[tilespmem:s30+$0x400] =	vst v34  }
0x4ac: {  	[tilespmem:s30+$0x410] =	vst v33  }
0x4ad: {  	v33 =	vld.idx.msk [tilespmem:v59+s3+$0x0], $0xffff  }
0x4ae: {  	v34 =	vld.idx.msk [tilespmem:v60+s3+$0x0], $0xffff;
	_ =	sdelay $0x1  }
0x4af: {  	v35 =	vld.idx.msk [tilespmem:v61+s3+$0x0], $0xffff;
	_ =	sdelay $0x2  }
0x4b0: {  	v33 =	vadd.bf16 v34, v33  }
0x4b1: {  	v57 =	vadd.s32 v6, v38  }
0x4b2: {  	v58 =	vadd.s32 v6, v37;
	v62 =	vunpack.i.l.bf16.f32 v35;
	v63 =	vunpack.i.l.bf16.f32 v33  }
0x4b3: {  	v35 =	vunpack.i.u.bf16.f32 v35;
	v33 =	vunpack.i.u.bf16.f32 v33;
	v34 =	vadd.f32 v63, v62  }
0x4b4: {  	v33 =	vadd.f32 v33, v35  }
0x4b5: {  	v59 =	vadd.s32 v6, v36;
	[tilespmem:s30+$0x420] =	vst v34  }
0x4b6: {  	[tilespmem:s30+$0x430] =	vst v33  }
0x4b7: {  	v33 =	vld.idx.msk [tilespmem:v57+s3+$0x0], $0xffff  }
0x4b8: {  	v34 =	vld.idx.msk [tilespmem:v58+s3+$0x0], $0xffff;
	_ =	sdelay $0x1  }
0x4b9: {  	v35 =	vld.idx.msk [tilespmem:v59+s3+$0x0], $0xffff;
	_ =	sdelay $0x2  }
0x4ba: {  	v33 =	vadd.bf16 v34, v33  }
0x4bb: {  	v62 =	vadd.s32 v7, v38  }
0x4bc: {  	v63 =	vadd.s32 v7, v37;
	v60 =	vunpack.i.l.bf16.f32 v35;
	v61 =	vunpack.i.l.bf16.f32 v33  }
0x4bd: {  	v35 =	vunpack.i.u.bf16.f32 v35;
	v33 =	vunpack.i.u.bf16.f32 v33;
	v34 =	vadd.f32 v61, v60  }
0x4be: {  	v33 =	vadd.f32 v33, v35  }
0x4bf: {  	v56 =	vadd.s32 v7, v36;
	[tilespmem:s30+$0x440] =	vst v34  }
0x4c0: {  	[tilespmem:s30+$0x450] =	vst v33  }
0x4c1: {  	v33 =	vld.idx.msk [tilespmem:v62+s3+$0x0], $0xffff  }
0x4c2: {  	v34 =	vld.idx.msk [tilespmem:v63+s3+$0x0], $0xffff;
	_ =	sdelay $0x1  }
0x4c3: {  	v35 =	vld.idx.msk [tilespmem:v56+s3+$0x0], $0xffff;
	_ =	sdelay $0x2  }
0x4c4: {  	v33 =	vadd.bf16 v34, v33  }
0x4c5: {  	v59 =	vadd.s32 v8, v38  }
0x4c6: {  	v60 =	vadd.s32 v8, v37;
	v57 =	vunpack.i.l.bf16.f32 v35;
	v58 =	vunpack.i.l.bf16.f32 v33  }
0x4c7: {  	v35 =	vunpack.i.u.bf16.f32 v35;
	v33 =	vunpack.i.u.bf16.f32 v33;
	v34 =	vadd.f32 v58, v57  }
0x4c8: {  	v33 =	vadd.f32 v33, v35  }
0x4c9: {  	v61 =	vadd.s32 v8, v36;
	[tilespmem:s30+$0x460] =	vst v34  }
0x4ca: {  	[tilespmem:s30+$0x470] =	vst v33  }
0x4cb: {  	v33 =	vld.idx.msk [tilespmem:v59+s3+$0x0], $0xffff  }
0x4cc: {  	v34 =	vld.idx.msk [tilespmem:v60+s3+$0x0], $0xffff;
	_ =	sdelay $0x1  }
0x4cd: {  	v35 =	vld.idx.msk [tilespmem:v61+s3+$0x0], $0xffff;
	_ =	sdelay $0x2  }
0x4ce: {  	v33 =	vadd.bf16 v34, v33  }
0x4cf: {  	v57 =	vadd.s32 v9, v38  }
0x4d0: {  	v58 =	vadd.s32 v9, v37;
	v62 =	vunpack.i.l.bf16.f32 v35;
	v63 =	vunpack.i.l.bf16.f32 v33  }
0x4d1: {  	v35 =	vunpack.i.u.bf16.f32 v35;
	v33 =	vunpack.i.u.bf16.f32 v33;
	v34 =	vadd.f32 v63, v62  }
0x4d2: {  	v33 =	vadd.f32 v33, v35  }
0x4d3: {  	s11 =	sadd.s32 $0x19C00, s26;
	v59 =	vadd.s32 v9, v36;
	[tilespmem:s26+$0x19C00] =	vst v34  }
0x4d4: {  	[tilespmem:s11+$0x10] =	vst v33  }
0x4d5: {  	v33 =	vld.idx.msk [tilespmem:v57+s3+$0x0], $0xffff  }
0x4d6: {  	v34 =	vld.idx.msk [tilespmem:v58+s3+$0x0], $0xffff;
	_ =	sdelay $0x1  }
0x4d7: {  	v35 =	vld.idx.msk [tilespmem:v59+s3+$0x0], $0xffff;
	_ =	sdelay $0x1  }
0x4d8: {  	v50 =	vunpack.i.u.bf16.f32 v50  }
0x4d9: {  	v52 =	vadd.f32 v53, v52;
	v60 =	vadd.s32 v10, v31;
	v33 =	vadd.bf16 v34, v33  }
0x4da: {  	v61 =	vadd.f32 v50, v51;
	v62 =	vadd.s32 v10, v38  }
0x4db: {  	[tilespmem:s1+$0x20] =	vst v52;
	v63 =	vunpack.i.u.bf16.f32 v35;
	v35 =	vunpack.i.l.bf16.f32 v35;
	v56 =	vunpack.i.l.bf16.f32 v33  }
0x4dc: {  	[tilespmem:s1+$0x30] =	vst v61;
	v58 =	vadd.s32 v10, v37;
	v33 =	vunpack.i.u.bf16.f32 v33;
	v57 =	vadd.f32 v56, v35  }
0x4dd: {  	v49 =	vld.idx.msk [tilespmem:v49+s3+$0x0], $0xffff;
	v33 =	vadd.f32 v33, v63  }
0x4de: {  	v59 =	vld.idx.msk [tilespmem:v60+s3+$0x0], $0xffff;
	v60 =	vadd.s32 v10, v36;
	[tilespmem:s11+$0x20] =	vst v57  }
0x4df: {  	v61 =	vld.idx.msk [tilespmem:v48+s3+$0x0], $0xffff;
	[tilespmem:s11+$0x30] =	vst v33  }
0x4e0: {  	v33 =	vld.idx.msk [tilespmem:v62+s3+$0x0], $0xffff  }
0x4e1: {  	v35 =	vld.idx.msk [tilespmem:v58+s3+$0x0], $0xffff;
	_ =	sdelay $0x1  }
0x4e2: {  	v62 =	vadd.bf16 v59, v49;
	v63 =	vld.idx.msk [tilespmem:v60+s3+$0x0], $0xffff  }
0x4e3: {  	v50 =	vadd.s32 v11, v32;
	v34 =	vunpack.i.l.bf16.f32 v61  }
0x4e4: {  	v56 =	vunpack.i.u.bf16.f32 v61;
	v58 =	vadd.s32 v11, v31;
	v48 =	vunpack.i.l.bf16.f32 v62  }
0x4e5: {  	v57 =	vunpack.i.u.bf16.f32 v62;
	v34 =	vadd.f32 v48, v34;
	v33 =	vadd.bf16 v35, v33  }
0x4e6: {  	v59 =	vadd.s32 v11, v30;
	v60 =	vadd.s32 v11, v38;
	v51 =	vadd.f32 v57, v56  }
0x4e7: {  	[tilespmem:s1+$0x40] =	vst v34;
	v61 =	vunpack.i.u.bf16.f32 v63;
	v49 =	vunpack.i.l.bf16.f32 v63;
	v62 =	vunpack.i.l.bf16.f32 v33  }
0x4e8: {  	[tilespmem:s1+$0x50] =	vst v51;
	v63 =	vadd.s32 v11, v37;
	v33 =	vunpack.i.u.bf16.f32 v33;
	v49 =	vadd.f32 v62, v49  }
0x4e9: {  	v50 =	vld.idx.msk [tilespmem:v50+s3+$0x0], $0xffff;
	v33 =	vadd.f32 v33, v61  }
0x4ea: {  	v55 =	vadd.s32 v11, v36;
	v54 =	vld.idx.msk [tilespmem:v58+s3+$0x0], $0xffff;
	[tilespmem:s11+$0x40] =	vst v49  }
0x4eb: {  	v35 =	vld.idx.msk [tilespmem:v59+s3+$0x0], $0xffff;
	[tilespmem:s11+$0x50] =	vst v33  }
0x4ec: {  	v33 =	vld.idx.msk [tilespmem:v60+s3+$0x0], $0xffff  }
0x4ed: {  	v49 =	vld.idx.msk [tilespmem:v63+s3+$0x0], $0xffff;
	_ =	sdelay $0x1  }
0x4ee: {  	v34 =	vadd.bf16 v54, v50;
	v48 =	vld.idx.msk [tilespmem:v55+s3+$0x0], $0xffff  }
0x4ef: {  	v51 =	vadd.s32 v12, v31;
	v50 =	vadd.s32 v12, v32  }
0x4f0: {  	v56 =	vunpack.i.u.bf16.f32 v35;
	v35 =	vunpack.i.l.bf16.f32 v35;
	v57 =	vunpack.i.l.bf16.f32 v34  }
0x4f1: {  	v34 =	vunpack.i.u.bf16.f32 v34;
	v35 =	vadd.f32 v57, v35;
	v33 =	vadd.bf16 v49, v33  }
0x4f2: {  	v58 =	vadd.s32 v12, v30;
	v59 =	vadd.s32 v12, v38;
	v34 =	vadd.f32 v34, v56  }
0x4f3: {  	v60 =	vadd.s32 v12, v37;
	[tilespmem:s1+$0x60] =	vst v35;
	v61 =	vunpack.i.l.bf16.f32 v48;
	v62 =	vunpack.i.l.bf16.f32 v33  }
0x4f4: {  	[tilespmem:s1+$0x70] =	vst v34;
	v63 =	vunpack.i.u.bf16.f32 v48;
	v33 =	vunpack.i.u.bf16.f32 v33;
	v53 =	vadd.f32 v62, v61  }
0x4f5: {  	v50 =	vld.idx.msk [tilespmem:v50+s3+$0x0], $0xffff;
	v33 =	vadd.f32 v33, v63  }
0x4f6: {  	v55 =	vadd.s32 v12, v36;
	v54 =	vld.idx.msk [tilespmem:v51+s3+$0x0], $0xffff;
	[tilespmem:s11+$0x60] =	vst v53  }
0x4f7: {  	v49 =	vld.idx.msk [tilespmem:v58+s3+$0x0], $0xffff;
	[tilespmem:s11+$0x70] =	vst v33  }
0x4f8: {  	v33 =	vld.idx.msk [tilespmem:v59+s3+$0x0], $0xffff  }
0x4f9: {  	v35 =	vld.idx.msk [tilespmem:v60+s3+$0x0], $0xffff;
	_ =	sdelay $0x1  }
0x4fa: {  	v34 =	vadd.bf16 v54, v50;
	v48 =	vld.idx.msk [tilespmem:v55+s3+$0x0], $0xffff  }
0x4fb: {  	v51 =	vadd.s32 v13, v31;
	v50 =	vadd.s32 v13, v32  }
0x4fc: {  	v56 =	vunpack.i.u.bf16.f32 v49;
	v49 =	vunpack.i.l.bf16.f32 v49;
	v57 =	vunpack.i.l.bf16.f32 v34  }
0x4fd: {  	v34 =	vunpack.i.u.bf16.f32 v34;
	v49 =	vadd.f32 v57, v49;
	v33 =	vadd.bf16 v35, v33  }
0x4fe: {  	v58 =	vadd.s32 v13, v30;
	v59 =	vadd.s32 v13, v38;
	v34 =	vadd.f32 v34, v56  }
0x4ff: {  	s11 =	sadd.s32 $0x1A000, s24;
	v60 =	vadd.s32 v13, v37;
	[tilespmem:s24+$0x1A000] =	vst v49;
	v61 =	vunpack.i.l.bf16.f32 v48;
	v62 =	vunpack.i.l.bf16.f32 v33  }
0x500: {  	v63 =	vunpack.i.u.bf16.f32 v48;
	[tilespmem:s11+$0x10] =	vst v34;
	v33 =	vunpack.i.u.bf16.f32 v33;
	v55 =	vadd.f32 v62, v61  }
0x501: {  	v50 =	vld.idx.msk [tilespmem:v50+s3+$0x0], $0xffff;
	v33 =	vadd.f32 v33, v63  }
0x502: {  	s12 =	sadd.s32 $0x1A000, s26;
	v57 =	vadd.s32 v13, v36;
	v56 =	vld.idx.msk [tilespmem:v51+s3+$0x0], $0xffff;
	[tilespmem:s26+$0x1A000] =	vst v55  }
0x503: {  	v35 =	vld.idx.msk [tilespmem:v58+s3+$0x0], $0xffff;
	[tilespmem:s12+$0x10] =	vst v33  }
0x504: {  	v33 =	vld.idx.msk [tilespmem:v59+s3+$0x0], $0xffff  }
0x505: {  	v48 =	vld.idx.msk [tilespmem:v60+s3+$0x0], $0xffff;
	_ =	sdelay $0x1  }
0x506: {  	v34 =	vadd.bf16 v56, v50;
	v58 =	vld.idx.msk [tilespmem:v57+s3+$0x0], $0xffff  }
0x507: {  	v51 =	vadd.s32 v14, v31;
	v50 =	vadd.s32 v14, v32  }
0x508: {  	v59 =	vunpack.i.u.bf16.f32 v35;
	v35 =	vunpack.i.l.bf16.f32 v35;
	v60 =	vunpack.i.l.bf16.f32 v34  }
0x509: {  	v34 =	vunpack.i.u.bf16.f32 v34;
	v35 =	vadd.f32 v60, v35;
	v33 =	vadd.bf16 v48, v33  }
0x50a: {  	v52 =	vadd.s32 v14, v38;
	v34 =	vadd.f32 v34, v59;
	v48 =	vadd.s32 v14, v30  }
0x50b: {  	v61 =	vadd.s32 v14, v37;
	[tilespmem:s11+$0x20] =	vst v35;
	v62 =	vunpack.i.l.bf16.f32 v58;
	v63 =	vunpack.i.l.bf16.f32 v33  }
0x50c: {  	[tilespmem:s11+$0x30] =	vst v34;
	v57 =	vunpack.i.u.bf16.f32 v58;
	v33 =	vunpack.i.u.bf16.f32 v33;
	v58 =	vadd.f32 v63, v62  }
0x50d: {  	v50 =	vld.idx.msk [tilespmem:v50+s3+$0x0], $0xffff;
	v33 =	vadd.f32 v33, v57  }
0x50e: {  	v60 =	vadd.s32 v14, v36;
	v59 =	vld.idx.msk [tilespmem:v51+s3+$0x0], $0xffff;
	[tilespmem:s12+$0x20] =	vst v58  }
0x50f: {  	v48 =	vld.idx.msk [tilespmem:v48+s3+$0x0], $0xffff;
	[tilespmem:s12+$0x30] =	vst v33  }
0x510: {  	v33 =	vld.idx.msk [tilespmem:v52+s3+$0x0], $0xffff  }
0x511: {  	v35 =	vld.idx.msk [tilespmem:v61+s3+$0x0], $0xffff;
	_ =	sdelay $0x1  }
0x512: {  	v34 =	vadd.bf16 v59, v50;
	v49 =	vld.idx.msk [tilespmem:v60+s3+$0x0], $0xffff  }
0x513: {  	v51 =	vadd.s32 v15, v31;
	v50 =	vadd.s32 v15, v32  }
0x514: {  	v62 =	vunpack.i.l.bf16.f32 v34;
	v61 =	vunpack.i.u.bf16.f32 v48;
	v48 =	vunpack.i.l.bf16.f32 v48  }
0x515: {  	v34 =	vunpack.i.u.bf16.f32 v34;
	v48 =	vadd.f32 v62, v48;
	v33 =	vadd.bf16 v35, v33  }
0x516: {  	v63 =	vadd.s32 v15, v30;
	v52 =	vadd.s32 v15, v38;
	v34 =	vadd.f32 v34, v61  }
0x517: {  	v57 =	vunpack.i.l.bf16.f32 v49;
	v59 =	vunpack.i.u.bf16.f32 v49;
	[tilespmem:s11+$0x40] =	vst v48;
	v58 =	vunpack.i.l.bf16.f32 v33  }
0x518: {  	v48 =	vadd.s32 v15, v37;
	[tilespmem:s11+$0x50] =	vst v34;
	v33 =	vunpack.i.u.bf16.f32 v33;
	v60 =	vadd.f32 v58, v57  }
0x519: {  	v50 =	vld.idx.msk [tilespmem:v50+s3+$0x0], $0xffff;
	v33 =	vadd.f32 v33, v59  }
0x51a: {  	v45 =	vadd.bf16 v47, v45;
	v62 =	vadd.s32 v15, v36;
	v61 =	vld.idx.msk [tilespmem:v51+s3+$0x0], $0xffff;
	[tilespmem:s12+$0x40] =	vst v60  }
0x51b: {  	v35 =	vld.idx.msk [tilespmem:v63+s3+$0x0], $0xffff;
	[tilespmem:s12+$0x50] =	vst v33  }
0x51c: {  	v63 =	vadd.s32 v16, v29;
	v57 =	vunpack.i.l.bf16.f32 v46;
	v58 =	vunpack.i.l.bf16.f32 v45;
	v47 =	vld.idx.msk [tilespmem:v52+s3+$0x0], $0xffff  }
0x51d: {  	v56 =	vunpack.i.u.bf16.f32 v46;
	v45 =	vunpack.i.u.bf16.f32 v45;
	v46 =	vadd.f32 v58, v57;
	v48 =	vld.idx.msk [tilespmem:v48+s3+$0x0], $0xffff  }
0x51e: {  	v59 =	vadd.s32 v16, v28;
	v45 =	vadd.f32 v45, v56  }
0x51f: {  	v60 =	vld.idx.msk [tilespmem:v62+s3+$0x0], $0xffff;
	[tilespmem:s0+$0x60] =	vst v46;
	v34 =	vadd.bf16 v61, v50  }
0x520: {  	v46 =	vadd.s32 v16, v32;
	[tilespmem:s0+$0x70] =	vst v45;
	v61 =	vunpack.i.u.bf16.f32 v35  }
0x521: {  	v35 =	vunpack.i.l.bf16.f32 v35;
	v33 =	vld.idx.msk [tilespmem:v63+s3+$0x0], $0xffff;
	v63 =	vadd.s32 v16, v31;
	v62 =	vunpack.i.l.bf16.f32 v34  }
0x522: {  	v34 =	vunpack.i.u.bf16.f32 v34;
	v35 =	vadd.f32 v62, v35;
	v47 =	vadd.bf16 v48, v47  }
0x523: {  	v51 =	vadd.s32 v16, v30;
	v56 =	vadd.s32 v16, v38;
	v34 =	vadd.f32 v34, v61;
	v48 =	vld.idx.msk [tilespmem:v59+s3+$0x0], $0xffff  }
0x524: {  	v57 =	vunpack.i.u.bf16.f32 v60;
	v49 =	vunpack.i.l.bf16.f32 v60;
	[tilespmem:s11+$0x60] =	vst v35;
	v58 =	vunpack.i.l.bf16.f32 v47  }
0x525: {  	v44 =	vld.idx.msk [tilespmem:v44+s3+$0x0], $0xffff;
	v61 =	vadd.s32 v16, v37;
	[tilespmem:s11+$0x70] =	vst v34;
	v59 =	vunpack.i.u.bf16.f32 v47;
	v60 =	vadd.f32 v58, v49  }
0x526: {  	v46 =	vld.idx.msk [tilespmem:v46+s3+$0x0], $0xffff;
	v34 =	vadd.f32 v59, v57  }
0x527: {  	v62 =	vld.idx.msk [tilespmem:v63+s3+$0x0], $0xffff;
	v63 =	vadd.s32 v16, v36;
	[tilespmem:s12+$0x60] =	vst v60  }
0x528: {  	v54 =	vld.idx.msk [tilespmem:v51+s3+$0x0], $0xffff;
	v33 =	vadd.bf16 v48, v33;
	[tilespmem:s12+$0x70] =	vst v34  }
0x529: {  	v55 =	vadd.s32 v17, v29;
	v56 =	vld.idx.msk [tilespmem:v56+s3+$0x0], $0xffff  }
0x52a: {  	v57 =	vunpack.i.l.bf16.f32 v44;
	v44 =	vunpack.i.u.bf16.f32 v44;
	v49 =	vld.idx.msk [tilespmem:v61+s3+$0x0], $0xffff;
	v58 =	vunpack.i.l.bf16.f32 v33  }
0x52b: {  	v59 =	vadd.s32 v17, v28;
	v33 =	vunpack.i.u.bf16.f32 v33;
	v50 =	vadd.f32 v58, v57  }
0x52c: {  	v35 =	vadd.bf16 v62, v46;
	v33 =	vadd.f32 v33, v44;
	v44 =	vld.idx.msk [tilespmem:v63+s3+$0x0], $0xffff  }
0x52d: {  	s28 =	sadd.s32 $0x1A400, s23;
	v60 =	vadd.s32 v17, v27;
	v46 =	vadd.s32 v17, v32;
	v61 =	vunpack.i.l.bf16.f32 v54;
	[tilespmem:s23+$0x1A400] =	vst v50  }
0x52e: {  	v47 =	vunpack.i.u.bf16.f32 v54;
	v63 =	vadd.s32 v17, v31;
	v62 =	vunpack.i.l.bf16.f32 v35;
	[tilespmem:s28+$0x10] =	vst v33  }
0x52f: {  	v35 =	vunpack.i.u.bf16.f32 v35;
	v33 =	vadd.f32 v62, v61;
	v48 =	vadd.bf16 v49, v56;
	v34 =	vld.idx.msk [tilespmem:v55+s3+$0x0], $0xffff  }
0x530: {  	v57 =	vadd.s32 v17, v38;
	v35 =	vadd.f32 v35, v47;
	v56 =	vadd.s32 v17, v30;
	v49 =	vld.idx.msk [tilespmem:v59+s3+$0x0], $0xffff  }
0x531: {  	s30 =	sadd.s32 $0x1A400, s24;
	v61 =	vadd.s32 v17, v37;
	[tilespmem:s24+$0x1A400] =	vst v33;
	v58 =	vunpack.i.l.bf16.f32 v44;
	v59 =	vunpack.i.l.bf16.f32 v48  }
0x532: {  	v45 =	vld.idx.msk [tilespmem:v60+s3+$0x0], $0xffff;
	v44 =	vunpack.i.u.bf16.f32 v44;
	v60 =	vunpack.i.u.bf16.f32 v48;
	[tilespmem:s30+$0x10] =	vst v35;
	v33 =	vadd.f32 v59, v58  }
0x533: {  	v35 =	vadd.f32 v60, v44;
	v46 =	vld.idx.msk [tilespmem:v46+s3+$0x0], $0xffff  }
0x534: {  	s31 =	sadd.s32 $0x1A400, s26;
	v62 =	vld.idx.msk [tilespmem:v63+s3+$0x0], $0xffff;
	v63 =	vadd.s32 v17, v36;
	[tilespmem:s26+$0x1A400] =	vst v33  }
0x535: {  	v47 =	vld.idx.msk [tilespmem:v56+s3+$0x0], $0xffff;
	v34 =	vadd.bf16 v49, v34;
	[tilespmem:s31+$0x10] =	vst v35  }
0x536: {  	v60 =	vadd.s32 v18, v28;
	v57 =	vld.idx.msk [tilespmem:v57+s3+$0x0], $0xffff  }
0x537: {  	v56 =	vadd.s32 v18, v29;
	v58 =	vunpack.i.l.bf16.f32 v45;
	v48 =	vld.idx.msk [tilespmem:v61+s3+$0x0], $0xffff;
	v59 =	vunpack.i.l.bf16.f32 v34  }
0x538: {  	v45 =	vunpack.i.u.bf16.f32 v45;
	v34 =	vunpack.i.u.bf16.f32 v34;
	v50 =	vadd.f32 v59, v58  }
0x539: {  	v34 =	vadd.f32 v34, v45;
	v44 =	vadd.bf16 v62, v46;
	v33 =	vld.idx.msk [tilespmem:v63+s3+$0x0], $0xffff  }
0x53a: {  	v45 =	vadd.s32 v18, v27;
	v46 =	vadd.s32 v18, v32;
	v63 =	vadd.s32 v18, v31;
	[tilespmem:s28+$0x20] =	vst v50  }
0x53b: {  	v61 =	vunpack.i.l.bf16.f32 v47;
	v47 =	vunpack.i.u.bf16.f32 v47;
	[tilespmem:s28+$0x30] =	vst v34;
	v62 =	vunpack.i.l.bf16.f32 v44  }
0x53c: {  	v44 =	vunpack.i.u.bf16.f32 v44;
	v35 =	vld.idx.msk [tilespmem:v56+s3+$0x0], $0xffff;
	v34 =	vadd.f32 v62, v61;
	v48 =	vadd.bf16 v48, v57  }
0x53d: {  	v53 =	vadd.s32 v18, v37;
	v56 =	vld.idx.msk [tilespmem:v60+s3+$0x0], $0xffff;
	v44 =	vadd.f32 v44, v47;
	v57 =	vadd.s32 v18, v30  }
0x53e: {  	v58 =	vadd.s32 v18, v38;
	[tilespmem:s30+$0x20] =	vst v34;
	v59 =	vunpack.i.l.bf16.f32 v33;
	v60 =	vunpack.i.l.bf16.f32 v48  }
0x53f: {  	v45 =	vld.idx.msk [tilespmem:v45+s3+$0x0], $0xffff;
	[tilespmem:s30+$0x30] =	vst v44;
	v33 =	vunpack.i.u.bf16.f32 v33;
	v61 =	vunpack.i.u.bf16.f32 v48;
	v34 =	vadd.f32 v60, v59  }
0x540: {  	v46 =	vld.idx.msk [tilespmem:v46+s3+$0x0], $0xffff;
	v33 =	vadd.f32 v61, v33  }
0x541: {  	v62 =	vld.idx.msk [tilespmem:v63+s3+$0x0], $0xffff;
	v63 =	vadd.s32 v18, v36;
	[tilespmem:s31+$0x20] =	vst v34  }
0x542: {  	v56 =	vadd.bf16 v56, v35;
	v35 =	vld.idx.msk [tilespmem:v57+s3+$0x0], $0xffff;
	[tilespmem:s31+$0x30] =	vst v33  }
0x543: {  	v60 =	vadd.s32 v19, v28;
	v57 =	vld.idx.msk [tilespmem:v58+s3+$0x0], $0xffff  }
0x544: {  	v33 =	vadd.s32 v19, v29;
	v61 =	vld.idx.msk [tilespmem:v53+s3+$0x0], $0xffff;
	v58 =	vunpack.i.l.bf16.f32 v45;
	v59 =	vunpack.i.l.bf16.f32 v56  }
0x545: {  	v45 =	vunpack.i.u.bf16.f32 v45;
	v34 =	vunpack.i.u.bf16.f32 v56;
	v49 =	vadd.f32 v59, v58  }
0x546: {  	v34 =	vadd.f32 v34, v45;
	v44 =	vadd.bf16 v62, v46;
	v62 =	vld.idx.msk [tilespmem:v63+s3+$0x0], $0xffff  }
0x547: {  	v48 =	vadd.s32 v19, v32;
	v56 =	vadd.s32 v19, v31;
	v63 =	vadd.s32 v19, v27;
	[tilespmem:s28+$0x40] =	vst v49  }
0x548: {  	v54 =	vunpack.i.l.bf16.f32 v35;
	[tilespmem:s28+$0x50] =	vst v34;
	v55 =	vunpack.i.l.bf16.f32 v44;
	v35 =	vunpack.i.u.bf16.f32 v35  }
0x549: {  	v44 =	vunpack.i.u.bf16.f32 v44;
	v33 =	vld.idx.msk [tilespmem:v33+s3+$0x0], $0xffff;
	v34 =	vadd.f32 v55, v54;
	v47 =	vadd.bf16 v61, v57  }
0x54a: {  	v58 =	vadd.s32 v19, v30;
	v59 =	vadd.s32 v19, v38;
	v57 =	vld.idx.msk [tilespmem:v60+s3+$0x0], $0xffff;
	v35 =	vadd.f32 v44, v35  }
0x54b: {  	v61 =	vadd.s32 v19, v37;
	[tilespmem:s30+$0x40] =	vst v34;
	v60 =	vunpack.i.l.bf16.f32 v62;
	v52 =	vunpack.i.l.bf16.f32 v47  }
0x54c: {  	v46 =	vld.idx.msk [tilespmem:v63+s3+$0x0], $0xffff;
	[tilespmem:s30+$0x50] =	vst v35;
	v62 =	vunpack.i.u.bf16.f32 v62;
	v63 =	vunpack.i.u.bf16.f32 v47;
	v34 =	vadd.f32 v52, v60  }
0x54d: {  	v54 =	vld.idx.msk [tilespmem:v48+s3+$0x0], $0xffff;
	v35 =	vadd.f32 v63, v62  }
0x54e: {  	v55 =	vld.idx.msk [tilespmem:v56+s3+$0x0], $0xffff;
	v56 =	vadd.s32 v19, v36;
	[tilespmem:s31+$0x40] =	vst v34  }
0x54f: {  	v33 =	vadd.bf16 v57, v33;
	v34 =	vld.idx.msk [tilespmem:v58+s3+$0x0], $0xffff;
	[tilespmem:s31+$0x50] =	vst v35  }
0x550: {  	v35 =	vadd.bf16 v43, v42;
	v42 =	vadd.s32 v20, v29;
	v57 =	vld.idx.msk [tilespmem:v59+s3+$0x0], $0xffff  }
0x551: {  	v59 =	vadd.s32 v20, v28;
	v60 =	vld.idx.msk [tilespmem:v61+s3+$0x0], $0xffff;
	v58 =	vunpack.i.l.bf16.f32 v46;
	v49 =	vunpack.i.l.bf16.f32 v33  }
0x552: {  	v46 =	vunpack.i.u.bf16.f32 v46;
	v33 =	vunpack.i.u.bf16.f32 v33;
	v44 =	vadd.f32 v49, v58  }
0x553: {  	v33 =	vadd.f32 v33, v46;
	v45 =	vadd.bf16 v55, v54;
	v61 =	vld.idx.msk [tilespmem:v56+s3+$0x0], $0xffff  }
0x554: {  	v62 =	vadd.s32 v20, v27;
	v63 =	vadd.s32 v20, v32;
	v56 =	vadd.s32 v20, v31;
	[tilespmem:s28+$0x60] =	vst v44  }
0x555: {  	v54 =	vunpack.i.l.bf16.f32 v34;
	[tilespmem:s28+$0x70] =	vst v33;
	v55 =	vunpack.i.l.bf16.f32 v45;
	v34 =	vunpack.i.u.bf16.f32 v34  }
0x556: {  	v45 =	vunpack.i.u.bf16.f32 v45;
	v42 =	vld.idx.msk [tilespmem:v42+s3+$0x0], $0xffff;
	v33 =	vadd.f32 v55, v54;
	v43 =	vadd.bf16 v60, v57  }
0x557: {  	v52 =	vadd.s32 v20, v37;
	v58 =	vadd.s32 v20, v30;
	v57 =	vld.idx.msk [tilespmem:v59+s3+$0x0], $0xffff;
	v34 =	vadd.f32 v45, v34  }
0x558: {  	v59 =	vadd.s32 v20, v38;
	[tilespmem:s30+$0x60] =	vst v33;
	v60 =	vunpack.i.l.bf16.f32 v61;
	v51 =	vunpack.i.l.bf16.f32 v43  }
0x559: {  	v47 =	vld.idx.msk [tilespmem:v62+s3+$0x0], $0xffff;
	[tilespmem:s30+$0x70] =	vst v34;
	v61 =	vunpack.i.u.bf16.f32 v61;
	v43 =	vunpack.i.u.bf16.f32 v43;
	v33 =	vadd.f32 v51, v60  }
0x55a: {  	v53 =	vadd.s32 v22, v26;
	v46 =	vadd.s32 v22, v25;
	v44 =	vld.idx.msk [tilespmem:v63+s3+$0x0], $0xffff;
	v34 =	vadd.f32 v43, v61  }
0x55b: {  	v62 =	vunpack.i.l.bf16.f32 v41;
	v54 =	vadd.s32 v20, v36;
	v63 =	vunpack.i.l.bf16.f32 v35;
	v49 =	vld.idx.msk [tilespmem:v56+s3+$0x0], $0xffff;
	[tilespmem:s31+$0x60] =	vst v33  }
0x55c: {  	v56 =	vunpack.i.u.bf16.f32 v41;
	v35 =	vunpack.i.u.bf16.f32 v35;
	v57 =	vadd.bf16 v57, v42;
	v42 =	vld.idx.msk [tilespmem:v58+s3+$0x0], $0xffff;
	[tilespmem:s31+$0x70] =	vst v34  }
0x55d: {  	v61 =	vadd.s32 v21, v28;
	v58 =	vadd.f32 v63, v62;
	v33 =	vadd.f32 v35, v56;
	v59 =	vld.idx.msk [tilespmem:v59+s3+$0x0], $0xffff  }
0x55e: {  	v35 =	vadd.s32 v21, v29;
	v60 =	vunpack.i.l.bf16.f32 v47;
	v62 =	vld.idx.msk [tilespmem:v52+s3+$0x0], $0xffff;
	v48 =	vunpack.i.l.bf16.f32 v57  }
0x55f: {  	v63 =	vunpack.i.u.bf16.f32 v47;
	[tilespmem:s29+$0x20] =	vst v58;
	v41 =	vunpack.i.u.bf16.f32 v57;
	v45 =	vadd.f32 v48, v60  }
0x560: {  	[tilespmem:s29+$0x30] =	vst v33;
	v52 =	vadd.f32 v41, v63;
	v55 =	vadd.bf16 v49, v44;
	v41 =	vld.idx.msk [tilespmem:v54+s3+$0x0], $0xffff  }
0x561: {  	s12 =	sadd.s32 $0x1A800, s23;
	v58 =	vadd.s32 v21, v31;
	v44 =	vadd.s32 v21, v27;
	[tilespmem:s23+$0x1A800] =	vst v45;
	v45 =	vadd.s32 v21, v32  }
0x562: {  	v46 =	vld.idx.msk [tilespmem:v46+s3+$0x0], $0xffff;
	v56 =	vunpack.i.l.bf16.f32 v42;
	v57 =	vunpack.i.l.bf16.f32 v55;
	v42 =	vunpack.i.u.bf16.f32 v42;
	[tilespmem:s12+$0x10] =	vst v52  }
0x563: {  	v34 =	vunpack.i.u.bf16.f32 v55;
	v33 =	vadd.f32 v57, v56;
	v43 =	vadd.bf16 v62, v59;
	v35 =	vld.idx.msk [tilespmem:v35+s3+$0x0], $0xffff  }
0x564: {  	v60 =	vadd.s32 v21, v30;
	v34 =	vadd.f32 v34, v42;
	v52 =	vadd.s32 v21, v37;
	v59 =	vld.idx.msk [tilespmem:v61+s3+$0x0], $0xffff  }
0x565: {  	s28 =	sadd.s32 $0x1A800, s24;
	v62 =	vld.idx.msk [tilespmem:v53+s3+$0x0], $0xffff;
	v61 =	vadd.s32 v21, v38;
	[tilespmem:s24+$0x1A800] =	vst v33;
	v63 =	vunpack.i.l.bf16.f32 v41;
	v51 =	vunpack.i.l.bf16.f32 v43  }
0x566: {  	v44 =	vld.idx.msk [tilespmem:v44+s3+$0x0], $0xffff;
	v54 =	vunpack.i.u.bf16.f32 v41;
	v55 =	vunpack.i.u.bf16.f32 v43;
	[tilespmem:s28+$0x10] =	vst v34;
	v33 =	vadd.f32 v51, v63  }
0x567: {  	v34 =	vadd.f32 v55, v54;
	v43 =	vld.idx.msk [tilespmem:v45+s3+$0x0], $0xffff  }
0x568: {  	s30 =	sadd.s32 $0x1A800, s26;
	v57 =	vadd.s32 v21, v36;
	v56 =	vld.idx.msk [tilespmem:v58+s3+$0x0], $0xffff;
	[tilespmem:s26+$0x1A800] =	vst v33  }
0x569: {  	v58 =	vadd.bf16 v59, v35;
	v35 =	vld.idx.msk [tilespmem:v60+s3+$0x0], $0xffff;
	[tilespmem:s30+$0x10] =	vst v34  }
0x56a: {  	v54 =	vadd.s32 v22, v28;
	v59 =	vadd.s32 v22, v24;
	v61 =	vld.idx.msk [tilespmem:v61+s3+$0x0], $0xffff  }
0x56b: {  	v45 =	vadd.s32 v22, v32;
	v42 =	vadd.bf16 v62, v46;
	v60 =	vadd.s32 v22, v29;
	v55 =	vld.idx.msk [tilespmem:v52+s3+$0x0], $0xffff  }
0x56c: {  	v62 =	vunpack.i.l.bf16.f32 v44;
	v44 =	vunpack.i.u.bf16.f32 v44;
	v63 =	vunpack.i.l.bf16.f32 v58  }
0x56d: {  	v33 =	vunpack.i.u.bf16.f32 v58;
	v48 =	vadd.f32 v63, v62;
	v41 =	vadd.bf16 v56, v43;
	v43 =	vld.idx.msk [tilespmem:v57+s3+$0x0], $0xffff  }
0x56e: {  	v33 =	vadd.f32 v33, v44;
	v56 =	vadd.s32 v22, v27;
	v57 =	vunpack.i.l.bf16.f32 v35  }
0x56f: {  	[tilespmem:s12+$0x20] =	vst v48;
	v34 =	vld.idx.msk [tilespmem:v59+s3+$0x0], $0xffff;
	v58 =	vunpack.i.l.bf16.f32 v41;
	v59 =	vadd.s32 v22, v31;
	v35 =	vunpack.i.u.bf16.f32 v35  }
0x570: {  	[tilespmem:s12+$0x30] =	vst v33;
	v41 =	vunpack.i.u.bf16.f32 v41;
	v33 =	vadd.f32 v58, v57;
	v47 =	vadd.bf16 v55, v61  }
0x571: {  	v52 =	vadd.s32 v22, v37;
	v46 =	vld.idx.msk [tilespmem:v60+s3+$0x0], $0xffff;
	v35 =	vadd.f32 v41, v35;
	v61 =	vadd.s32 v22, v30  }
0x572: {  	v62 =	vadd.s32 v22, v38;
	v60 =	vld.idx.msk [tilespmem:v54+s3+$0x0], $0xffff;
	[tilespmem:s28+$0x20] =	vst v33;
	v63 =	vunpack.i.l.bf16.f32 v43;
	v51 =	vunpack.i.l.bf16.f32 v47  }
0x573: {  	v44 =	vld.idx.msk [tilespmem:v56+s3+$0x0], $0xffff;
	[tilespmem:s28+$0x30] =	vst v35;
	v53 =	vunpack.i.u.bf16.f32 v43;
	v54 =	vunpack.i.u.bf16.f32 v47;
	v33 =	vadd.f32 v51, v63  }
0x574: {  	v55 =	vadd.s32 v23, v25;
	v57 =	vunpack.i.l.bf16.f32 v42;
	v45 =	vld.idx.msk [tilespmem:v45+s3+$0x0], $0xffff;
	v35 =	vadd.f32 v54, v53  }
0x575: {  	v58 =	vadd.s32 v22, v36;
	v42 =	vunpack.i.u.bf16.f32 v42;
	v56 =	vunpack.i.l.bf16.f32 v34;
	v49 =	vld.idx.msk [tilespmem:v59+s3+$0x0], $0xffff;
	[tilespmem:s30+$0x20] =	vst v33  }
0x576: {  	v54 =	vadd.s32 v23, v27;
	v34 =	vunpack.i.u.bf16.f32 v34;
	v43 =	vadd.f32 v57, v56;
	v41 =	vld.idx.msk [tilespmem:v61+s3+$0x0], $0xffff;
	[tilespmem:s30+$0x30] =	vst v35  }
0x577: {  	v59 =	vadd.s32 v23, v26;
	v46 =	vadd.bf16 v60, v46;
	v34 =	vadd.f32 v42, v34;
	v35 =	vld.idx.msk [tilespmem:v62+s3+$0x0], $0xffff  }
0x578: {  	v60 =	vadd.s32 v23, v24;
	v61 =	vadd.s32 v23, v29;
	v48 =	vld.idx.msk [tilespmem:v52+s3+$0x0], $0xffff;
	v52 =	vadd.s32 v23, v28  }
0x579: {  	[tilespmem:s29+$0x40] =	vst v43;
	v62 =	vunpack.i.l.bf16.f32 v44;
	v63 =	vunpack.i.l.bf16.f32 v46;
	v50 =	vunpack.i.u.bf16.f32 v44  }
0x57a: {  	v33 =	vld.idx.msk [tilespmem:v58+s3+$0x0], $0xffff;
	[tilespmem:s29+$0x50] =	vst v34;
	v51 =	vunpack.i.u.bf16.f32 v46;
	v42 =	vadd.f32 v63, v62;
	v53 =	vadd.bf16 v49, v45  }
0x57b: {  	v56 =	vadd.s32 v23, v31;
	v34 =	vadd.f32 v51, v50;
	v25 =	vld.idx.msk [tilespmem:v55+s3+$0x0], $0xffff;
	v55 =	vadd.s32 v23, v32  }
0x57c: {  	v26 =	vld.idx.msk [tilespmem:v59+s3+$0x0], $0xffff;
	[tilespmem:s12+$0x40] =	vst v42;
	v57 =	vunpack.i.l.bf16.f32 v41;
	v41 =	vunpack.i.u.bf16.f32 v41;
	v58 =	vunpack.i.l.bf16.f32 v53  }
0x57d: {  	v24 =	vld.idx.msk [tilespmem:v60+s3+$0x0], $0xffff;
	[tilespmem:s12+$0x50] =	vst v34;
	v59 =	vunpack.i.u.bf16.f32 v53;
	v35 =	vadd.bf16 v48, v35;
	v42 =	vadd.f32 v58, v57  }
0x57e: {  	v62 =	vadd.s32 v23, v37;
	v60 =	vadd.s32 v23, v30;
	v29 =	vld.idx.msk [tilespmem:v61+s3+$0x0], $0xffff;
	v34 =	vadd.f32 v59, v41  }
0x57f: {  	v61 =	vadd.s32 v23, v38;
	v28 =	vld.idx.msk [tilespmem:v52+s3+$0x0], $0xffff;
	v63 =	vunpack.i.l.bf16.f32 v33;
	v45 =	vunpack.i.l.bf16.f32 v35;
	[tilespmem:s28+$0x40] =	vst v42  }
0x580: {  	v27 =	vld.idx.msk [tilespmem:v54+s3+$0x0], $0xffff;
	v33 =	vunpack.i.u.bf16.f32 v33;
	v46 =	vunpack.i.u.bf16.f32 v35;
	[tilespmem:s28+$0x50] =	vst v34;
	v47 =	vadd.f32 v45, v63  }
0x581: {  	v33 =	vadd.f32 v46, v33;
	v32 =	vld.idx.msk [tilespmem:v55+s3+$0x0], $0xffff  }
0x582: {  	v48 =	vadd.s32 v23, v36;
	v31 =	vld.idx.msk [tilespmem:v56+s3+$0x0], $0xffff;
	[tilespmem:s30+$0x40] =	vst v47  }
0x583: {  	v25 =	vadd.bf16 v26, v25;
	v49 =	vld.idx.msk [tilespmem:v60+s3+$0x0], $0xffff;
	[tilespmem:s30+$0x50] =	vst v33  }
0x584: {  	v50 =	vadd.f32 v39, v40;
	v33 =	vld.idx.msk [tilespmem:v61+s3+$0x0], $0xffff  }
0x585: {  	v51 =	vunpack.i.u.bf16.f32 v24;
	v24 =	vunpack.i.l.bf16.f32 v24;
	v52 =	vunpack.i.u.bf16.f32 v25;
	v53 =	vld.idx.msk [tilespmem:v62+s3+$0x0], $0xffff  }
0x586: {  	v28 =	vadd.bf16 v28, v29;
	v25 =	vunpack.i.l.bf16.f32 v25;
	v54 =	vunpack.i.u.bf16.f32 v27  }
0x587: {  	v27 =	vunpack.i.l.bf16.f32 v27;
	v35 =	vadd.f32 v52, v51;
	v24 =	vadd.f32 v25, v24;
	v34 =	vld.idx.msk [tilespmem:v48+s3+$0x0], $0xffff  }
0x588: {  	[tilespmem:s25+$0x60] =	vst v50;
	v55 =	vunpack.i.u.bf16.f32 v28;
	v28 =	vunpack.i.l.bf16.f32 v28;
	v56 =	vadd.bf16 v31, v32  }
0x589: {  	[tilespmem:s29+$0x70] =	vst v35;
	v25 =	vadd.f32 v55, v54;
	v27 =	vadd.f32 v28, v27  }
0x58a: {  	[tilespmem:s29+$0x60] =	vst v24;
	v57 =	vunpack.i.u.bf16.f32 v49;
	v58 =	vunpack.i.u.bf16.f32 v56;
	v29 =	vadd.bf16 v53, v33  }
0x58b: {  	s21 =	sadd.s32 $0x1, s21;
	v26 =	vunpack.i.l.bf16.f32 v49;
	[tilespmem:s12+$0x70] =	vst v25;
	v59 =	vunpack.i.l.bf16.f32 v56;
	v24 =	vadd.f32 v58, v57  }
0x58c: {  	p0 =	sne.s32 s21, $0x10;
	s31 =	sor.u32 s4, s22;
	[tilespmem:s12+$0x60] =	vst v27;
	v60 =	vunpack.i.u.bf16.f32 v34;
	v25 =	vadd.f32 v59, v26;
	v61 =	vunpack.i.u.bf16.f32 v29  }
.Ltmp3:
0x58d: {  	s0 =	sshrl.u32 s31, $0x3;
	v63 =	vunpack.i.l.bf16.f32 v34;
	v62 =	vunpack.i.l.bf16.f32 v29;
	[tilespmem:s28+$0x70] =	vst v24;
	v26 =	vadd.f32 v61, v60;
	(pc) =	sbr.rel @p0 .LBB2_4-.Ltmp3, $4  }
0x58e: {  	s0 =	smul.u32 $0x300, s0;
	[tilespmem:s28+$0x60] =	vst v25;
	v24 =	vadd.f32 v62, v63  }
0x58f: {  	[tilespmem:s30+$0x70] =	vst v26  }
0x590: {  	s0 =	sadd.s32 s2, s0;
	[tilespmem:s30+$0x60] =	vst v24  }
0x591: {  	[hbm4b:s0+s3] =	stream.linear.scatter [tilespmem:s18], [sflag:$0x1], $0x3000, $0x38;
	[tilespmem:$0x1C400] =	vst v63  }
0x592: {  	s19 =	sadd.s32 $0x1, s19  }
0x593: {  	_ =	swait.ge [sflag:s15], $0x3000;
	p0 =	sne.s32 s19, s10  }
.Ltmp4:
0x594: {  	[sflag:s15] =	ssyncset.done $0x0;
	(pc) =	sbr.rel @p0 .LBB2_1-.Ltmp4, $4  }
0x595: {  	[sflag:s15] =	ssyncadd.s32 $0xFFFFD000  }
0x596: {  	_ =	swait.ge [sflag:s15], $0x3000  }
0x597: {  	[sflag:s15] =	ssyncset.done $0x0  }
0x598: {  	[sflag:s15] =	ssyncadd.s32 $0xFFFFD000  }
0x599: {  	_ =	sfence.sel $0x180000  }
0x59a: {  	[bflag:$0x0] =	sbarrier.arrive $0xFFFF  }
0x59b: {  	_ =	strace $0x90000047  }
0x59c: {  	s0 =	stileid.u32;
	[bflag:$0x2] =	sbarrier.arrive $0xFFFF  }
0x59d: {  	p0 =	sne.s32 s0, $0x0;
	s0 =	rddreg [dreg:$0x6]  }
0x59e: {  	s0 =	sadd.s32 @!p0 $0x100000, s0  }
0x59f: {  	[sflag:s0] =	ssyncadd.tile.s32 @!p0 $0x1;
	_ =	shalt  }
.Lfunc_end2:
_tile_overlayer_lowered:
.L_overlay_start_2:
0x5a0: {  	(tag) =	ssettag $0x2  }
0x5a1: {  	s0 =	rddreg [dreg:$0x0];
	s2 =	stileid.u32  }
0x5a2: {  	s1 =	rddreg [dreg:$0x1];
	p0 =	sne.s32 s2, $0x0  }
0x5a3: {  	s3 =	rddreg [dreg:$0x2];
	[bflag:$0x3] =	sbarrier.arrive $0xFFFF;
	s2 =	simm.s32 @!p0 $0x1C03  }
0x5a4: {  	[timem:s3], [sflag:s2] =	dma.local @!p0 [hbm:s0], s1  }
0x5a5: {  	s0 =	simm.s32 @!p0 $0x3  }
0x5a6: {  	_ =	swait.ge @!p0 [sflag:s0], s1  }
0x5a7: {  	s1 =	ssub.s32 @!p0 $0x0, s1;
	[sflag:s0] =	ssyncset.done @!p0 $0x0  }
0x5a8: {  	[sflag:s0] =	ssyncadd.s32 @!p0 s1  }
0x5a9: {  	[bflag:$0x3] =	sbarrier.arrive $0xFFFF  }
0x5aa: {  	_ =	shalt  }

</sc_bundles>
